<compile_context>
chip_gen: v7x
topology: tpu7x:2x2x1
jax: 0.10.2.dev20260603
libtpu: 0.0.44.dev20260713+nightly
codegen_flags: <defaults>
</compile_context>

<pallas_src>
import functools

import jax
import jax.numpy as jnp
from jax import lax
from jax.experimental import pallas as pl
from jax.experimental.pallas import tpu as pltpu
from jax.experimental.pallas import tpu_sc as plsc

_NC = 2
_NS = 16
_NW = _NC * _NS
_CH = 80

_MESH = plsc.VectorSubcoreMesh(
    core_axis_name="c", subcore_axis_name="s", num_cores=_NC, num_subcores=_NS)


def _preA_call(X, Wl2, bl2, Wr2, br2):
    N, G = X.shape
    H = Wl2.shape[1]
    f32 = jnp.float32

    def body(X_ref, Wl_ref, bl_ref, Wr_ref, br_ref, xl_ref, xr_ref):
        hp = jax.lax.Precision.HIGHEST
        X = X_ref[...]
        xl_ref[...] = jax.lax.dot_general(
            X, Wl_ref[...], (((1,), (0,)), ((), ())), precision=hp,
            preferred_element_type=f32) + bl_ref[...]
        xr_ref[...] = jax.lax.dot_general(
            X, Wr_ref[...], (((1,), (0,)), ((), ())), precision=hp,
            preferred_element_type=f32) + br_ref[...]

    return pl.pallas_call(
        body,
        out_shape=(
            jax.ShapeDtypeStruct((N, H), f32),
            jax.ShapeDtypeStruct((N, H), f32),
        ),
    )(X, Wl2, bl2, Wr2, br2)


def _preB_call(X, Mu, Var, W, S):
    N, G = X.shape
    K = Mu.shape[0]
    f32 = jnp.float32
    NB = 5
    BR = N // NB

    def body(X_ref, Mu_ref, Var_ref, W_ref, S_ref,
             P_ref, Ppad_ref, ll_ref):
        i = pl.program_id(0)
        Wv = W_ref[...]
        Wm = jnp.max(Wv, axis=1, keepdims=True)
        Pe = jnp.exp(Wv - Wm)
        P = Pe / jnp.sum(Pe, axis=1, keepdims=True)
        P_ref[...] = P
        Ppad_ref[...] = jnp.concatenate(
            [P, jnp.ones((BR, 1), f32), jnp.zeros((BR, 1), f32)], axis=1)

        X = X_ref[...]
        S = S_ref[...]
        iv = 1.0 / Var_ref[...]
        Miv = Mu_ref[...] * iv
        dn = (((1,), (1,)), ((), ()))
        hp = jax.lax.Precision.HIGHEST
        q0 = jax.lax.dot_general(X * X, iv, dn, precision=hp,
                                 preferred_element_type=f32)
        q1 = jax.lax.dot_general(X, Miv, dn, precision=hp,
                                 preferred_element_type=f32)
        c2 = jnp.sum(Mu_ref[...] * Miv, axis=1)
        F = -0.5 * (q0 - 2.0 * S * q1 + (S * S) * c2[None, :])
        part = jnp.reshape(jnp.sum(P * F) / N, (1, 1))

        @pl.when(i == 0)
        def _init():
            ll_ref[...] = jnp.zeros((1, 1), f32)

        ll_ref[...] += part

    row = lambda i: (i, 0)
    fix = lambda i: (0, 0)
    return pl.pallas_call(
        body,
        grid=(NB,),
        in_specs=[
            pl.BlockSpec((BR, G), row),
            pl.BlockSpec((K, G), fix),
            pl.BlockSpec((K, G), fix),
            pl.BlockSpec((BR, K), row),
            pl.BlockSpec((BR, 1), row),
        ],
        out_specs=(
            pl.BlockSpec((BR, K), row),
            pl.BlockSpec((BR, K + 2), row),
            pl.BlockSpec((1, 1), fix),
        ),
        out_shape=(
            jax.ShapeDtypeStruct((N, K), f32),
            jax.ShapeDtypeStruct((N, K + 2), f32),
            jax.ShapeDtypeStruct((1, 1), f32),
        ),
    )(X, Mu, Var, W, S)


def _phase1_call(xla, xlb, xra, xrb, src1, dst1, att16):
    H = 8
    H2 = H // 2
    NH2 = xla.shape[0]
    E = src1.shape[0]
    EPP = E // _NW
    NG = EPP // 16
    f32, i32 = jnp.float32, jnp.int32

    @functools.partial(
        pl.kernel,
        out_type=(
            jax.ShapeDtypeStruct((E,), f32),
            jax.ShapeDtypeStruct((_NW * 16,), f32),
        ),
        mesh=_MESH,
        compiler_params=pltpu.CompilerParams(
            use_tc_tiling_on_sc=False, needs_layout_passes=False),
        scratch_types=[
            pltpu.VMEM((NH2,), f32),
            pltpu.VMEM((NH2,), f32),
            pltpu.VMEM((EPP,), i32),
            pltpu.VMEM((EPP,), i32),
            pltpu.VMEM((EPP,), f32),
            pltpu.VMEM((16,), f32),
            pltpu.VMEM((16,), f32),
        ],
    )
    def k(xla_hbm, xlb_hbm, xra_hbm, xrb_hbm, src_hbm, dst_hbm, att_hbm,
          e_out, mx_out, tl_v, tr_v, src_v, dst_v, e_v, att_v, mx_v):
        cid = lax.axis_index("c")
        sid = lax.axis_index("s")
        wid = cid * _NS + sid

        pltpu.sync_copy(att_hbm, att_v)
        pltpu.sync_copy(xla_hbm, tl_v)
        pltpu.sync_copy(xra_hbm, tr_v)
        pltpu.sync_copy(src_hbm.at[pl.ds(wid * EPP, EPP)], src_v)
        pltpu.sync_copy(dst_hbm.at[pl.ds(wid * EPP, EPP)], dst_v)
        att_vec = att_v[...]
        ats = [att_vec[j] for j in range(H)]

        def half(h):
            a = ats[h * H2:(h + 1) * H2]

            def grp(g, mx):
                idxL = src_v[pl.ds(g * 16, 16)] * H2
                idxR = dst_v[pl.ds(g * 16, 16)] * H2
                e16 = None
                for j in range(H2):
                    gl = plsc.load_gather(tl_v, [idxL + j])
                    gr = plsc.load_gather(tr_v, [idxR + j])
                    s = gl + gr
                    m = jnp.where(s > 0, s, jnp.float32(0.2) * s)
                    t = a[j] * m
                    e16 = t if e16 is None else e16 + t
                if h:
                    e16 = e16 + e_v[pl.ds(g * 16, 16)]
                    mx = jnp.maximum(mx, e16)
                e_v[pl.ds(g * 16, 16)] = e16
                return mx

            return grp

        plsc.parallel_loop(0, NG, unroll=2,
                           carry=jnp.full((16,), -3.0e38, f32))(half(0))
        pltpu.sync_copy(xlb_hbm, tl_v)
        pltpu.sync_copy(xrb_hbm, tr_v)
        mx = plsc.parallel_loop(0, NG, unroll=2,
                                carry=jnp.full((16,), -3.0e38, f32))(half(1))

        pltpu.sync_copy(e_v, e_out.at[pl.ds(wid * EPP, EPP)])
        mx_v[...] = mx
        pltpu.sync_copy(mx_v, mx_out.at[pl.ds(wid * 16, 16)])

    return k(xla, xlb, xra, xrb, src1, dst1, att16)


def _phase2_call(Ppad, src1, dstC, e1, mpart, NPAD):
    N, KP = Ppad.shape
    NW, NCH, CH = dstC.shape
    EPP = NCH * CH
    NPT = NPAD // _NS
    GRP = CH // 16
    f32, i32 = jnp.float32, jnp.int32

    @functools.partial(
        pl.kernel,
        out_type=jax.ShapeDtypeStruct((_NC, NPAD, KP), f32),
        mesh=_MESH,
        compiler_params=pltpu.CompilerParams(
            use_tc_tiling_on_sc=False, needs_layout_passes=False),
        scratch_types=[
            pltpu.VMEM((EPP,), i32),
            pltpu.VMEM((NCH, CH), i32),
            pltpu.VMEM((EPP,), f32),
            pltpu.VMEM((CH, KP), f32),
            pltpu.VMEM((CH, KP), f32),
            pltpu.VMEM((NPAD // _NS, KP), f32),
            pltpu.VMEM((NW * 16,), f32),
            pltpu.VMEM_SHARED((NPAD, KP), f32),
            pltpu.SemaphoreType.DMA,
            pltpu.SemaphoreType.DMA,
            pltpu.SemaphoreType.DMA,
            pltpu.SemaphoreType.DMA,
        ],
    )
    def k(p_hbm, src_hbm, dst_hbm, e_hbm, mp_hbm, acc_out,
          src_v, dst_v, ee_v, rows0, rows1, z_v, mp_v, acc_sh,
          gsem0, gsem1, ssem0, ssem1):
        cid = lax.axis_index("c")
        sid = lax.axis_index("s")
        wid = cid * _NS + sid
        rows = (rows0, rows1)
        sems = (gsem0, gsem1)
        ssems = (ssem0, ssem1)

        pltpu.sync_copy(mp_hbm, mp_v)
        gm = mp_v[pl.ds(0, 16)]
        for w in range(1, NW):
            gm = jnp.maximum(gm, mp_v[pl.ds(w * 16, 16)])
        gmax = jnp.max(gm)

        zero16 = jnp.zeros((16,), f32)

        def zr(r, carry):
            for h in range(KP // 16):
                z_v[r, pl.ds(h * 16, 16)] = zero16
            return carry

        lax.fori_loop(0, NPT, zr, 0)
        pltpu.sync_copy(z_v, acc_sh.at[pl.ds(sid * NPT, NPT)])
        plsc.subcore_barrier()

        pltpu.sync_copy(src_hbm.at[pl.ds(wid * EPP, EPP)], src_v)
        pltpu.sync_copy(dst_hbm.at[wid], dst_v)
        pltpu.sync_copy(e_hbm.at[pl.ds(wid * EPP, EPP)], ee_v)
        iota16 = jax.lax.iota(i32, 16)

        def scale_scatter(c, b):
            @plsc.parallel_loop(0, GRP)
            def scale(g):
                e16 = ee_v[pl.ds(c * CH + g * 16, 16)]
                ee16 = jnp.exp(e16 - gmax)
                base = g * 16
                for r in range(16):
                    s = ee16[r]
                    for h in range(KP // 16):
                        rows[b][base + r, pl.ds(h * 16, 16)] = (
                            rows[b][base + r, pl.ds(h * 16, 16)] * s)

            pltpu.async_copy(rows[b], acc_sh.at[dst_v.at[c]], ssems[b],
                             add=True)

        pltpu.async_copy(p_hbm.at[src_v.at[pl.ds(0, CH)]], rows[0], sems[0])

        def body2(i, carry):
            for b in range(2):
                c = i * 2 + b
                nxt = c + 1

                @pl.when(nxt < NCH)
                def _start(nxt=nxt, b=b):
                    @pl.when(nxt >= 2)
                    def _drain(nxt=nxt, b=b):
                        pltpu.make_async_copy(
                            rows[1 - b], acc_sh.at[dst_v.at[nxt - 2]],
                            ssems[1 - b]).wait()

                    pltpu.async_copy(
                        p_hbm.at[src_v.at[pl.ds(nxt * CH, CH)]],
                        rows[1 - b], sems[1 - b])

                pltpu.make_async_copy(
                    p_hbm.at[src_v.at[pl.ds(c * CH, CH)]],
                    rows[b], sems[b]).wait()
                scale_scatter(c, b)
            return carry

        lax.fori_loop(0, NCH // 2, body2, 0)
        if NCH % 2:
            c = NCH - 1
            pltpu.make_async_copy(
                p_hbm.at[src_v.at[pl.ds(c * CH, CH)]], rows[0], sems[0]).wait()
            scale_scatter(c, 0)

        pltpu.make_async_copy(
            rows[(NCH - 2) % 2], acc_sh.at[dst_v.at[NCH - 2]],
            ssems[(NCH - 2) % 2]).wait()
        pltpu.make_async_copy(
            rows[(NCH - 1) % 2], acc_sh.at[dst_v.at[NCH - 1]],
            ssems[(NCH - 1) % 2]).wait()

        plsc.subcore_barrier()
        pltpu.sync_copy(acc_sh.at[pl.ds(sid * NPT, NPT)], z_v)
        pltpu.sync_copy(z_v, acc_out.at[cid, pl.ds(sid * NPT, NPT)])

    return k(Ppad, src1, dstC, e1, mpart)


def _post_call(acc, P, llpart):
    NCd, NPAD, KP = acc.shape
    N, K = P.shape
    f32 = jnp.float32

    def body(acc_ref, P_ref, ll_ref, llo_ref, ceo_ref):
        A = acc_ref[0] + acc_ref[1]
        Bee = A[:N, :K]
        den = A[:N, K:K + 1]
        P = P_ref[...]
        L = jnp.log(P + 1e-8)
        w = jnp.where(den > 0, 1.0 / den, 0.0)
        ceo_ref[...] = jnp.reshape(-jnp.sum(Bee * L * w) / N, (1, 1))
        llo_ref[...] = ll_ref[...]

    return pl.pallas_call(
        body,
        out_shape=(
            jax.ShapeDtypeStruct((1, 1), f32),
            jax.ShapeDtypeStruct((1, 1), f32),
        ),
    )(acc, P, llpart)


def kernel(X, Mu, Var, edge_index, W, S, Wl, bl, Wr, br, att):
    N, G = X.shape
    K = Mu.shape[0]
    E = edge_index.shape[1]
    H = Wl.shape[1]
    EPP = E // _NW
    NCH = EPP // _CH
    assert NCH * _NW * _CH == E and _CH % 16 == 0
    NPAD = ((N + 8 * _NS - 1) // (8 * _NS)) * 8 * _NS

    src1 = edge_index[0]
    dst1 = edge_index[1]
    dstC = edge_index[1].reshape(_NW, NCH, _CH)
    att16 = jnp.zeros((16,), jnp.float32).at[:H].set(att)

    xl, xr = _preA_call(X, Wl, bl.reshape(1, H), Wr, br.reshape(1, H))
    P, Ppad, llpart = _preB_call(X, Mu, Var, W, S)
    H2 = H // 2
    e1, mpart = _phase1_call(
        xl[:, :H2].reshape(-1), xl[:, H2:].reshape(-1),
        xr[:, :H2].reshape(-1), xr[:, H2:].reshape(-1),
        src1, dst1, att16)
    acc = _phase2_call(Ppad, src1, dstC, e1, mpart, NPAD)
    ll, ce = _post_call(acc, P, llpart)
    return (ll[0, 0], ce[0, 0], P)

# --- scband reference (transcript-rebuilt; emitter-appended) ---
"""Pipeline reference for scband-sthd-sp-gat-75814762709172 (READ-ONLY COPY).

The authoritative reference and input builder live on the scoring server;
editing this copy changes nothing except your own understanding.
"""

import jax, jax.numpy as jnp
import numpy as np

N = 10000
K = 30
G = 128
E = 320000
H = 8  # GATv2 out_channels, heads=1


def setup_inputs(seed: int = 0) -> dict:
    key = jax.random.key(seed)
    ks = jax.random.split(key, 10)
    X = jax.random.normal(ks[0], (N, G), dtype=jnp.float32)
    Mu = jax.random.normal(ks[1], (K, G), dtype=jnp.float32)
    # Var must be strictly positive (it is a divisor); shift uniform away from 0
    Var = jax.random.uniform(ks[2], (K, G), dtype=jnp.float32, minval=0.5, maxval=1.5)
    edge_index = jax.random.randint(ks[3], (2, E), 0, N, dtype=jnp.int32)
    # learned parameters (module init zeros for W; use small noise so softmax is nontrivial)
    W = 0.01 * jax.random.normal(ks[4], (N, K), dtype=jnp.float32)
    S = jnp.ones((N, 1), dtype=jnp.float32)
    # GATv2Conv(num_genes, 8, heads=1): lin_l, lin_r Linear(G, H, bias=True), att vector [H]
    s_l = np.sqrt(6.0 / (G + H)).astype(np.float32)
    Wl = jax.random.uniform(ks[5], (G, H), dtype=jnp.float32, minval=-s_l, maxval=s_l)
    bl = jnp.zeros((H,), dtype=jnp.float32)
    Wr = jax.random.uniform(ks[6], (G, H), dtype=jnp.float32, minval=-s_l, maxval=s_l)
    br = jnp.zeros((H,), dtype=jnp.float32)
    att = jax.random.uniform(ks[7], (H,), dtype=jnp.float32, minval=-s_l, maxval=s_l)
    return {"X": X, "Mu": Mu, "Var": Var, "edge_index": edge_index,
            "W": W, "S": S, "Wl": Wl, "bl": bl, "Wr": Wr, "br": br, "att": att}


def _gatv2_alpha(X, edge_index, Wl, bl, Wr, br, att):
    # GATv2 attention coefficients (heads=1), softmax over incoming edges of each dst node
    xl = X @ Wl + bl  # [N, H] source transform
    xr = X @ Wr + br  # [N, H] target transform
    src = edge_index[0]
    dst = edge_index[1]
    e = jax.nn.leaky_relu(xl[src] + xr[dst], negative_slope=0.2) @ att  # [E]
    m = jax.ops.segment_max(e, dst, num_segments=N)
    ee = jnp.exp(e - m[dst])
    den = jax.ops.segment_sum(ee, dst, num_segments=N)
    alpha = ee / den[dst]  # [E]
    return alpha


def reference(X, Mu, Var, edge_index, W, S, Wl, bl, Wr, br, att):
    P = jax.nn.softmax(W, axis=1)  # [N, K]
    # chunked negative-quadratic log-likelihood term
    chunks = []
    for i in range(0, N, 5000):
        X_c = X[i:i + 5000][:, None, :]          # [c, 1, G]
        S_c = S[i:i + 5000][:, :, None]          # [c, 1, 1]
        F_c = -0.5 * jnp.sum((X_c - Mu[None, :, :] * S_c) ** 2 / Var[None, :, :], axis=2)  # [c, K]
        chunks.append(F_c)
    F_all = jnp.concatenate(chunks, axis=0)      # [N, K]
    ll_prot = jnp.sum(P * F_all) / X.shape[0]
    # spatial cross-entropy term from GATv2 attention weights
    alpha = _gatv2_alpha(X, edge_index, Wl, bl, Wr, br, att)  # [E]
    src = edge_index[0]
    dst = edge_index[1]
    ce_space = -jnp.sum(P[src] * alpha[:, None] * jnp.log(P[dst] + 1e-08)) / X.shape[0]
    return (ll_prot, ce_space, P)

if __name__ == "__main__":
    import jax
    _d = setup_inputs()
    print(jax.jit(kernel)(*tuple(_d.values())))

</pallas_src>

<mosaic_0001>
#map = affine_map<(d0, d1) -> (0)>
module attributes {stable_mosaic.version = 14 : i64} {
  func.func @k(%arg0: i32, %arg1: i32, %arg2: memref<40000xf32, #tpu.memory_space<hbm>>, %arg3: memref<40000xf32, #tpu.memory_space<hbm>>, %arg4: memref<40000xf32, #tpu.memory_space<hbm>>, %arg5: memref<40000xf32, #tpu.memory_space<hbm>>, %arg6: memref<320000xi32, #tpu.memory_space<hbm>>, %arg7: memref<320000xi32, #tpu.memory_space<hbm>>, %arg8: memref<16xf32, #tpu.memory_space<hbm>>, %arg9: memref<320000xf32, #tpu.memory_space<hbm>>, %arg10: memref<512xf32, #tpu.memory_space<hbm>>, %arg11: memref<40000xf32, #tpu.memory_space<vmem>>, %arg12: memref<40000xf32, #tpu.memory_space<vmem>>, %arg13: memref<10000xi32, #tpu.memory_space<vmem>>, %arg14: memref<10000xi32, #tpu.memory_space<vmem>>, %arg15: memref<10000xf32, #tpu.memory_space<vmem>>, %arg16: memref<16xf32, #tpu.memory_space<vmem>>, %arg17: memref<16xf32, #tpu.memory_space<vmem>>) attributes {dimension_semantics = [#tpu.dimension_semantics<core_parallel>, #tpu.dimension_semantics<subcore_parallel>], iteration_bounds = array<i64: 2, 16>, scalar_prefetch = 0 : i64, scratch_operands = 7 : i64, tpu.core_type = #tpu.core_type<sc_vector_subcore>, window_params = [{transform_indices = #map}, {transform_indices = #map}, {transform_indices = #map}, {transform_indices = #map}, {transform_indices = #map}, {transform_indices = #map}, {transform_indices = #map}, {transform_indices = #map}, {transform_indices = #map}]} {
    %mul3A = arith.constant 16 : i32
    %mul3A_0 = arith.muli %arg0, %mul3A : i32
    %add3A = arith.addi %mul3A_0, %arg1 : i32
    "tpu.region"() ({
      %run_scoped3A = tpu.sem_alloc : memref<!tpu.dma_semaphore, #tpu.memory_space<semaphore_mem>>
      tpu.enqueue_dma source(%arg8 : memref<16xf32, #tpu.memory_space<hbm>>) target(%arg16 : memref<16xf32, #tpu.memory_space<vmem>>) target_semaphore(%run_scoped3A : memref<!tpu.dma_semaphore, #tpu.memory_space<semaphore_mem>>)
      tpu.wait_dma2 semaphore(%run_scoped3A : memref<!tpu.dma_semaphore, #tpu.memory_space<semaphore_mem>>) src(%arg8 : memref<16xf32, #tpu.memory_space<hbm>>) dst(%arg16 : memref<16xf32, #tpu.memory_space<vmem>>)
      tpu.yield
    }) : () -> ()
    "tpu.region"() ({
      %run_scoped3A = tpu.sem_alloc : memref<!tpu.dma_semaphore, #tpu.memory_space<semaphore_mem>>
      tpu.enqueue_dma source(%arg2 : memref<40000xf32, #tpu.memory_space<hbm>>) target(%arg11 : memref<40000xf32, #tpu.memory_space<vmem>>) target_semaphore(%run_scoped3A : memref<!tpu.dma_semaphore, #tpu.memory_space<semaphore_mem>>)
      tpu.wait_dma2 semaphore(%run_scoped3A : memref<!tpu.dma_semaphore, #tpu.memory_space<semaphore_mem>>) src(%arg2 : memref<40000xf32, #tpu.memory_space<hbm>>) dst(%arg11 : memref<40000xf32, #tpu.memory_space<vmem>>)
      tpu.yield
    }) : () -> ()
    "tpu.region"() ({
      %run_scoped3A = tpu.sem_alloc : memref<!tpu.dma_semaphore, #tpu.memory_space<semaphore_mem>>
      tpu.enqueue_dma source(%arg4 : memref<40000xf32, #tpu.memory_space<hbm>>) target(%arg12 : memref<40000xf32, #tpu.memory_space<vmem>>) target_semaphore(%run_scoped3A : memref<!tpu.dma_semaphore, #tpu.memory_space<semaphore_mem>>)
      tpu.wait_dma2 semaphore(%run_scoped3A : memref<!tpu.dma_semaphore, #tpu.memory_space<semaphore_mem>>) src(%arg4 : memref<40000xf32, #tpu.memory_space<hbm>>) dst(%arg12 : memref<40000xf32, #tpu.memory_space<vmem>>)
      tpu.yield
    }) : () -> ()
    %mul3A_1 = arith.constant 10000 : i32
    %mul3A_2 = arith.muli %add3A, %mul3A_1 : i32
    "tpu.region"() ({
      %run_scoped3A = tpu.sem_alloc : memref<!tpu.dma_semaphore, #tpu.memory_space<semaphore_mem>>
      %dma_start3A = tpu.memref_slice %arg6[%mul3A_2] : memref<320000xi32, #tpu.memory_space<hbm>> -> memref<10000xi32, #tpu.memory_space<hbm>>
      %dma_start3A_35 = tpu.memref_slice %arg6[%mul3A_2] : memref<320000xi32, #tpu.memory_space<hbm>> -> memref<10000xi32, #tpu.memory_space<hbm>>
      tpu.enqueue_dma source(%dma_start3A_35 : memref<10000xi32, #tpu.memory_space<hbm>>) target(%arg13 : memref<10000xi32, #tpu.memory_space<vmem>>) target_semaphore(%run_scoped3A : memref<!tpu.dma_semaphore, #tpu.memory_space<semaphore_mem>>)
      %dma_wait3A = tpu.memref_slice %arg6[%mul3A_2] : memref<320000xi32, #tpu.memory_space<hbm>> -> memref<10000xi32, #tpu.memory_space<hbm>>
      %dma_wait3A_36 = tpu.memref_slice %arg6[%mul3A_2] : memref<320000xi32, #tpu.memory_space<hbm>> -> memref<10000xi32, #tpu.memory_space<hbm>>
      tpu.wait_dma2 semaphore(%run_scoped3A : memref<!tpu.dma_semaphore, #tpu.memory_space<semaphore_mem>>) src(%dma_wait3A_36 : memref<10000xi32, #tpu.memory_space<hbm>>) dst(%arg13 : memref<10000xi32, #tpu.memory_space<vmem>>)
      tpu.yield
    }) : () -> ()
    %mul3A_3 = arith.constant 10000 : i32
    %mul3A_4 = arith.muli %add3A, %mul3A_3 : i32
    "tpu.region"() ({
      %run_scoped3A = tpu.sem_alloc : memref<!tpu.dma_semaphore, #tpu.memory_space<semaphore_mem>>
      %dma_start3A = tpu.memref_slice %arg7[%mul3A_4] : memref<320000xi32, #tpu.memory_space<hbm>> -> memref<10000xi32, #tpu.memory_space<hbm>>
      %dma_start3A_35 = tpu.memref_slice %arg7[%mul3A_4] : memref<320000xi32, #tpu.memory_space<hbm>> -> memref<10000xi32, #tpu.memory_space<hbm>>
      tpu.enqueue_dma source(%dma_start3A_35 : memref<10000xi32, #tpu.memory_space<hbm>>) target(%arg14 : memref<10000xi32, #tpu.memory_space<vmem>>) target_semaphore(%run_scoped3A : memref<!tpu.dma_semaphore, #tpu.memory_space<semaphore_mem>>)
      %dma_wait3A = tpu.memref_slice %arg7[%mul3A_4] : memref<320000xi32, #tpu.memory_space<hbm>> -> memref<10000xi32, #tpu.memory_space<hbm>>
      %dma_wait3A_36 = tpu.memref_slice %arg7[%mul3A_4] : memref<320000xi32, #tpu.memory_space<hbm>> -> memref<10000xi32, #tpu.memory_space<hbm>>
      tpu.wait_dma2 semaphore(%run_scoped3A : memref<!tpu.dma_semaphore, #tpu.memory_space<semaphore_mem>>) src(%dma_wait3A_36 : memref<10000xi32, #tpu.memory_space<hbm>>) dst(%arg14 : memref<10000xi32, #tpu.memory_space<vmem>>)
      tpu.yield
    }) : () -> ()
    %get3A = arith.constant 0 : index
    %get3A_5 = tpu.vector_load %arg16[%get3A] {strides = array<i32>} : memref<16xf32, #tpu.memory_space<vmem>>, vector<16xf32>,
    %slice3A = vector.extract_strided_slice %get3A_5 {offsets = [0], sizes = [1], strides = [1]} : vector<16xf32> to vector<1xf32>
    %squeeze3A = vector.extract %slice3A[0] : f32 from vector<1xf32>
    %slice3A_6 = vector.extract_strided_slice %get3A_5 {offsets = [1], sizes = [1], strides = [1]} : vector<16xf32> to vector<1xf32>
    %squeeze3A_7 = vector.extract %slice3A_6[0] : f32 from vector<1xf32>
    %slice3A_8 = vector.extract_strided_slice %get3A_5 {offsets = [2], sizes = [1], strides = [1]} : vector<16xf32> to vector<1xf32>
    %squeeze3A_9 = vector.extract %slice3A_8[0] : f32 from vector<1xf32>
    %slice3A_10 = vector.extract_strided_slice %get3A_5 {offsets = [3], sizes = [1], strides = [1]} : vector<16xf32> to vector<1xf32>
    %squeeze3A_11 = vector.extract %slice3A_10[0] : f32 from vector<1xf32>
    %slice3A_12 = vector.extract_strided_slice %get3A_5 {offsets = [4], sizes = [1], strides = [1]} : vector<16xf32> to vector<1xf32>
    %squeeze3A_13 = vector.extract %slice3A_12[0] : f32 from vector<1xf32>
    %slice3A_14 = vector.extract_strided_slice %get3A_5 {offsets = [5], sizes = [1], strides = [1]} : vector<16xf32> to vector<1xf32>
    %squeeze3A_15 = vector.extract %slice3A_14[0] : f32 from vector<1xf32>
    %slice3A_16 = vector.extract_strided_slice %get3A_5 {offsets = [6], sizes = [1], strides = [1]} : vector<16xf32> to vector<1xf32>
    %squeeze3A_17 = vector.extract %slice3A_16[0] : f32 from vector<1xf32>
    %slice3A_18 = vector.extract_strided_slice %get3A_5 {offsets = [7], sizes = [1], strides = [1]} : vector<16xf32> to vector<1xf32>
    %squeeze3A_19 = vector.extract %slice3A_18[0] : f32 from vector<1xf32>
    %broadcast_in_dim3A = arith.constant -3.000000e+38 : f32
    %broadcast_in_dim3A_20 = vector.broadcast %broadcast_in_dim3A : f32 to vector<16xf32>
    %parallel_loop3A = arith.constant 0 : i32
    %parallel_loop3A_21 = arith.constant 625 : i32
    %parallel_loop3A_22 = arith.constant 1 : i32
    %parallel_loop3A_23 = scf.for %parallel_loop3A_35 = %parallel_loop3A to %parallel_loop3A_21 step %parallel_loop3A_22 iter_args(%parallel_loop3A_36 = %broadcast_in_dim3A_20) -> (vector<16xf32>)  : i32 {
      %parallel_loop3A_37 = arith.constant 16 : i32
      %parallel_loop3A_38 = arith.muli %parallel_loop3A_35, %parallel_loop3A_37 : i32
      %parallel_loop3A_39 = arith.index_cast %parallel_loop3A_38 : i32 to index
      %parallel_loop3A_40 = tpu.vector_load %arg13[%parallel_loop3A_39] {strides = array<i32>} : memref<10000xi32, #tpu.memory_space<vmem>>, vector<16xi32>,
      %parallel_loop3A_41 = arith.constant 4 : i32
      %parallel_loop3A_42 = vector.broadcast %parallel_loop3A_41 : i32 to vector<16xi32>
      %parallel_loop3A_43 = arith.muli %parallel_loop3A_40, %parallel_loop3A_42 : vector<16xi32>
      %parallel_loop3A_44 = arith.constant 16 : i32
      %parallel_loop3A_45 = arith.muli %parallel_loop3A_35, %parallel_loop3A_44 : i32
      %parallel_loop3A_46 = arith.index_cast %parallel_loop3A_45 : i32 to index
      %parallel_loop3A_47 = tpu.vector_load %arg14[%parallel_loop3A_46] {strides = array<i32>} : memref<10000xi32, #tpu.memory_space<vmem>>, vector<16xi32>,
      %parallel_loop3A_48 = arith.constant 4 : i32
      %parallel_loop3A_49 = vector.broadcast %parallel_loop3A_48 : i32 to vector<16xi32>
      %parallel_loop3A_50 = arith.muli %parallel_loop3A_47, %parallel_loop3A_49 : vector<16xi32>
      %parallel_loop3A_51 = arith.constant 0 : i32
      %parallel_loop3A_52 = vector.broadcast %parallel_loop3A_51 : i32 to vector<16xi32>
      %parallel_loop3A_53 = arith.addi %parallel_loop3A_43, %parallel_loop3A_52 : vector<16xi32>
      %parallel_loop3A_54 = tpu.vector_load_idx %arg11[%parallel_loop3A_53] : memref<40000xf32, #tpu.memory_space<vmem>>[vector<16xi32>], vector<16xf32>,
      %parallel_loop3A_55 = arith.constant 0 : i32
      %parallel_loop3A_56 = vector.broadcast %parallel_loop3A_55 : i32 to vector<16xi32>
      %parallel_loop3A_57 = arith.addi %parallel_loop3A_50, %parallel_loop3A_56 : vector<16xi32>
      %parallel_loop3A_58 = tpu.vector_load_idx %arg12[%parallel_loop3A_57] : memref<40000xf32, #tpu.memory_space<vmem>>[vector<16xi32>], vector<16xf32>,
      %parallel_loop3A_59 = arith.addf %parallel_loop3A_54, %parallel_loop3A_58 : vector<16xf32>
      %parallel_loop3A_60 = arith.constant 0.000000e+00 : f32
      %parallel_loop3A_61 = vector.broadcast %parallel_loop3A_60 : f32 to vector<16xf32>
      %parallel_loop3A_62 = arith.cmpf ogt, %parallel_loop3A_59, %parallel_loop3A_61 : vector<16xf32>
      %parallel_loop3A_63 = arith.constant 2.000000e-01 : f32
      %parallel_loop3A_64 = vector.broadcast %parallel_loop3A_63 : f32 to vector<16xf32>
      %parallel_loop3A_65 = arith.mulf %parallel_loop3A_64, %parallel_loop3A_59 : vector<16xf32>
      %parallel_loop3A_66 = arith.select %parallel_loop3A_62, %parallel_loop3A_59, %parallel_loop3A_65 : vector<16xi1>, vector<16xf32>
      %parallel_loop3A_67 = vector.broadcast %squeeze3A : f32 to vector<16xf32>
      %parallel_loop3A_68 = arith.mulf %parallel_loop3A_67, %parallel_loop3A_66 : vector<16xf32>
      %parallel_loop3A_69 = arith.constant 1 : i32
      %parallel_loop3A_70 = vector.broadcast %parallel_loop3A_69 : i32 to vector<16xi32>
      %parallel_loop3A_71 = arith.addi %parallel_loop3A_43, %parallel_loop3A_70 : vector<16xi32>
      %parallel_loop3A_72 = tpu.vector_load_idx %arg11[%parallel_loop3A_71] : memref<40000xf32, #tpu.memory_space<vmem>>[vector<16xi32>], vector<16xf32>,
      %parallel_loop3A_73 = arith.constant 1 : i32
      %parallel_loop3A_74 = vector.broadcast %parallel_loop3A_73 : i32 to vector<16xi32>
      %parallel_loop3A_75 = arith.addi %parallel_loop3A_50, %parallel_loop3A_74 : vector<16xi32>
      %parallel_loop3A_76 = tpu.vector_load_idx %arg12[%parallel_loop3A_75] : memref<40000xf32, #tpu.memory_space<vmem>>[vector<16xi32>], vector<16xf32>,
      %parallel_loop3A_77 = arith.addf %parallel_loop3A_72, %parallel_loop3A_76 : vector<16xf32>
      %parallel_loop3A_78 = arith.constant 0.000000e+00 : f32
      %parallel_loop3A_79 = vector.broadcast %parallel_loop3A_78 : f32 to vector<16xf32>
      %parallel_loop3A_80 = arith.cmpf ogt, %parallel_loop3A_77, %parallel_loop3A_79 : vector<16xf32>
      %parallel_loop3A_81 = arith.constant 2.000000e-01 : f32
      %parallel_loop3A_82 = vector.broadcast %parallel_loop3A_81 : f32 to vector<16xf32>
      %parallel_loop3A_83 = arith.mulf %parallel_loop3A_82, %parallel_loop3A_77 : vector<16xf32>
      %parallel_loop3A_84 = arith.select %parallel_loop3A_80, %parallel_loop3A_77, %parallel_loop3A_83 : vector<16xi1>, vector<16xf32>
      %parallel_loop3A_85 = vector.broadcast %squeeze3A_7 : f32 to vector<16xf32>
      %parallel_loop3A_86 = arith.mulf %parallel_loop3A_85, %parallel_loop3A_84 : vector<16xf32>
      %parallel_loop3A_87 = arith.addf %parallel_loop3A_68, %parallel_loop3A_86 : vector<16xf32>
      %parallel_loop3A_88 = arith.constant 2 : i32
      %parallel_loop3A_89 = vector.broadcast %parallel_loop3A_88 : i32 to vector<16xi32>
      %parallel_loop3A_90 = arith.addi %parallel_loop3A_43, %parallel_loop3A_89 : vector<16xi32>
      %parallel_loop3A_91 = tpu.vector_load_idx %arg11[%parallel_loop3A_90] : memref<40000xf32, #tpu.memory_space<vmem>>[vector<16xi32>], vector<16xf32>,
      %parallel_loop3A_92 = arith.constant 2 : i32
      %parallel_loop3A_93 = vector.broadcast %parallel_loop3A_92 : i32 to vector<16xi32>
      %parallel_loop3A_94 = arith.addi %parallel_loop3A_50, %parallel_loop3A_93 : vector<16xi32>
      %parallel_loop3A_95 = tpu.vector_load_idx %arg12[%parallel_loop3A_94] : memref<40000xf32, #tpu.memory_space<vmem>>[vector<16xi32>], vector<16xf32>,
      %parallel_loop3A_96 = arith.addf %parallel_loop3A_91, %parallel_loop3A_95 : vector<16xf32>
      %parallel_loop3A_97 = arith.constant 0.000000e+00 : f32
      %parallel_loop3A_98 = vector.broadcast %parallel_loop3A_97 : f32 to vector<16xf32>
      %parallel_loop3A_99 = arith.cmpf ogt, %parallel_loop3A_96, %parallel_loop3A_98 : vector<16xf32>
      %parallel_loop3A_100 = arith.constant 2.000000e-01 : f32
      %parallel_loop3A_101 = vector.broadcast %parallel_loop3A_100 : f32 to vector<16xf32>
      %parallel_loop3A_102 = arith.mulf %parallel_loop3A_101, %parallel_loop3A_96 : vector<16xf32>
      %parallel_loop3A_103 = arith.select %parallel_loop3A_99, %parallel_loop3A_96, %parallel_loop3A_102 : vector<16xi1>, vector<16xf32>
      %parallel_loop3A_104 = vector.broadcast %squeeze3A_9 : f32 to vector<16xf32>
      %parallel_loop3A_105 = arith.mulf %parallel_loop3A_104, %parallel_loop3A_103 : vector<16xf32>
      %parallel_loop3A_106 = arith.addf %parallel_loop3A_87, %parallel_loop3A_105 : vector<16xf32>
      %parallel_loop3A_107 = arith.constant 3 : i32
      %parallel_loop3A_108 = vector.broadcast %parallel_loop3A_107 : i32 to vector<16xi32>
      %parallel_loop3A_109 = arith.addi %parallel_loop3A_43, %parallel_loop3A_108 : vector<16xi32>
      %parallel_loop3A_110 = tpu.vector_load_idx %arg11[%parallel_loop3A_109] : memref<40000xf32, #tpu.memory_space<vmem>>[vector<16xi32>], vector<16xf32>,
      %parallel_loop3A_111 = arith.constant 3 : i32
      %parallel_loop3A_112 = vector.broadcast %parallel_loop3A_111 : i32 to vector<16xi32>
      %parallel_loop3A_113 = arith.addi %parallel_loop3A_50, %parallel_loop3A_112 : vector<16xi32>
      %parallel_loop3A_114 = tpu.vector_load_idx %arg12[%parallel_loop3A_113] : memref<40000xf32, #tpu.memory_space<vmem>>[vector<16xi32>], vector<16xf32>,
      %parallel_loop3A_115 = arith.addf %parallel_loop3A_110, %parallel_loop3A_114 : vector<16xf32>
      %parallel_loop3A_116 = arith.constant 0.000000e+00 : f32
      %parallel_loop3A_117 = vector.broadcast %parallel_loop3A_116 : f32 to vector<16xf32>
      %parallel_loop3A_118 = arith.cmpf ogt, %parallel_loop3A_115, %parallel_loop3A_117 : vector<16xf32>
      %parallel_loop3A_119 = arith.constant 2.000000e-01 : f32
      %parallel_loop3A_120 = vector.broadcast %parallel_loop3A_119 : f32 to vector<16xf32>
      %parallel_loop3A_121 = arith.mulf %parallel_loop3A_120, %parallel_loop3A_115 : vector<16xf32>
      %parallel_loop3A_122 = arith.select %parallel_loop3A_118, %parallel_loop3A_115, %parallel_loop3A_121 : vector<16xi1>, vector<16xf32>
      %parallel_loop3A_123 = vector.broadcast %squeeze3A_11 : f32 to vector<16xf32>
      %parallel_loop3A_124 = arith.mulf %parallel_loop3A_123, %parallel_loop3A_122 : vector<16xf32>
      %parallel_loop3A_125 = arith.addf %parallel_loop3A_106, %parallel_loop3A_124 : vector<16xf32>
      %parallel_loop3A_126 = arith.constant 16 : i32
      %parallel_loop3A_127 = arith.muli %parallel_loop3A_35, %parallel_loop3A_126 : i32
      %parallel_loop3A_128 = arith.index_cast %parallel_loop3A_127 : i32 to index
      %parallel_loop3A_129 = tpu.vector_load %arg15[%parallel_loop3A_128] {strides = array<i32>} : memref<10000xf32, #tpu.memory_space<vmem>>, vector<16xf32>,
      tpu.vector_store %arg15[%parallel_loop3A_128], %parallel_loop3A_125 {strides = array<i32>} : memref<10000xf32, #tpu.memory_space<vmem>>, vector<16xf32>,
      scf.yield %parallel_loop3A_36 : vector<16xf32>
    } {sc.loop_unroll_factor = 2 : i64, sc.parallel_access}
    "tpu.region"() ({
      %run_scoped3A = tpu.sem_alloc : memref<!tpu.dma_semaphore, #tpu.memory_space<semaphore_mem>>
      tpu.enqueue_dma source(%arg3 : memref<40000xf32, #tpu.memory_space<hbm>>) target(%arg11 : memref<40000xf32, #tpu.memory_space<vmem>>) target_semaphore(%run_scoped3A : memref<!tpu.dma_semaphore, #tpu.memory_space<semaphore_mem>>)
      tpu.wait_dma2 semaphore(%run_scoped3A : memref<!tpu.dma_semaphore, #tpu.memory_space<semaphore_mem>>) src(%arg3 : memref<40000xf32, #tpu.memory_space<hbm>>) dst(%arg11 : memref<40000xf32, #tpu.memory_space<vmem>>)
      tpu.yield
    }) : () -> ()
    "tpu.region"() ({
      %run_scoped3A = tpu.sem_alloc : memref<!tpu.dma_semaphore, #tpu.memory_space<semaphore_mem>>
      tpu.enqueue_dma source(%arg5 : memref<40000xf32, #tpu.memory_space<hbm>>) target(%arg12 : memref<40000xf32, #tpu.memory_space<vmem>>) target_semaphore(%run_scoped3A : memref<!tpu.dma_semaphore, #tpu.memory_space<semaphore_mem>>)
      tpu.wait_dma2 semaphore(%run_scoped3A : memref<!tpu.dma_semaphore, #tpu.memory_space<semaphore_mem>>) src(%arg5 : memref<40000xf32, #tpu.memory_space<hbm>>) dst(%arg12 : memref<40000xf32, #tpu.memory_space<vmem>>)
      tpu.yield
    }) : () -> ()
    %broadcast_in_dim3A_24 = arith.constant -3.000000e+38 : f32
    %broadcast_in_dim3A_25 = vector.broadcast %broadcast_in_dim3A_24 : f32 to vector<16xf32>
    %parallel_loop3A_26 = arith.constant 0 : i32
    %parallel_loop3A_27 = arith.constant 625 : i32
    %parallel_loop3A_28 = arith.constant 1 : i32
    %parallel_loop3A_29 = scf.for %parallel_loop3A_35 = %parallel_loop3A_26 to %parallel_loop3A_27 step %parallel_loop3A_28 iter_args(%parallel_loop3A_36 = %broadcast_in_dim3A_25) -> (vector<16xf32>)  : i32 {
      %parallel_loop3A_37 = arith.constant 16 : i32
      %parallel_loop3A_38 = arith.muli %parallel_loop3A_35, %parallel_loop3A_37 : i32
      %parallel_loop3A_39 = arith.index_cast %parallel_loop3A_38 : i32 to index
      %parallel_loop3A_40 = tpu.vector_load %arg13[%parallel_loop3A_39] {strides = array<i32>} : memref<10000xi32, #tpu.memory_space<vmem>>, vector<16xi32>,
      %parallel_loop3A_41 = arith.constant 4 : i32
      %parallel_loop3A_42 = vector.broadcast %parallel_loop3A_41 : i32 to vector<16xi32>
      %parallel_loop3A_43 = arith.muli %parallel_loop3A_40, %parallel_loop3A_42 : vector<16xi32>
      %parallel_loop3A_44 = arith.constant 16 : i32
      %parallel_loop3A_45 = arith.muli %parallel_loop3A_35, %parallel_loop3A_44 : i32
      %parallel_loop3A_46 = arith.index_cast %parallel_loop3A_45 : i32 to index
      %parallel_loop3A_47 = tpu.vector_load %arg14[%parallel_loop3A_46] {strides = array<i32>} : memref<10000xi32, #tpu.memory_space<vmem>>, vector<16xi32>,
      %parallel_loop3A_48 = arith.constant 4 : i32
      %parallel_loop3A_49 = vector.broadcast %parallel_loop3A_48 : i32 to vector<16xi32>
      %parallel_loop3A_50 = arith.muli %parallel_loop3A_47, %parallel_loop3A_49 : vector<16xi32>
      %parallel_loop3A_51 = arith.constant 0 : i32
      %parallel_loop3A_52 = vector.broadcast %parallel_loop3A_51 : i32 to vector<16xi32>
      %parallel_loop3A_53 = arith.addi %parallel_loop3A_43, %parallel_loop3A_52 : vector<16xi32>
      %parallel_loop3A_54 = tpu.vector_load_idx %arg11[%parallel_loop3A_53] : memref<40000xf32, #tpu.memory_space<vmem>>[vector<16xi32>], vector<16xf32>,
      %parallel_loop3A_55 = arith.constant 0 : i32
      %parallel_loop3A_56 = vector.broadcast %parallel_loop3A_55 : i32 to vector<16xi32>
      %parallel_loop3A_57 = arith.addi %parallel_loop3A_50, %parallel_loop3A_56 : vector<16xi32>
      %parallel_loop3A_58 = tpu.vector_load_idx %arg12[%parallel_loop3A_57] : memref<40000xf32, #tpu.memory_space<vmem>>[vector<16xi32>], vector<16xf32>,
      %parallel_loop3A_59 = arith.addf %parallel_loop3A_54, %parallel_loop3A_58 : vector<16xf32>
      %parallel_loop3A_60 = arith.constant 0.000000e+00 : f32
      %parallel_loop3A_61 = vector.broadcast %parallel_loop3A_60 : f32 to vector<16xf32>
      %parallel_loop3A_62 = arith.cmpf ogt, %parallel_loop3A_59, %parallel_loop3A_61 : vector<16xf32>
      %parallel_loop3A_63 = arith.constant 2.000000e-01 : f32
      %parallel_loop3A_64 = vector.broadcast %parallel_loop3A_63 : f32 to vector<16xf32>
      %parallel_loop3A_65 = arith.mulf %parallel_loop3A_64, %parallel_loop3A_59 : vector<16xf32>
      %parallel_loop3A_66 = arith.select %parallel_loop3A_62, %parallel_loop3A_59, %parallel_loop3A_65 : vector<16xi1>, vector<16xf32>
      %parallel_loop3A_67 = vector.broadcast %squeeze3A_13 : f32 to vector<16xf32>
      %parallel_loop3A_68 = arith.mulf %parallel_loop3A_67, %parallel_loop3A_66 : vector<16xf32>
      %parallel_loop3A_69 = arith.constant 1 : i32
      %parallel_loop3A_70 = vector.broadcast %parallel_loop3A_69 : i32 to vector<16xi32>
      %parallel_loop3A_71 = arith.addi %parallel_loop3A_43, %parallel_loop3A_70 : vector<16xi32>
      %parallel_loop3A_72 = tpu.vector_load_idx %arg11[%parallel_loop3A_71] : memref<40000xf32, #tpu.memory_space<vmem>>[vector<16xi32>], vector<16xf32>,
      %parallel_loop3A_73 = arith.constant 1 : i32
      %parallel_loop3A_74 = vector.broadcast %parallel_loop3A_73 : i32 to vector<16xi32>
      %parallel_loop3A_75 = arith.addi %parallel_loop3A_50, %parallel_loop3A_74 : vector<16xi32>
      %parallel_loop3A_76 = tpu.vector_load_idx %arg12[%parallel_loop3A_75] : memref<40000xf32, #tpu.memory_space<vmem>>[vector<16xi32>], vector<16xf32>,
      %parallel_loop3A_77 = arith.addf %parallel_loop3A_72, %parallel_loop3A_76 : vector<16xf32>
      %parallel_loop3A_78 = arith.constant 0.000000e+00 : f32
      %parallel_loop3A_79 = vector.broadcast %parallel_loop3A_78 : f32 to vector<16xf32>
      %parallel_loop3A_80 = arith.cmpf ogt, %parallel_loop3A_77, %parallel_loop3A_79 : vector<16xf32>
      %parallel_loop3A_81 = arith.constant 2.000000e-01 : f32
      %parallel_loop3A_82 = vector.broadcast %parallel_loop3A_81 : f32 to vector<16xf32>
      %parallel_loop3A_83 = arith.mulf %parallel_loop3A_82, %parallel_loop3A_77 : vector<16xf32>
      %parallel_loop3A_84 = arith.select %parallel_loop3A_80, %parallel_loop3A_77, %parallel_loop3A_83 : vector<16xi1>, vector<16xf32>
      %parallel_loop3A_85 = vector.broadcast %squeeze3A_15 : f32 to vector<16xf32>
      %parallel_loop3A_86 = arith.mulf %parallel_loop3A_85, %parallel_loop3A_84 : vector<16xf32>
      %parallel_loop3A_87 = arith.addf %parallel_loop3A_68, %parallel_loop3A_86 : vector<16xf32>
      %parallel_loop3A_88 = arith.constant 2 : i32
      %parallel_loop3A_89 = vector.broadcast %parallel_loop3A_88 : i32 to vector<16xi32>
      %parallel_loop3A_90 = arith.addi %parallel_loop3A_43, %parallel_loop3A_89 : vector<16xi32>
      %parallel_loop3A_91 = tpu.vector_load_idx %arg11[%parallel_loop3A_90] : memref<40000xf32, #tpu.memory_space<vmem>>[vector<16xi32>], vector<16xf32>,
      %parallel_loop3A_92 = arith.constant 2 : i32
      %parallel_loop3A_93 = vector.broadcast %parallel_loop3A_92 : i32 to vector<16xi32>
      %parallel_loop3A_94 = arith.addi %parallel_loop3A_50, %parallel_loop3A_93 : vector<16xi32>
      %parallel_loop3A_95 = tpu.vector_load_idx %arg12[%parallel_loop3A_94] : memref<40000xf32, #tpu.memory_space<vmem>>[vector<16xi32>], vector<16xf32>,
      %parallel_loop3A_96 = arith.addf %parallel_loop3A_91, %parallel_loop3A_95 : vector<16xf32>
      %parallel_loop3A_97 = arith.constant 0.000000e+00 : f32
      %parallel_loop3A_98 = vector.broadcast %parallel_loop3A_97 : f32 to vector<16xf32>
      %parallel_loop3A_99 = arith.cmpf ogt, %parallel_loop3A_96, %parallel_loop3A_98 : vector<16xf32>
      %parallel_loop3A_100 = arith.constant 2.000000e-01 : f32
      %parallel_loop3A_101 = vector.broadcast %parallel_loop3A_100 : f32 to vector<16xf32>
      %parallel_loop3A_102 = arith.mulf %parallel_loop3A_101, %parallel_loop3A_96 : vector<16xf32>
      %parallel_loop3A_103 = arith.select %parallel_loop3A_99, %parallel_loop3A_96, %parallel_loop3A_102 : vector<16xi1>, vector<16xf32>
      %parallel_loop3A_104 = vector.broadcast %squeeze3A_17 : f32 to vector<16xf32>
      %parallel_loop3A_105 = arith.mulf %parallel_loop3A_104, %parallel_loop3A_103 : vector<16xf32>
      %parallel_loop3A_106 = arith.addf %parallel_loop3A_87, %parallel_loop3A_105 : vector<16xf32>
      %parallel_loop3A_107 = arith.constant 3 : i32
      %parallel_loop3A_108 = vector.broadcast %parallel_loop3A_107 : i32 to vector<16xi32>
      %parallel_loop3A_109 = arith.addi %parallel_loop3A_43, %parallel_loop3A_108 : vector<16xi32>
      %parallel_loop3A_110 = tpu.vector_load_idx %arg11[%parallel_loop3A_109] : memref<40000xf32, #tpu.memory_space<vmem>>[vector<16xi32>], vector<16xf32>,
      %parallel_loop3A_111 = arith.constant 3 : i32
      %parallel_loop3A_112 = vector.broadcast %parallel_loop3A_111 : i32 to vector<16xi32>
      %parallel_loop3A_113 = arith.addi %parallel_loop3A_50, %parallel_loop3A_112 : vector<16xi32>
      %parallel_loop3A_114 = tpu.vector_load_idx %arg12[%parallel_loop3A_113] : memref<40000xf32, #tpu.memory_space<vmem>>[vector<16xi32>], vector<16xf32>,
      %parallel_loop3A_115 = arith.addf %parallel_loop3A_110, %parallel_loop3A_114 : vector<16xf32>
      %parallel_loop3A_116 = arith.constant 0.000000e+00 : f32
      %parallel_loop3A_117 = vector.broadcast %parallel_loop3A_116 : f32 to vector<16xf32>
      %parallel_loop3A_118 = arith.cmpf ogt, %parallel_loop3A_115, %parallel_loop3A_117 : vector<16xf32>
      %parallel_loop3A_119 = arith.constant 2.000000e-01 : f32
      %parallel_loop3A_120 = vector.broadcast %parallel_loop3A_119 : f32 to vector<16xf32>
      %parallel_loop3A_121 = arith.mulf %parallel_loop3A_120, %parallel_loop3A_115 : vector<16xf32>
      %parallel_loop3A_122 = arith.select %parallel_loop3A_118, %parallel_loop3A_115, %parallel_loop3A_121 : vector<16xi1>, vector<16xf32>
      %parallel_loop3A_123 = vector.broadcast %squeeze3A_19 : f32 to vector<16xf32>
      %parallel_loop3A_124 = arith.mulf %parallel_loop3A_123, %parallel_loop3A_122 : vector<16xf32>
      %parallel_loop3A_125 = arith.addf %parallel_loop3A_106, %parallel_loop3A_124 : vector<16xf32>
      %parallel_loop3A_126 = arith.constant 16 : i32
      %parallel_loop3A_127 = arith.muli %parallel_loop3A_35, %parallel_loop3A_126 : i32
      %parallel_loop3A_128 = arith.index_cast %parallel_loop3A_127 : i32 to index
      %parallel_loop3A_129 = tpu.vector_load %arg15[%parallel_loop3A_128] {strides = array<i32>} : memref<10000xf32, #tpu.memory_space<vmem>>, vector<16xf32>,
      %parallel_loop3A_130 = arith.addf %parallel_loop3A_125, %parallel_loop3A_129 : vector<16xf32>
      %parallel_loop3A_131 = arith.maximumf %parallel_loop3A_36, %parallel_loop3A_130 : vector<16xf32>
      %parallel_loop3A_132 = arith.constant 16 : i32
      %parallel_loop3A_133 = arith.muli %parallel_loop3A_35, %parallel_loop3A_132 : i32
      %parallel_loop3A_134 = arith.index_cast %parallel_loop3A_133 : i32 to index
      %parallel_loop3A_135 = tpu.vector_load %arg15[%parallel_loop3A_134] {strides = array<i32>} : memref<10000xf32, #tpu.memory_space<vmem>>, vector<16xf32>,
      tpu.vector_store %arg15[%parallel_loop3A_134], %parallel_loop3A_130 {strides = array<i32>} : memref<10000xf32, #tpu.memory_space<vmem>>, vector<16xf32>,
      scf.yield %parallel_loop3A_131 : vector<16xf32>
    } {sc.loop_unroll_factor = 2 : i64, sc.parallel_access}
    %mul3A_30 = arith.constant 10000 : i32
    %mul3A_31 = arith.muli %add3A, %mul3A_30 : i32
    "tpu.region"() ({
      %run_scoped3A = tpu.sem_alloc : memref<!tpu.dma_semaphore, #tpu.memory_space<semaphore_mem>>
      %dma_start3A = tpu.memref_slice %arg9[%mul3A_31] : memref<320000xf32, #tpu.memory_space<hbm>> -> memref<10000xf32, #tpu.memory_space<hbm>>
      %dma_start3A_35 = tpu.memref_slice %arg9[%mul3A_31] : memref<320000xf32, #tpu.memory_space<hbm>> -> memref<10000xf32, #tpu.memory_space<hbm>>
      tpu.enqueue_dma source(%arg15 : memref<10000xf32, #tpu.memory_space<vmem>>) target(%dma_start3A_35 : memref<10000xf32, #tpu.memory_space<hbm>>) target_semaphore(%run_scoped3A : memref<!tpu.dma_semaphore, #tpu.memory_space<semaphore_mem>>)
      %dma_wait3A = tpu.memref_slice %arg9[%mul3A_31] : memref<320000xf32, #tpu.memory_space<hbm>> -> memref<10000xf32, #tpu.memory_space<hbm>>
      %dma_wait3A_36 = tpu.memref_slice %arg9[%mul3A_31] : memref<320000xf32, #tpu.memory_space<hbm>> -> memref<10000xf32, #tpu.memory_space<hbm>>
      tpu.wait_dma2 semaphore(%run_scoped3A : memref<!tpu.dma_semaphore, #tpu.memory_space<semaphore_mem>>) src(%arg15 : memref<10000xf32, #tpu.memory_space<vmem>>) dst(%dma_wait3A_36 : memref<10000xf32, #tpu.memory_space<hbm>>)
      tpu.yield
    }) : () -> ()
    %swap3A = arith.constant 0 : index
    %swap3A_32 = tpu.vector_load %arg17[%swap3A] {strides = array<i32>} : memref<16xf32, #tpu.memory_space<vmem>>, vector<16xf32>,
    tpu.vector_store %arg17[%swap3A], %parallel_loop3A_29 {strides = array<i32>} : memref<16xf32, #tpu.memory_space<vmem>>, vector<16xf32>,
    %mul3A_33 = arith.constant 16 : i32
    %mul3A_34 = arith.muli %add3A, %mul3A_33 : i32
    "tpu.region"() ({
      %run_scoped3A = tpu.sem_alloc : memref<!tpu.dma_semaphore, #tpu.memory_space<semaphore_mem>>
      %dma_start3A = tpu.memref_slice %arg10[%mul3A_34] : memref<512xf32, #tpu.memory_space<hbm>> -> memref<16xf32, #tpu.memory_space<hbm>>
      %dma_start3A_35 = tpu.memref_slice %arg10[%mul3A_34] : memref<512xf32, #tpu.memory_space<hbm>> -> memref<16xf32, #tpu.memory_space<hbm>>
      tpu.enqueue_dma source(%arg17 : memref<16xf32, #tpu.memory_space<vmem>>) target(%dma_start3A_35 : memref<16xf32, #tpu.memory_space<hbm>>) target_semaphore(%run_scoped3A : memref<!tpu.dma_semaphore, #tpu.memory_space<semaphore_mem>>)
      %dma_wait3A = tpu.memref_slice %arg10[%mul3A_34] : memref<512xf32, #tpu.memory_space<hbm>> -> memref<16xf32, #tpu.memory_space<hbm>>
      %dma_wait3A_36 = tpu.memref_slice %arg10[%mul3A_34] : memref<512xf32, #tpu.memory_space<hbm>> -> memref<16xf32, #tpu.memory_space<hbm>>
      tpu.wait_dma2 semaphore(%run_scoped3A : memref<!tpu.dma_semaphore, #tpu.memory_space<semaphore_mem>>) src(%arg17 : memref<16xf32, #tpu.memory_space<vmem>>) dst(%dma_wait3A_36 : memref<16xf32, #tpu.memory_space<hbm>>)
      tpu.yield
    }) : () -> ()
    return
  }
}

#map = affine_map<(d0, d1) -> (0, 0)>
#map1 = affine_map<(d0, d1) -> (0)>
#map2 = affine_map<(d0, d1) -> (0, 0, 0)>
module attributes {stable_mosaic.version = 14 : i64} {
  func.func @k(%arg0: i32, %arg1: i32, %arg2: memref<10000x32xf32, #tpu.memory_space<hbm>>, %arg3: memref<320000xi32, #tpu.memory_space<hbm>>, %arg4: memref<32x125x80xi32, #tpu.memory_space<hbm>>, %arg5: memref<320000xf32, #tpu.memory_space<hbm>>, %arg6: memref<512xf32, #tpu.memory_space<hbm>>, %arg7: memref<2x10112x32xf32, #tpu.memory_space<hbm>>, %arg8: memref<10000xi32, #tpu.memory_space<vmem>>, %arg9: memref<125x80xi32, #tpu.memory_space<vmem>>, %arg10: memref<10000xf32, #tpu.memory_space<vmem>>, %arg11: memref<80x32xf32, #tpu.memory_space<vmem>>, %arg12: memref<80x32xf32, #tpu.memory_space<vmem>>, %arg13: memref<632x32xf32, #tpu.memory_space<vmem>>, %arg14: memref<512xf32, #tpu.memory_space<vmem>>, %arg15: memref<10112x32xf32, #tpu.memory_space<vmem_shared>>, %arg16: memref<!tpu.dma_semaphore, #tpu.memory_space<semaphore_mem>>, %arg17: memref<!tpu.dma_semaphore, #tpu.memory_space<semaphore_mem>>, %arg18: memref<!tpu.dma_semaphore, #tpu.memory_space<semaphore_mem>>, %arg19: memref<!tpu.dma_semaphore, #tpu.memory_space<semaphore_mem>>) attributes {dimension_semantics = [#tpu.dimension_semantics<core_parallel>, #tpu.dimension_semantics<subcore_parallel>], iteration_bounds = array<i64: 2, 16>, scalar_prefetch = 0 : i64, scratch_operands = 12 : i64, tpu.core_type = #tpu.core_type<sc_vector_subcore>, window_params = [{transform_indices = #map}, {transform_indices = #map1}, {transform_indices = #map2}, {transform_indices = #map1}, {transform_indices = #map1}, {transform_indices = #map2}]} {
    %mul3A = arith.constant 16 : i32
    %mul3A_0 = arith.muli %arg0, %mul3A : i32
    %add3A = arith.addi %mul3A_0, %arg1 : i32
    "tpu.region"() ({
      %run_scoped3A = tpu.sem_alloc : memref<!tpu.dma_semaphore, #tpu.memory_space<semaphore_mem>>
      tpu.enqueue_dma source(%arg6 : memref<512xf32, #tpu.memory_space<hbm>>) target(%arg14 : memref<512xf32, #tpu.memory_space<vmem>>) target_semaphore(%run_scoped3A : memref<!tpu.dma_semaphore, #tpu.memory_space<semaphore_mem>>)
      tpu.wait_dma2 semaphore(%run_scoped3A : memref<!tpu.dma_semaphore, #tpu.memory_space<semaphore_mem>>) src(%arg6 : memref<512xf32, #tpu.memory_space<hbm>>) dst(%arg14 : memref<512xf32, #tpu.memory_space<vmem>>)
      tpu.yield
    }) : () -> ()
    %get3A = arith.constant 0 : index
    %get3A_1 = tpu.vector_load %arg14[%get3A] {strides = array<i32>} : memref<512xf32, #tpu.memory_space<vmem>>, vector<16xf32>,
    %get3A_2 = arith.constant 16 : index
    %get3A_3 = tpu.vector_load %arg14[%get3A_2] {strides = array<i32>} : memref<512xf32, #tpu.memory_space<vmem>>, vector<16xf32>,
    %max3A = arith.maximumf %get3A_1, %get3A_3 : vector<16xf32>
    %get3A_4 = arith.constant 32 : index
    %get3A_5 = tpu.vector_load %arg14[%get3A_4] {strides = array<i32>} : memref<512xf32, #tpu.memory_space<vmem>>, vector<16xf32>,
    %max3A_6 = arith.maximumf %max3A, %get3A_5 : vector<16xf32>
    %get3A_7 = arith.constant 48 : index
    %get3A_8 = tpu.vector_load %arg14[%get3A_7] {strides = array<i32>} : memref<512xf32, #tpu.memory_space<vmem>>, vector<16xf32>,
    %max3A_9 = arith.maximumf %max3A_6, %get3A_8 : vector<16xf32>
    %get3A_10 = arith.constant 64 : index
    %get3A_11 = tpu.vector_load %arg14[%get3A_10] {strides = array<i32>} : memref<512xf32, #tpu.memory_space<vmem>>, vector<16xf32>,
    %max3A_12 = arith.maximumf %max3A_9, %get3A_11 : vector<16xf32>
    %get3A_13 = arith.constant 80 : index
    %get3A_14 = tpu.vector_load %arg14[%get3A_13] {strides = array<i32>} : memref<512xf32, #tpu.memory_space<vmem>>, vector<16xf32>,
    %max3A_15 = arith.maximumf %max3A_12, %get3A_14 : vector<16xf32>
    %get3A_16 = arith.constant 96 : index
    %get3A_17 = tpu.vector_load %arg14[%get3A_16] {strides = array<i32>} : memref<512xf32, #tpu.memory_space<vmem>>, vector<16xf32>,
    %max3A_18 = arith.maximumf %max3A_15, %get3A_17 : vector<16xf32>
    %get3A_19 = arith.constant 112 : index
    %get3A_20 = tpu.vector_load %arg14[%get3A_19] {strides = array<i32>} : memref<512xf32, #tpu.memory_space<vmem>>, vector<16xf32>,
    %max3A_21 = arith.maximumf %max3A_18, %get3A_20 : vector<16xf32>
    %get3A_22 = arith.constant 128 : index
    %get3A_23 = tpu.vector_load %arg14[%get3A_22] {strides = array<i32>} : memref<512xf32, #tpu.memory_space<vmem>>, vector<16xf32>,
    %max3A_24 = arith.maximumf %max3A_21, %get3A_23 : vector<16xf32>
    %get3A_25 = arith.constant 144 : index
    %get3A_26 = tpu.vector_load %arg14[%get3A_25] {strides = array<i32>} : memref<512xf32, #tpu.memory_space<vmem>>, vector<16xf32>,
    %max3A_27 = arith.maximumf %max3A_24, %get3A_26 : vector<16xf32>
    %get3A_28 = arith.constant 160 : index
    %get3A_29 = tpu.vector_load %arg14[%get3A_28] {strides = array<i32>} : memref<512xf32, #tpu.memory_space<vmem>>, vector<16xf32>,
    %max3A_30 = arith.maximumf %max3A_27, %get3A_29 : vector<16xf32>
    %get3A_31 = arith.constant 176 : index
    %get3A_32 = tpu.vector_load %arg14[%get3A_31] {strides = array<i32>} : memref<512xf32, #tpu.memory_space<vmem>>, vector<16xf32>,
    %max3A_33 = arith.maximumf %max3A_30, %get3A_32 : vector<16xf32>
    %get3A_34 = arith.constant 192 : index
    %get3A_35 = tpu.vector_load %arg14[%get3A_34] {strides = array<i32>} : memref<512xf32, #tpu.memory_space<vmem>>, vector<16xf32>,
    %max3A_36 = arith.maximumf %max3A_33, %get3A_35 : vector<16xf32>
    %get3A_37 = arith.constant 208 : index
    %get3A_38 = tpu.vector_load %arg14[%get3A_37] {strides = array<i32>} : memref<512xf32, #tpu.memory_space<vmem>>, vector<16xf32>,
    %max3A_39 = arith.maximumf %max3A_36, %get3A_38 : vector<16xf32>
    %get3A_40 = arith.constant 224 : index
    %get3A_41 = tpu.vector_load %arg14[%get3A_40] {strides = array<i32>} : memref<512xf32, #tpu.memory_space<vmem>>, vector<16xf32>,
    %max3A_42 = arith.maximumf %max3A_39, %get3A_41 : vector<16xf32>
    %get3A_43 = arith.constant 240 : index
    %get3A_44 = tpu.vector_load %arg14[%get3A_43] {strides = array<i32>} : memref<512xf32, #tpu.memory_space<vmem>>, vector<16xf32>,
    %max3A_45 = arith.maximumf %max3A_42, %get3A_44 : vector<16xf32>
    %get3A_46 = arith.constant 256 : index
    %get3A_47 = tpu.vector_load %arg14[%get3A_46] {strides = array<i32>} : memref<512xf32, #tpu.memory_space<vmem>>, vector<16xf32>,
    %max3A_48 = arith.maximumf %max3A_45, %get3A_47 : vector<16xf32>
    %get3A_49 = arith.constant 272 : index
    %get3A_50 = tpu.vector_load %arg14[%get3A_49] {strides = array<i32>} : memref<512xf32, #tpu.memory_space<vmem>>, vector<16xf32>,
    %max3A_51 = arith.maximumf %max3A_48, %get3A_50 : vector<16xf32>
    %get3A_52 = arith.constant 288 : index
    %get3A_53 = tpu.vector_load %arg14[%get3A_52] {strides = array<i32>} : memref<512xf32, #tpu.memory_space<vmem>>, vector<16xf32>,
    %max3A_54 = arith.maximumf %max3A_51, %get3A_53 : vector<16xf32>
    %get3A_55 = arith.constant 304 : index
    %get3A_56 = tpu.vector_load %arg14[%get3A_55] {strides = array<i32>} : memref<512xf32, #tpu.memory_space<vmem>>, vector<16xf32>,
    %max3A_57 = arith.maximumf %max3A_54, %get3A_56 : vector<16xf32>
    %get3A_58 = arith.constant 320 : index
    %get3A_59 = tpu.vector_load %arg14[%get3A_58] {strides = array<i32>} : memref<512xf32, #tpu.memory_space<vmem>>, vector<16xf32>,
    %max3A_60 = arith.maximumf %max3A_57, %get3A_59 : vector<16xf32>
    %get3A_61 = arith.constant 336 : index
    %get3A_62 = tpu.vector_load %arg14[%get3A_61] {strides = array<i32>} : memref<512xf32, #tpu.memory_space<vmem>>, vector<16xf32>,
    %max3A_63 = arith.maximumf %max3A_60, %get3A_62 : vector<16xf32>
    %get3A_64 = arith.constant 352 : index
    %get3A_65 = tpu.vector_load %arg14[%get3A_64] {strides = array<i32>} : memref<512xf32, #tpu.memory_space<vmem>>, vector<16xf32>,
    %max3A_66 = arith.maximumf %max3A_63, %get3A_65 : vector<16xf32>
    %get3A_67 = arith.constant 368 : index
    %get3A_68 = tpu.vector_load %arg14[%get3A_67] {strides = array<i32>} : memref<512xf32, #tpu.memory_space<vmem>>, vector<16xf32>,
    %max3A_69 = arith.maximumf %max3A_66, %get3A_68 : vector<16xf32>
    %get3A_70 = arith.constant 384 : index
    %get3A_71 = tpu.vector_load %arg14[%get3A_70] {strides = array<i32>} : memref<512xf32, #tpu.memory_space<vmem>>, vector<16xf32>,
    %max3A_72 = arith.maximumf %max3A_69, %get3A_71 : vector<16xf32>
    %get3A_73 = arith.constant 400 : index
    %get3A_74 = tpu.vector_load %arg14[%get3A_73] {strides = array<i32>} : memref<512xf32, #tpu.memory_space<vmem>>, vector<16xf32>,
    %max3A_75 = arith.maximumf %max3A_72, %get3A_74 : vector<16xf32>
    %get3A_76 = arith.constant 416 : index
    %get3A_77 = tpu.vector_load %arg14[%get3A_76] {strides = array<i32>} : memref<512xf32, #tpu.memory_space<vmem>>, vector<16xf32>,
    %max3A_78 = arith.maximumf %max3A_75, %get3A_77 : vector<16xf32>
    %get3A_79 = arith.constant 432 : index
    %get3A_80 = tpu.vector_load %arg14[%get3A_79] {strides = array<i32>} : memref<512xf32, #tpu.memory_space<vmem>>, vector<16xf32>,
    %max3A_81 = arith.maximumf %max3A_78, %get3A_80 : vector<16xf32>
    %get3A_82 = arith.constant 448 : index
    %get3A_83 = tpu.vector_load %arg14[%get3A_82] {strides = array<i32>} : memref<512xf32, #tpu.memory_space<vmem>>, vector<16xf32>,
    %max3A_84 = arith.maximumf %max3A_81, %get3A_83 : vector<16xf32>
    %get3A_85 = arith.constant 464 : index
    %get3A_86 = tpu.vector_load %arg14[%get3A_85] {strides = array<i32>} : memref<512xf32, #tpu.memory_space<vmem>>, vector<16xf32>,
    %max3A_87 = arith.maximumf %max3A_84, %get3A_86 : vector<16xf32>
    %get3A_88 = arith.constant 480 : index
    %get3A_89 = tpu.vector_load %arg14[%get3A_88] {strides = array<i32>} : memref<512xf32, #tpu.memory_space<vmem>>, vector<16xf32>,
    %max3A_90 = arith.maximumf %max3A_87, %get3A_89 : vector<16xf32>
    %get3A_91 = arith.constant 496 : index
    %get3A_92 = tpu.vector_load %arg14[%get3A_91] {strides = array<i32>} : memref<512xf32, #tpu.memory_space<vmem>>, vector<16xf32>,
    %max3A_93 = arith.maximumf %max3A_90, %get3A_92 : vector<16xf32>
    %reduce_max3A = arith.constant true
    %reduce_max3A_94 = vector.broadcast %reduce_max3A : i1 to vector<16xi1>
    %reduce_max3A_95 = tpu.scan <max>, %max3A_93 masked %reduce_max3A_94 : vector<16xf32>, vector<16xi1> -> vector<16xf32>
    %reduce_max3A_96 = vector.extract %reduce_max3A_95[15] : f32 from vector<16xf32>
    %broadcast_in_dim3A = arith.constant 0.000000e+00 : f32
    %broadcast_in_dim3A_97 = vector.broadcast %broadcast_in_dim3A : f32 to vector<16xf32>
    %scan3A = arith.constant 0 : i32
    %scan3A_98 = arith.constant 0 : i32
    %scan3A_99 = arith.constant 632 : i32
    %scan3A_100 = arith.addi %scan3A_98, %scan3A_99 : i32
    %scan3A_101 = arith.constant 1 : i32
    scf.for %scan3A_151 = %scan3A_98 to %scan3A_100 step %scan3A_101  : i32 {
      %swap3A = arith.index_cast %scan3A_151 : i32 to index
      %swap3A_152 = arith.constant 0 : index
      %swap3A_153 = tpu.vector_load %arg13[%swap3A, %swap3A_152] {strides = array<i32>} : memref<632x32xf32, #tpu.memory_space<vmem>>, vector<16xf32>,
      tpu.vector_store %arg13[%swap3A, %swap3A_152], %broadcast_in_dim3A_97 {strides = array<i32>} : memref<632x32xf32, #tpu.memory_space<vmem>>, vector<16xf32>,
      %swap3A_154 = arith.index_cast %scan3A_151 : i32 to index
      %swap3A_155 = arith.constant 16 : index
      %swap3A_156 = tpu.vector_load %arg13[%swap3A_154, %swap3A_155] {strides = array<i32>} : memref<632x32xf32, #tpu.memory_space<vmem>>, vector<16xf32>,
      tpu.vector_store %arg13[%swap3A_154, %swap3A_155], %broadcast_in_dim3A_97 {strides = array<i32>} : memref<632x32xf32, #tpu.memory_space<vmem>>, vector<16xf32>,
    }
    %scan3A_102 = arith.constant 632 : i32
    %mul3A_103 = arith.constant 632 : i32
    %mul3A_104 = arith.muli %arg1, %mul3A_103 : i32
    "tpu.region"() ({
      %run_scoped3A = tpu.sem_alloc : memref<!tpu.dma_semaphore, #tpu.memory_space<semaphore_mem>>
      %dma_start3A_151 = arith.constant 0 : i32
      %dma_start3A_152 = tpu.memref_slice %arg15[%mul3A_104, %dma_start3A_151] : memref<10112x32xf32, #tpu.memory_space<vmem_shared>> -> memref<632x32xf32, #tpu.memory_space<vmem_shared>>
      %dma_start3A_153 = arith.constant 0 : i32
      %dma_start3A_154 = tpu.memref_slice %arg15[%mul3A_104, %dma_start3A_153] : memref<10112x32xf32, #tpu.memory_space<vmem_shared>> -> memref<632x32xf32, #tpu.memory_space<vmem_shared>>
      tpu.enqueue_dma source(%arg13 : memref<632x32xf32, #tpu.memory_space<vmem>>) target(%dma_start3A_154 : memref<632x32xf32, #tpu.memory_space<vmem_shared>>) target_semaphore(%run_scoped3A : memref<!tpu.dma_semaphore, #tpu.memory_space<semaphore_mem>>)
      %dma_wait3A_155 = arith.constant 0 : i32
      %dma_wait3A_156 = tpu.memref_slice %arg15[%mul3A_104, %dma_wait3A_155] : memref<10112x32xf32, #tpu.memory_space<vmem_shared>> -> memref<632x32xf32, #tpu.memory_space<vmem_shared>>
      %dma_wait3A_157 = arith.constant 0 : i32
      %dma_wait3A_158 = tpu.memref_slice %arg15[%mul3A_104, %dma_wait3A_157] : memref<10112x32xf32, #tpu.memory_space<vmem_shared>> -> memref<632x32xf32, #tpu.memory_space<vmem_shared>>
      tpu.wait_dma2 semaphore(%run_scoped3A : memref<!tpu.dma_semaphore, #tpu.memory_space<semaphore_mem>>) src(%arg13 : memref<632x32xf32, #tpu.memory_space<vmem>>) dst(%dma_wait3A_158 : memref<632x32xf32, #tpu.memory_space<vmem_shared>>)
      tpu.yield
    }) : () -> ()
    %barrier3A = arith.constant 0 : index
    tpu.barrier barrier_id(%barrier3A)
    %mul3A_105 = arith.constant 10000 : i32
    %mul3A_106 = arith.muli %add3A, %mul3A_105 : i32
    "tpu.region"() ({
      %run_scoped3A = tpu.sem_alloc : memref<!tpu.dma_semaphore, #tpu.memory_space<semaphore_mem>>
      %dma_start3A_151 = tpu.memref_slice %arg3[%mul3A_106] : memref<320000xi32, #tpu.memory_space<hbm>> -> memref<10000xi32, #tpu.memory_space<hbm>>
      %dma_start3A_152 = tpu.memref_slice %arg3[%mul3A_106] : memref<320000xi32, #tpu.memory_space<hbm>> -> memref<10000xi32, #tpu.memory_space<hbm>>
      tpu.enqueue_dma source(%dma_start3A_152 : memref<10000xi32, #tpu.memory_space<hbm>>) target(%arg8 : memref<10000xi32, #tpu.memory_space<vmem>>) target_semaphore(%run_scoped3A : memref<!tpu.dma_semaphore, #tpu.memory_space<semaphore_mem>>)
      %dma_wait3A_153 = tpu.memref_slice %arg3[%mul3A_106] : memref<320000xi32, #tpu.memory_space<hbm>> -> memref<10000xi32, #tpu.memory_space<hbm>>
      %dma_wait3A_154 = tpu.memref_slice %arg3[%mul3A_106] : memref<320000xi32, #tpu.memory_space<hbm>> -> memref<10000xi32, #tpu.memory_space<hbm>>
      tpu.wait_dma2 semaphore(%run_scoped3A : memref<!tpu.dma_semaphore, #tpu.memory_space<semaphore_mem>>) src(%dma_wait3A_154 : memref<10000xi32, #tpu.memory_space<hbm>>) dst(%arg8 : memref<10000xi32, #tpu.memory_space<vmem>>)
      tpu.yield
    }) : () -> ()
    "tpu.region"() ({
      %run_scoped3A = tpu.sem_alloc : memref<!tpu.dma_semaphore, #tpu.memory_space<semaphore_mem>>
      %dma_start3A_151 = arith.constant 0 : i32
      %dma_start3A_152 = arith.constant 0 : i32
      %dma_start3A_153 = tpu.memref_slice %arg4[%add3A, %dma_start3A_151, %dma_start3A_152] : memref<32x125x80xi32, #tpu.memory_space<hbm>> -> memref<1x125x80xi32, #tpu.memory_space<hbm>>
      %dma_start3A_154 = tpu.memref_squeeze %dma_start3A_153 : memref<1x125x80xi32, #tpu.memory_space<hbm>> -> memref<125x80xi32, #tpu.memory_space<hbm>>
      %dma_start3A_155 = arith.constant 0 : i32
      %dma_start3A_156 = arith.constant 0 : i32
      %dma_start3A_157 = tpu.memref_slice %arg4[%add3A, %dma_start3A_155, %dma_start3A_156] : memref<32x125x80xi32, #tpu.memory_space<hbm>> -> memref<1x125x80xi32, #tpu.memory_space<hbm>>
      %dma_start3A_158 = tpu.memref_squeeze %dma_start3A_157 : memref<1x125x80xi32, #tpu.memory_space<hbm>> -> memref<125x80xi32, #tpu.memory_space<hbm>>
      tpu.enqueue_dma source(%dma_start3A_158 : memref<125x80xi32, #tpu.memory_space<hbm>>) target(%arg9 : memref<125x80xi32, #tpu.memory_space<vmem>>) target_semaphore(%run_scoped3A : memref<!tpu.dma_semaphore, #tpu.memory_space<semaphore_mem>>)
      %dma_wait3A_159 = arith.constant 0 : i32
      %dma_wait3A_160 = arith.constant 0 : i32
      %dma_wait3A_161 = tpu.memref_slice %arg4[%add3A, %dma_wait3A_159, %dma_wait3A_160] : memref<32x125x80xi32, #tpu.memory_space<hbm>> -> memref<1x125x80xi32, #tpu.memory_space<hbm>>
      %dma_wait3A_162 = tpu.memref_squeeze %dma_wait3A_161 : memref<1x125x80xi32, #tpu.memory_space<hbm>> -> memref<125x80xi32, #tpu.memory_space<hbm>>
      %dma_wait3A_163 = arith.constant 0 : i32
      %dma_wait3A_164 = arith.constant 0 : i32
      %dma_wait3A_165 = tpu.memref_slice %arg4[%add3A, %dma_wait3A_163, %dma_wait3A_164] : memref<32x125x80xi32, #tpu.memory_space<hbm>> -> memref<1x125x80xi32, #tpu.memory_space<hbm>>
      %dma_wait3A_166 = tpu.memref_squeeze %dma_wait3A_165 : memref<1x125x80xi32, #tpu.memory_space<hbm>> -> memref<125x80xi32, #tpu.memory_space<hbm>>
      tpu.wait_dma2 semaphore(%run_scoped3A : memref<!tpu.dma_semaphore, #tpu.memory_space<semaphore_mem>>) src(%dma_wait3A_166 : memref<125x80xi32, #tpu.memory_space<hbm>>) dst(%arg9 : memref<125x80xi32, #tpu.memory_space<vmem>>)
      tpu.yield
    }) : () -> ()
    %mul3A_107 = arith.constant 10000 : i32
    %mul3A_108 = arith.muli %add3A, %mul3A_107 : i32
    "tpu.region"() ({
      %run_scoped3A = tpu.sem_alloc : memref<!tpu.dma_semaphore, #tpu.memory_space<semaphore_mem>>
      %dma_start3A_151 = tpu.memref_slice %arg5[%mul3A_108] : memref<320000xf32, #tpu.memory_space<hbm>> -> memref<10000xf32, #tpu.memory_space<hbm>>
      %dma_start3A_152 = tpu.memref_slice %arg5[%mul3A_108] : memref<320000xf32, #tpu.memory_space<hbm>> -> memref<10000xf32, #tpu.memory_space<hbm>>
      tpu.enqueue_dma source(%dma_start3A_152 : memref<10000xf32, #tpu.memory_space<hbm>>) target(%arg10 : memref<10000xf32, #tpu.memory_space<vmem>>) target_semaphore(%run_scoped3A : memref<!tpu.dma_semaphore, #tpu.memory_space<semaphore_mem>>)
      %dma_wait3A_153 = tpu.memref_slice %arg5[%mul3A_108] : memref<320000xf32, #tpu.memory_space<hbm>> -> memref<10000xf32, #tpu.memory_space<hbm>>
      %dma_wait3A_154 = tpu.memref_slice %arg5[%mul3A_108] : memref<320000xf32, #tpu.memory_space<hbm>> -> memref<10000xf32, #tpu.memory_space<hbm>>
      tpu.wait_dma2 semaphore(%run_scoped3A : memref<!tpu.dma_semaphore, #tpu.memory_space<semaphore_mem>>) src(%dma_wait3A_154 : memref<10000xf32, #tpu.memory_space<hbm>>) dst(%arg10 : memref<10000xf32, #tpu.memory_space<vmem>>)
      tpu.yield
    }) : () -> ()
    %iota3A = tpu.iota {dimensions = array<i32: 0>} : vector<16xi32>
    %dma_start3A = arith.constant 0 : i32
    %dma_start3A_109 = tpu.memref_slice %arg8[%dma_start3A] : memref<10000xi32, #tpu.memory_space<vmem>> -> memref<80xi32, #tpu.memory_space<vmem>>
    %dma_start3A_110 = arith.constant 0 : i32
    %dma_start3A_111 = arith.constant 0 : i32
    %dma_start3A_112 = tpu.memref_slice %arg2[%dma_start3A_110, %dma_start3A_111] : memref<10000x32xf32, #tpu.memory_space<hbm>> -> memref<10000x32xf32, #tpu.memory_space<hbm>>
    tpu.enqueue_indirect_dma source(%dma_start3A_112 : memref<10000x32xf32, #tpu.memory_space<hbm>>) target(%arg11 : memref<80x32xf32, #tpu.memory_space<vmem>>) offsets(%dma_start3A_109 : memref<80xi32, #tpu.memory_space<vmem>>) semaphore(%arg16 : memref<!tpu.dma_semaphore, #tpu.memory_space<semaphore_mem>>)
    %scan3A_113 = arith.constant 0 : i32
    %scan3A_114 = arith.constant 0 : i32
    %scan3A_115 = arith.constant 62 : i32
    %scan3A_116 = arith.addi %scan3A_114, %scan3A_115 : i32
    %scan3A_117 = arith.constant 1 : i32
    scf.for %scan3A_151 = %scan3A_114 to %scan3A_116 step %scan3A_117  : i32 {
      %mul3A_152 = arith.constant 2 : i32
      %mul3A_153 = arith.muli %scan3A_151, %mul3A_152 : i32
      %add3A_154 = arith.constant 0 : i32
      %add3A_155 = arith.addi %mul3A_153, %add3A_154 : i32
      %add3A_156 = arith.constant 1 : i32
      %add3A_157 = arith.addi %add3A_155, %add3A_156 : i32
      %lt3A = arith.constant 125 : i32
      %lt3A_158 = arith.cmpi slt, %add3A_157, %lt3A : i32
      %convert_element_type3A = arith.extui %lt3A_158 : i1 to i32
      %cond3A = arith.constant 0 : i32
      %cond3A_159 = arith.cmpi ne, %convert_element_type3A, %cond3A : i32
      scf.if %cond3A_159 {
        %ge3A = arith.constant 2 : i32
        %ge3A_201 = arith.cmpi sge, %add3A_157, %ge3A : i32
        %convert_element_type3A_202 = arith.extui %ge3A_201 : i1 to i32
        %cond3A_203 = arith.constant 0 : i32
        %cond3A_204 = arith.cmpi ne, %convert_element_type3A_202, %cond3A_203 : i32
        scf.if %cond3A_204 {
          %sub3A = arith.constant 2 : i32
          %sub3A_211 = arith.subi %add3A_157, %sub3A : i32
          %dma_wait3A_212 = arith.constant 0 : i32
          %dma_wait3A_213 = tpu.memref_slice %arg9[%sub3A_211, %dma_wait3A_212] : memref<125x80xi32, #tpu.memory_space<vmem>> -> memref<1x80xi32, #tpu.memory_space<vmem>>
          %dma_wait3A_214 = tpu.memref_squeeze %dma_wait3A_213 : memref<1x80xi32, #tpu.memory_space<vmem>> -> memref<80xi32, #tpu.memory_space<vmem>>
          %dma_wait3A_215 = arith.constant 0 : i32
          %dma_wait3A_216 = arith.constant 0 : i32
          %dma_wait3A_217 = tpu.memref_slice %arg15[%dma_wait3A_215, %dma_wait3A_216] : memref<10112x32xf32, #tpu.memory_space<vmem_shared>> -> memref<10112x32xf32, #tpu.memory_space<vmem_shared>>
          tpu.wait_indirect_dma semaphore(%arg19 : memref<!tpu.dma_semaphore, #tpu.memory_space<semaphore_mem>>) src(%arg12 : memref<80x32xf32, #tpu.memory_space<vmem>>) dst(%dma_wait3A_217 : memref<10112x32xf32, #tpu.memory_space<vmem_shared>>)
        } else {
        }
        %mul3A_205 = arith.constant 80 : i32
        %mul3A_206 = arith.muli %add3A_157, %mul3A_205 : i32
        %dma_start3A_207 = tpu.memref_slice %arg8[%mul3A_206] : memref<10000xi32, #tpu.memory_space<vmem>> -> memref<80xi32, #tpu.memory_space<vmem>>
        %dma_start3A_208 = arith.constant 0 : i32
        %dma_start3A_209 = arith.constant 0 : i32
        %dma_start3A_210 = tpu.memref_slice %arg2[%dma_start3A_208, %dma_start3A_209] : memref<10000x32xf32, #tpu.memory_space<hbm>> -> memref<10000x32xf32, #tpu.memory_space<hbm>>
        tpu.enqueue_indirect_dma source(%dma_start3A_210 : memref<10000x32xf32, #tpu.memory_space<hbm>>) target(%arg12 : memref<80x32xf32, #tpu.memory_space<vmem>>) offsets(%dma_start3A_207 : memref<80xi32, #tpu.memory_space<vmem>>) semaphore(%arg17 : memref<!tpu.dma_semaphore, #tpu.memory_space<semaphore_mem>>)
      } else {
      }
      %mul3A_160 = arith.constant 80 : i32
      %mul3A_161 = arith.muli %add3A_155, %mul3A_160 : i32
      %dma_wait3A_162 = tpu.memref_slice %arg8[%mul3A_161] : memref<10000xi32, #tpu.memory_space<vmem>> -> memref<80xi32, #tpu.memory_space<vmem>>
      %dma_wait3A_163 = arith.constant 0 : i32
      %dma_wait3A_164 = arith.constant 0 : i32
      %dma_wait3A_165 = tpu.memref_slice %arg2[%dma_wait3A_163, %dma_wait3A_164] : memref<10000x32xf32, #tpu.memory_space<hbm>> -> memref<10000x32xf32, #tpu.memory_space<hbm>>
      tpu.wait_indirect_dma semaphore(%arg16 : memref<!tpu.dma_semaphore, #tpu.memory_space<semaphore_mem>>) src(%dma_wait3A_165 : memref<10000x32xf32, #tpu.memory_space<hbm>>) dst(%arg11 : memref<80x32xf32, #tpu.memory_space<vmem>>)
      %parallel_loop3A_166 = arith.constant 0 : i32
      %parallel_loop3A_167 = arith.constant 5 : i32
      %parallel_loop3A_168 = arith.constant 1 : i32
      scf.for %parallel_loop3A_201 = %parallel_loop3A_166 to %parallel_loop3A_167 step %parallel_loop3A_168  : i32 {
        %parallel_loop3A_202 = arith.constant 80 : i32
        %parallel_loop3A_203 = arith.muli %add3A_155, %parallel_loop3A_202 : i32
        %parallel_loop3A_204 = arith.constant 16 : i32
        %parallel_loop3A_205 = arith.muli %parallel_loop3A_201, %parallel_loop3A_204 : i32
        %parallel_loop3A_206 = arith.addi %parallel_loop3A_203, %parallel_loop3A_205 : i32
        %parallel_loop3A_207 = arith.index_cast %parallel_loop3A_206 : i32 to index
        %parallel_loop3A_208 = tpu.vector_load %arg10[%parallel_loop3A_207] {strides = array<i32>} : memref<10000xf32, #tpu.memory_space<vmem>>, vector<16xf32>,
        %parallel_loop3A_209 = vector.broadcast %reduce_max3A_96 : f32 to vector<16xf32>
        %parallel_loop3A_210 = arith.subf %parallel_loop3A_208, %parallel_loop3A_209 : vector<16xf32>
        %parallel_loop3A_211 = math.exp %parallel_loop3A_210 : vector<16xf32>
        %parallel_loop3A_212 = arith.constant 16 : i32
        %parallel_loop3A_213 = arith.muli %parallel_loop3A_201, %parallel_loop3A_212 : i32
        %parallel_loop3A_214 = vector.extract_strided_slice %parallel_loop3A_211 {offsets = [0], sizes = [1], strides = [1]} : vector<16xf32> to vector<1xf32>
        %parallel_loop3A_215 = vector.extract %parallel_loop3A_214[0] : f32 from vector<1xf32>
        %parallel_loop3A_216 = arith.constant 0 : i32
        %parallel_loop3A_217 = arith.addi %parallel_loop3A_213, %parallel_loop3A_216 : i32
        %parallel_loop3A_218 = arith.index_cast %parallel_loop3A_217 : i32 to index
        %parallel_loop3A_219 = arith.constant 0 : index
        %parallel_loop3A_220 = tpu.vector_load %arg11[%parallel_loop3A_218, %parallel_loop3A_219] {strides = array<i32>} : memref<80x32xf32, #tpu.memory_space<vmem>>, vector<16xf32>,
        %parallel_loop3A_221 = vector.broadcast %parallel_loop3A_215 : f32 to vector<16xf32>
        %parallel_loop3A_222 = arith.mulf %parallel_loop3A_220, %parallel_loop3A_221 : vector<16xf32>
        %parallel_loop3A_223 = arith.constant 0 : i32
        %parallel_loop3A_224 = arith.addi %parallel_loop3A_213, %parallel_loop3A_223 : i32
        %parallel_loop3A_225 = arith.index_cast %parallel_loop3A_224 : i32 to index
        %parallel_loop3A_226 = arith.constant 0 : index
        %parallel_loop3A_227 = tpu.vector_load %arg11[%parallel_loop3A_225, %parallel_loop3A_226] {strides = array<i32>} : memref<80x32xf32, #tpu.memory_space<vmem>>, vector<16xf32>,
        tpu.vector_store %arg11[%parallel_loop3A_225, %parallel_loop3A_226], %parallel_loop3A_222 {strides = array<i32>} : memref<80x32xf32, #tpu.memory_space<vmem>>, vector<16xf32>,
        %parallel_loop3A_228 = arith.constant 0 : i32
        %parallel_loop3A_229 = arith.addi %parallel_loop3A_213, %parallel_loop3A_228 : i32
        %parallel_loop3A_230 = arith.index_cast %parallel_loop3A_229 : i32 to index
        %parallel_loop3A_231 = arith.constant 16 : index
        %parallel_loop3A_232 = tpu.vector_load %arg11[%parallel_loop3A_230, %parallel_loop3A_231] {strides = array<i32>} : memref<80x32xf32, #tpu.memory_space<vmem>>, vector<16xf32>,
        %parallel_loop3A_233 = vector.broadcast %parallel_loop3A_215 : f32 to vector<16xf32>
        %parallel_loop3A_234 = arith.mulf %parallel_loop3A_232, %parallel_loop3A_233 : vector<16xf32>
        %parallel_loop3A_235 = arith.constant 0 : i32
        %parallel_loop3A_236 = arith.addi %parallel_loop3A_213, %parallel_loop3A_235 : i32
        %parallel_loop3A_237 = arith.index_cast %parallel_loop3A_236 : i32 to index
        %parallel_loop3A_238 = arith.constant 16 : index
        %parallel_loop3A_239 = tpu.vector_load %arg11[%parallel_loop3A_237, %parallel_loop3A_238] {strides = array<i32>} : memref<80x32xf32, #tpu.memory_space<vmem>>, vector<16xf32>,
        tpu.vector_store %arg11[%parallel_loop3A_237, %parallel_loop3A_238], %parallel_loop3A_234 {strides = array<i32>} : memref<80x32xf32, #tpu.memory_space<vmem>>, vector<16xf32>,
        %parallel_loop3A_240 = vector.extract_strided_slice %parallel_loop3A_211 {offsets = [1], sizes = [1], strides = [1]} : vector<16xf32> to vector<1xf32>
        %parallel_loop3A_241 = vector.extract %parallel_loop3A_240[0] : f32 from vector<1xf32>
        %parallel_loop3A_242 = arith.constant 1 : i32
        %parallel_loop3A_243 = arith.addi %parallel_loop3A_213, %parallel_loop3A_242 : i32
        %parallel_loop3A_244 = arith.index_cast %parallel_loop3A_243 : i32 to index
        %parallel_loop3A_245 = arith.constant 0 : index
        %parallel_loop3A_246 = tpu.vector_load %arg11[%parallel_loop3A_244, %parallel_loop3A_245] {strides = array<i32>} : memref<80x32xf32, #tpu.memory_space<vmem>>, vector<16xf32>,
        %parallel_loop3A_247 = vector.broadcast %parallel_loop3A_241 : f32 to vector<16xf32>
        %parallel_loop3A_248 = arith.mulf %parallel_loop3A_246, %parallel_loop3A_247 : vector<16xf32>
        %parallel_loop3A_249 = arith.constant 1 : i32
        %parallel_loop3A_250 = arith.addi %parallel_loop3A_213, %parallel_loop3A_249 : i32
        %parallel_loop3A_251 = arith.index_cast %parallel_loop3A_250 : i32 to index
        %parallel_loop3A_252 = arith.constant 0 : index
        %parallel_loop3A_253 = tpu.vector_load %arg11[%parallel_loop3A_251, %parallel_loop3A_252] {strides = array<i32>} : memref<80x32xf32, #tpu.memory_space<vmem>>, vector<16xf32>,
        tpu.vector_store %arg11[%parallel_loop3A_251, %parallel_loop3A_252], %parallel_loop3A_248 {strides = array<i32>} : memref<80x32xf32, #tpu.memory_space<vmem>>, vector<16xf32>,
        %parallel_loop3A_254 = arith.constant 1 : i32
        %parallel_loop3A_255 = arith.addi %parallel_loop3A_213, %parallel_loop3A_254 : i32
        %parallel_loop3A_256 = arith.index_cast %parallel_loop3A_255 : i32 to index
        %parallel_loop3A_257 = arith.constant 16 : index
        %parallel_loop3A_258 = tpu.vector_load %arg11[%parallel_loop3A_256, %parallel_loop3A_257] {strides = array<i32>} : memref<80x32xf32, #tpu.memory_space<vmem>>, vector<16xf32>,
        %parallel_loop3A_259 = vector.broadcast %parallel_loop3A_241 : f32 to vector<16xf32>
        %parallel_loop3A_260 = arith.mulf %parallel_loop3A_258, %parallel_loop3A_259 : vector<16xf32>
        %parallel_loop3A_261 = arith.constant 1 : i32
        %parallel_loop3A_262 = arith.addi %parallel_loop3A_213, %parallel_loop3A_261 : i32
        %parallel_loop3A_263 = arith.index_cast %parallel_loop3A_262 : i32 to index
        %parallel_loop3A_264 = arith.constant 16 : index
        %parallel_loop3A_265 = tpu.vector_load %arg11[%parallel_loop3A_263, %parallel_loop3A_264] {strides = array<i32>} : memref<80x32xf32, #tpu.memory_space<vmem>>, vector<16xf32>,
        tpu.vector_store %arg11[%parallel_loop3A_263, %parallel_loop3A_264], %parallel_loop3A_260 {strides = array<i32>} : memref<80x32xf32, #tpu.memory_space<vmem>>, vector<16xf32>,
        %parallel_loop3A_266 = vector.extract_strided_slice %parallel_loop3A_211 {offsets = [2], sizes = [1], strides = [1]} : vector<16xf32> to vector<1xf32>
        %parallel_loop3A_267 = vector.extract %parallel_loop3A_266[0] : f32 from vector<1xf32>
        %parallel_loop3A_268 = arith.constant 2 : i32
        %parallel_loop3A_269 = arith.addi %parallel_loop3A_213, %parallel_loop3A_268 : i32
        %parallel_loop3A_270 = arith.index_cast %parallel_loop3A_269 : i32 to index
        %parallel_loop3A_271 = arith.constant 0 : index
        %parallel_loop3A_272 = tpu.vector_load %arg11[%parallel_loop3A_270, %parallel_loop3A_271] {strides = array<i32>} : memref<80x32xf32, #tpu.memory_space<vmem>>, vector<16xf32>,
        %parallel_loop3A_273 = vector.broadcast %parallel_loop3A_267 : f32 to vector<16xf32>
        %parallel_loop3A_274 = arith.mulf %parallel_loop3A_272, %parallel_loop3A_273 : vector<16xf32>
        %parallel_loop3A_275 = arith.constant 2 : i32
        %parallel_loop3A_276 = arith.addi %parallel_loop3A_213, %parallel_loop3A_275 : i32
        %parallel_loop3A_277 = arith.index_cast %parallel_loop3A_276 : i32 to index
        %parallel_loop3A_278 = arith.constant 0 : index
        %parallel_loop3A_279 = tpu.vector_load %arg11[%parallel_loop3A_277, %parallel_loop3A_278] {strides = array<i32>} : memref<80x32xf32, #tpu.memory_space<vmem>>, vector<16xf32>,
        tpu.vector_store %arg11[%parallel_loop3A_277, %parallel_loop3A_278], %parallel_loop3A_274 {strides = array<i32>} : memref<80x32xf32, #tpu.memory_space<vmem>>, vector<16xf32>,
        %parallel_loop3A_280 = arith.constant 2 : i32
        %parallel_loop3A_281 = arith.addi %parallel_loop3A_213, %parallel_loop3A_280 : i32
        %parallel_loop3A_282 = arith.index_cast %parallel_loop3A_281 : i32 to index
        %parallel_loop3A_283 = arith.constant 16 : index
        %parallel_loop3A_284 = tpu.vector_load %arg11[%parallel_loop3A_282, %parallel_loop3A_283] {strides = array<i32>} : memref<80x32xf32, #tpu.memory_space<vmem>>, vector<16xf32>,
        %parallel_loop3A_285 = vector.broadcast %parallel_loop3A_267 : f32 to vector<16xf32>
        %parallel_loop3A_286 = arith.mulf %parallel_loop3A_284, %parallel_loop3A_285 : vector<16xf32>
        %parallel_loop3A_287 = arith.constant 2 : i32
        %parallel_loop3A_288 = arith.addi %parallel_loop3A_213, %parallel_loop3A_287 : i32
        %parallel_loop3A_289 = arith.index_cast %parallel_loop3A_288 : i32 to index
        %parallel_loop3A_290 = arith.constant 16 : index
        %parallel_loop3A_291 = tpu.vector_load %arg11[%parallel_loop3A_289, %parallel_loop3A_290] {strides = array<i32>} : memref<80x32xf32, #tpu.memory_space<vmem>>, vector<16xf32>,
        tpu.vector_store %arg11[%parallel_loop3A_289, %parallel_loop3A_290], %parallel_loop3A_286 {strides = array<i32>} : memref<80x32xf32, #tpu.memory_space<vmem>>, vector<16xf32>,
        %parallel_loop3A_292 = vector.extract_strided_slice %parallel_loop3A_211 {offsets = [3], sizes = [1], strides = [1]} : vector<16xf32> to vector<1xf32>
        %parallel_loop3A_293 = vector.extract %parallel_loop3A_292[0] : f32 from vector<1xf32>
        %parallel_loop3A_294 = arith.constant 3 : i32
        %parallel_loop3A_295 = arith.addi %parallel_loop3A_213, %parallel_loop3A_294 : i32
        %parallel_loop3A_296 = arith.index_cast %parallel_loop3A_295 : i32 to index
        %parallel_loop3A_297 = arith.constant 0 : index
        %parallel_loop3A_298 = tpu.vector_load %arg11[%parallel_loop3A_296, %parallel_loop3A_297] {strides = array<i32>} : memref<80x32xf32, #tpu.memory_space<vmem>>, vector<16xf32>,
        %parallel_loop3A_299 = vector.broadcast %parallel_loop3A_293 : f32 to vector<16xf32>
        %parallel_loop3A_300 = arith.mulf %parallel_loop3A_298, %parallel_loop3A_299 : vector<16xf32>
        %parallel_loop3A_301 = arith.constant 3 : i32
        %parallel_loop3A_302 = arith.addi %parallel_loop3A_213, %parallel_loop3A_301 : i32
        %parallel_loop3A_303 = arith.index_cast %parallel_loop3A_302 : i32 to index
        %parallel_loop3A_304 = arith.constant 0 : index
        %parallel_loop3A_305 = tpu.vector_load %arg11[%parallel_loop3A_303, %parallel_loop3A_304] {strides = array<i32>} : memref<80x32xf32, #tpu.memory_space<vmem>>, vector<16xf32>,
        tpu.vector_store %arg11[%parallel_loop3A_303, %parallel_loop3A_304], %parallel_loop3A_300 {strides = array<i32>} : memref<80x32xf32, #tpu.memory_space<vmem>>, vector<16xf32>,
        %parallel_loop3A_306 = arith.constant 3 : i32
        %parallel_loop3A_307 = arith.addi %parallel_loop3A_213, %parallel_loop3A_306 : i32
        %parallel_loop3A_308 = arith.index_cast %parallel_loop3A_307 : i32 to index
        %parallel_loop3A_309 = arith.constant 16 : index
        %parallel_loop3A_310 = tpu.vector_load %arg11[%parallel_loop3A_308, %parallel_loop3A_309] {strides = array<i32>} : memref<80x32xf32, #tpu.memory_space<vmem>>, vector<16xf32>,
        %parallel_loop3A_311 = vector.broadcast %parallel_loop3A_293 : f32 to vector<16xf32>
        %parallel_loop3A_312 = arith.mulf %parallel_loop3A_310, %parallel_loop3A_311 : vector<16xf32>
        %parallel_loop3A_313 = arith.constant 3 : i32
        %parallel_loop3A_314 = arith.addi %parallel_loop3A_213, %parallel_loop3A_313 : i32
        %parallel_loop3A_315 = arith.index_cast %parallel_loop3A_314 : i32 to index
        %parallel_loop3A_316 = arith.constant 16 : index
        %parallel_loop3A_317 = tpu.vector_load %arg11[%parallel_loop3A_315, %parallel_loop3A_316] {strides = array<i32>} : memref<80x32xf32, #tpu.memory_space<vmem>>, vector<16xf32>,
        tpu.vector_store %arg11[%parallel_loop3A_315, %parallel_loop3A_316], %parallel_loop3A_312 {strides = array<i32>} : memref<80x32xf32, #tpu.memory_space<vmem>>, vector<16xf32>,
        %parallel_loop3A_318 = vector.extract_strided_slice %parallel_loop3A_211 {offsets = [4], sizes = [1], strides = [1]} : vector<16xf32> to vector<1xf32>
        %parallel_loop3A_319 = vector.extract %parallel_loop3A_318[0] : f32 from vector<1xf32>
        %parallel_loop3A_320 = arith.constant 4 : i32
        %parallel_loop3A_321 = arith.addi %parallel_loop3A_213, %parallel_loop3A_320 : i32
        %parallel_loop3A_322 = arith.index_cast %parallel_loop3A_321 : i32 to index
        %parallel_loop3A_323 = arith.constant 0 : index
        %parallel_loop3A_324 = tpu.vector_load %arg11[%parallel_loop3A_322, %parallel_loop3A_323] {strides = array<i32>} : memref<80x32xf32, #tpu.memory_space<vmem>>, vector<16xf32>,
        %parallel_loop3A_325 = vector.broadcast %parallel_loop3A_319 : f32 to vector<16xf32>
        %parallel_loop3A_326 = arith.mulf %parallel_loop3A_324, %parallel_loop3A_325 : vector<16xf32>
        %parallel_loop3A_327 = arith.constant 4 : i32
        %parallel_loop3A_328 = arith.addi %parallel_loop3A_213, %parallel_loop3A_327 : i32
        %parallel_loop3A_329 = arith.index_cast %parallel_loop3A_328 : i32 to index
        %parallel_loop3A_330 = arith.constant 0 : index
        %parallel_loop3A_331 = tpu.vector_load %arg11[%parallel_loop3A_329, %parallel_loop3A_330] {strides = array<i32>} : memref<80x32xf32, #tpu.memory_space<vmem>>, vector<16xf32>,
        tpu.vector_store %arg11[%parallel_loop3A_329, %parallel_loop3A_330], %parallel_loop3A_326 {strides = array<i32>} : memref<80x32xf32, #tpu.memory_space<vmem>>, vector<16xf32>,
        %parallel_loop3A_332 = arith.constant 4 : i32
        %parallel_loop3A_333 = arith.addi %parallel_loop3A_213, %parallel_loop3A_332 : i32
        %parallel_loop3A_334 = arith.index_cast %parallel_loop3A_333 : i32 to index
        %parallel_loop3A_335 = arith.constant 16 : index
        %parallel_loop3A_336 = tpu.vector_load %arg11[%parallel_loop3A_334, %parallel_loop3A_335] {strides = array<i32>} : memref<80x32xf32, #tpu.memory_space<vmem>>, vector<16xf32>,
        %parallel_loop3A_337 = vector.broadcast %parallel_loop3A_319 : f32 to vector<16xf32>
        %parallel_loop3A_338 = arith.mulf %parallel_loop3A_336, %parallel_loop3A_337 : vector<16xf32>
        %parallel_loop3A_339 = arith.constant 4 : i32
        %parallel_loop3A_340 = arith.addi %parallel_loop3A_213, %parallel_loop3A_339 : i32
        %parallel_loop3A_341 = arith.index_cast %parallel_loop3A_340 : i32 to index
        %parallel_loop3A_342 = arith.constant 16 : index
        %parallel_loop3A_343 = tpu.vector_load %arg11[%parallel_loop3A_341, %parallel_loop3A_342] {strides = array<i32>} : memref<80x32xf32, #tpu.memory_space<vmem>>, vector<16xf32>,
        tpu.vector_store %arg11[%parallel_loop3A_341, %parallel_loop3A_342], %parallel_loop3A_338 {strides = array<i32>} : memref<80x32xf32, #tpu.memory_space<vmem>>, vector<16xf32>,
        %parallel_loop3A_344 = vector.extract_strided_slice %parallel_loop3A_211 {offsets = [5], sizes = [1], strides = [1]} : vector<16xf32> to vector<1xf32>
        %parallel_loop3A_345 = vector.extract %parallel_loop3A_344[0] : f32 from vector<1xf32>
        %parallel_loop3A_346 = arith.constant 5 : i32
        %parallel_loop3A_347 = arith.addi %parallel_loop3A_213, %parallel_loop3A_346 : i32
        %parallel_loop3A_348 = arith.index_cast %parallel_loop3A_347 : i32 to index
        %parallel_loop3A_349 = arith.constant 0 : index
        %parallel_loop3A_350 = tpu.vector_load %arg11[%parallel_loop3A_348, %parallel_loop3A_349] {strides = array<i32>} : memref<80x32xf32, #tpu.memory_space<vmem>>, vector<16xf32>,
        %parallel_loop3A_351 = vector.broadcast %parallel_loop3A_345 : f32 to vector<16xf32>
        %parallel_loop3A_352 = arith.mulf %parallel_loop3A_350, %parallel_loop3A_351 : vector<16xf32>
        %parallel_loop3A_353 = arith.constant 5 : i32
        %parallel_loop3A_354 = arith.addi %parallel_loop3A_213, %parallel_loop3A_353 : i32
        %parallel_loop3A_355 = arith.index_cast %parallel_loop3A_354 : i32 to index
        %parallel_loop3A_356 = arith.constant 0 : index
        %parallel_loop3A_357 = tpu.vector_load %arg11[%parallel_loop3A_355, %parallel_loop3A_356] {strides = array<i32>} : memref<80x32xf32, #tpu.memory_space<vmem>>, vector<16xf32>,
        tpu.vector_store %arg11[%parallel_loop3A_355, %parallel_loop3A_356], %parallel_loop3A_352 {strides = array<i32>} : memref<80x32xf32, #tpu.memory_space<vmem>>, vector<16xf32>,
        %parallel_loop3A_358 = arith.constant 5 : i32
        %parallel_loop3A_359 = arith.addi %parallel_loop3A_213, %parallel_loop3A_358 : i32
        %parallel_loop3A_360 = arith.index_cast %parallel_loop3A_359 : i32 to index
        %parallel_loop3A_361 = arith.constant 16 : index
        %parallel_loop3A_362 = tpu.vector_load %arg11[%parallel_loop3A_360, %parallel_loop3A_361] {strides = array<i32>} : memref<80x32xf32, #tpu.memory_space<vmem>>, vector<16xf32>,
        %parallel_loop3A_363 = vector.broadcast %parallel_loop3A_345 : f32 to vector<16xf32>
        %parallel_loop3A_364 = arith.mulf %parallel_loop3A_362, %parallel_loop3A_363 : vector<16xf32>
        %parallel_loop3A_365 = arith.constant 5 : i32
        %parallel_loop3A_366 = arith.addi %parallel_loop3A_213, %parallel_loop3A_365 : i32
        %parallel_loop3A_367 = arith.index_cast %parallel_loop3A_366 : i32 to index
        %parallel_loop3A_368 = arith.constant 16 : index
        %parallel_loop3A_369 = tpu.vector_load %arg11[%parallel_loop3A_367, %parallel_loop3A_368] {strides = array<i32>} : memref<80x32xf32, #tpu.memory_space<vmem>>, vector<16xf32>,
        tpu.vector_store %arg11[%parallel_loop3A_367, %parallel_loop3A_368], %parallel_loop3A_364 {strides = array<i32>} : memref<80x32xf32, #tpu.memory_space<vmem>>, vector<16xf32>,
        %parallel_loop3A_370 = vector.extract_strided_slice %parallel_loop3A_211 {offsets = [6], sizes = [1], strides = [1]} : vector<16xf32> to vector<1xf32>
        %parallel_loop3A_371 = vector.extract %parallel_loop3A_370[0] : f32 from vector<1xf32>
        %parallel_loop3A_372 = arith.constant 6 : i32
        %parallel_loop3A_373 = arith.addi %parallel_loop3A_213, %parallel_loop3A_372 : i32
        %parallel_loop3A_374 = arith.index_cast %parallel_loop3A_373 : i32 to index
        %parallel_loop3A_375 = arith.constant 0 : index
        %parallel_loop3A_376 = tpu.vector_load %arg11[%parallel_loop3A_374, %parallel_loop3A_375] {strides = array<i32>} : memref<80x32xf32, #tpu.memory_space<vmem>>, vector<16xf32>,
        %parallel_loop3A_377 = vector.broadcast %parallel_loop3A_371 : f32 to vector<16xf32>
        %parallel_loop3A_378 = arith.mulf %parallel_loop3A_376, %parallel_loop3A_377 : vector<16xf32>
        %parallel_loop3A_379 = arith.constant 6 : i32
        %parallel_loop3A_380 = arith.addi %parallel_loop3A_213, %parallel_loop3A_379 : i32
        %parallel_loop3A_381 = arith.index_cast %parallel_loop3A_380 : i32 to index
        %parallel_loop3A_382 = arith.constant 0 : index
        %parallel_loop3A_383 = tpu.vector_load %arg11[%parallel_loop3A_381, %parallel_loop3A_382] {strides = array<i32>} : memref<80x32xf32, #tpu.memory_space<vmem>>, vector<16xf32>,
        tpu.vector_store %arg11[%parallel_loop3A_381, %parallel_loop3A_382], %parallel_loop3A_378 {strides = array<i32>} : memref<80x32xf32, #tpu.memory_space<vmem>>, vector<16xf32>,
        %parallel_loop3A_384 = arith.constant 6 : i32
        %parallel_loop3A_385 = arith.addi %parallel_loop3A_213, %parallel_loop3A_384 : i32
        %parallel_loop3A_386 = arith.index_cast %parallel_loop3A_385 : i32 to index
        %parallel_loop3A_387 = arith.constant 16 : index
        %parallel_loop3A_388 = tpu.vector_load %arg11[%parallel_loop3A_386, %parallel_loop3A_387] {strides = array<i32>} : memref<80x32xf32, #tpu.memory_space<vmem>>, vector<16xf32>,
        %parallel_loop3A_389 = vector.broadcast %parallel_loop3A_371 : f32 to vector<16xf32>
        %parallel_loop3A_390 = arith.mulf %parallel_loop3A_388, %parallel_loop3A_389 : vector<16xf32>
        %parallel_loop3A_391 = arith.constant 6 : i32
        %parallel_loop3A_392 = arith.addi %parallel_loop3A_213, %parallel_loop3A_391 : i32
        %parallel_loop3A_393 = arith.index_cast %parallel_loop3A_392 : i32 to index
        %parallel_loop3A_394 = arith.constant 16 : index
        %parallel_loop3A_395 = tpu.vector_load %arg11[%parallel_loop3A_393, %parallel_loop3A_394] {strides = array<i32>} : memref<80x32xf32, #tpu.memory_space<vmem>>, vector<16xf32>,
        tpu.vector_store %arg11[%parallel_loop3A_393, %parallel_loop3A_394], %parallel_loop3A_390 {strides = array<i32>} : memref<80x32xf32, #tpu.memory_space<vmem>>, vector<16xf32>,
        %parallel_loop3A_396 = vector.extract_strided_slice %parallel_loop3A_211 {offsets = [7], sizes = [1], strides = [1]} : vector<16xf32> to vector<1xf32>
        %parallel_loop3A_397 = vector.extract %parallel_loop3A_396[0] : f32 from vector<1xf32>
        %parallel_loop3A_398 = arith.constant 7 : i32
        %parallel_loop3A_399 = arith.addi %parallel_loop3A_213, %parallel_loop3A_398 : i32
        %parallel_loop3A_400 = arith.index_cast %parallel_loop3A_399 : i32 to index
        %parallel_loop3A_401 = arith.constant 0 : index
        %parallel_loop3A_402 = tpu.vector_load %arg11[%parallel_loop3A_400, %parallel_loop3A_401] {strides = array<i32>} : memref<80x32xf32, #tpu.memory_space<vmem>>, vector<16xf32>,
        %parallel_loop3A_403 = vector.broadcast %parallel_loop3A_397 : f32 to vector<16xf32>
        %parallel_loop3A_404 = arith.mulf %parallel_loop3A_402, %parallel_loop3A_403 : vector<16xf32>
        %parallel_loop3A_405 = arith.constant 7 : i32
        %parallel_loop3A_406 = arith.addi %parallel_loop3A_213, %parallel_loop3A_405 : i32
        %parallel_loop3A_407 = arith.index_cast %parallel_loop3A_406 : i32 to index
        %parallel_loop3A_408 = arith.constant 0 : index
        %parallel_loop3A_409 = tpu.vector_load %arg11[%parallel_loop3A_407, %parallel_loop3A_408] {strides = array<i32>} : memref<80x32xf32, #tpu.memory_space<vmem>>, vector<16xf32>,
        tpu.vector_store %arg11[%parallel_loop3A_407, %parallel_loop3A_408], %parallel_loop3A_404 {strides = array<i32>} : memref<80x32xf32, #tpu.memory_space<vmem>>, vector<16xf32>,
        %parallel_loop3A_410 = arith.constant 7 : i32
        %parallel_loop3A_411 = arith.addi %parallel_loop3A_213, %parallel_loop3A_410 : i32
        %parallel_loop3A_412 = arith.index_cast %parallel_loop3A_411 : i32 to index
        %parallel_loop3A_413 = arith.constant 16 : index
        %parallel_loop3A_414 = tpu.vector_load %arg11[%parallel_loop3A_412, %parallel_loop3A_413] {strides = array<i32>} : memref<80x32xf32, #tpu.memory_space<vmem>>, vector<16xf32>,
        %parallel_loop3A_415 = vector.broadcast %parallel_loop3A_397 : f32 to vector<16xf32>
        %parallel_loop3A_416 = arith.mulf %parallel_loop3A_414, %parallel_loop3A_415 : vector<16xf32>
        %parallel_loop3A_417 = arith.constant 7 : i32
        %parallel_loop3A_418 = arith.addi %parallel_loop3A_213, %parallel_loop3A_417 : i32
        %parallel_loop3A_419 = arith.index_cast %parallel_loop3A_418 : i32 to index
        %parallel_loop3A_420 = arith.constant 16 : index
        %parallel_loop3A_421 = tpu.vector_load %arg11[%parallel_loop3A_419, %parallel_loop3A_420] {strides = array<i32>} : memref<80x32xf32, #tpu.memory_space<vmem>>, vector<16xf32>,
        tpu.vector_store %arg11[%parallel_loop3A_419, %parallel_loop3A_420], %parallel_loop3A_416 {strides = array<i32>} : memref<80x32xf32, #tpu.memory_space<vmem>>, vector<16xf32>,
        %parallel_loop3A_422 = vector.extract_strided_slice %parallel_loop3A_211 {offsets = [8], sizes = [1], strides = [1]} : vector<16xf32> to vector<1xf32>
        %parallel_loop3A_423 = vector.extract %parallel_loop3A_422[0] : f32 from vector<1xf32>
        %parallel_loop3A_424 = arith.constant 8 : i32
        %parallel_loop3A_425 = arith.addi %parallel_loop3A_213, %parallel_loop3A_424 : i32
        %parallel_loop3A_426 = arith.index_cast %parallel_loop3A_425 : i32 to index
        %parallel_loop3A_427 = arith.constant 0 : index
        %parallel_loop3A_428 = tpu.vector_load %arg11[%parallel_loop3A_426, %parallel_loop3A_427] {strides = array<i32>} : memref<80x32xf32, #tpu.memory_space<vmem>>, vector<16xf32>,
        %parallel_loop3A_429 = vector.broadcast %parallel_loop3A_423 : f32 to vector<16xf32>
        %parallel_loop3A_430 = arith.mulf %parallel_loop3A_428, %parallel_loop3A_429 : vector<16xf32>
        %parallel_loop3A_431 = arith.constant 8 : i32
        %parallel_loop3A_432 = arith.addi %parallel_loop3A_213, %parallel_loop3A_431 : i32
        %parallel_loop3A_433 = arith.index_cast %parallel_loop3A_432 : i32 to index
        %parallel_loop3A_434 = arith.constant 0 : index
        %parallel_loop3A_435 = tpu.vector_load %arg11[%parallel_loop3A_433, %parallel_loop3A_434] {strides = array<i32>} : memref<80x32xf32, #tpu.memory_space<vmem>>, vector<16xf32>,
        tpu.vector_store %arg11[%parallel_loop3A_433, %parallel_loop3A_434], %parallel_loop3A_430 {strides = array<i32>} : memref<80x32xf32, #tpu.memory_space<vmem>>, vector<16xf32>,
        %parallel_loop3A_436 = arith.constant 8 : i32
        %parallel_loop3A_437 = arith.addi %parallel_loop3A_213, %parallel_loop3A_436 : i32
        %parallel_loop3A_438 = arith.index_cast %parallel_loop3A_437 : i32 to index
        %parallel_loop3A_439 = arith.constant 16 : index
        %parallel_loop3A_440 = tpu.vector_load %arg11[%parallel_loop3A_438, %parallel_loop3A_439] {strides = array<i32>} : memref<80x32xf32, #tpu.memory_space<vmem>>, vector<16xf32>,
        %parallel_loop3A_441 = vector.broadcast %parallel_loop3A_423 : f32 to vector<16xf32>
        %parallel_loop3A_442 = arith.mulf %parallel_loop3A_440, %parallel_loop3A_441 : vector<16xf32>
        %parallel_loop3A_443 = arith.constant 8 : i32
        %parallel_loop3A_444 = arith.addi %parallel_loop3A_213, %parallel_loop3A_443 : i32
        %parallel_loop3A_445 = arith.index_cast %parallel_loop3A_444 : i32 to index
        %parallel_loop3A_446 = arith.constant 16 : index
        %parallel_loop3A_447 = tpu.vector_load %arg11[%parallel_loop3A_445, %parallel_loop3A_446] {strides = array<i32>} : memref<80x32xf32, #tpu.memory_space<vmem>>, vector<16xf32>,
        tpu.vector_store %arg11[%parallel_loop3A_445, %parallel_loop3A_446], %parallel_loop3A_442 {strides = array<i32>} : memref<80x32xf32, #tpu.memory_space<vmem>>, vector<16xf32>,
        %parallel_loop3A_448 = vector.extract_strided_slice %parallel_loop3A_211 {offsets = [9], sizes = [1], strides = [1]} : vector<16xf32> to vector<1xf32>
        %parallel_loop3A_449 = vector.extract %parallel_loop3A_448[0] : f32 from vector<1xf32>
        %parallel_loop3A_450 = arith.constant 9 : i32
        %parallel_loop3A_451 = arith.addi %parallel_loop3A_213, %parallel_loop3A_450 : i32
        %parallel_loop3A_452 = arith.index_cast %parallel_loop3A_451 : i32 to index
        %parallel_loop3A_453 = arith.constant 0 : index
        %parallel_loop3A_454 = tpu.vector_load %arg11[%parallel_loop3A_452, %parallel_loop3A_453] {strides = array<i32>} : memref<80x32xf32, #tpu.memory_space<vmem>>, vector<16xf32>,
        %parallel_loop3A_455 = vector.broadcast %parallel_loop3A_449 : f32 to vector<16xf32>
        %parallel_loop3A_456 = arith.mulf %parallel_loop3A_454, %parallel_loop3A_455 : vector<16xf32>
        %parallel_loop3A_457 = arith.constant 9 : i32
        %parallel_loop3A_458 = arith.addi %parallel_loop3A_213, %parallel_loop3A_457 : i32
        %parallel_loop3A_459 = arith.index_cast %parallel_loop3A_458 : i32 to index
        %parallel_loop3A_460 = arith.constant 0 : index
        %parallel_loop3A_461 = tpu.vector_load %arg11[%parallel_loop3A_459, %parallel_loop3A_460] {strides = array<i32>} : memref<80x32xf32, #tpu.memory_space<vmem>>, vector<16xf32>,
        tpu.vector_store %arg11[%parallel_loop3A_459, %parallel_loop3A_460], %parallel_loop3A_456 {strides = array<i32>} : memref<80x32xf32, #tpu.memory_space<vmem>>, vector<16xf32>,
        %parallel_loop3A_462 = arith.constant 9 : i32
        %parallel_loop3A_463 = arith.addi %parallel_loop3A_213, %parallel_loop3A_462 : i32
        %parallel_loop3A_464 = arith.index_cast %parallel_loop3A_463 : i32 to index
        %parallel_loop3A_465 = arith.constant 16 : index
        %parallel_loop3A_466 = tpu.vector_load %arg11[%parallel_loop3A_464, %parallel_loop3A_465] {strides = array<i32>} : memref<80x32xf32, #tpu.memory_space<vmem>>, vector<16xf32>,
        %parallel_loop3A_467 = vector.broadcast %parallel_loop3A_449 : f32 to vector<16xf32>
        %parallel_loop3A_468 = arith.mulf %parallel_loop3A_466, %parallel_loop3A_467 : vector<16xf32>
        %parallel_loop3A_469 = arith.constant 9 : i32
        %parallel_loop3A_470 = arith.addi %parallel_loop3A_213, %parallel_loop3A_469 : i32
        %parallel_loop3A_471 = arith.index_cast %parallel_loop3A_470 : i32 to index
        %parallel_loop3A_472 = arith.constant 16 : index
        %parallel_loop3A_473 = tpu.vector_load %arg11[%parallel_loop3A_471, %parallel_loop3A_472] {strides = array<i32>} : memref<80x32xf32, #tpu.memory_space<vmem>>, vector<16xf32>,
        tpu.vector_store %arg11[%parallel_loop3A_471, %parallel_loop3A_472], %parallel_loop3A_468 {strides = array<i32>} : memref<80x32xf32, #tpu.memory_space<vmem>>, vector<16xf32>,
        %parallel_loop3A_474 = vector.extract_strided_slice %parallel_loop3A_211 {offsets = [10], sizes = [1], strides = [1]} : vector<16xf32> to vector<1xf32>
        %parallel_loop3A_475 = vector.extract %parallel_loop3A_474[0] : f32 from vector<1xf32>
        %parallel_loop3A_476 = arith.constant 10 : i32
        %parallel_loop3A_477 = arith.addi %parallel_loop3A_213, %parallel_loop3A_476 : i32
        %parallel_loop3A_478 = arith.index_cast %parallel_loop3A_477 : i32 to index
        %parallel_loop3A_479 = arith.constant 0 : index
        %parallel_loop3A_480 = tpu.vector_load %arg11[%parallel_loop3A_478, %parallel_loop3A_479] {strides = array<i32>} : memref<80x32xf32, #tpu.memory_space<vmem>>, vector<16xf32>,
        %parallel_loop3A_481 = vector.broadcast %parallel_loop3A_475 : f32 to vector<16xf32>
        %parallel_loop3A_482 = arith.mulf %parallel_loop3A_480, %parallel_loop3A_481 : vector<16xf32>
        %parallel_loop3A_483 = arith.constant 10 : i32
        %parallel_loop3A_484 = arith.addi %parallel_loop3A_213, %parallel_loop3A_483 : i32
        %parallel_loop3A_485 = arith.index_cast %parallel_loop3A_484 : i32 to index
        %parallel_loop3A_486 = arith.constant 0 : index
        %parallel_loop3A_487 = tpu.vector_load %arg11[%parallel_loop3A_485, %parallel_loop3A_486] {strides = array<i32>} : memref<80x32xf32, #tpu.memory_space<vmem>>, vector<16xf32>,
        tpu.vector_store %arg11[%parallel_loop3A_485, %parallel_loop3A_486], %parallel_loop3A_482 {strides = array<i32>} : memref<80x32xf32, #tpu.memory_space<vmem>>, vector<16xf32>,
        %parallel_loop3A_488 = arith.constant 10 : i32
        %parallel_loop3A_489 = arith.addi %parallel_loop3A_213, %parallel_loop3A_488 : i32
        %parallel_loop3A_490 = arith.index_cast %parallel_loop3A_489 : i32 to index
        %parallel_loop3A_491 = arith.constant 16 : index
        %parallel_loop3A_492 = tpu.vector_load %arg11[%parallel_loop3A_490, %parallel_loop3A_491] {strides = array<i32>} : memref<80x32xf32, #tpu.memory_space<vmem>>, vector<16xf32>,
        %parallel_loop3A_493 = vector.broadcast %parallel_loop3A_475 : f32 to vector<16xf32>
        %parallel_loop3A_494 = arith.mulf %parallel_loop3A_492, %parallel_loop3A_493 : vector<16xf32>
        %parallel_loop3A_495 = arith.constant 10 : i32
        %parallel_loop3A_496 = arith.addi %parallel_loop3A_213, %parallel_loop3A_495 : i32
        %parallel_loop3A_497 = arith.index_cast %parallel_loop3A_496 : i32 to index
        %parallel_loop3A_498 = arith.constant 16 : index
        %parallel_loop3A_499 = tpu.vector_load %arg11[%parallel_loop3A_497, %parallel_loop3A_498] {strides = array<i32>} : memref<80x32xf32, #tpu.memory_space<vmem>>, vector<16xf32>,
        tpu.vector_store %arg11[%parallel_loop3A_497, %parallel_loop3A_498], %parallel_loop3A_494 {strides = array<i32>} : memref<80x32xf32, #tpu.memory_space<vmem>>, vector<16xf32>,
        %parallel_loop3A_500 = vector.extract_strided_slice %parallel_loop3A_211 {offsets = [11], sizes = [1], strides = [1]} : vector<16xf32> to vector<1xf32>
        %parallel_loop3A_501 = vector.extract %parallel_loop3A_500[0] : f32 from vector<1xf32>
        %parallel_loop3A_502 = arith.constant 11 : i32
        %parallel_loop3A_503 = arith.addi %parallel_loop3A_213, %parallel_loop3A_502 : i32
        %parallel_loop3A_504 = arith.index_cast %parallel_loop3A_503 : i32 to index
        %parallel_loop3A_505 = arith.constant 0 : index
        %parallel_loop3A_506 = tpu.vector_load %arg11[%parallel_loop3A_504, %parallel_loop3A_505] {strides = array<i32>} : memref<80x32xf32, #tpu.memory_space<vmem>>, vector<16xf32>,
        %parallel_loop3A_507 = vector.broadcast %parallel_loop3A_501 : f32 to vector<16xf32>
        %parallel_loop3A_508 = arith.mulf %parallel_loop3A_506, %parallel_loop3A_507 : vector<16xf32>
        %parallel_loop3A_509 = arith.constant 11 : i32
        %parallel_loop3A_510 = arith.addi %parallel_loop3A_213, %parallel_loop3A_509 : i32
        %parallel_loop3A_511 = arith.index_cast %parallel_loop3A_510 : i32 to index
        %parallel_loop3A_512 = arith.constant 0 : index
        %parallel_loop3A_513 = tpu.vector_load %arg11[%parallel_loop3A_511, %parallel_loop3A_512] {strides = array<i32>} : memref<80x32xf32, #tpu.memory_space<vmem>>, vector<16xf32>,
        tpu.vector_store %arg11[%parallel_loop3A_511, %parallel_loop3A_512], %parallel_loop3A_508 {strides = array<i32>} : memref<80x32xf32, #tpu.memory_space<vmem>>, vector<16xf32>,
        %parallel_loop3A_514 = arith.constant 11 : i32
        %parallel_loop3A_515 = arith.addi %parallel_loop3A_213, %parallel_loop3A_514 : i32
        %parallel_loop3A_516 = arith.index_cast %parallel_loop3A_515 : i32 to index
        %parallel_loop3A_517 = arith.constant 16 : index
        %parallel_loop3A_518 = tpu.vector_load %arg11[%parallel_loop3A_516, %parallel_loop3A_517] {strides = array<i32>} : memref<80x32xf32, #tpu.memory_space<vmem>>, vector<16xf32>,
        %parallel_loop3A_519 = vector.broadcast %parallel_loop3A_501 : f32 to vector<16xf32>
        %parallel_loop3A_520 = arith.mulf %parallel_loop3A_518, %parallel_loop3A_519 : vector<16xf32>
        %parallel_loop3A_521 = arith.constant 11 : i32
        %parallel_loop3A_522 = arith.addi %parallel_loop3A_213, %parallel_loop3A_521 : i32
        %parallel_loop3A_523 = arith.index_cast %parallel_loop3A_522 : i32 to index
        %parallel_loop3A_524 = arith.constant 16 : index
        %parallel_loop3A_525 = tpu.vector_load %arg11[%parallel_loop3A_523, %parallel_loop3A_524] {strides = array<i32>} : memref<80x32xf32, #tpu.memory_space<vmem>>, vector<16xf32>,
        tpu.vector_store %arg11[%parallel_loop3A_523, %parallel_loop3A_524], %parallel_loop3A_520 {strides = array<i32>} : memref<80x32xf32, #tpu.memory_space<vmem>>, vector<16xf32>,
        %parallel_loop3A_526 = vector.extract_strided_slice %parallel_loop3A_211 {offsets = [12], sizes = [1], strides = [1]} : vector<16xf32> to vector<1xf32>
        %parallel_loop3A_527 = vector.extract %parallel_loop3A_526[0] : f32 from vector<1xf32>
        %parallel_loop3A_528 = arith.constant 12 : i32
        %parallel_loop3A_529 = arith.addi %parallel_loop3A_213, %parallel_loop3A_528 : i32
        %parallel_loop3A_530 = arith.index_cast %parallel_loop3A_529 : i32 to index
        %parallel_loop3A_531 = arith.constant 0 : index
        %parallel_loop3A_532 = tpu.vector_load %arg11[%parallel_loop3A_530, %parallel_loop3A_531] {strides = array<i32>} : memref<80x32xf32, #tpu.memory_space<vmem>>, vector<16xf32>,
        %parallel_loop3A_533 = vector.broadcast %parallel_loop3A_527 : f32 to vector<16xf32>
        %parallel_loop3A_534 = arith.mulf %parallel_loop3A_532, %parallel_loop3A_533 : vector<16xf32>
        %parallel_loop3A_535 = arith.constant 12 : i32
        %parallel_loop3A_536 = arith.addi %parallel_loop3A_213, %parallel_loop3A_535 : i32
        %parallel_loop3A_537 = arith.index_cast %parallel_loop3A_536 : i32 to index
        %parallel_loop3A_538 = arith.constant 0 : index
        %parallel_loop3A_539 = tpu.vector_load %arg11[%parallel_loop3A_537, %parallel_loop3A_538] {strides = array<i32>} : memref<80x32xf32, #tpu.memory_space<vmem>>, vector<16xf32>,
        tpu.vector_store %arg11[%parallel_loop3A_537, %parallel_loop3A_538], %parallel_loop3A_534 {strides = array<i32>} : memref<80x32xf32, #tpu.memory_space<vmem>>, vector<16xf32>,
        %parallel_loop3A_540 = arith.constant 12 : i32
        %parallel_loop3A_541 = arith.addi %parallel_loop3A_213, %parallel_loop3A_540 : i32
        %parallel_loop3A_542 = arith.index_cast %parallel_loop3A_541 : i32 to index
        %parallel_loop3A_543 = arith.constant 16 : index
        %parallel_loop3A_544 = tpu.vector_load %arg11[%parallel_loop3A_542, %parallel_loop3A_543] {strides = array<i32>} : memref<80x32xf32, #tpu.memory_space<vmem>>, vector<16xf32>,
        %parallel_loop3A_545 = vector.broadcast %parallel_loop3A_527 : f32 to vector<16xf32>
        %parallel_loop3A_546 = arith.mulf %parallel_loop3A_544, %parallel_loop3A_545 : vector<16xf32>
        %parallel_loop3A_547 = arith.constant 12 : i32
        %parallel_loop3A_548 = arith.addi %parallel_loop3A_213, %parallel_loop3A_547 : i32
        %parallel_loop3A_549 = arith.index_cast %parallel_loop3A_548 : i32 to index
        %parallel_loop3A_550 = arith.constant 16 : index
        %parallel_loop3A_551 = tpu.vector_load %arg11[%parallel_loop3A_549, %parallel_loop3A_550] {strides = array<i32>} : memref<80x32xf32, #tpu.memory_space<vmem>>, vector<16xf32>,
        tpu.vector_store %arg11[%parallel_loop3A_549, %parallel_loop3A_550], %parallel_loop3A_546 {strides = array<i32>} : memref<80x32xf32, #tpu.memory_space<vmem>>, vector<16xf32>,
        %parallel_loop3A_552 = vector.extract_strided_slice %parallel_loop3A_211 {offsets = [13], sizes = [1], strides = [1]} : vector<16xf32> to vector<1xf32>
        %parallel_loop3A_553 = vector.extract %parallel_loop3A_552[0] : f32 from vector<1xf32>
        %parallel_loop3A_554 = arith.constant 13 : i32
        %parallel_loop3A_555 = arith.addi %parallel_loop3A_213, %parallel_loop3A_554 : i32
        %parallel_loop3A_556 = arith.index_cast %parallel_loop3A_555 : i32 to index
        %parallel_loop3A_557 = arith.constant 0 : index
        %parallel_loop3A_558 = tpu.vector_load %arg11[%parallel_loop3A_556, %parallel_loop3A_557] {strides = array<i32>} : memref<80x32xf32, #tpu.memory_space<vmem>>, vector<16xf32>,
        %parallel_loop3A_559 = vector.broadcast %parallel_loop3A_553 : f32 to vector<16xf32>
        %parallel_loop3A_560 = arith.mulf %parallel_loop3A_558, %parallel_loop3A_559 : vector<16xf32>
        %parallel_loop3A_561 = arith.constant 13 : i32
        %parallel_loop3A_562 = arith.addi %parallel_loop3A_213, %parallel_loop3A_561 : i32
        %parallel_loop3A_563 = arith.index_cast %parallel_loop3A_562 : i32 to index
        %parallel_loop3A_564 = arith.constant 0 : index
        %parallel_loop3A_565 = tpu.vector_load %arg11[%parallel_loop3A_563, %parallel_loop3A_564] {strides = array<i32>} : memref<80x32xf32, #tpu.memory_space<vmem>>, vector<16xf32>,
        tpu.vector_store %arg11[%parallel_loop3A_563, %parallel_loop3A_564], %parallel_loop3A_560 {strides = array<i32>} : memref<80x32xf32, #tpu.memory_space<vmem>>, vector<16xf32>,
        %parallel_loop3A_566 = arith.constant 13 : i32
        %parallel_loop3A_567 = arith.addi %parallel_loop3A_213, %parallel_loop3A_566 : i32
        %parallel_loop3A_568 = arith.index_cast %parallel_loop3A_567 : i32 to index
        %parallel_loop3A_569 = arith.constant 16 : index
        %parallel_loop3A_570 = tpu.vector_load %arg11[%parallel_loop3A_568, %parallel_loop3A_569] {strides = array<i32>} : memref<80x32xf32, #tpu.memory_space<vmem>>, vector<16xf32>,
        %parallel_loop3A_571 = vector.broadcast %parallel_loop3A_553 : f32 to vector<16xf32>
        %parallel_loop3A_572 = arith.mulf %parallel_loop3A_570, %parallel_loop3A_571 : vector<16xf32>
        %parallel_loop3A_573 = arith.constant 13 : i32
        %parallel_loop3A_574 = arith.addi %parallel_loop3A_213, %parallel_loop3A_573 : i32
        %parallel_loop3A_575 = arith.index_cast %parallel_loop3A_574 : i32 to index
        %parallel_loop3A_576 = arith.constant 16 : index
        %parallel_loop3A_577 = tpu.vector_load %arg11[%parallel_loop3A_575, %parallel_loop3A_576] {strides = array<i32>} : memref<80x32xf32, #tpu.memory_space<vmem>>, vector<16xf32>,
        tpu.vector_store %arg11[%parallel_loop3A_575, %parallel_loop3A_576], %parallel_loop3A_572 {strides = array<i32>} : memref<80x32xf32, #tpu.memory_space<vmem>>, vector<16xf32>,
        %parallel_loop3A_578 = vector.extract_strided_slice %parallel_loop3A_211 {offsets = [14], sizes = [1], strides = [1]} : vector<16xf32> to vector<1xf32>
        %parallel_loop3A_579 = vector.extract %parallel_loop3A_578[0] : f32 from vector<1xf32>
        %parallel_loop3A_580 = arith.constant 14 : i32
        %parallel_loop3A_581 = arith.addi %parallel_loop3A_213, %parallel_loop3A_580 : i32
        %parallel_loop3A_582 = arith.index_cast %parallel_loop3A_581 : i32 to index
        %parallel_loop3A_583 = arith.constant 0 : index
        %parallel_loop3A_584 = tpu.vector_load %arg11[%parallel_loop3A_582, %parallel_loop3A_583] {strides = array<i32>} : memref<80x32xf32, #tpu.memory_space<vmem>>, vector<16xf32>,
        %parallel_loop3A_585 = vector.broadcast %parallel_loop3A_579 : f32 to vector<16xf32>
        %parallel_loop3A_586 = arith.mulf %parallel_loop3A_584, %parallel_loop3A_585 : vector<16xf32>
        %parallel_loop3A_587 = arith.constant 14 : i32
        %parallel_loop3A_588 = arith.addi %parallel_loop3A_213, %parallel_loop3A_587 : i32
        %parallel_loop3A_589 = arith.index_cast %parallel_loop3A_588 : i32 to index
        %parallel_loop3A_590 = arith.constant 0 : index
        %parallel_loop3A_591 = tpu.vector_load %arg11[%parallel_loop3A_589, %parallel_loop3A_590] {strides = array<i32>} : memref<80x32xf32, #tpu.memory_space<vmem>>, vector<16xf32>,
        tpu.vector_store %arg11[%parallel_loop3A_589, %parallel_loop3A_590], %parallel_loop3A_586 {strides = array<i32>} : memref<80x32xf32, #tpu.memory_space<vmem>>, vector<16xf32>,
        %parallel_loop3A_592 = arith.constant 14 : i32
        %parallel_loop3A_593 = arith.addi %parallel_loop3A_213, %parallel_loop3A_592 : i32
        %parallel_loop3A_594 = arith.index_cast %parallel_loop3A_593 : i32 to index
        %parallel_loop3A_595 = arith.constant 16 : index
        %parallel_loop3A_596 = tpu.vector_load %arg11[%parallel_loop3A_594, %parallel_loop3A_595] {strides = array<i32>} : memref<80x32xf32, #tpu.memory_space<vmem>>, vector<16xf32>,
        %parallel_loop3A_597 = vector.broadcast %parallel_loop3A_579 : f32 to vector<16xf32>
        %parallel_loop3A_598 = arith.mulf %parallel_loop3A_596, %parallel_loop3A_597 : vector<16xf32>
        %parallel_loop3A_599 = arith.constant 14 : i32
        %parallel_loop3A_600 = arith.addi %parallel_loop3A_213, %parallel_loop3A_599 : i32
        %parallel_loop3A_601 = arith.index_cast %parallel_loop3A_600 : i32 to index
        %parallel_loop3A_602 = arith.constant 16 : index
        %parallel_loop3A_603 = tpu.vector_load %arg11[%parallel_loop3A_601, %parallel_loop3A_602] {strides = array<i32>} : memref<80x32xf32, #tpu.memory_space<vmem>>, vector<16xf32>,
        tpu.vector_store %arg11[%parallel_loop3A_601, %parallel_loop3A_602], %parallel_loop3A_598 {strides = array<i32>} : memref<80x32xf32, #tpu.memory_space<vmem>>, vector<16xf32>,
        %parallel_loop3A_604 = vector.extract_strided_slice %parallel_loop3A_211 {offsets = [15], sizes = [1], strides = [1]} : vector<16xf32> to vector<1xf32>
        %parallel_loop3A_605 = vector.extract %parallel_loop3A_604[0] : f32 from vector<1xf32>
        %parallel_loop3A_606 = arith.constant 15 : i32
        %parallel_loop3A_607 = arith.addi %parallel_loop3A_213, %parallel_loop3A_606 : i32
        %parallel_loop3A_608 = arith.index_cast %parallel_loop3A_607 : i32 to index
        %parallel_loop3A_609 = arith.constant 0 : index
        %parallel_loop3A_610 = tpu.vector_load %arg11[%parallel_loop3A_608, %parallel_loop3A_609] {strides = array<i32>} : memref<80x32xf32, #tpu.memory_space<vmem>>, vector<16xf32>,
        %parallel_loop3A_611 = vector.broadcast %parallel_loop3A_605 : f32 to vector<16xf32>
        %parallel_loop3A_612 = arith.mulf %parallel_loop3A_610, %parallel_loop3A_611 : vector<16xf32>
        %parallel_loop3A_613 = arith.constant 15 : i32
        %parallel_loop3A_614 = arith.addi %parallel_loop3A_213, %parallel_loop3A_613 : i32
        %parallel_loop3A_615 = arith.index_cast %parallel_loop3A_614 : i32 to index
        %parallel_loop3A_616 = arith.constant 0 : index
        %parallel_loop3A_617 = tpu.vector_load %arg11[%parallel_loop3A_615, %parallel_loop3A_616] {strides = array<i32>} : memref<80x32xf32, #tpu.memory_space<vmem>>, vector<16xf32>,
        tpu.vector_store %arg11[%parallel_loop3A_615, %parallel_loop3A_616], %parallel_loop3A_612 {strides = array<i32>} : memref<80x32xf32, #tpu.memory_space<vmem>>, vector<16xf32>,
        %parallel_loop3A_618 = arith.constant 15 : i32
        %parallel_loop3A_619 = arith.addi %parallel_loop3A_213, %parallel_loop3A_618 : i32
        %parallel_loop3A_620 = arith.index_cast %parallel_loop3A_619 : i32 to index
        %parallel_loop3A_621 = arith.constant 16 : index
        %parallel_loop3A_622 = tpu.vector_load %arg11[%parallel_loop3A_620, %parallel_loop3A_621] {strides = array<i32>} : memref<80x32xf32, #tpu.memory_space<vmem>>, vector<16xf32>,
        %parallel_loop3A_623 = vector.broadcast %parallel_loop3A_605 : f32 to vector<16xf32>
        %parallel_loop3A_624 = arith.mulf %parallel_loop3A_622, %parallel_loop3A_623 : vector<16xf32>
        %parallel_loop3A_625 = arith.constant 15 : i32
        %parallel_loop3A_626 = arith.addi %parallel_loop3A_213, %parallel_loop3A_625 : i32
        %parallel_loop3A_627 = arith.index_cast %parallel_loop3A_626 : i32 to index
        %parallel_loop3A_628 = arith.constant 16 : index
        %parallel_loop3A_629 = tpu.vector_load %arg11[%parallel_loop3A_627, %parallel_loop3A_628] {strides = array<i32>} : memref<80x32xf32, #tpu.memory_space<vmem>>, vector<16xf32>,
        tpu.vector_store %arg11[%parallel_loop3A_627, %parallel_loop3A_628], %parallel_loop3A_624 {strides = array<i32>} : memref<80x32xf32, #tpu.memory_space<vmem>>, vector<16xf32>,
      } {sc.loop_unroll_factor = 1 : i64, sc.parallel_access}
      %dma_start3A_169 = arith.constant 0 : i32
      %dma_start3A_170 = tpu.memref_slice %arg9[%add3A_155, %dma_start3A_169] : memref<125x80xi32, #tpu.memory_space<vmem>> -> memref<1x80xi32, #tpu.memory_space<vmem>>
      %dma_start3A_171 = tpu.memref_squeeze %dma_start3A_170 : memref<1x80xi32, #tpu.memory_space<vmem>> -> memref<80xi32, #tpu.memory_space<vmem>>
      %dma_start3A_172 = arith.constant 0 : i32
      %dma_start3A_173 = arith.constant 0 : i32
      %dma_start3A_174 = tpu.memref_slice %arg15[%dma_start3A_172, %dma_start3A_173] : memref<10112x32xf32, #tpu.memory_space<vmem_shared>> -> memref<10112x32xf32, #tpu.memory_space<vmem_shared>>
      tpu.enqueue_indirect_dma source(%arg11 : memref<80x32xf32, #tpu.memory_space<vmem>>) target(%dma_start3A_174 : memref<10112x32xf32, #tpu.memory_space<vmem_shared>>) offsets(%dma_start3A_171 : memref<80xi32, #tpu.memory_space<vmem>>) semaphore(%arg18 : memref<!tpu.dma_semaphore, #tpu.memory_space<semaphore_mem>>) {add = true}
      %mul3A_175 = arith.constant 2 : i32
      %mul3A_176 = arith.muli %scan3A_151, %mul3A_175 : i32
      %add3A_177 = arith.constant 1 : i32
      %add3A_178 = arith.addi %mul3A_176, %add3A_177 : i32
      %add3A_179 = arith.constant 1 : i32
      %add3A_180 = arith.addi %add3A_178, %add3A_179 : i32
      %lt3A_181 = arith.constant 125 : i32
      %lt3A_182 = arith.cmpi slt, %add3A_180, %lt3A_181 : i32
      %convert_element_type3A_183 = arith.extui %lt3A_182 : i1 to i32
      %cond3A_184 = arith.constant 0 : i32
      %cond3A_185 = arith.cmpi ne, %convert_element_type3A_183, %cond3A_184 : i32
      scf.if %cond3A_185 {
        %ge3A = arith.constant 2 : i32
        %ge3A_201 = arith.cmpi sge, %add3A_180, %ge3A : i32
        %convert_element_type3A_202 = arith.extui %ge3A_201 : i1 to i32
        %cond3A_203 = arith.constant 0 : i32
        %cond3A_204 = arith.cmpi ne, %convert_element_type3A_202, %cond3A_203 : i32
        scf.if %cond3A_204 {
          %sub3A = arith.constant 2 : i32
          %sub3A_211 = arith.subi %add3A_180, %sub3A : i32
          %dma_wait3A_212 = arith.constant 0 : i32
          %dma_wait3A_213 = tpu.memref_slice %arg9[%sub3A_211, %dma_wait3A_212] : memref<125x80xi32, #tpu.memory_space<vmem>> -> memref<1x80xi32, #tpu.memory_space<vmem>>
          %dma_wait3A_214 = tpu.memref_squeeze %dma_wait3A_213 : memref<1x80xi32, #tpu.memory_space<vmem>> -> memref<80xi32, #tpu.memory_space<vmem>>
          %dma_wait3A_215 = arith.constant 0 : i32
          %dma_wait3A_216 = arith.constant 0 : i32
          %dma_wait3A_217 = tpu.memref_slice %arg15[%dma_wait3A_215, %dma_wait3A_216] : memref<10112x32xf32, #tpu.memory_space<vmem_shared>> -> memref<10112x32xf32, #tpu.memory_space<vmem_shared>>
          tpu.wait_indirect_dma semaphore(%arg18 : memref<!tpu.dma_semaphore, #tpu.memory_space<semaphore_mem>>) src(%arg11 : memref<80x32xf32, #tpu.memory_space<vmem>>) dst(%dma_wait3A_217 : memref<10112x32xf32, #tpu.memory_space<vmem_shared>>)
        } else {
        }
        %mul3A_205 = arith.constant 80 : i32
        %mul3A_206 = arith.muli %add3A_180, %mul3A_205 : i32
        %dma_start3A_207 = tpu.memref_slice %arg8[%mul3A_206] : memref<10000xi32, #tpu.memory_space<vmem>> -> memref<80xi32, #tpu.memory_space<vmem>>
        %dma_start3A_208 = arith.constant 0 : i32
        %dma_start3A_209 = arith.constant 0 : i32
        %dma_start3A_210 = tpu.memref_slice %arg2[%dma_start3A_208, %dma_start3A_209] : memref<10000x32xf32, #tpu.memory_space<hbm>> -> memref<10000x32xf32, #tpu.memory_space<hbm>>
        tpu.enqueue_indirect_dma source(%dma_start3A_210 : memref<10000x32xf32, #tpu.memory_space<hbm>>) target(%arg11 : memref<80x32xf32, #tpu.memory_space<vmem>>) offsets(%dma_start3A_207 : memref<80xi32, #tpu.memory_space<vmem>>) semaphore(%arg16 : memref<!tpu.dma_semaphore, #tpu.memory_space<semaphore_mem>>)
      } else {
      }
      %mul3A_186 = arith.constant 80 : i32
      %mul3A_187 = arith.muli %add3A_178, %mul3A_186 : i32
      %dma_wait3A_188 = tpu.memref_slice %arg8[%mul3A_187] : memref<10000xi32, #tpu.memory_space<vmem>> -> memref<80xi32, #tpu.memory_space<vmem>>
      %dma_wait3A_189 = arith.constant 0 : i32
      %dma_wait3A_190 = arith.constant 0 : i32
      %dma_wait3A_191 = tpu.memref_slice %arg2[%dma_wait3A_189, %dma_wait3A_190] : memref<10000x32xf32, #tpu.memory_space<hbm>> -> memref<10000x32xf32, #tpu.memory_space<hbm>>
      tpu.wait_indirect_dma semaphore(%arg17 : memref<!tpu.dma_semaphore, #tpu.memory_space<semaphore_mem>>) src(%dma_wait3A_191 : memref<10000x32xf32, #tpu.memory_space<hbm>>) dst(%arg12 : memref<80x32xf32, #tpu.memory_space<vmem>>)
      %parallel_loop3A_192 = arith.constant 0 : i32
      %parallel_loop3A_193 = arith.constant 5 : i32
      %parallel_loop3A_194 = arith.constant 1 : i32
      scf.for %parallel_loop3A_201 = %parallel_loop3A_192 to %parallel_loop3A_193 step %parallel_loop3A_194  : i32 {
        %parallel_loop3A_202 = arith.constant 80 : i32
        %parallel_loop3A_203 = arith.muli %add3A_178, %parallel_loop3A_202 : i32
        %parallel_loop3A_204 = arith.constant 16 : i32
        %parallel_loop3A_205 = arith.muli %parallel_loop3A_201, %parallel_loop3A_204 : i32
        %parallel_loop3A_206 = arith.addi %parallel_loop3A_203, %parallel_loop3A_205 : i32
        %parallel_loop3A_207 = arith.index_cast %parallel_loop3A_206 : i32 to index
        %parallel_loop3A_208 = tpu.vector_load %arg10[%parallel_loop3A_207] {strides = array<i32>} : memref<10000xf32, #tpu.memory_space<vmem>>, vector<16xf32>,
        %parallel_loop3A_209 = vector.broadcast %reduce_max3A_96 : f32 to vector<16xf32>
        %parallel_loop3A_210 = arith.subf %parallel_loop3A_208, %parallel_loop3A_209 : vector<16xf32>
        %parallel_loop3A_211 = math.exp %parallel_loop3A_210 : vector<16xf32>
        %parallel_loop3A_212 = arith.constant 16 : i32
        %parallel_loop3A_213 = arith.muli %parallel_loop3A_201, %parallel_loop3A_212 : i32
        %parallel_loop3A_214 = vector.extract_strided_slice %parallel_loop3A_211 {offsets = [0], sizes = [1], strides = [1]} : vector<16xf32> to vector<1xf32>
        %parallel_loop3A_215 = vector.extract %parallel_loop3A_214[0] : f32 from vector<1xf32>
        %parallel_loop3A_216 = arith.constant 0 : i32
        %parallel_loop3A_217 = arith.addi %parallel_loop3A_213, %parallel_loop3A_216 : i32
        %parallel_loop3A_218 = arith.index_cast %parallel_loop3A_217 : i32 to index
        %parallel_loop3A_219 = arith.constant 0 : index
        %parallel_loop3A_220 = tpu.vector_load %arg12[%parallel_loop3A_218, %parallel_loop3A_219] {strides = array<i32>} : memref<80x32xf32, #tpu.memory_space<vmem>>, vector<16xf32>,
        %parallel_loop3A_221 = vector.broadcast %parallel_loop3A_215 : f32 to vector<16xf32>
        %parallel_loop3A_222 = arith.mulf %parallel_loop3A_220, %parallel_loop3A_221 : vector<16xf32>
        %parallel_loop3A_223 = arith.constant 0 : i32
        %parallel_loop3A_224 = arith.addi %parallel_loop3A_213, %parallel_loop3A_223 : i32
        %parallel_loop3A_225 = arith.index_cast %parallel_loop3A_224 : i32 to index
        %parallel_loop3A_226 = arith.constant 0 : index
        %parallel_loop3A_227 = tpu.vector_load %arg12[%parallel_loop3A_225, %parallel_loop3A_226] {strides = array<i32>} : memref<80x32xf32, #tpu.memory_space<vmem>>, vector<16xf32>,
        tpu.vector_store %arg12[%parallel_loop3A_225, %parallel_loop3A_226], %parallel_loop3A_222 {strides = array<i32>} : memref<80x32xf32, #tpu.memory_space<vmem>>, vector<16xf32>,
        %parallel_loop3A_228 = arith.constant 0 : i32
        %parallel_loop3A_229 = arith.addi %parallel_loop3A_213, %parallel_loop3A_228 : i32
        %parallel_loop3A_230 = arith.index_cast %parallel_loop3A_229 : i32 to index
        %parallel_loop3A_231 = arith.constant 16 : index
        %parallel_loop3A_232 = tpu.vector_load %arg12[%parallel_loop3A_230, %parallel_loop3A_231] {strides = array<i32>} : memref<80x32xf32, #tpu.memory_space<vmem>>, vector<16xf32>,
        %parallel_loop3A_233 = vector.broadcast %parallel_loop3A_215 : f32 to vector<16xf32>
        %parallel_loop3A_234 = arith.mulf %parallel_loop3A_232, %parallel_loop3A_233 : vector<16xf32>
        %parallel_loop3A_235 = arith.constant 0 : i32
        %parallel_loop3A_236 = arith.addi %parallel_loop3A_213, %parallel_loop3A_235 : i32
        %parallel_loop3A_237 = arith.index_cast %parallel_loop3A_236 : i32 to index
        %parallel_loop3A_238 = arith.constant 16 : index
        %parallel_loop3A_239 = tpu.vector_load %arg12[%parallel_loop3A_237, %parallel_loop3A_238] {strides = array<i32>} : memref<80x32xf32, #tpu.memory_space<vmem>>, vector<16xf32>,
        tpu.vector_store %arg12[%parallel_loop3A_237, %parallel_loop3A_238], %parallel_loop3A_234 {strides = array<i32>} : memref<80x32xf32, #tpu.memory_space<vmem>>, vector<16xf32>,
        %parallel_loop3A_240 = vector.extract_strided_slice %parallel_loop3A_211 {offsets = [1], sizes = [1], strides = [1]} : vector<16xf32> to vector<1xf32>
        %parallel_loop3A_241 = vector.extract %parallel_loop3A_240[0] : f32 from vector<1xf32>
        %parallel_loop3A_242 = arith.constant 1 : i32
        %parallel_loop3A_243 = arith.addi %parallel_loop3A_213, %parallel_loop3A_242 : i32
        %parallel_loop3A_244 = arith.index_cast %parallel_loop3A_243 : i32 to index
        %parallel_loop3A_245 = arith.constant 0 : index
        %parallel_loop3A_246 = tpu.vector_load %arg12[%parallel_loop3A_244, %parallel_loop3A_245] {strides = array<i32>} : memref<80x32xf32, #tpu.memory_space<vmem>>, vector<16xf32>,
        %parallel_loop3A_247 = vector.broadcast %parallel_loop3A_241 : f32 to vector<16xf32>
        %parallel_loop3A_248 = arith.mulf %parallel_loop3A_246, %parallel_loop3A_247 : vector<16xf32>
        %parallel_loop3A_249 = arith.constant 1 : i32
        %parallel_loop3A_250 = arith.addi %parallel_loop3A_213, %parallel_loop3A_249 : i32
        %parallel_loop3A_251 = arith.index_cast %parallel_loop3A_250 : i32 to index
        %parallel_loop3A_252 = arith.constant 0 : index
        %parallel_loop3A_253 = tpu.vector_load %arg12[%parallel_loop3A_251, %parallel_loop3A_252] {strides = array<i32>} : memref<80x32xf32, #tpu.memory_space<vmem>>, vector<16xf32>,
        tpu.vector_store %arg12[%parallel_loop3A_251, %parallel_loop3A_252], %parallel_loop3A_248 {strides = array<i32>} : memref<80x32xf32, #tpu.memory_space<vmem>>, vector<16xf32>,
        %parallel_loop3A_254 = arith.constant 1 : i32
        %parallel_loop3A_255 = arith.addi %parallel_loop3A_213, %parallel_loop3A_254 : i32
        %parallel_loop3A_256 = arith.index_cast %parallel_loop3A_255 : i32 to index
        %parallel_loop3A_257 = arith.constant 16 : index
        %parallel_loop3A_258 = tpu.vector_load %arg12[%parallel_loop3A_256, %parallel_loop3A_257] {strides = array<i32>} : memref<80x32xf32, #tpu.memory_space<vmem>>, vector<16xf32>,
        %parallel_loop3A_259 = vector.broadcast %parallel_loop3A_241 : f32 to vector<16xf32>
        %parallel_loop3A_260 = arith.mulf %parallel_loop3A_258, %parallel_loop3A_259 : vector<16xf32>
        %parallel_loop3A_261 = arith.constant 1 : i32
        %parallel_loop3A_262 = arith.addi %parallel_loop3A_213, %parallel_loop3A_261 : i32
        %parallel_loop3A_263 = arith.index_cast %parallel_loop3A_262 : i32 to index
        %parallel_loop3A_264 = arith.constant 16 : index
        %parallel_loop3A_265 = tpu.vector_load %arg12[%parallel_loop3A_263, %parallel_loop3A_264] {strides = array<i32>} : memref<80x32xf32, #tpu.memory_space<vmem>>, vector<16xf32>,
        tpu.vector_store %arg12[%parallel_loop3A_263, %parallel_loop3A_264], %parallel_loop3A_260 {strides = array<i32>} : memref<80x32xf32, #tpu.memory_space<vmem>>, vector<16xf32>,
        %parallel_loop3A_266 = vector.extract_strided_slice %parallel_loop3A_211 {offsets = [2], sizes = [1], strides = [1]} : vector<16xf32> to vector<1xf32>
        %parallel_loop3A_267 = vector.extract %parallel_loop3A_266[0] : f32 from vector<1xf32>
        %parallel_loop3A_268 = arith.constant 2 : i32
        %parallel_loop3A_269 = arith.addi %parallel_loop3A_213, %parallel_loop3A_268 : i32
        %parallel_loop3A_270 = arith.index_cast %parallel_loop3A_269 : i32 to index
        %parallel_loop3A_271 = arith.constant 0 : index
        %parallel_loop3A_272 = tpu.vector_load %arg12[%parallel_loop3A_270, %parallel_loop3A_271] {strides = array<i32>} : memref<80x32xf32, #tpu.memory_space<vmem>>, vector<16xf32>,
        %parallel_loop3A_273 = vector.broadcast %parallel_loop3A_267 : f32 to vector<16xf32>
        %parallel_loop3A_274 = arith.mulf %parallel_loop3A_272, %parallel_loop3A_273 : vector<16xf32>
        %parallel_loop3A_275 = arith.constant 2 : i32
        %parallel_loop3A_276 = arith.addi %parallel_loop3A_213, %parallel_loop3A_275 : i32
        %parallel_loop3A_277 = arith.index_cast %parallel_loop3A_276 : i32 to index
        %parallel_loop3A_278 = arith.constant 0 : index
        %parallel_loop3A_279 = tpu.vector_load %arg12[%parallel_loop3A_277, %parallel_loop3A_278] {strides = array<i32>} : memref<80x32xf32, #tpu.memory_space<vmem>>, vector<16xf32>,
        tpu.vector_store %arg12[%parallel_loop3A_277, %parallel_loop3A_278], %parallel_loop3A_274 {strides = array<i32>} : memref<80x32xf32, #tpu.memory_space<vmem>>, vector<16xf32>,
        %parallel_loop3A_280 = arith.constant 2 : i32
        %parallel_loop3A_281 = arith.addi %parallel_loop3A_213, %parallel_loop3A_280 : i32
        %parallel_loop3A_282 = arith.index_cast %parallel_loop3A_281 : i32 to index
        %parallel_loop3A_283 = arith.constant 16 : index
        %parallel_loop3A_284 = tpu.vector_load %arg12[%parallel_loop3A_282, %parallel_loop3A_283] {strides = array<i32>} : memref<80x32xf32, #tpu.memory_space<vmem>>, vector<16xf32>,
        %parallel_loop3A_285 = vector.broadcast %parallel_loop3A_267 : f32 to vector<16xf32>
        %parallel_loop3A_286 = arith.mulf %parallel_loop3A_284, %parallel_loop3A_285 : vector<16xf32>
        %parallel_loop3A_287 = arith.constant 2 : i32
        %parallel_loop3A_288 = arith.addi %parallel_loop3A_213, %parallel_loop3A_287 : i32
        %parallel_loop3A_289 = arith.index_cast %parallel_loop3A_288 : i32 to index
        %parallel_loop3A_290 = arith.constant 16 : index
        %parallel_loop3A_291 = tpu.vector_load %arg12[%parallel_loop3A_289, %parallel_loop3A_290] {strides = array<i32>} : memref<80x32xf32, #tpu.memory_space<vmem>>, vector<16xf32>,
        tpu.vector_store %arg12[%parallel_loop3A_289, %parallel_loop3A_290], %parallel_loop3A_286 {strides = array<i32>} : memref<80x32xf32, #tpu.memory_space<vmem>>, vector<16xf32>,
        %parallel_loop3A_292 = vector.extract_strided_slice %parallel_loop3A_211 {offsets = [3], sizes = [1], strides = [1]} : vector<16xf32> to vector<1xf32>
        %parallel_loop3A_293 = vector.extract %parallel_loop3A_292[0] : f32 from vector<1xf32>
        %parallel_loop3A_294 = arith.constant 3 : i32
        %parallel_loop3A_295 = arith.addi %parallel_loop3A_213, %parallel_loop3A_294 : i32
        %parallel_loop3A_296 = arith.index_cast %parallel_loop3A_295 : i32 to index
        %parallel_loop3A_297 = arith.constant 0 : index
        %parallel_loop3A_298 = tpu.vector_load %arg12[%parallel_loop3A_296, %parallel_loop3A_297] {strides = array<i32>} : memref<80x32xf32, #tpu.memory_space<vmem>>, vector<16xf32>,
        %parallel_loop3A_299 = vector.broadcast %parallel_loop3A_293 : f32 to vector<16xf32>
        %parallel_loop3A_300 = arith.mulf %parallel_loop3A_298, %parallel_loop3A_299 : vector<16xf32>
        %parallel_loop3A_301 = arith.constant 3 : i32
        %parallel_loop3A_302 = arith.addi %parallel_loop3A_213, %parallel_loop3A_301 : i32
        %parallel_loop3A_303 = arith.index_cast %parallel_loop3A_302 : i32 to index
        %parallel_loop3A_304 = arith.constant 0 : index
        %parallel_loop3A_305 = tpu.vector_load %arg12[%parallel_loop3A_303, %parallel_loop3A_304] {strides = array<i32>} : memref<80x32xf32, #tpu.memory_space<vmem>>, vector<16xf32>,
        tpu.vector_store %arg12[%parallel_loop3A_303, %parallel_loop3A_304], %parallel_loop3A_300 {strides = array<i32>} : memref<80x32xf32, #tpu.memory_space<vmem>>, vector<16xf32>,
        %parallel_loop3A_306 = arith.constant 3 : i32
        %parallel_loop3A_307 = arith.addi %parallel_loop3A_213, %parallel_loop3A_306 : i32
        %parallel_loop3A_308 = arith.index_cast %parallel_loop3A_307 : i32 to index
        %parallel_loop3A_309 = arith.constant 16 : index
        %parallel_loop3A_310 = tpu.vector_load %arg12[%parallel_loop3A_308, %parallel_loop3A_309] {strides = array<i32>} : memref<80x32xf32, #tpu.memory_space<vmem>>, vector<16xf32>,
        %parallel_loop3A_311 = vector.broadcast %parallel_loop3A_293 : f32 to vector<16xf32>
        %parallel_loop3A_312 = arith.mulf %parallel_loop3A_310, %parallel_loop3A_311 : vector<16xf32>
        %parallel_loop3A_313 = arith.constant 3 : i32
        %parallel_loop3A_314 = arith.addi %parallel_loop3A_213, %parallel_loop3A_313 : i32
        %parallel_loop3A_315 = arith.index_cast %parallel_loop3A_314 : i32 to index
        %parallel_loop3A_316 = arith.constant 16 : index
        %parallel_loop3A_317 = tpu.vector_load %arg12[%parallel_loop3A_315, %parallel_loop3A_316] {strides = array<i32>} : memref<80x32xf32, #tpu.memory_space<vmem>>, vector<16xf32>,
        tpu.vector_store %arg12[%parallel_loop3A_315, %parallel_loop3A_316], %parallel_loop3A_312 {strides = array<i32>} : memref<80x32xf32, #tpu.memory_space<vmem>>, vector<16xf32>,
        %parallel_loop3A_318 = vector.extract_strided_slice %parallel_loop3A_211 {offsets = [4], sizes = [1], strides = [1]} : vector<16xf32> to vector<1xf32>
        %parallel_loop3A_319 = vector.extract %parallel_loop3A_318[0] : f32 from vector<1xf32>
        %parallel_loop3A_320 = arith.constant 4 : i32
        %parallel_loop3A_321 = arith.addi %parallel_loop3A_213, %parallel_loop3A_320 : i32
        %parallel_loop3A_322 = arith.index_cast %parallel_loop3A_321 : i32 to index
        %parallel_loop3A_323 = arith.constant 0 : index
        %parallel_loop3A_324 = tpu.vector_load %arg12[%parallel_loop3A_322, %parallel_loop3A_323] {strides = array<i32>} : memref<80x32xf32, #tpu.memory_space<vmem>>, vector<16xf32>,
        %parallel_loop3A_325 = vector.broadcast %parallel_loop3A_319 : f32 to vector<16xf32>
        %parallel_loop3A_326 = arith.mulf %parallel_loop3A_324, %parallel_loop3A_325 : vector<16xf32>
        %parallel_loop3A_327 = arith.constant 4 : i32
        %parallel_loop3A_328 = arith.addi %parallel_loop3A_213, %parallel_loop3A_327 : i32
        %parallel_loop3A_329 = arith.index_cast %parallel_loop3A_328 : i32 to index
        %parallel_loop3A_330 = arith.constant 0 : index
        %parallel_loop3A_331 = tpu.vector_load %arg12[%parallel_loop3A_329, %parallel_loop3A_330] {strides = array<i32>} : memref<80x32xf32, #tpu.memory_space<vmem>>, vector<16xf32>,
        tpu.vector_store %arg12[%parallel_loop3A_329, %parallel_loop3A_330], %parallel_loop3A_326 {strides = array<i32>} : memref<80x32xf32, #tpu.memory_space<vmem>>, vector<16xf32>,
        %parallel_loop3A_332 = arith.constant 4 : i32
        %parallel_loop3A_333 = arith.addi %parallel_loop3A_213, %parallel_loop3A_332 : i32
        %parallel_loop3A_334 = arith.index_cast %parallel_loop3A_333 : i32 to index
        %parallel_loop3A_335 = arith.constant 16 : index
        %parallel_loop3A_336 = tpu.vector_load %arg12[%parallel_loop3A_334, %parallel_loop3A_335] {strides = array<i32>} : memref<80x32xf32, #tpu.memory_space<vmem>>, vector<16xf32>,
        %parallel_loop3A_337 = vector.broadcast %parallel_loop3A_319 : f32 to vector<16xf32>
        %parallel_loop3A_338 = arith.mulf %parallel_loop3A_336, %parallel_loop3A_337 : vector<16xf32>
        %parallel_loop3A_339 = arith.constant 4 : i32
        %parallel_loop3A_340 = arith.addi %parallel_loop3A_213, %parallel_loop3A_339 : i32
        %parallel_loop3A_341 = arith.index_cast %parallel_loop3A_340 : i32 to index
        %parallel_loop3A_342 = arith.constant 16 : index
        %parallel_loop3A_343 = tpu.vector_load %arg12[%parallel_loop3A_341, %parallel_loop3A_342] {strides = array<i32>} : memref<80x32xf32, #tpu.memory_space<vmem>>, vector<16xf32>,
        tpu.vector_store %arg12[%parallel_loop3A_341, %parallel_loop3A_342], %parallel_loop3A_338 {strides = array<i32>} : memref<80x32xf32, #tpu.memory_space<vmem>>, vector<16xf32>,
        %parallel_loop3A_344 = vector.extract_strided_slice %parallel_loop3A_211 {offsets = [5], sizes = [1], strides = [1]} : vector<16xf32> to vector<1xf32>
        %parallel_loop3A_345 = vector.extract %parallel_loop3A_344[0] : f32 from vector<1xf32>
        %parallel_loop3A_346 = arith.constant 5 : i32
        %parallel_loop3A_347 = arith.addi %parallel_loop3A_213, %parallel_loop3A_346 : i32
        %parallel_loop3A_348 = arith.index_cast %parallel_loop3A_347 : i32 to index
        %parallel_loop3A_349 = arith.constant 0 : index
        %parallel_loop3A_350 = tpu.vector_load %arg12[%parallel_loop3A_348, %parallel_loop3A_349] {strides = array<i32>} : memref<80x32xf32, #tpu.memory_space<vmem>>, vector<16xf32>,
        %parallel_loop3A_351 = vector.broadcast %parallel_loop3A_345 : f32 to vector<16xf32>
        %parallel_loop3A_352 = arith.mulf %parallel_loop3A_350, %parallel_loop3A_351 : vector<16xf32>
        %parallel_loop3A_353 = arith.constant 5 : i32
        %parallel_loop3A_354 = arith.addi %parallel_loop3A_213, %parallel_loop3A_353 : i32
        %parallel_loop3A_355 = arith.index_cast %parallel_loop3A_354 : i32 to index
        %parallel_loop3A_356 = arith.constant 0 : index
        %parallel_loop3A_357 = tpu.vector_load %arg12[%parallel_loop3A_355, %parallel_loop3A_356] {strides = array<i32>} : memref<80x32xf32, #tpu.memory_space<vmem>>, vector<16xf32>,
        tpu.vector_store %arg12[%parallel_loop3A_355, %parallel_loop3A_356], %parallel_loop3A_352 {strides = array<i32>} : memref<80x32xf32, #tpu.memory_space<vmem>>, vector<16xf32>,
        %parallel_loop3A_358 = arith.constant 5 : i32
        %parallel_loop3A_359 = arith.addi %parallel_loop3A_213, %parallel_loop3A_358 : i32
        %parallel_loop3A_360 = arith.index_cast %parallel_loop3A_359 : i32 to index
        %parallel_loop3A_361 = arith.constant 16 : index
        %parallel_loop3A_362 = tpu.vector_load %arg12[%parallel_loop3A_360, %parallel_loop3A_361] {strides = array<i32>} : memref<80x32xf32, #tpu.memory_space<vmem>>, vector<16xf32>,
        %parallel_loop3A_363 = vector.broadcast %parallel_loop3A_345 : f32 to vector<16xf32>
        %parallel_loop3A_364 = arith.mulf %parallel_loop3A_362, %parallel_loop3A_363 : vector<16xf32>
        %parallel_loop3A_365 = arith.constant 5 : i32
        %parallel_loop3A_366 = arith.addi %parallel_loop3A_213, %parallel_loop3A_365 : i32
        %parallel_loop3A_367 = arith.index_cast %parallel_loop3A_366 : i32 to index
        %parallel_loop3A_368 = arith.constant 16 : index
        %parallel_loop3A_369 = tpu.vector_load %arg12[%parallel_loop3A_367, %parallel_loop3A_368] {strides = array<i32>} : memref<80x32xf32, #tpu.memory_space<vmem>>, vector<16xf32>,
        tpu.vector_store %arg12[%parallel_loop3A_367, %parallel_loop3A_368], %parallel_loop3A_364 {strides = array<i32>} : memref<80x32xf32, #tpu.memory_space<vmem>>, vector<16xf32>,
        %parallel_loop3A_370 = vector.extract_strided_slice %parallel_loop3A_211 {offsets = [6], sizes = [1], strides = [1]} : vector<16xf32> to vector<1xf32>
        %parallel_loop3A_371 = vector.extract %parallel_loop3A_370[0] : f32 from vector<1xf32>
        %parallel_loop3A_372 = arith.constant 6 : i32
        %parallel_loop3A_373 = arith.addi %parallel_loop3A_213, %parallel_loop3A_372 : i32
        %parallel_loop3A_374 = arith.index_cast %parallel_loop3A_373 : i32 to index
        %parallel_loop3A_375 = arith.constant 0 : index
        %parallel_loop3A_376 = tpu.vector_load %arg12[%parallel_loop3A_374, %parallel_loop3A_375] {strides = array<i32>} : memref<80x32xf32, #tpu.memory_space<vmem>>, vector<16xf32>,
        %parallel_loop3A_377 = vector.broadcast %parallel_loop3A_371 : f32 to vector<16xf32>
        %parallel_loop3A_378 = arith.mulf %parallel_loop3A_376, %parallel_loop3A_377 : vector<16xf32>
        %parallel_loop3A_379 = arith.constant 6 : i32
        %parallel_loop3A_380 = arith.addi %parallel_loop3A_213, %parallel_loop3A_379 : i32
        %parallel_loop3A_381 = arith.index_cast %parallel_loop3A_380 : i32 to index
        %parallel_loop3A_382 = arith.constant 0 : index
        %parallel_loop3A_383 = tpu.vector_load %arg12[%parallel_loop3A_381, %parallel_loop3A_382] {strides = array<i32>} : memref<80x32xf32, #tpu.memory_space<vmem>>, vector<16xf32>,
        tpu.vector_store %arg12[%parallel_loop3A_381, %parallel_loop3A_382], %parallel_loop3A_378 {strides = array<i32>} : memref<80x32xf32, #tpu.memory_space<vmem>>, vector<16xf32>,
        %parallel_loop3A_384 = arith.constant 6 : i32
        %parallel_loop3A_385 = arith.addi %parallel_loop3A_213, %parallel_loop3A_384 : i32
        %parallel_loop3A_386 = arith.index_cast %parallel_loop3A_385 : i32 to index
        %parallel_loop3A_387 = arith.constant 16 : index
        %parallel_loop3A_388 = tpu.vector_load %arg12[%parallel_loop3A_386, %parallel_loop3A_387] {strides = array<i32>} : memref<80x32xf32, #tpu.memory_space<vmem>>, vector<16xf32>,
        %parallel_loop3A_389 = vector.broadcast %parallel_loop3A_371 : f32 to vector<16xf32>
        %parallel_loop3A_390 = arith.mulf %parallel_loop3A_388, %parallel_loop3A_389 : vector<16xf32>
        %parallel_loop3A_391 = arith.constant 6 : i32
        %parallel_loop3A_392 = arith.addi %parallel_loop3A_213, %parallel_loop3A_391 : i32
        %parallel_loop3A_393 = arith.index_cast %parallel_loop3A_392 : i32 to index
        %parallel_loop3A_394 = arith.constant 16 : index
        %parallel_loop3A_395 = tpu.vector_load %arg12[%parallel_loop3A_393, %parallel_loop3A_394] {strides = array<i32>} : memref<80x32xf32, #tpu.memory_space<vmem>>, vector<16xf32>,
        tpu.vector_store %arg12[%parallel_loop3A_393, %parallel_loop3A_394], %parallel_loop3A_390 {strides = array<i32>} : memref<80x32xf32, #tpu.memory_space<vmem>>, vector<16xf32>,
        %parallel_loop3A_396 = vector.extract_strided_slice %parallel_loop3A_211 {offsets = [7], sizes = [1], strides = [1]} : vector<16xf32> to vector<1xf32>
        %parallel_loop3A_397 = vector.extract %parallel_loop3A_396[0] : f32 from vector<1xf32>
        %parallel_loop3A_398 = arith.constant 7 : i32
        %parallel_loop3A_399 = arith.addi %parallel_loop3A_213, %parallel_loop3A_398 : i32
        %parallel_loop3A_400 = arith.index_cast %parallel_loop3A_399 : i32 to index
        %parallel_loop3A_401 = arith.constant 0 : index
        %parallel_loop3A_402 = tpu.vector_load %arg12[%parallel_loop3A_400, %parallel_loop3A_401] {strides = array<i32>} : memref<80x32xf32, #tpu.memory_space<vmem>>, vector<16xf32>,
        %parallel_loop3A_403 = vector.broadcast %parallel_loop3A_397 : f32 to vector<16xf32>
        %parallel_loop3A_404 = arith.mulf %parallel_loop3A_402, %parallel_loop3A_403 : vector<16xf32>
        %parallel_loop3A_405 = arith.constant 7 : i32
        %parallel_loop3A_406 = arith.addi %parallel_loop3A_213, %parallel_loop3A_405 : i32
        %parallel_loop3A_407 = arith.index_cast %parallel_loop3A_406 : i32 to index
        %parallel_loop3A_408 = arith.constant 0 : index
        %parallel_loop3A_409 = tpu.vector_load %arg12[%parallel_loop3A_407, %parallel_loop3A_408] {strides = array<i32>} : memref<80x32xf32, #tpu.memory_space<vmem>>, vector<16xf32>,
        tpu.vector_store %arg12[%parallel_loop3A_407, %parallel_loop3A_408], %parallel_loop3A_404 {strides = array<i32>} : memref<80x32xf32, #tpu.memory_space<vmem>>, vector<16xf32>,
        %parallel_loop3A_410 = arith.constant 7 : i32
        %parallel_loop3A_411 = arith.addi %parallel_loop3A_213, %parallel_loop3A_410 : i32
        %parallel_loop3A_412 = arith.index_cast %parallel_loop3A_411 : i32 to index
        %parallel_loop3A_413 = arith.constant 16 : index
        %parallel_loop3A_414 = tpu.vector_load %arg12[%parallel_loop3A_412, %parallel_loop3A_413] {strides = array<i32>} : memref<80x32xf32, #tpu.memory_space<vmem>>, vector<16xf32>,
        %parallel_loop3A_415 = vector.broadcast %parallel_loop3A_397 : f32 to vector<16xf32>
        %parallel_loop3A_416 = arith.mulf %parallel_loop3A_414, %parallel_loop3A_415 : vector<16xf32>
        %parallel_loop3A_417 = arith.constant 7 : i32
        %parallel_loop3A_418 = arith.addi %parallel_loop3A_213, %parallel_loop3A_417 : i32
        %parallel_loop3A_419 = arith.index_cast %parallel_loop3A_418 : i32 to index
        %parallel_loop3A_420 = arith.constant 16 : index
        %parallel_loop3A_421 = tpu.vector_load %arg12[%parallel_loop3A_419, %parallel_loop3A_420] {strides = array<i32>} : memref<80x32xf32, #tpu.memory_space<vmem>>, vector<16xf32>,
        tpu.vector_store %arg12[%parallel_loop3A_419, %parallel_loop3A_420], %parallel_loop3A_416 {strides = array<i32>} : memref<80x32xf32, #tpu.memory_space<vmem>>, vector<16xf32>,
        %parallel_loop3A_422 = vector.extract_strided_slice %parallel_loop3A_211 {offsets = [8], sizes = [1], strides = [1]} : vector<16xf32> to vector<1xf32>
        %parallel_loop3A_423 = vector.extract %parallel_loop3A_422[0] : f32 from vector<1xf32>
        %parallel_loop3A_424 = arith.constant 8 : i32
        %parallel_loop3A_425 = arith.addi %parallel_loop3A_213, %parallel_loop3A_424 : i32
        %parallel_loop3A_426 = arith.index_cast %parallel_loop3A_425 : i32 to index
        %parallel_loop3A_427 = arith.constant 0 : index
        %parallel_loop3A_428 = tpu.vector_load %arg12[%parallel_loop3A_426, %parallel_loop3A_427] {strides = array<i32>} : memref<80x32xf32, #tpu.memory_space<vmem>>, vector<16xf32>,
        %parallel_loop3A_429 = vector.broadcast %parallel_loop3A_423 : f32 to vector<16xf32>
        %parallel_loop3A_430 = arith.mulf %parallel_loop3A_428, %parallel_loop3A_429 : vector<16xf32>
        %parallel_loop3A_431 = arith.constant 8 : i32
        %parallel_loop3A_432 = arith.addi %parallel_loop3A_213, %parallel_loop3A_431 : i32
        %parallel_loop3A_433 = arith.index_cast %parallel_loop3A_432 : i32 to index
        %parallel_loop3A_434 = arith.constant 0 : index
        %parallel_loop3A_435 = tpu.vector_load %arg12[%parallel_loop3A_433, %parallel_loop3A_434] {strides = array<i32>} : memref<80x32xf32, #tpu.memory_space<vmem>>, vector<16xf32>,
        tpu.vector_store %arg12[%parallel_loop3A_433, %parallel_loop3A_434], %parallel_loop3A_430 {strides = array<i32>} : memref<80x32xf32, #tpu.memory_space<vmem>>, vector<16xf32>,
        %parallel_loop3A_436 = arith.constant 8 : i32
        %parallel_loop3A_437 = arith.addi %parallel_loop3A_213, %parallel_loop3A_436 : i32
        %parallel_loop3A_438 = arith.index_cast %parallel_loop3A_437 : i32 to index
        %parallel_loop3A_439 = arith.constant 16 : index
        %parallel_loop3A_440 = tpu.vector_load %arg12[%parallel_loop3A_438, %parallel_loop3A_439] {strides = array<i32>} : memref<80x32xf32, #tpu.memory_space<vmem>>, vector<16xf32>,
        %parallel_loop3A_441 = vector.broadcast %parallel_loop3A_423 : f32 to vector<16xf32>
        %parallel_loop3A_442 = arith.mulf %parallel_loop3A_440, %parallel_loop3A_441 : vector<16xf32>
        %parallel_loop3A_443 = arith.constant 8 : i32
        %parallel_loop3A_444 = arith.addi %parallel_loop3A_213, %parallel_loop3A_443 : i32
        %parallel_loop3A_445 = arith.index_cast %parallel_loop3A_444 : i32 to index
        %parallel_loop3A_446 = arith.constant 16 : index
        %parallel_loop3A_447 = tpu.vector_load %arg12[%parallel_loop3A_445, %parallel_loop3A_446] {strides = array<i32>} : memref<80x32xf32, #tpu.memory_space<vmem>>, vector<16xf32>,
        tpu.vector_store %arg12[%parallel_loop3A_445, %parallel_loop3A_446], %parallel_loop3A_442 {strides = array<i32>} : memref<80x32xf32, #tpu.memory_space<vmem>>, vector<16xf32>,
        %parallel_loop3A_448 = vector.extract_strided_slice %parallel_loop3A_211 {offsets = [9], sizes = [1], strides = [1]} : vector<16xf32> to vector<1xf32>
        %parallel_loop3A_449 = vector.extract %parallel_loop3A_448[0] : f32 from vector<1xf32>
        %parallel_loop3A_450 = arith.constant 9 : i32
        %parallel_loop3A_451 = arith.addi %parallel_loop3A_213, %parallel_loop3A_450 : i32
        %parallel_loop3A_452 = arith.index_cast %parallel_loop3A_451 : i32 to index
        %parallel_loop3A_453 = arith.constant 0 : index
        %parallel_loop3A_454 = tpu.vector_load %arg12[%parallel_loop3A_452, %parallel_loop3A_453] {strides = array<i32>} : memref<80x32xf32, #tpu.memory_space<vmem>>, vector<16xf32>,
        %parallel_loop3A_455 = vector.broadcast %parallel_loop3A_449 : f32 to vector<16xf32>
        %parallel_loop3A_456 = arith.mulf %parallel_loop3A_454, %parallel_loop3A_455 : vector<16xf32>
        %parallel_loop3A_457 = arith.constant 9 : i32
        %parallel_loop3A_458 = arith.addi %parallel_loop3A_213, %parallel_loop3A_457 : i32
        %parallel_loop3A_459 = arith.index_cast %parallel_loop3A_458 : i32 to index
        %parallel_loop3A_460 = arith.constant 0 : index
        %parallel_loop3A_461 = tpu.vector_load %arg12[%parallel_loop3A_459, %parallel_loop3A_460] {strides = array<i32>} : memref<80x32xf32, #tpu.memory_space<vmem>>, vector<16xf32>,
        tpu.vector_store %arg12[%parallel_loop3A_459, %parallel_loop3A_460], %parallel_loop3A_456 {strides = array<i32>} : memref<80x32xf32, #tpu.memory_space<vmem>>, vector<16xf32>,
        %parallel_loop3A_462 = arith.constant 9 : i32
        %parallel_loop3A_463 = arith.addi %parallel_loop3A_213, %parallel_loop3A_462 : i32
        %parallel_loop3A_464 = arith.index_cast %parallel_loop3A_463 : i32 to index
        %parallel_loop3A_465 = arith.constant 16 : index
        %parallel_loop3A_466 = tpu.vector_load %arg12[%parallel_loop3A_464, %parallel_loop3A_465] {strides = array<i32>} : memref<80x32xf32, #tpu.memory_space<vmem>>, vector<16xf32>,
        %parallel_loop3A_467 = vector.broadcast %parallel_loop3A_449 : f32 to vector<16xf32>
        %parallel_loop3A_468 = arith.mulf %parallel_loop3A_466, %parallel_loop3A_467 : vector<16xf32>
        %parallel_loop3A_469 = arith.constant 9 : i32
        %parallel_loop3A_470 = arith.addi %parallel_loop3A_213, %parallel_loop3A_469 : i32
        %parallel_loop3A_471 = arith.index_cast %parallel_loop3A_470 : i32 to index
        %parallel_loop3A_472 = arith.constant 16 : index
        %parallel_loop3A_473 = tpu.vector_load %arg12[%parallel_loop3A_471, %parallel_loop3A_472] {strides = array<i32>} : memref<80x32xf32, #tpu.memory_space<vmem>>, vector<16xf32>,
        tpu.vector_store %arg12[%parallel_loop3A_471, %parallel_loop3A_472], %parallel_loop3A_468 {strides = array<i32>} : memref<80x32xf32, #tpu.memory_space<vmem>>, vector<16xf32>,
        %parallel_loop3A_474 = vector.extract_strided_slice %parallel_loop3A_211 {offsets = [10], sizes = [1], strides = [1]} : vector<16xf32> to vector<1xf32>
        %parallel_loop3A_475 = vector.extract %parallel_loop3A_474[0] : f32 from vector<1xf32>
        %parallel_loop3A_476 = arith.constant 10 : i32
        %parallel_loop3A_477 = arith.addi %parallel_loop3A_213, %parallel_loop3A_476 : i32
        %parallel_loop3A_478 = arith.index_cast %parallel_loop3A_477 : i32 to index
        %parallel_loop3A_479 = arith.constant 0 : index
        %parallel_loop3A_480 = tpu.vector_load %arg12[%parallel_loop3A_478, %parallel_loop3A_479] {strides = array<i32>} : memref<80x32xf32, #tpu.memory_space<vmem>>, vector<16xf32>,
        %parallel_loop3A_481 = vector.broadcast %parallel_loop3A_475 : f32 to vector<16xf32>
        %parallel_loop3A_482 = arith.mulf %parallel_loop3A_480, %parallel_loop3A_481 : vector<16xf32>
        %parallel_loop3A_483 = arith.constant 10 : i32
        %parallel_loop3A_484 = arith.addi %parallel_loop3A_213, %parallel_loop3A_483 : i32
        %parallel_loop3A_485 = arith.index_cast %parallel_loop3A_484 : i32 to index
        %parallel_loop3A_486 = arith.constant 0 : index
        %parallel_loop3A_487 = tpu.vector_load %arg12[%parallel_loop3A_485, %parallel_loop3A_486] {strides = array<i32>} : memref<80x32xf32, #tpu.memory_space<vmem>>, vector<16xf32>,
        tpu.vector_store %arg12[%parallel_loop3A_485, %parallel_loop3A_486], %parallel_loop3A_482 {strides = array<i32>} : memref<80x32xf32, #tpu.memory_space<vmem>>, vector<16xf32>,
        %parallel_loop3A_488 = arith.constant 10 : i32
        %parallel_loop3A_489 = arith.addi %parallel_loop3A_213, %parallel_loop3A_488 : i32
        %parallel_loop3A_490 = arith.index_cast %parallel_loop3A_489 : i32 to index
        %parallel_loop3A_491 = arith.constant 16 : index
        %parallel_loop3A_492 = tpu.vector_load %arg12[%parallel_loop3A_490, %parallel_loop3A_491] {strides = array<i32>} : memref<80x32xf32, #tpu.memory_space<vmem>>, vector<16xf32>,
        %parallel_loop3A_493 = vector.broadcast %parallel_loop3A_475 : f32 to vector<16xf32>
        %parallel_loop3A_494 = arith.mulf %parallel_loop3A_492, %parallel_loop3A_493 : vector<16xf32>
        %parallel_loop3A_495 = arith.constant 10 : i32
        %parallel_loop3A_496 = arith.addi %parallel_loop3A_213, %parallel_loop3A_495 : i32
        %parallel_loop3A_497 = arith.index_cast %parallel_loop3A_496 : i32 to index
        %parallel_loop3A_498 = arith.constant 16 : index
        %parallel_loop3A_499 = tpu.vector_load %arg12[%parallel_loop3A_497, %parallel_loop3A_498] {strides = array<i32>} : memref<80x32xf32, #tpu.memory_space<vmem>>, vector<16xf32>,
        tpu.vector_store %arg12[%parallel_loop3A_497, %parallel_loop3A_498], %parallel_loop3A_494 {strides = array<i32>} : memref<80x32xf32, #tpu.memory_space<vmem>>, vector<16xf32>,
        %parallel_loop3A_500 = vector.extract_strided_slice %parallel_loop3A_211 {offsets = [11], sizes = [1], strides = [1]} : vector<16xf32> to vector<1xf32>
        %parallel_loop3A_501 = vector.extract %parallel_loop3A_500[0] : f32 from vector<1xf32>
        %parallel_loop3A_502 = arith.constant 11 : i32
        %parallel_loop3A_503 = arith.addi %parallel_loop3A_213, %parallel_loop3A_502 : i32
        %parallel_loop3A_504 = arith.index_cast %parallel_loop3A_503 : i32 to index
        %parallel_loop3A_505 = arith.constant 0 : index
        %parallel_loop3A_506 = tpu.vector_load %arg12[%parallel_loop3A_504, %parallel_loop3A_505] {strides = array<i32>} : memref<80x32xf32, #tpu.memory_space<vmem>>, vector<16xf32>,
        %parallel_loop3A_507 = vector.broadcast %parallel_loop3A_501 : f32 to vector<16xf32>
        %parallel_loop3A_508 = arith.mulf %parallel_loop3A_506, %parallel_loop3A_507 : vector<16xf32>
        %parallel_loop3A_509 = arith.constant 11 : i32
        %parallel_loop3A_510 = arith.addi %parallel_loop3A_213, %parallel_loop3A_509 : i32
        %parallel_loop3A_511 = arith.index_cast %parallel_loop3A_510 : i32 to index
        %parallel_loop3A_512 = arith.constant 0 : index
        %parallel_loop3A_513 = tpu.vector_load %arg12[%parallel_loop3A_511, %parallel_loop3A_512] {strides = array<i32>} : memref<80x32xf32, #tpu.memory_space<vmem>>, vector<16xf32>,
        tpu.vector_store %arg12[%parallel_loop3A_511, %parallel_loop3A_512], %parallel_loop3A_508 {strides = array<i32>} : memref<80x32xf32, #tpu.memory_space<vmem>>, vector<16xf32>,
        %parallel_loop3A_514 = arith.constant 11 : i32
        %parallel_loop3A_515 = arith.addi %parallel_loop3A_213, %parallel_loop3A_514 : i32
        %parallel_loop3A_516 = arith.index_cast %parallel_loop3A_515 : i32 to index
        %parallel_loop3A_517 = arith.constant 16 : index
        %parallel_loop3A_518 = tpu.vector_load %arg12[%parallel_loop3A_516, %parallel_loop3A_517] {strides = array<i32>} : memref<80x32xf32, #tpu.memory_space<vmem>>, vector<16xf32>,
        %parallel_loop3A_519 = vector.broadcast %parallel_loop3A_501 : f32 to vector<16xf32>
        %parallel_loop3A_520 = arith.mulf %parallel_loop3A_518, %parallel_loop3A_519 : vector<16xf32>
        %parallel_loop3A_521 = arith.constant 11 : i32
        %parallel_loop3A_522 = arith.addi %parallel_loop3A_213, %parallel_loop3A_521 : i32
        %parallel_loop3A_523 = arith.index_cast %parallel_loop3A_522 : i32 to index
        %parallel_loop3A_524 = arith.constant 16 : index
        %parallel_loop3A_525 = tpu.vector_load %arg12[%parallel_loop3A_523, %parallel_loop3A_524] {strides = array<i32>} : memref<80x32xf32, #tpu.memory_space<vmem>>, vector<16xf32>,
        tpu.vector_store %arg12[%parallel_loop3A_523, %parallel_loop3A_524], %parallel_loop3A_520 {strides = array<i32>} : memref<80x32xf32, #tpu.memory_space<vmem>>, vector<16xf32>,
        %parallel_loop3A_526 = vector.extract_strided_slice %parallel_loop3A_211 {offsets = [12], sizes = [1], strides = [1]} : vector<16xf32> to vector<1xf32>
        %parallel_loop3A_527 = vector.extract %parallel_loop3A_526[0] : f32 from vector<1xf32>
        %parallel_loop3A_528 = arith.constant 12 : i32
        %parallel_loop3A_529 = arith.addi %parallel_loop3A_213, %parallel_loop3A_528 : i32
        %parallel_loop3A_530 = arith.index_cast %parallel_loop3A_529 : i32 to index
        %parallel_loop3A_531 = arith.constant 0 : index
        %parallel_loop3A_532 = tpu.vector_load %arg12[%parallel_loop3A_530, %parallel_loop3A_531] {strides = array<i32>} : memref<80x32xf32, #tpu.memory_space<vmem>>, vector<16xf32>,
        %parallel_loop3A_533 = vector.broadcast %parallel_loop3A_527 : f32 to vector<16xf32>
        %parallel_loop3A_534 = arith.mulf %parallel_loop3A_532, %parallel_loop3A_533 : vector<16xf32>
        %parallel_loop3A_535 = arith.constant 12 : i32
        %parallel_loop3A_536 = arith.addi %parallel_loop3A_213, %parallel_loop3A_535 : i32
        %parallel_loop3A_537 = arith.index_cast %parallel_loop3A_536 : i32 to index
        %parallel_loop3A_538 = arith.constant 0 : index
        %parallel_loop3A_539 = tpu.vector_load %arg12[%parallel_loop3A_537, %parallel_loop3A_538] {strides = array<i32>} : memref<80x32xf32, #tpu.memory_space<vmem>>, vector<16xf32>,
        tpu.vector_store %arg12[%parallel_loop3A_537, %parallel_loop3A_538], %parallel_loop3A_534 {strides = array<i32>} : memref<80x32xf32, #tpu.memory_space<vmem>>, vector<16xf32>,
        %parallel_loop3A_540 = arith.constant 12 : i32
        %parallel_loop3A_541 = arith.addi %parallel_loop3A_213, %parallel_loop3A_540 : i32
        %parallel_loop3A_542 = arith.index_cast %parallel_loop3A_541 : i32 to index
        %parallel_loop3A_543 = arith.constant 16 : index
        %parallel_loop3A_544 = tpu.vector_load %arg12[%parallel_loop3A_542, %parallel_loop3A_543] {strides = array<i32>} : memref<80x32xf32, #tpu.memory_space<vmem>>, vector<16xf32>,
        %parallel_loop3A_545 = vector.broadcast %parallel_loop3A_527 : f32 to vector<16xf32>
        %parallel_loop3A_546 = arith.mulf %parallel_loop3A_544, %parallel_loop3A_545 : vector<16xf32>
        %parallel_loop3A_547 = arith.constant 12 : i32
        %parallel_loop3A_548 = arith.addi %parallel_loop3A_213, %parallel_loop3A_547 : i32
        %parallel_loop3A_549 = arith.index_cast %parallel_loop3A_548 : i32 to index
        %parallel_loop3A_550 = arith.constant 16 : index
        %parallel_loop3A_551 = tpu.vector_load %arg12[%parallel_loop3A_549, %parallel_loop3A_550] {strides = array<i32>} : memref<80x32xf32, #tpu.memory_space<vmem>>, vector<16xf32>,
        tpu.vector_store %arg12[%parallel_loop3A_549, %parallel_loop3A_550], %parallel_loop3A_546 {strides = array<i32>} : memref<80x32xf32, #tpu.memory_space<vmem>>, vector<16xf32>,
        %parallel_loop3A_552 = vector.extract_strided_slice %parallel_loop3A_211 {offsets = [13], sizes = [1], strides = [1]} : vector<16xf32> to vector<1xf32>
        %parallel_loop3A_553 = vector.extract %parallel_loop3A_552[0] : f32 from vector<1xf32>
        %parallel_loop3A_554 = arith.constant 13 : i32
        %parallel_loop3A_555 = arith.addi %parallel_loop3A_213, %parallel_loop3A_554 : i32
        %parallel_loop3A_556 = arith.index_cast %parallel_loop3A_555 : i32 to index
        %parallel_loop3A_557 = arith.constant 0 : index
        %parallel_loop3A_558 = tpu.vector_load %arg12[%parallel_loop3A_556, %parallel_loop3A_557] {strides = array<i32>} : memref<80x32xf32, #tpu.memory_space<vmem>>, vector<16xf32>,
        %parallel_loop3A_559 = vector.broadcast %parallel_loop3A_553 : f32 to vector<16xf32>
        %parallel_loop3A_560 = arith.mulf %parallel_loop3A_558, %parallel_loop3A_559 : vector<16xf32>
        %parallel_loop3A_561 = arith.constant 13 : i32
        %parallel_loop3A_562 = arith.addi %parallel_loop3A_213, %parallel_loop3A_561 : i32
        %parallel_loop3A_563 = arith.index_cast %parallel_loop3A_562 : i32 to index
        %parallel_loop3A_564 = arith.constant 0 : index
        %parallel_loop3A_565 = tpu.vector_load %arg12[%parallel_loop3A_563, %parallel_loop3A_564] {strides = array<i32>} : memref<80x32xf32, #tpu.memory_space<vmem>>, vector<16xf32>,
        tpu.vector_store %arg12[%parallel_loop3A_563, %parallel_loop3A_564], %parallel_loop3A_560 {strides = array<i32>} : memref<80x32xf32, #tpu.memory_space<vmem>>, vector<16xf32>,
        %parallel_loop3A_566 = arith.constant 13 : i32
        %parallel_loop3A_567 = arith.addi %parallel_loop3A_213, %parallel_loop3A_566 : i32
        %parallel_loop3A_568 = arith.index_cast %parallel_loop3A_567 : i32 to index
        %parallel_loop3A_569 = arith.constant 16 : index
        %parallel_loop3A_570 = tpu.vector_load %arg12[%parallel_loop3A_568, %parallel_loop3A_569] {strides = array<i32>} : memref<80x32xf32, #tpu.memory_space<vmem>>, vector<16xf32>,
        %parallel_loop3A_571 = vector.broadcast %parallel_loop3A_553 : f32 to vector<16xf32>
        %parallel_loop3A_572 = arith.mulf %parallel_loop3A_570, %parallel_loop3A_571 : vector<16xf32>
        %parallel_loop3A_573 = arith.constant 13 : i32
        %parallel_loop3A_574 = arith.addi %parallel_loop3A_213, %parallel_loop3A_573 : i32
        %parallel_loop3A_575 = arith.index_cast %parallel_loop3A_574 : i32 to index
        %parallel_loop3A_576 = arith.constant 16 : index
        %parallel_loop3A_577 = tpu.vector_load %arg12[%parallel_loop3A_575, %parallel_loop3A_576] {strides = array<i32>} : memref<80x32xf32, #tpu.memory_space<vmem>>, vector<16xf32>,
        tpu.vector_store %arg12[%parallel_loop3A_575, %parallel_loop3A_576], %parallel_loop3A_572 {strides = array<i32>} : memref<80x32xf32, #tpu.memory_space<vmem>>, vector<16xf32>,
        %parallel_loop3A_578 = vector.extract_strided_slice %parallel_loop3A_211 {offsets = [14], sizes = [1], strides = [1]} : vector<16xf32> to vector<1xf32>
        %parallel_loop3A_579 = vector.extract %parallel_loop3A_578[0] : f32 from vector<1xf32>
        %parallel_loop3A_580 = arith.constant 14 : i32
        %parallel_loop3A_581 = arith.addi %parallel_loop3A_213, %parallel_loop3A_580 : i32
        %parallel_loop3A_582 = arith.index_cast %parallel_loop3A_581 : i32 to index
        %parallel_loop3A_583 = arith.constant 0 : index
        %parallel_loop3A_584 = tpu.vector_load %arg12[%parallel_loop3A_582, %parallel_loop3A_583] {strides = array<i32>} : memref<80x32xf32, #tpu.memory_space<vmem>>, vector<16xf32>,
        %parallel_loop3A_585 = vector.broadcast %parallel_loop3A_579 : f32 to vector<16xf32>
        %parallel_loop3A_586 = arith.mulf %parallel_loop3A_584, %parallel_loop3A_585 : vector<16xf32>
        %parallel_loop3A_587 = arith.constant 14 : i32
        %parallel_loop3A_588 = arith.addi %parallel_loop3A_213, %parallel_loop3A_587 : i32
        %parallel_loop3A_589 = arith.index_cast %parallel_loop3A_588 : i32 to index
        %parallel_loop3A_590 = arith.constant 0 : index
        %parallel_loop3A_591 = tpu.vector_load %arg12[%parallel_loop3A_589, %parallel_loop3A_590] {strides = array<i32>} : memref<80x32xf32, #tpu.memory_space<vmem>>, vector<16xf32>,
        tpu.vector_store %arg12[%parallel_loop3A_589, %parallel_loop3A_590], %parallel_loop3A_586 {strides = array<i32>} : memref<80x32xf32, #tpu.memory_space<vmem>>, vector<16xf32>,
        %parallel_loop3A_592 = arith.constant 14 : i32
        %parallel_loop3A_593 = arith.addi %parallel_loop3A_213, %parallel_loop3A_592 : i32
        %parallel_loop3A_594 = arith.index_cast %parallel_loop3A_593 : i32 to index
        %parallel_loop3A_595 = arith.constant 16 : index
        %parallel_loop3A_596 = tpu.vector_load %arg12[%parallel_loop3A_594, %parallel_loop3A_595] {strides = array<i32>} : memref<80x32xf32, #tpu.memory_space<vmem>>, vector<16xf32>,
        %parallel_loop3A_597 = vector.broadcast %parallel_loop3A_579 : f32 to vector<16xf32>
        %parallel_loop3A_598 = arith.mulf %parallel_loop3A_596, %parallel_loop3A_597 : vector<16xf32>
        %parallel_loop3A_599 = arith.constant 14 : i32
        %parallel_loop3A_600 = arith.addi %parallel_loop3A_213, %parallel_loop3A_599 : i32
        %parallel_loop3A_601 = arith.index_cast %parallel_loop3A_600 : i32 to index
        %parallel_loop3A_602 = arith.constant 16 : index
        %parallel_loop3A_603 = tpu.vector_load %arg12[%parallel_loop3A_601, %parallel_loop3A_602] {strides = array<i32>} : memref<80x32xf32, #tpu.memory_space<vmem>>, vector<16xf32>,
        tpu.vector_store %arg12[%parallel_loop3A_601, %parallel_loop3A_602], %parallel_loop3A_598 {strides = array<i32>} : memref<80x32xf32, #tpu.memory_space<vmem>>, vector<16xf32>,
        %parallel_loop3A_604 = vector.extract_strided_slice %parallel_loop3A_211 {offsets = [15], sizes = [1], strides = [1]} : vector<16xf32> to vector<1xf32>
        %parallel_loop3A_605 = vector.extract %parallel_loop3A_604[0] : f32 from vector<1xf32>
        %parallel_loop3A_606 = arith.constant 15 : i32
        %parallel_loop3A_607 = arith.addi %parallel_loop3A_213, %parallel_loop3A_606 : i32
        %parallel_loop3A_608 = arith.index_cast %parallel_loop3A_607 : i32 to index
        %parallel_loop3A_609 = arith.constant 0 : index
        %parallel_loop3A_610 = tpu.vector_load %arg12[%parallel_loop3A_608, %parallel_loop3A_609] {strides = array<i32>} : memref<80x32xf32, #tpu.memory_space<vmem>>, vector<16xf32>,
        %parallel_loop3A_611 = vector.broadcast %parallel_loop3A_605 : f32 to vector<16xf32>
        %parallel_loop3A_612 = arith.mulf %parallel_loop3A_610, %parallel_loop3A_611 : vector<16xf32>
        %parallel_loop3A_613 = arith.constant 15 : i32
        %parallel_loop3A_614 = arith.addi %parallel_loop3A_213, %parallel_loop3A_613 : i32
        %parallel_loop3A_615 = arith.index_cast %parallel_loop3A_614 : i32 to index
        %parallel_loop3A_616 = arith.constant 0 : index
        %parallel_loop3A_617 = tpu.vector_load %arg12[%parallel_loop3A_615, %parallel_loop3A_616] {strides = array<i32>} : memref<80x32xf32, #tpu.memory_space<vmem>>, vector<16xf32>,
        tpu.vector_store %arg12[%parallel_loop3A_615, %parallel_loop3A_616], %parallel_loop3A_612 {strides = array<i32>} : memref<80x32xf32, #tpu.memory_space<vmem>>, vector<16xf32>,
        %parallel_loop3A_618 = arith.constant 15 : i32
        %parallel_loop3A_619 = arith.addi %parallel_loop3A_213, %parallel_loop3A_618 : i32
        %parallel_loop3A_620 = arith.index_cast %parallel_loop3A_619 : i32 to index
        %parallel_loop3A_621 = arith.constant 16 : index
        %parallel_loop3A_622 = tpu.vector_load %arg12[%parallel_loop3A_620, %parallel_loop3A_621] {strides = array<i32>} : memref<80x32xf32, #tpu.memory_space<vmem>>, vector<16xf32>,
        %parallel_loop3A_623 = vector.broadcast %parallel_loop3A_605 : f32 to vector<16xf32>
        %parallel_loop3A_624 = arith.mulf %parallel_loop3A_622, %parallel_loop3A_623 : vector<16xf32>
        %parallel_loop3A_625 = arith.constant 15 : i32
        %parallel_loop3A_626 = arith.addi %parallel_loop3A_213, %parallel_loop3A_625 : i32
        %parallel_loop3A_627 = arith.index_cast %parallel_loop3A_626 : i32 to index
        %parallel_loop3A_628 = arith.constant 16 : index
        %parallel_loop3A_629 = tpu.vector_load %arg12[%parallel_loop3A_627, %parallel_loop3A_628] {strides = array<i32>} : memref<80x32xf32, #tpu.memory_space<vmem>>, vector<16xf32>,
        tpu.vector_store %arg12[%parallel_loop3A_627, %parallel_loop3A_628], %parallel_loop3A_624 {strides = array<i32>} : memref<80x32xf32, #tpu.memory_space<vmem>>, vector<16xf32>,
      } {sc.loop_unroll_factor = 1 : i64, sc.parallel_access}
      %dma_start3A_195 = arith.constant 0 : i32
      %dma_start3A_196 = tpu.memref_slice %arg9[%add3A_178, %dma_start3A_195] : memref<125x80xi32, #tpu.memory_space<vmem>> -> memref<1x80xi32, #tpu.memory_space<vmem>>
      %dma_start3A_197 = tpu.memref_squeeze %dma_start3A_196 : memref<1x80xi32, #tpu.memory_space<vmem>> -> memref<80xi32, #tpu.memory_space<vmem>>
      %dma_start3A_198 = arith.constant 0 : i32
      %dma_start3A_199 = arith.constant 0 : i32
      %dma_start3A_200 = tpu.memref_slice %arg15[%dma_start3A_198, %dma_start3A_199] : memref<10112x32xf32, #tpu.memory_space<vmem_shared>> -> memref<10112x32xf32, #tpu.memory_space<vmem_shared>>
      tpu.enqueue_indirect_dma source(%arg12 : memref<80x32xf32, #tpu.memory_space<vmem>>) target(%dma_start3A_200 : memref<10112x32xf32, #tpu.memory_space<vmem_shared>>) offsets(%dma_start3A_197 : memref<80xi32, #tpu.memory_space<vmem>>) semaphore(%arg19 : memref<!tpu.dma_semaphore, #tpu.memory_space<semaphore_mem>>) {add = true}
    }
    %scan3A_118 = arith.constant 62 : i32
    %dma_wait3A = arith.constant 9920 : i32
    %dma_wait3A_119 = tpu.memref_slice %arg8[%dma_wait3A] : memref<10000xi32, #tpu.memory_space<vmem>> -> memref<80xi32, #tpu.memory_space<vmem>>
    %dma_wait3A_120 = arith.constant 0 : i32
    %dma_wait3A_121 = arith.constant 0 : i32
    %dma_wait3A_122 = tpu.memref_slice %arg2[%dma_wait3A_120, %dma_wait3A_121] : memref<10000x32xf32, #tpu.memory_space<hbm>> -> memref<10000x32xf32, #tpu.memory_space<hbm>>
    tpu.wait_indirect_dma semaphore(%arg16 : memref<!tpu.dma_semaphore, #tpu.memory_space<semaphore_mem>>) src(%dma_wait3A_122 : memref<10000x32xf32, #tpu.memory_space<hbm>>) dst(%arg11 : memref<80x32xf32, #tpu.memory_space<vmem>>)
    %parallel_loop3A = arith.constant 0 : i32
    %parallel_loop3A_123 = arith.constant 5 : i32
    %parallel_loop3A_124 = arith.constant 1 : i32
    scf.for %parallel_loop3A_151 = %parallel_loop3A to %parallel_loop3A_123 step %parallel_loop3A_124  : i32 {
      %parallel_loop3A_152 = arith.constant 16 : i32
      %parallel_loop3A_153 = arith.muli %parallel_loop3A_151, %parallel_loop3A_152 : i32
      %parallel_loop3A_154 = arith.constant 9920 : i32
      %parallel_loop3A_155 = arith.addi %parallel_loop3A_154, %parallel_loop3A_153 : i32
      %parallel_loop3A_156 = arith.index_cast %parallel_loop3A_155 : i32 to index
      %parallel_loop3A_157 = tpu.vector_load %arg10[%parallel_loop3A_156] {strides = array<i32>} : memref<10000xf32, #tpu.memory_space<vmem>>, vector<16xf32>,
      %parallel_loop3A_158 = vector.broadcast %reduce_max3A_96 : f32 to vector<16xf32>
      %parallel_loop3A_159 = arith.subf %parallel_loop3A_157, %parallel_loop3A_158 : vector<16xf32>
      %parallel_loop3A_160 = math.exp %parallel_loop3A_159 : vector<16xf32>
      %parallel_loop3A_161 = arith.constant 16 : i32
      %parallel_loop3A_162 = arith.muli %parallel_loop3A_151, %parallel_loop3A_161 : i32
      %parallel_loop3A_163 = vector.extract_strided_slice %parallel_loop3A_160 {offsets = [0], sizes = [1], strides = [1]} : vector<16xf32> to vector<1xf32>
      %parallel_loop3A_164 = vector.extract %parallel_loop3A_163[0] : f32 from vector<1xf32>
      %parallel_loop3A_165 = arith.constant 0 : i32
      %parallel_loop3A_166 = arith.addi %parallel_loop3A_162, %parallel_loop3A_165 : i32
      %parallel_loop3A_167 = arith.index_cast %parallel_loop3A_166 : i32 to index
      %parallel_loop3A_168 = arith.constant 0 : index
      %parallel_loop3A_169 = tpu.vector_load %arg11[%parallel_loop3A_167, %parallel_loop3A_168] {strides = array<i32>} : memref<80x32xf32, #tpu.memory_space<vmem>>, vector<16xf32>,
      %parallel_loop3A_170 = vector.broadcast %parallel_loop3A_164 : f32 to vector<16xf32>
      %parallel_loop3A_171 = arith.mulf %parallel_loop3A_169, %parallel_loop3A_170 : vector<16xf32>
      %parallel_loop3A_172 = arith.constant 0 : i32
      %parallel_loop3A_173 = arith.addi %parallel_loop3A_162, %parallel_loop3A_172 : i32
      %parallel_loop3A_174 = arith.index_cast %parallel_loop3A_173 : i32 to index
      %parallel_loop3A_175 = arith.constant 0 : index
      %parallel_loop3A_176 = tpu.vector_load %arg11[%parallel_loop3A_174, %parallel_loop3A_175] {strides = array<i32>} : memref<80x32xf32, #tpu.memory_space<vmem>>, vector<16xf32>,
      tpu.vector_store %arg11[%parallel_loop3A_174, %parallel_loop3A_175], %parallel_loop3A_171 {strides = array<i32>} : memref<80x32xf32, #tpu.memory_space<vmem>>, vector<16xf32>,
      %parallel_loop3A_177 = arith.constant 0 : i32
      %parallel_loop3A_178 = arith.addi %parallel_loop3A_162, %parallel_loop3A_177 : i32
      %parallel_loop3A_179 = arith.index_cast %parallel_loop3A_178 : i32 to index
      %parallel_loop3A_180 = arith.constant 16 : index
      %parallel_loop3A_181 = tpu.vector_load %arg11[%parallel_loop3A_179, %parallel_loop3A_180] {strides = array<i32>} : memref<80x32xf32, #tpu.memory_space<vmem>>, vector<16xf32>,
      %parallel_loop3A_182 = vector.broadcast %parallel_loop3A_164 : f32 to vector<16xf32>
      %parallel_loop3A_183 = arith.mulf %parallel_loop3A_181, %parallel_loop3A_182 : vector<16xf32>
      %parallel_loop3A_184 = arith.constant 0 : i32
      %parallel_loop3A_185 = arith.addi %parallel_loop3A_162, %parallel_loop3A_184 : i32
      %parallel_loop3A_186 = arith.index_cast %parallel_loop3A_185 : i32 to index
      %parallel_loop3A_187 = arith.constant 16 : index
      %parallel_loop3A_188 = tpu.vector_load %arg11[%parallel_loop3A_186, %parallel_loop3A_187] {strides = array<i32>} : memref<80x32xf32, #tpu.memory_space<vmem>>, vector<16xf32>,
      tpu.vector_store %arg11[%parallel_loop3A_186, %parallel_loop3A_187], %parallel_loop3A_183 {strides = array<i32>} : memref<80x32xf32, #tpu.memory_space<vmem>>, vector<16xf32>,
      %parallel_loop3A_189 = vector.extract_strided_slice %parallel_loop3A_160 {offsets = [1], sizes = [1], strides = [1]} : vector<16xf32> to vector<1xf32>
      %parallel_loop3A_190 = vector.extract %parallel_loop3A_189[0] : f32 from vector<1xf32>
      %parallel_loop3A_191 = arith.constant 1 : i32
      %parallel_loop3A_192 = arith.addi %parallel_loop3A_162, %parallel_loop3A_191 : i32
      %parallel_loop3A_193 = arith.index_cast %parallel_loop3A_192 : i32 to index
      %parallel_loop3A_194 = arith.constant 0 : index
      %parallel_loop3A_195 = tpu.vector_load %arg11[%parallel_loop3A_193, %parallel_loop3A_194] {strides = array<i32>} : memref<80x32xf32, #tpu.memory_space<vmem>>, vector<16xf32>,
      %parallel_loop3A_196 = vector.broadcast %parallel_loop3A_190 : f32 to vector<16xf32>
      %parallel_loop3A_197 = arith.mulf %parallel_loop3A_195, %parallel_loop3A_196 : vector<16xf32>
      %parallel_loop3A_198 = arith.constant 1 : i32
      %parallel_loop3A_199 = arith.addi %parallel_loop3A_162, %parallel_loop3A_198 : i32
      %parallel_loop3A_200 = arith.index_cast %parallel_loop3A_199 : i32 to index
      %parallel_loop3A_201 = arith.constant 0 : index
      %parallel_loop3A_202 = tpu.vector_load %arg11[%parallel_loop3A_200, %parallel_loop3A_201] {strides = array<i32>} : memref<80x32xf32, #tpu.memory_space<vmem>>, vector<16xf32>,
      tpu.vector_store %arg11[%parallel_loop3A_200, %parallel_loop3A_201], %parallel_loop3A_197 {strides = array<i32>} : memref<80x32xf32, #tpu.memory_space<vmem>>, vector<16xf32>,
      %parallel_loop3A_203 = arith.constant 1 : i32
      %parallel_loop3A_204 = arith.addi %parallel_loop3A_162, %parallel_loop3A_203 : i32
      %parallel_loop3A_205 = arith.index_cast %parallel_loop3A_204 : i32 to index
      %parallel_loop3A_206 = arith.constant 16 : index
      %parallel_loop3A_207 = tpu.vector_load %arg11[%parallel_loop3A_205, %parallel_loop3A_206] {strides = array<i32>} : memref<80x32xf32, #tpu.memory_space<vmem>>, vector<16xf32>,
      %parallel_loop3A_208 = vector.broadcast %parallel_loop3A_190 : f32 to vector<16xf32>
      %parallel_loop3A_209 = arith.mulf %parallel_loop3A_207, %parallel_loop3A_208 : vector<16xf32>
      %parallel_loop3A_210 = arith.constant 1 : i32
      %parallel_loop3A_211 = arith.addi %parallel_loop3A_162, %parallel_loop3A_210 : i32
      %parallel_loop3A_212 = arith.index_cast %parallel_loop3A_211 : i32 to index
      %parallel_loop3A_213 = arith.constant 16 : index
      %parallel_loop3A_214 = tpu.vector_load %arg11[%parallel_loop3A_212, %parallel_loop3A_213] {strides = array<i32>} : memref<80x32xf32, #tpu.memory_space<vmem>>, vector<16xf32>,
      tpu.vector_store %arg11[%parallel_loop3A_212, %parallel_loop3A_213], %parallel_loop3A_209 {strides = array<i32>} : memref<80x32xf32, #tpu.memory_space<vmem>>, vector<16xf32>,
      %parallel_loop3A_215 = vector.extract_strided_slice %parallel_loop3A_160 {offsets = [2], sizes = [1], strides = [1]} : vector<16xf32> to vector<1xf32>
      %parallel_loop3A_216 = vector.extract %parallel_loop3A_215[0] : f32 from vector<1xf32>
      %parallel_loop3A_217 = arith.constant 2 : i32
      %parallel_loop3A_218 = arith.addi %parallel_loop3A_162, %parallel_loop3A_217 : i32
      %parallel_loop3A_219 = arith.index_cast %parallel_loop3A_218 : i32 to index
      %parallel_loop3A_220 = arith.constant 0 : index
      %parallel_loop3A_221 = tpu.vector_load %arg11[%parallel_loop3A_219, %parallel_loop3A_220] {strides = array<i32>} : memref<80x32xf32, #tpu.memory_space<vmem>>, vector<16xf32>,
      %parallel_loop3A_222 = vector.broadcast %parallel_loop3A_216 : f32 to vector<16xf32>
      %parallel_loop3A_223 = arith.mulf %parallel_loop3A_221, %parallel_loop3A_222 : vector<16xf32>
      %parallel_loop3A_224 = arith.constant 2 : i32
      %parallel_loop3A_225 = arith.addi %parallel_loop3A_162, %parallel_loop3A_224 : i32
      %parallel_loop3A_226 = arith.index_cast %parallel_loop3A_225 : i32 to index
      %parallel_loop3A_227 = arith.constant 0 : index
      %parallel_loop3A_228 = tpu.vector_load %arg11[%parallel_loop3A_226, %parallel_loop3A_227] {strides = array<i32>} : memref<80x32xf32, #tpu.memory_space<vmem>>, vector<16xf32>,
      tpu.vector_store %arg11[%parallel_loop3A_226, %parallel_loop3A_227], %parallel_loop3A_223 {strides = array<i32>} : memref<80x32xf32, #tpu.memory_space<vmem>>, vector<16xf32>,
      %parallel_loop3A_229 = arith.constant 2 : i32
      %parallel_loop3A_230 = arith.addi %parallel_loop3A_162, %parallel_loop3A_229 : i32
      %parallel_loop3A_231 = arith.index_cast %parallel_loop3A_230 : i32 to index
      %parallel_loop3A_232 = arith.constant 16 : index
      %parallel_loop3A_233 = tpu.vector_load %arg11[%parallel_loop3A_231, %parallel_loop3A_232] {strides = array<i32>} : memref<80x32xf32, #tpu.memory_space<vmem>>, vector<16xf32>,
      %parallel_loop3A_234 = vector.broadcast %parallel_loop3A_216 : f32 to vector<16xf32>
      %parallel_loop3A_235 = arith.mulf %parallel_loop3A_233, %parallel_loop3A_234 : vector<16xf32>
      %parallel_loop3A_236 = arith.constant 2 : i32
      %parallel_loop3A_237 = arith.addi %parallel_loop3A_162, %parallel_loop3A_236 : i32
      %parallel_loop3A_238 = arith.index_cast %parallel_loop3A_237 : i32 to index
      %parallel_loop3A_239 = arith.constant 16 : index
      %parallel_loop3A_240 = tpu.vector_load %arg11[%parallel_loop3A_238, %parallel_loop3A_239] {strides = array<i32>} : memref<80x32xf32, #tpu.memory_space<vmem>>, vector<16xf32>,
      tpu.vector_store %arg11[%parallel_loop3A_238, %parallel_loop3A_239], %parallel_loop3A_235 {strides = array<i32>} : memref<80x32xf32, #tpu.memory_space<vmem>>, vector<16xf32>,
      %parallel_loop3A_241 = vector.extract_strided_slice %parallel_loop3A_160 {offsets = [3], sizes = [1], strides = [1]} : vector<16xf32> to vector<1xf32>
      %parallel_loop3A_242 = vector.extract %parallel_loop3A_241[0] : f32 from vector<1xf32>
      %parallel_loop3A_243 = arith.constant 3 : i32
      %parallel_loop3A_244 = arith.addi %parallel_loop3A_162, %parallel_loop3A_243 : i32
      %parallel_loop3A_245 = arith.index_cast %parallel_loop3A_244 : i32 to index
      %parallel_loop3A_246 = arith.constant 0 : index
      %parallel_loop3A_247 = tpu.vector_load %arg11[%parallel_loop3A_245, %parallel_loop3A_246] {strides = array<i32>} : memref<80x32xf32, #tpu.memory_space<vmem>>, vector<16xf32>,
      %parallel_loop3A_248 = vector.broadcast %parallel_loop3A_242 : f32 to vector<16xf32>
      %parallel_loop3A_249 = arith.mulf %parallel_loop3A_247, %parallel_loop3A_248 : vector<16xf32>
      %parallel_loop3A_250 = arith.constant 3 : i32
      %parallel_loop3A_251 = arith.addi %parallel_loop3A_162, %parallel_loop3A_250 : i32
      %parallel_loop3A_252 = arith.index_cast %parallel_loop3A_251 : i32 to index
      %parallel_loop3A_253 = arith.constant 0 : index
      %parallel_loop3A_254 = tpu.vector_load %arg11[%parallel_loop3A_252, %parallel_loop3A_253] {strides = array<i32>} : memref<80x32xf32, #tpu.memory_space<vmem>>, vector<16xf32>,
      tpu.vector_store %arg11[%parallel_loop3A_252, %parallel_loop3A_253], %parallel_loop3A_249 {strides = array<i32>} : memref<80x32xf32, #tpu.memory_space<vmem>>, vector<16xf32>,
      %parallel_loop3A_255 = arith.constant 3 : i32
      %parallel_loop3A_256 = arith.addi %parallel_loop3A_162, %parallel_loop3A_255 : i32
      %parallel_loop3A_257 = arith.index_cast %parallel_loop3A_256 : i32 to index
      %parallel_loop3A_258 = arith.constant 16 : index
      %parallel_loop3A_259 = tpu.vector_load %arg11[%parallel_loop3A_257, %parallel_loop3A_258] {strides = array<i32>} : memref<80x32xf32, #tpu.memory_space<vmem>>, vector<16xf32>,
      %parallel_loop3A_260 = vector.broadcast %parallel_loop3A_242 : f32 to vector<16xf32>
      %parallel_loop3A_261 = arith.mulf %parallel_loop3A_259, %parallel_loop3A_260 : vector<16xf32>
      %parallel_loop3A_262 = arith.constant 3 : i32
      %parallel_loop3A_263 = arith.addi %parallel_loop3A_162, %parallel_loop3A_262 : i32
      %parallel_loop3A_264 = arith.index_cast %parallel_loop3A_263 : i32 to index
      %parallel_loop3A_265 = arith.constant 16 : index
      %parallel_loop3A_266 = tpu.vector_load %arg11[%parallel_loop3A_264, %parallel_loop3A_265] {strides = array<i32>} : memref<80x32xf32, #tpu.memory_space<vmem>>, vector<16xf32>,
      tpu.vector_store %arg11[%parallel_loop3A_264, %parallel_loop3A_265], %parallel_loop3A_261 {strides = array<i32>} : memref<80x32xf32, #tpu.memory_space<vmem>>, vector<16xf32>,
      %parallel_loop3A_267 = vector.extract_strided_slice %parallel_loop3A_160 {offsets = [4], sizes = [1], strides = [1]} : vector<16xf32> to vector<1xf32>
      %parallel_loop3A_268 = vector.extract %parallel_loop3A_267[0] : f32 from vector<1xf32>
      %parallel_loop3A_269 = arith.constant 4 : i32
      %parallel_loop3A_270 = arith.addi %parallel_loop3A_162, %parallel_loop3A_269 : i32
      %parallel_loop3A_271 = arith.index_cast %parallel_loop3A_270 : i32 to index
      %parallel_loop3A_272 = arith.constant 0 : index
      %parallel_loop3A_273 = tpu.vector_load %arg11[%parallel_loop3A_271, %parallel_loop3A_272] {strides = array<i32>} : memref<80x32xf32, #tpu.memory_space<vmem>>, vector<16xf32>,
      %parallel_loop3A_274 = vector.broadcast %parallel_loop3A_268 : f32 to vector<16xf32>
      %parallel_loop3A_275 = arith.mulf %parallel_loop3A_273, %parallel_loop3A_274 : vector<16xf32>
      %parallel_loop3A_276 = arith.constant 4 : i32
      %parallel_loop3A_277 = arith.addi %parallel_loop3A_162, %parallel_loop3A_276 : i32
      %parallel_loop3A_278 = arith.index_cast %parallel_loop3A_277 : i32 to index
      %parallel_loop3A_279 = arith.constant 0 : index
      %parallel_loop3A_280 = tpu.vector_load %arg11[%parallel_loop3A_278, %parallel_loop3A_279] {strides = array<i32>} : memref<80x32xf32, #tpu.memory_space<vmem>>, vector<16xf32>,
      tpu.vector_store %arg11[%parallel_loop3A_278, %parallel_loop3A_279], %parallel_loop3A_275 {strides = array<i32>} : memref<80x32xf32, #tpu.memory_space<vmem>>, vector<16xf32>,
      %parallel_loop3A_281 = arith.constant 4 : i32
      %parallel_loop3A_282 = arith.addi %parallel_loop3A_162, %parallel_loop3A_281 : i32
      %parallel_loop3A_283 = arith.index_cast %parallel_loop3A_282 : i32 to index
      %parallel_loop3A_284 = arith.constant 16 : index
      %parallel_loop3A_285 = tpu.vector_load %arg11[%parallel_loop3A_283, %parallel_loop3A_284] {strides = array<i32>} : memref<80x32xf32, #tpu.memory_space<vmem>>, vector<16xf32>,
      %parallel_loop3A_286 = vector.broadcast %parallel_loop3A_268 : f32 to vector<16xf32>
      %parallel_loop3A_287 = arith.mulf %parallel_loop3A_285, %parallel_loop3A_286 : vector<16xf32>
      %parallel_loop3A_288 = arith.constant 4 : i32
      %parallel_loop3A_289 = arith.addi %parallel_loop3A_162, %parallel_loop3A_288 : i32
      %parallel_loop3A_290 = arith.index_cast %parallel_loop3A_289 : i32 to index
      %parallel_loop3A_291 = arith.constant 16 : index
      %parallel_loop3A_292 = tpu.vector_load %arg11[%parallel_loop3A_290, %parallel_loop3A_291] {strides = array<i32>} : memref<80x32xf32, #tpu.memory_space<vmem>>, vector<16xf32>,
      tpu.vector_store %arg11[%parallel_loop3A_290, %parallel_loop3A_291], %parallel_loop3A_287 {strides = array<i32>} : memref<80x32xf32, #tpu.memory_space<vmem>>, vector<16xf32>,
      %parallel_loop3A_293 = vector.extract_strided_slice %parallel_loop3A_160 {offsets = [5], sizes = [1], strides = [1]} : vector<16xf32> to vector<1xf32>
      %parallel_loop3A_294 = vector.extract %parallel_loop3A_293[0] : f32 from vector<1xf32>
      %parallel_loop3A_295 = arith.constant 5 : i32
      %parallel_loop3A_296 = arith.addi %parallel_loop3A_162, %parallel_loop3A_295 : i32
      %parallel_loop3A_297 = arith.index_cast %parallel_loop3A_296 : i32 to index
      %parallel_loop3A_298 = arith.constant 0 : index
      %parallel_loop3A_299 = tpu.vector_load %arg11[%parallel_loop3A_297, %parallel_loop3A_298] {strides = array<i32>} : memref<80x32xf32, #tpu.memory_space<vmem>>, vector<16xf32>,
      %parallel_loop3A_300 = vector.broadcast %parallel_loop3A_294 : f32 to vector<16xf32>
      %parallel_loop3A_301 = arith.mulf %parallel_loop3A_299, %parallel_loop3A_300 : vector<16xf32>
      %parallel_loop3A_302 = arith.constant 5 : i32
      %parallel_loop3A_303 = arith.addi %parallel_loop3A_162, %parallel_loop3A_302 : i32
      %parallel_loop3A_304 = arith.index_cast %parallel_loop3A_303 : i32 to index
      %parallel_loop3A_305 = arith.constant 0 : index
      %parallel_loop3A_306 = tpu.vector_load %arg11[%parallel_loop3A_304, %parallel_loop3A_305] {strides = array<i32>} : memref<80x32xf32, #tpu.memory_space<vmem>>, vector<16xf32>,
      tpu.vector_store %arg11[%parallel_loop3A_304, %parallel_loop3A_305], %parallel_loop3A_301 {strides = array<i32>} : memref<80x32xf32, #tpu.memory_space<vmem>>, vector<16xf32>,
      %parallel_loop3A_307 = arith.constant 5 : i32
      %parallel_loop3A_308 = arith.addi %parallel_loop3A_162, %parallel_loop3A_307 : i32
      %parallel_loop3A_309 = arith.index_cast %parallel_loop3A_308 : i32 to index
      %parallel_loop3A_310 = arith.constant 16 : index
      %parallel_loop3A_311 = tpu.vector_load %arg11[%parallel_loop3A_309, %parallel_loop3A_310] {strides = array<i32>} : memref<80x32xf32, #tpu.memory_space<vmem>>, vector<16xf32>,
      %parallel_loop3A_312 = vector.broadcast %parallel_loop3A_294 : f32 to vector<16xf32>
      %parallel_loop3A_313 = arith.mulf %parallel_loop3A_311, %parallel_loop3A_312 : vector<16xf32>
      %parallel_loop3A_314 = arith.constant 5 : i32
      %parallel_loop3A_315 = arith.addi %parallel_loop3A_162, %parallel_loop3A_314 : i32
      %parallel_loop3A_316 = arith.index_cast %parallel_loop3A_315 : i32 to index
      %parallel_loop3A_317 = arith.constant 16 : index
      %parallel_loop3A_318 = tpu.vector_load %arg11[%parallel_loop3A_316, %parallel_loop3A_317] {strides = array<i32>} : memref<80x32xf32, #tpu.memory_space<vmem>>, vector<16xf32>,
      tpu.vector_store %arg11[%parallel_loop3A_316, %parallel_loop3A_317], %parallel_loop3A_313 {strides = array<i32>} : memref<80x32xf32, #tpu.memory_space<vmem>>, vector<16xf32>,
      %parallel_loop3A_319 = vector.extract_strided_slice %parallel_loop3A_160 {offsets = [6], sizes = [1], strides = [1]} : vector<16xf32> to vector<1xf32>
      %parallel_loop3A_320 = vector.extract %parallel_loop3A_319[0] : f32 from vector<1xf32>
      %parallel_loop3A_321 = arith.constant 6 : i32
      %parallel_loop3A_322 = arith.addi %parallel_loop3A_162, %parallel_loop3A_321 : i32
      %parallel_loop3A_323 = arith.index_cast %parallel_loop3A_322 : i32 to index
      %parallel_loop3A_324 = arith.constant 0 : index
      %parallel_loop3A_325 = tpu.vector_load %arg11[%parallel_loop3A_323, %parallel_loop3A_324] {strides = array<i32>} : memref<80x32xf32, #tpu.memory_space<vmem>>, vector<16xf32>,
      %parallel_loop3A_326 = vector.broadcast %parallel_loop3A_320 : f32 to vector<16xf32>
      %parallel_loop3A_327 = arith.mulf %parallel_loop3A_325, %parallel_loop3A_326 : vector<16xf32>
      %parallel_loop3A_328 = arith.constant 6 : i32
      %parallel_loop3A_329 = arith.addi %parallel_loop3A_162, %parallel_loop3A_328 : i32
      %parallel_loop3A_330 = arith.index_cast %parallel_loop3A_329 : i32 to index
      %parallel_loop3A_331 = arith.constant 0 : index
      %parallel_loop3A_332 = tpu.vector_load %arg11[%parallel_loop3A_330, %parallel_loop3A_331] {strides = array<i32>} : memref<80x32xf32, #tpu.memory_space<vmem>>, vector<16xf32>,
      tpu.vector_store %arg11[%parallel_loop3A_330, %parallel_loop3A_331], %parallel_loop3A_327 {strides = array<i32>} : memref<80x32xf32, #tpu.memory_space<vmem>>, vector<16xf32>,
      %parallel_loop3A_333 = arith.constant 6 : i32
      %parallel_loop3A_334 = arith.addi %parallel_loop3A_162, %parallel_loop3A_333 : i32
      %parallel_loop3A_335 = arith.index_cast %parallel_loop3A_334 : i32 to index
      %parallel_loop3A_336 = arith.constant 16 : index
      %parallel_loop3A_337 = tpu.vector_load %arg11[%parallel_loop3A_335, %parallel_loop3A_336] {strides = array<i32>} : memref<80x32xf32, #tpu.memory_space<vmem>>, vector<16xf32>,
      %parallel_loop3A_338 = vector.broadcast %parallel_loop3A_320 : f32 to vector<16xf32>
      %parallel_loop3A_339 = arith.mulf %parallel_loop3A_337, %parallel_loop3A_338 : vector<16xf32>
      %parallel_loop3A_340 = arith.constant 6 : i32
      %parallel_loop3A_341 = arith.addi %parallel_loop3A_162, %parallel_loop3A_340 : i32
      %parallel_loop3A_342 = arith.index_cast %parallel_loop3A_341 : i32 to index
      %parallel_loop3A_343 = arith.constant 16 : index
      %parallel_loop3A_344 = tpu.vector_load %arg11[%parallel_loop3A_342, %parallel_loop3A_343] {strides = array<i32>} : memref<80x32xf32, #tpu.memory_space<vmem>>, vector<16xf32>,
      tpu.vector_store %arg11[%parallel_loop3A_342, %parallel_loop3A_343], %parallel_loop3A_339 {strides = array<i32>} : memref<80x32xf32, #tpu.memory_space<vmem>>, vector<16xf32>,
      %parallel_loop3A_345 = vector.extract_strided_slice %parallel_loop3A_160 {offsets = [7], sizes = [1], strides = [1]} : vector<16xf32> to vector<1xf32>
      %parallel_loop3A_346 = vector.extract %parallel_loop3A_345[0] : f32 from vector<1xf32>
      %parallel_loop3A_347 = arith.constant 7 : i32
      %parallel_loop3A_348 = arith.addi %parallel_loop3A_162, %parallel_loop3A_347 : i32
      %parallel_loop3A_349 = arith.index_cast %parallel_loop3A_348 : i32 to index
      %parallel_loop3A_350 = arith.constant 0 : index
      %parallel_loop3A_351 = tpu.vector_load %arg11[%parallel_loop3A_349, %parallel_loop3A_350] {strides = array<i32>} : memref<80x32xf32, #tpu.memory_space<vmem>>, vector<16xf32>,
      %parallel_loop3A_352 = vector.broadcast %parallel_loop3A_346 : f32 to vector<16xf32>
      %parallel_loop3A_353 = arith.mulf %parallel_loop3A_351, %parallel_loop3A_352 : vector<16xf32>
      %parallel_loop3A_354 = arith.constant 7 : i32
      %parallel_loop3A_355 = arith.addi %parallel_loop3A_162, %parallel_loop3A_354 : i32
      %parallel_loop3A_356 = arith.index_cast %parallel_loop3A_355 : i32 to index
      %parallel_loop3A_357 = arith.constant 0 : index
      %parallel_loop3A_358 = tpu.vector_load %arg11[%parallel_loop3A_356, %parallel_loop3A_357] {strides = array<i32>} : memref<80x32xf32, #tpu.memory_space<vmem>>, vector<16xf32>,
      tpu.vector_store %arg11[%parallel_loop3A_356, %parallel_loop3A_357], %parallel_loop3A_353 {strides = array<i32>} : memref<80x32xf32, #tpu.memory_space<vmem>>, vector<16xf32>,
      %parallel_loop3A_359 = arith.constant 7 : i32
      %parallel_loop3A_360 = arith.addi %parallel_loop3A_162, %parallel_loop3A_359 : i32
      %parallel_loop3A_361 = arith.index_cast %parallel_loop3A_360 : i32 to index
      %parallel_loop3A_362 = arith.constant 16 : index
      %parallel_loop3A_363 = tpu.vector_load %arg11[%parallel_loop3A_361, %parallel_loop3A_362] {strides = array<i32>} : memref<80x32xf32, #tpu.memory_space<vmem>>, vector<16xf32>,
      %parallel_loop3A_364 = vector.broadcast %parallel_loop3A_346 : f32 to vector<16xf32>
      %parallel_loop3A_365 = arith.mulf %parallel_loop3A_363, %parallel_loop3A_364 : vector<16xf32>
      %parallel_loop3A_366 = arith.constant 7 : i32
      %parallel_loop3A_367 = arith.addi %parallel_loop3A_162, %parallel_loop3A_366 : i32
      %parallel_loop3A_368 = arith.index_cast %parallel_loop3A_367 : i32 to index
      %parallel_loop3A_369 = arith.constant 16 : index
      %parallel_loop3A_370 = tpu.vector_load %arg11[%parallel_loop3A_368, %parallel_loop3A_369] {strides = array<i32>} : memref<80x32xf32, #tpu.memory_space<vmem>>, vector<16xf32>,
      tpu.vector_store %arg11[%parallel_loop3A_368, %parallel_loop3A_369], %parallel_loop3A_365 {strides = array<i32>} : memref<80x32xf32, #tpu.memory_space<vmem>>, vector<16xf32>,
      %parallel_loop3A_371 = vector.extract_strided_slice %parallel_loop3A_160 {offsets = [8], sizes = [1], strides = [1]} : vector<16xf32> to vector<1xf32>
      %parallel_loop3A_372 = vector.extract %parallel_loop3A_371[0] : f32 from vector<1xf32>
      %parallel_loop3A_373 = arith.constant 8 : i32
      %parallel_loop3A_374 = arith.addi %parallel_loop3A_162, %parallel_loop3A_373 : i32
      %parallel_loop3A_375 = arith.index_cast %parallel_loop3A_374 : i32 to index
      %parallel_loop3A_376 = arith.constant 0 : index
      %parallel_loop3A_377 = tpu.vector_load %arg11[%parallel_loop3A_375, %parallel_loop3A_376] {strides = array<i32>} : memref<80x32xf32, #tpu.memory_space<vmem>>, vector<16xf32>,
      %parallel_loop3A_378 = vector.broadcast %parallel_loop3A_372 : f32 to vector<16xf32>
      %parallel_loop3A_379 = arith.mulf %parallel_loop3A_377, %parallel_loop3A_378 : vector<16xf32>
      %parallel_loop3A_380 = arith.constant 8 : i32
      %parallel_loop3A_381 = arith.addi %parallel_loop3A_162, %parallel_loop3A_380 : i32
      %parallel_loop3A_382 = arith.index_cast %parallel_loop3A_381 : i32 to index
      %parallel_loop3A_383 = arith.constant 0 : index
      %parallel_loop3A_384 = tpu.vector_load %arg11[%parallel_loop3A_382, %parallel_loop3A_383] {strides = array<i32>} : memref<80x32xf32, #tpu.memory_space<vmem>>, vector<16xf32>,
      tpu.vector_store %arg11[%parallel_loop3A_382, %parallel_loop3A_383], %parallel_loop3A_379 {strides = array<i32>} : memref<80x32xf32, #tpu.memory_space<vmem>>, vector<16xf32>,
      %parallel_loop3A_385 = arith.constant 8 : i32
      %parallel_loop3A_386 = arith.addi %parallel_loop3A_162, %parallel_loop3A_385 : i32
      %parallel_loop3A_387 = arith.index_cast %parallel_loop3A_386 : i32 to index
      %parallel_loop3A_388 = arith.constant 16 : index
      %parallel_loop3A_389 = tpu.vector_load %arg11[%parallel_loop3A_387, %parallel_loop3A_388] {strides = array<i32>} : memref<80x32xf32, #tpu.memory_space<vmem>>, vector<16xf32>,
      %parallel_loop3A_390 = vector.broadcast %parallel_loop3A_372 : f32 to vector<16xf32>
      %parallel_loop3A_391 = arith.mulf %parallel_loop3A_389, %parallel_loop3A_390 : vector<16xf32>
      %parallel_loop3A_392 = arith.constant 8 : i32
      %parallel_loop3A_393 = arith.addi %parallel_loop3A_162, %parallel_loop3A_392 : i32
      %parallel_loop3A_394 = arith.index_cast %parallel_loop3A_393 : i32 to index
      %parallel_loop3A_395 = arith.constant 16 : index
      %parallel_loop3A_396 = tpu.vector_load %arg11[%parallel_loop3A_394, %parallel_loop3A_395] {strides = array<i32>} : memref<80x32xf32, #tpu.memory_space<vmem>>, vector<16xf32>,
      tpu.vector_store %arg11[%parallel_loop3A_394, %parallel_loop3A_395], %parallel_loop3A_391 {strides = array<i32>} : memref<80x32xf32, #tpu.memory_space<vmem>>, vector<16xf32>,
      %parallel_loop3A_397 = vector.extract_strided_slice %parallel_loop3A_160 {offsets = [9], sizes = [1], strides = [1]} : vector<16xf32> to vector<1xf32>
      %parallel_loop3A_398 = vector.extract %parallel_loop3A_397[0] : f32 from vector<1xf32>
      %parallel_loop3A_399 = arith.constant 9 : i32
      %parallel_loop3A_400 = arith.addi %parallel_loop3A_162, %parallel_loop3A_399 : i32
      %parallel_loop3A_401 = arith.index_cast %parallel_loop3A_400 : i32 to index
      %parallel_loop3A_402 = arith.constant 0 : index
      %parallel_loop3A_403 = tpu.vector_load %arg11[%parallel_loop3A_401, %parallel_loop3A_402] {strides = array<i32>} : memref<80x32xf32, #tpu.memory_space<vmem>>, vector<16xf32>,
      %parallel_loop3A_404 = vector.broadcast %parallel_loop3A_398 : f32 to vector<16xf32>
      %parallel_loop3A_405 = arith.mulf %parallel_loop3A_403, %parallel_loop3A_404 : vector<16xf32>
      %parallel_loop3A_406 = arith.constant 9 : i32
      %parallel_loop3A_407 = arith.addi %parallel_loop3A_162, %parallel_loop3A_406 : i32
      %parallel_loop3A_408 = arith.index_cast %parallel_loop3A_407 : i32 to index
      %parallel_loop3A_409 = arith.constant 0 : index
      %parallel_loop3A_410 = tpu.vector_load %arg11[%parallel_loop3A_408, %parallel_loop3A_409] {strides = array<i32>} : memref<80x32xf32, #tpu.memory_space<vmem>>, vector<16xf32>,
      tpu.vector_store %arg11[%parallel_loop3A_408, %parallel_loop3A_409], %parallel_loop3A_405 {strides = array<i32>} : memref<80x32xf32, #tpu.memory_space<vmem>>, vector<16xf32>,
      %parallel_loop3A_411 = arith.constant 9 : i32
      %parallel_loop3A_412 = arith.addi %parallel_loop3A_162, %parallel_loop3A_411 : i32
      %parallel_loop3A_413 = arith.index_cast %parallel_loop3A_412 : i32 to index
      %parallel_loop3A_414 = arith.constant 16 : index
      %parallel_loop3A_415 = tpu.vector_load %arg11[%parallel_loop3A_413, %parallel_loop3A_414] {strides = array<i32>} : memref<80x32xf32, #tpu.memory_space<vmem>>, vector<16xf32>,
      %parallel_loop3A_416 = vector.broadcast %parallel_loop3A_398 : f32 to vector<16xf32>
      %parallel_loop3A_417 = arith.mulf %parallel_loop3A_415, %parallel_loop3A_416 : vector<16xf32>
      %parallel_loop3A_418 = arith.constant 9 : i32
      %parallel_loop3A_419 = arith.addi %parallel_loop3A_162, %parallel_loop3A_418 : i32
      %parallel_loop3A_420 = arith.index_cast %parallel_loop3A_419 : i32 to index
      %parallel_loop3A_421 = arith.constant 16 : index
      %parallel_loop3A_422 = tpu.vector_load %arg11[%parallel_loop3A_420, %parallel_loop3A_421] {strides = array<i32>} : memref<80x32xf32, #tpu.memory_space<vmem>>, vector<16xf32>,
      tpu.vector_store %arg11[%parallel_loop3A_420, %parallel_loop3A_421], %parallel_loop3A_417 {strides = array<i32>} : memref<80x32xf32, #tpu.memory_space<vmem>>, vector<16xf32>,
      %parallel_loop3A_423 = vector.extract_strided_slice %parallel_loop3A_160 {offsets = [10], sizes = [1], strides = [1]} : vector<16xf32> to vector<1xf32>
      %parallel_loop3A_424 = vector.extract %parallel_loop3A_423[0] : f32 from vector<1xf32>
      %parallel_loop3A_425 = arith.constant 10 : i32
      %parallel_loop3A_426 = arith.addi %parallel_loop3A_162, %parallel_loop3A_425 : i32
      %parallel_loop3A_427 = arith.index_cast %parallel_loop3A_426 : i32 to index
      %parallel_loop3A_428 = arith.constant 0 : index
      %parallel_loop3A_429 = tpu.vector_load %arg11[%parallel_loop3A_427, %parallel_loop3A_428] {strides = array<i32>} : memref<80x32xf32, #tpu.memory_space<vmem>>, vector<16xf32>,
      %parallel_loop3A_430 = vector.broadcast %parallel_loop3A_424 : f32 to vector<16xf32>
      %parallel_loop3A_431 = arith.mulf %parallel_loop3A_429, %parallel_loop3A_430 : vector<16xf32>
      %parallel_loop3A_432 = arith.constant 10 : i32
      %parallel_loop3A_433 = arith.addi %parallel_loop3A_162, %parallel_loop3A_432 : i32
      %parallel_loop3A_434 = arith.index_cast %parallel_loop3A_433 : i32 to index
      %parallel_loop3A_435 = arith.constant 0 : index
      %parallel_loop3A_436 = tpu.vector_load %arg11[%parallel_loop3A_434, %parallel_loop3A_435] {strides = array<i32>} : memref<80x32xf32, #tpu.memory_space<vmem>>, vector<16xf32>,
      tpu.vector_store %arg11[%parallel_loop3A_434, %parallel_loop3A_435], %parallel_loop3A_431 {strides = array<i32>} : memref<80x32xf32, #tpu.memory_space<vmem>>, vector<16xf32>,
      %parallel_loop3A_437 = arith.constant 10 : i32
      %parallel_loop3A_438 = arith.addi %parallel_loop3A_162, %parallel_loop3A_437 : i32
      %parallel_loop3A_439 = arith.index_cast %parallel_loop3A_438 : i32 to index
      %parallel_loop3A_440 = arith.constant 16 : index
      %parallel_loop3A_441 = tpu.vector_load %arg11[%parallel_loop3A_439, %parallel_loop3A_440] {strides = array<i32>} : memref<80x32xf32, #tpu.memory_space<vmem>>, vector<16xf32>,
      %parallel_loop3A_442 = vector.broadcast %parallel_loop3A_424 : f32 to vector<16xf32>
      %parallel_loop3A_443 = arith.mulf %parallel_loop3A_441, %parallel_loop3A_442 : vector<16xf32>
      %parallel_loop3A_444 = arith.constant 10 : i32
      %parallel_loop3A_445 = arith.addi %parallel_loop3A_162, %parallel_loop3A_444 : i32
      %parallel_loop3A_446 = arith.index_cast %parallel_loop3A_445 : i32 to index
      %parallel_loop3A_447 = arith.constant 16 : index
      %parallel_loop3A_448 = tpu.vector_load %arg11[%parallel_loop3A_446, %parallel_loop3A_447] {strides = array<i32>} : memref<80x32xf32, #tpu.memory_space<vmem>>, vector<16xf32>,
      tpu.vector_store %arg11[%parallel_loop3A_446, %parallel_loop3A_447], %parallel_loop3A_443 {strides = array<i32>} : memref<80x32xf32, #tpu.memory_space<vmem>>, vector<16xf32>,
      %parallel_loop3A_449 = vector.extract_strided_slice %parallel_loop3A_160 {offsets = [11], sizes = [1], strides = [1]} : vector<16xf32> to vector<1xf32>
      %parallel_loop3A_450 = vector.extract %parallel_loop3A_449[0] : f32 from vector<1xf32>
      %parallel_loop3A_451 = arith.constant 11 : i32
      %parallel_loop3A_452 = arith.addi %parallel_loop3A_162, %parallel_loop3A_451 : i32
      %parallel_loop3A_453 = arith.index_cast %parallel_loop3A_452 : i32 to index
      %parallel_loop3A_454 = arith.constant 0 : index
      %parallel_loop3A_455 = tpu.vector_load %arg11[%parallel_loop3A_453, %parallel_loop3A_454] {strides = array<i32>} : memref<80x32xf32, #tpu.memory_space<vmem>>, vector<16xf32>,
      %parallel_loop3A_456 = vector.broadcast %parallel_loop3A_450 : f32 to vector<16xf32>
      %parallel_loop3A_457 = arith.mulf %parallel_loop3A_455, %parallel_loop3A_456 : vector<16xf32>
      %parallel_loop3A_458 = arith.constant 11 : i32
      %parallel_loop3A_459 = arith.addi %parallel_loop3A_162, %parallel_loop3A_458 : i32
      %parallel_loop3A_460 = arith.index_cast %parallel_loop3A_459 : i32 to index
      %parallel_loop3A_461 = arith.constant 0 : index
      %parallel_loop3A_462 = tpu.vector_load %arg11[%parallel_loop3A_460, %parallel_loop3A_461] {strides = array<i32>} : memref<80x32xf32, #tpu.memory_space<vmem>>, vector<16xf32>,
      tpu.vector_store %arg11[%parallel_loop3A_460, %parallel_loop3A_461], %parallel_loop3A_457 {strides = array<i32>} : memref<80x32xf32, #tpu.memory_space<vmem>>, vector<16xf32>,
      %parallel_loop3A_463 = arith.constant 11 : i32
      %parallel_loop3A_464 = arith.addi %parallel_loop3A_162, %parallel_loop3A_463 : i32
      %parallel_loop3A_465 = arith.index_cast %parallel_loop3A_464 : i32 to index
      %parallel_loop3A_466 = arith.constant 16 : index
      %parallel_loop3A_467 = tpu.vector_load %arg11[%parallel_loop3A_465, %parallel_loop3A_466] {strides = array<i32>} : memref<80x32xf32, #tpu.memory_space<vmem>>, vector<16xf32>,
      %parallel_loop3A_468 = vector.broadcast %parallel_loop3A_450 : f32 to vector<16xf32>
      %parallel_loop3A_469 = arith.mulf %parallel_loop3A_467, %parallel_loop3A_468 : vector<16xf32>
      %parallel_loop3A_470 = arith.constant 11 : i32
      %parallel_loop3A_471 = arith.addi %parallel_loop3A_162, %parallel_loop3A_470 : i32
      %parallel_loop3A_472 = arith.index_cast %parallel_loop3A_471 : i32 to index
      %parallel_loop3A_473 = arith.constant 16 : index
      %parallel_loop3A_474 = tpu.vector_load %arg11[%parallel_loop3A_472, %parallel_loop3A_473] {strides = array<i32>} : memref<80x32xf32, #tpu.memory_space<vmem>>, vector<16xf32>,
      tpu.vector_store %arg11[%parallel_loop3A_472, %parallel_loop3A_473], %parallel_loop3A_469 {strides = array<i32>} : memref<80x32xf32, #tpu.memory_space<vmem>>, vector<16xf32>,
      %parallel_loop3A_475 = vector.extract_strided_slice %parallel_loop3A_160 {offsets = [12], sizes = [1], strides = [1]} : vector<16xf32> to vector<1xf32>
      %parallel_loop3A_476 = vector.extract %parallel_loop3A_475[0] : f32 from vector<1xf32>
      %parallel_loop3A_477 = arith.constant 12 : i32
      %parallel_loop3A_478 = arith.addi %parallel_loop3A_162, %parallel_loop3A_477 : i32
      %parallel_loop3A_479 = arith.index_cast %parallel_loop3A_478 : i32 to index
      %parallel_loop3A_480 = arith.constant 0 : index
      %parallel_loop3A_481 = tpu.vector_load %arg11[%parallel_loop3A_479, %parallel_loop3A_480] {strides = array<i32>} : memref<80x32xf32, #tpu.memory_space<vmem>>, vector<16xf32>,
      %parallel_loop3A_482 = vector.broadcast %parallel_loop3A_476 : f32 to vector<16xf32>
      %parallel_loop3A_483 = arith.mulf %parallel_loop3A_481, %parallel_loop3A_482 : vector<16xf32>
      %parallel_loop3A_484 = arith.constant 12 : i32
      %parallel_loop3A_485 = arith.addi %parallel_loop3A_162, %parallel_loop3A_484 : i32
      %parallel_loop3A_486 = arith.index_cast %parallel_loop3A_485 : i32 to index
      %parallel_loop3A_487 = arith.constant 0 : index
      %parallel_loop3A_488 = tpu.vector_load %arg11[%parallel_loop3A_486, %parallel_loop3A_487] {strides = array<i32>} : memref<80x32xf32, #tpu.memory_space<vmem>>, vector<16xf32>,
      tpu.vector_store %arg11[%parallel_loop3A_486, %parallel_loop3A_487], %parallel_loop3A_483 {strides = array<i32>} : memref<80x32xf32, #tpu.memory_space<vmem>>, vector<16xf32>,
      %parallel_loop3A_489 = arith.constant 12 : i32
      %parallel_loop3A_490 = arith.addi %parallel_loop3A_162, %parallel_loop3A_489 : i32
      %parallel_loop3A_491 = arith.index_cast %parallel_loop3A_490 : i32 to index
      %parallel_loop3A_492 = arith.constant 16 : index
      %parallel_loop3A_493 = tpu.vector_load %arg11[%parallel_loop3A_491, %parallel_loop3A_492] {strides = array<i32>} : memref<80x32xf32, #tpu.memory_space<vmem>>, vector<16xf32>,
      %parallel_loop3A_494 = vector.broadcast %parallel_loop3A_476 : f32 to vector<16xf32>
      %parallel_loop3A_495 = arith.mulf %parallel_loop3A_493, %parallel_loop3A_494 : vector<16xf32>
      %parallel_loop3A_496 = arith.constant 12 : i32
      %parallel_loop3A_497 = arith.addi %parallel_loop3A_162, %parallel_loop3A_496 : i32
      %parallel_loop3A_498 = arith.index_cast %parallel_loop3A_497 : i32 to index
      %parallel_loop3A_499 = arith.constant 16 : index
      %parallel_loop3A_500 = tpu.vector_load %arg11[%parallel_loop3A_498, %parallel_loop3A_499] {strides = array<i32>} : memref<80x32xf32, #tpu.memory_space<vmem>>, vector<16xf32>,
      tpu.vector_store %arg11[%parallel_loop3A_498, %parallel_loop3A_499], %parallel_loop3A_495 {strides = array<i32>} : memref<80x32xf32, #tpu.memory_space<vmem>>, vector<16xf32>,
      %parallel_loop3A_501 = vector.extract_strided_slice %parallel_loop3A_160 {offsets = [13], sizes = [1], strides = [1]} : vector<16xf32> to vector<1xf32>
      %parallel_loop3A_502 = vector.extract %parallel_loop3A_501[0] : f32 from vector<1xf32>
      %parallel_loop3A_503 = arith.constant 13 : i32
      %parallel_loop3A_504 = arith.addi %parallel_loop3A_162, %parallel_loop3A_503 : i32
      %parallel_loop3A_505 = arith.index_cast %parallel_loop3A_504 : i32 to index
      %parallel_loop3A_506 = arith.constant 0 : index
      %parallel_loop3A_507 = tpu.vector_load %arg11[%parallel_loop3A_505, %parallel_loop3A_506] {strides = array<i32>} : memref<80x32xf32, #tpu.memory_space<vmem>>, vector<16xf32>,
      %parallel_loop3A_508 = vector.broadcast %parallel_loop3A_502 : f32 to vector<16xf32>
      %parallel_loop3A_509 = arith.mulf %parallel_loop3A_507, %parallel_loop3A_508 : vector<16xf32>
      %parallel_loop3A_510 = arith.constant 13 : i32
      %parallel_loop3A_511 = arith.addi %parallel_loop3A_162, %parallel_loop3A_510 : i32
      %parallel_loop3A_512 = arith.index_cast %parallel_loop3A_511 : i32 to index
      %parallel_loop3A_513 = arith.constant 0 : index
      %parallel_loop3A_514 = tpu.vector_load %arg11[%parallel_loop3A_512, %parallel_loop3A_513] {strides = array<i32>} : memref<80x32xf32, #tpu.memory_space<vmem>>, vector<16xf32>,
      tpu.vector_store %arg11[%parallel_loop3A_512, %parallel_loop3A_513], %parallel_loop3A_509 {strides = array<i32>} : memref<80x32xf32, #tpu.memory_space<vmem>>, vector<16xf32>,
      %parallel_loop3A_515 = arith.constant 13 : i32
      %parallel_loop3A_516 = arith.addi %parallel_loop3A_162, %parallel_loop3A_515 : i32
      %parallel_loop3A_517 = arith.index_cast %parallel_loop3A_516 : i32 to index
      %parallel_loop3A_518 = arith.constant 16 : index
      %parallel_loop3A_519 = tpu.vector_load %arg11[%parallel_loop3A_517, %parallel_loop3A_518] {strides = array<i32>} : memref<80x32xf32, #tpu.memory_space<vmem>>, vector<16xf32>,
      %parallel_loop3A_520 = vector.broadcast %parallel_loop3A_502 : f32 to vector<16xf32>
      %parallel_loop3A_521 = arith.mulf %parallel_loop3A_519, %parallel_loop3A_520 : vector<16xf32>
      %parallel_loop3A_522 = arith.constant 13 : i32
      %parallel_loop3A_523 = arith.addi %parallel_loop3A_162, %parallel_loop3A_522 : i32
      %parallel_loop3A_524 = arith.index_cast %parallel_loop3A_523 : i32 to index
      %parallel_loop3A_525 = arith.constant 16 : index
      %parallel_loop3A_526 = tpu.vector_load %arg11[%parallel_loop3A_524, %parallel_loop3A_525] {strides = array<i32>} : memref<80x32xf32, #tpu.memory_space<vmem>>, vector<16xf32>,
      tpu.vector_store %arg11[%parallel_loop3A_524, %parallel_loop3A_525], %parallel_loop3A_521 {strides = array<i32>} : memref<80x32xf32, #tpu.memory_space<vmem>>, vector<16xf32>,
      %parallel_loop3A_527 = vector.extract_strided_slice %parallel_loop3A_160 {offsets = [14], sizes = [1], strides = [1]} : vector<16xf32> to vector<1xf32>
      %parallel_loop3A_528 = vector.extract %parallel_loop3A_527[0] : f32 from vector<1xf32>
      %parallel_loop3A_529 = arith.constant 14 : i32
      %parallel_loop3A_530 = arith.addi %parallel_loop3A_162, %parallel_loop3A_529 : i32
      %parallel_loop3A_531 = arith.index_cast %parallel_loop3A_530 : i32 to index
      %parallel_loop3A_532 = arith.constant 0 : index
      %parallel_loop3A_533 = tpu.vector_load %arg11[%parallel_loop3A_531, %parallel_loop3A_532] {strides = array<i32>} : memref<80x32xf32, #tpu.memory_space<vmem>>, vector<16xf32>,
      %parallel_loop3A_534 = vector.broadcast %parallel_loop3A_528 : f32 to vector<16xf32>
      %parallel_loop3A_535 = arith.mulf %parallel_loop3A_533, %parallel_loop3A_534 : vector<16xf32>
      %parallel_loop3A_536 = arith.constant 14 : i32
      %parallel_loop3A_537 = arith.addi %parallel_loop3A_162, %parallel_loop3A_536 : i32
      %parallel_loop3A_538 = arith.index_cast %parallel_loop3A_537 : i32 to index
      %parallel_loop3A_539 = arith.constant 0 : index
      %parallel_loop3A_540 = tpu.vector_load %arg11[%parallel_loop3A_538, %parallel_loop3A_539] {strides = array<i32>} : memref<80x32xf32, #tpu.memory_space<vmem>>, vector<16xf32>,
      tpu.vector_store %arg11[%parallel_loop3A_538, %parallel_loop3A_539], %parallel_loop3A_535 {strides = array<i32>} : memref<80x32xf32, #tpu.memory_space<vmem>>, vector<16xf32>,
      %parallel_loop3A_541 = arith.constant 14 : i32
      %parallel_loop3A_542 = arith.addi %parallel_loop3A_162, %parallel_loop3A_541 : i32
      %parallel_loop3A_543 = arith.index_cast %parallel_loop3A_542 : i32 to index
      %parallel_loop3A_544 = arith.constant 16 : index
      %parallel_loop3A_545 = tpu.vector_load %arg11[%parallel_loop3A_543, %parallel_loop3A_544] {strides = array<i32>} : memref<80x32xf32, #tpu.memory_space<vmem>>, vector<16xf32>,
      %parallel_loop3A_546 = vector.broadcast %parallel_loop3A_528 : f32 to vector<16xf32>
      %parallel_loop3A_547 = arith.mulf %parallel_loop3A_545, %parallel_loop3A_546 : vector<16xf32>
      %parallel_loop3A_548 = arith.constant 14 : i32
      %parallel_loop3A_549 = arith.addi %parallel_loop3A_162, %parallel_loop3A_548 : i32
      %parallel_loop3A_550 = arith.index_cast %parallel_loop3A_549 : i32 to index
      %parallel_loop3A_551 = arith.constant 16 : index
      %parallel_loop3A_552 = tpu.vector_load %arg11[%parallel_loop3A_550, %parallel_loop3A_551] {strides = array<i32>} : memref<80x32xf32, #tpu.memory_space<vmem>>, vector<16xf32>,
      tpu.vector_store %arg11[%parallel_loop3A_550, %parallel_loop3A_551], %parallel_loop3A_547 {strides = array<i32>} : memref<80x32xf32, #tpu.memory_space<vmem>>, vector<16xf32>,
      %parallel_loop3A_553 = vector.extract_strided_slice %parallel_loop3A_160 {offsets = [15], sizes = [1], strides = [1]} : vector<16xf32> to vector<1xf32>
      %parallel_loop3A_554 = vector.extract %parallel_loop3A_553[0] : f32 from vector<1xf32>
      %parallel_loop3A_555 = arith.constant 15 : i32
      %parallel_loop3A_556 = arith.addi %parallel_loop3A_162, %parallel_loop3A_555 : i32
      %parallel_loop3A_557 = arith.index_cast %parallel_loop3A_556 : i32 to index
      %parallel_loop3A_558 = arith.constant 0 : index
      %parallel_loop3A_559 = tpu.vector_load %arg11[%parallel_loop3A_557, %parallel_loop3A_558] {strides = array<i32>} : memref<80x32xf32, #tpu.memory_space<vmem>>, vector<16xf32>,
      %parallel_loop3A_560 = vector.broadcast %parallel_loop3A_554 : f32 to vector<16xf32>
      %parallel_loop3A_561 = arith.mulf %parallel_loop3A_559, %parallel_loop3A_560 : vector<16xf32>
      %parallel_loop3A_562 = arith.constant 15 : i32
      %parallel_loop3A_563 = arith.addi %parallel_loop3A_162, %parallel_loop3A_562 : i32
      %parallel_loop3A_564 = arith.index_cast %parallel_loop3A_563 : i32 to index
      %parallel_loop3A_565 = arith.constant 0 : index
      %parallel_loop3A_566 = tpu.vector_load %arg11[%parallel_loop3A_564, %parallel_loop3A_565] {strides = array<i32>} : memref<80x32xf32, #tpu.memory_space<vmem>>, vector<16xf32>,
      tpu.vector_store %arg11[%parallel_loop3A_564, %parallel_loop3A_565], %parallel_loop3A_561 {strides = array<i32>} : memref<80x32xf32, #tpu.memory_space<vmem>>, vector<16xf32>,
      %parallel_loop3A_567 = arith.constant 15 : i32
      %parallel_loop3A_568 = arith.addi %parallel_loop3A_162, %parallel_loop3A_567 : i32
      %parallel_loop3A_569 = arith.index_cast %parallel_loop3A_568 : i32 to index
      %parallel_loop3A_570 = arith.constant 16 : index
      %parallel_loop3A_571 = tpu.vector_load %arg11[%parallel_loop3A_569, %parallel_loop3A_570] {strides = array<i32>} : memref<80x32xf32, #tpu.memory_space<vmem>>, vector<16xf32>,
      %parallel_loop3A_572 = vector.broadcast %parallel_loop3A_554 : f32 to vector<16xf32>
      %parallel_loop3A_573 = arith.mulf %parallel_loop3A_571, %parallel_loop3A_572 : vector<16xf32>
      %parallel_loop3A_574 = arith.constant 15 : i32
      %parallel_loop3A_575 = arith.addi %parallel_loop3A_162, %parallel_loop3A_574 : i32
      %parallel_loop3A_576 = arith.index_cast %parallel_loop3A_575 : i32 to index
      %parallel_loop3A_577 = arith.constant 16 : index
      %parallel_loop3A_578 = tpu.vector_load %arg11[%parallel_loop3A_576, %parallel_loop3A_577] {strides = array<i32>} : memref<80x32xf32, #tpu.memory_space<vmem>>, vector<16xf32>,
      tpu.vector_store %arg11[%parallel_loop3A_576, %parallel_loop3A_577], %parallel_loop3A_573 {strides = array<i32>} : memref<80x32xf32, #tpu.memory_space<vmem>>, vector<16xf32>,
    } {sc.loop_unroll_factor = 1 : i64, sc.parallel_access}
    %dma_start3A_125 = arith.constant 124 : i32
    %dma_start3A_126 = arith.constant 0 : i32
    %dma_start3A_127 = tpu.memref_slice %arg9[%dma_start3A_125, %dma_start3A_126] : memref<125x80xi32, #tpu.memory_space<vmem>> -> memref<1x80xi32, #tpu.memory_space<vmem>>
    %dma_start3A_128 = tpu.memref_squeeze %dma_start3A_127 : memref<1x80xi32, #tpu.memory_space<vmem>> -> memref<80xi32, #tpu.memory_space<vmem>>
    %dma_start3A_129 = arith.constant 0 : i32
    %dma_start3A_130 = arith.constant 0 : i32
    %dma_start3A_131 = tpu.memref_slice %arg15[%dma_start3A_129, %dma_start3A_130] : memref<10112x32xf32, #tpu.memory_space<vmem_shared>> -> memref<10112x32xf32, #tpu.memory_space<vmem_shared>>
    tpu.enqueue_indirect_dma source(%arg11 : memref<80x32xf32, #tpu.memory_space<vmem>>) target(%dma_start3A_131 : memref<10112x32xf32, #tpu.memory_space<vmem_shared>>) offsets(%dma_start3A_128 : memref<80xi32, #tpu.memory_space<vmem>>) semaphore(%arg18 : memref<!tpu.dma_semaphore, #tpu.memory_space<semaphore_mem>>) {add = true}
    %dma_wait3A_132 = arith.constant 123 : i32
    %dma_wait3A_133 = arith.constant 0 : i32
    %dma_wait3A_134 = tpu.memref_slice %arg9[%dma_wait3A_132, %dma_wait3A_133] : memref<125x80xi32, #tpu.memory_space<vmem>> -> memref<1x80xi32, #tpu.memory_space<vmem>>
    %dma_wait3A_135 = tpu.memref_squeeze %dma_wait3A_134 : memref<1x80xi32, #tpu.memory_space<vmem>> -> memref<80xi32, #tpu.memory_space<vmem>>
    %dma_wait3A_136 = arith.constant 0 : i32
    %dma_wait3A_137 = arith.constant 0 : i32
    %dma_wait3A_138 = tpu.memref_slice %arg15[%dma_wait3A_136, %dma_wait3A_137] : memref<10112x32xf32, #tpu.memory_space<vmem_shared>> -> memref<10112x32xf32, #tpu.memory_space<vmem_shared>>
    tpu.wait_indirect_dma semaphore(%arg19 : memref<!tpu.dma_semaphore, #tpu.memory_space<semaphore_mem>>) src(%arg12 : memref<80x32xf32, #tpu.memory_space<vmem>>) dst(%dma_wait3A_138 : memref<10112x32xf32, #tpu.memory_space<vmem_shared>>)
    %dma_wait3A_139 = arith.constant 124 : i32
    %dma_wait3A_140 = arith.constant 0 : i32
    %dma_wait3A_141 = tpu.memref_slice %arg9[%dma_wait3A_139, %dma_wait3A_140] : memref<125x80xi32, #tpu.memory_space<vmem>> -> memref<1x80xi32, #tpu.memory_space<vmem>>
    %dma_wait3A_142 = tpu.memref_squeeze %dma_wait3A_141 : memref<1x80xi32, #tpu.memory_space<vmem>> -> memref<80xi32, #tpu.memory_space<vmem>>
    %dma_wait3A_143 = arith.constant 0 : i32
    %dma_wait3A_144 = arith.constant 0 : i32
    %dma_wait3A_145 = tpu.memref_slice %arg15[%dma_wait3A_143, %dma_wait3A_144] : memref<10112x32xf32, #tpu.memory_space<vmem_shared>> -> memref<10112x32xf32, #tpu.memory_space<vmem_shared>>
    tpu.wait_indirect_dma semaphore(%arg18 : memref<!tpu.dma_semaphore, #tpu.memory_space<semaphore_mem>>) src(%arg11 : memref<80x32xf32, #tpu.memory_space<vmem>>) dst(%dma_wait3A_145 : memref<10112x32xf32, #tpu.memory_space<vmem_shared>>)
    %barrier3A_146 = arith.constant 0 : index
    tpu.barrier barrier_id(%barrier3A_146)
    %mul3A_147 = arith.constant 632 : i32
    %mul3A_148 = arith.muli %arg1, %mul3A_147 : i32
    "tpu.region"() ({
      %run_scoped3A = tpu.sem_alloc : memref<!tpu.dma_semaphore, #tpu.memory_space<semaphore_mem>>
      %dma_start3A_151 = arith.constant 0 : i32
      %dma_start3A_152 = tpu.memref_slice %arg15[%mul3A_148, %dma_start3A_151] : memref<10112x32xf32, #tpu.memory_space<vmem_shared>> -> memref<632x32xf32, #tpu.memory_space<vmem_shared>>
      %dma_start3A_153 = arith.constant 0 : i32
      %dma_start3A_154 = tpu.memref_slice %arg15[%mul3A_148, %dma_start3A_153] : memref<10112x32xf32, #tpu.memory_space<vmem_shared>> -> memref<632x32xf32, #tpu.memory_space<vmem_shared>>
      tpu.enqueue_dma source(%dma_start3A_154 : memref<632x32xf32, #tpu.memory_space<vmem_shared>>) target(%arg13 : memref<632x32xf32, #tpu.memory_space<vmem>>) target_semaphore(%run_scoped3A : memref<!tpu.dma_semaphore, #tpu.memory_space<semaphore_mem>>)
      %dma_wait3A_155 = arith.constant 0 : i32
      %dma_wait3A_156 = tpu.memref_slice %arg15[%mul3A_148, %dma_wait3A_155] : memref<10112x32xf32, #tpu.memory_space<vmem_shared>> -> memref<632x32xf32, #tpu.memory_space<vmem_shared>>
      %dma_wait3A_157 = arith.constant 0 : i32
      %dma_wait3A_158 = tpu.memref_slice %arg15[%mul3A_148, %dma_wait3A_157] : memref<10112x32xf32, #tpu.memory_space<vmem_shared>> -> memref<632x32xf32, #tpu.memory_space<vmem_shared>>
      tpu.wait_dma2 semaphore(%run_scoped3A : memref<!tpu.dma_semaphore, #tpu.memory_space<semaphore_mem>>) src(%dma_wait3A_158 : memref<632x32xf32, #tpu.memory_space<vmem_shared>>) dst(%arg13 : memref<632x32xf32, #tpu.memory_space<vmem>>)
      tpu.yield
    }) : () -> ()
    %mul3A_149 = arith.constant 632 : i32
    %mul3A_150 = arith.muli %arg1, %mul3A_149 : i32
    "tpu.region"() ({
      %run_scoped3A = tpu.sem_alloc : memref<!tpu.dma_semaphore, #tpu.memory_space<semaphore_mem>>
      %dma_start3A_151 = arith.constant 0 : i32
      %dma_start3A_152 = tpu.memref_slice %arg7[%arg0, %mul3A_150, %dma_start3A_151] : memref<2x10112x32xf32, #tpu.memory_space<hbm>> -> memref<1x632x32xf32, #tpu.memory_space<hbm>>
      %dma_start3A_153 = tpu.memref_squeeze %dma_start3A_152 : memref<1x632x32xf32, #tpu.memory_space<hbm>> -> memref<632x32xf32, #tpu.memory_space<hbm>>
      %dma_start3A_154 = arith.constant 0 : i32
      %dma_start3A_155 = tpu.memref_slice %arg7[%arg0, %mul3A_150, %dma_start3A_154] : memref<2x10112x32xf32, #tpu.memory_space<hbm>> -> memref<1x632x32xf32, #tpu.memory_space<hbm>>
      %dma_start3A_156 = tpu.memref_squeeze %dma_start3A_155 : memref<1x632x32xf32, #tpu.memory_space<hbm>> -> memref<632x32xf32, #tpu.memory_space<hbm>>
      tpu.enqueue_dma source(%arg13 : memref<632x32xf32, #tpu.memory_space<vmem>>) target(%dma_start3A_156 : memref<632x32xf32, #tpu.memory_space<hbm>>) target_semaphore(%run_scoped3A : memref<!tpu.dma_semaphore, #tpu.memory_space<semaphore_mem>>)
      %dma_wait3A_157 = arith.constant 0 : i32
      %dma_wait3A_158 = tpu.memref_slice %arg7[%arg0, %mul3A_150, %dma_wait3A_157] : memref<2x10112x32xf32, #tpu.memory_space<hbm>> -> memref<1x632x32xf32, #tpu.memory_space<hbm>>
      %dma_wait3A_159 = tpu.memref_squeeze %dma_wait3A_158 : memref<1x632x32xf32, #tpu.memory_space<hbm>> -> memref<632x32xf32, #tpu.memory_space<hbm>>
      %dma_wait3A_160 = arith.constant 0 : i32
      %dma_wait3A_161 = tpu.memref_slice %arg7[%arg0, %mul3A_150, %dma_wait3A_160] : memref<2x10112x32xf32, #tpu.memory_space<hbm>> -> memref<1x632x32xf32, #tpu.memory_space<hbm>>
      %dma_wait3A_162 = tpu.memref_squeeze %dma_wait3A_161 : memref<1x632x32xf32, #tpu.memory_space<hbm>> -> memref<632x32xf32, #tpu.memory_space<hbm>>
      tpu.wait_dma2 semaphore(%run_scoped3A : memref<!tpu.dma_semaphore, #tpu.memory_space<semaphore_mem>>) src(%arg13 : memref<632x32xf32, #tpu.memory_space<vmem>>) dst(%dma_wait3A_162 : memref<632x32xf32, #tpu.memory_space<hbm>>)
      tpu.yield
    }) : () -> ()
    return
  }
}

module attributes {stable_mosaic.version = 14 : i64} {
  func.func @body(%arg0: memref<10000x128xf32, #tpu.memory_space<vmem>>, %arg1: memref<128x8xf32, #tpu.memory_space<vmem>>, %arg2: memref<1x8xf32, #tpu.memory_space<vmem>>, %arg3: memref<128x8xf32, #tpu.memory_space<vmem>>, %arg4: memref<1x8xf32, #tpu.memory_space<vmem>>, %arg5: memref<10000x8xf32, #tpu.memory_space<vmem>>, %arg6: memref<10000x8xf32, #tpu.memory_space<vmem>>) attributes {dimension_semantics = [], scalar_prefetch = 0 : i64, scratch_operands = 0 : i64, tpu.core_type = #tpu.core_type<tc>} {
    %get3A = arith.constant 0 : index
    %get3A_0 = arith.constant 0 : index
    %get3A_1 = vector.load %arg0[%get3A, %get3A_0] : memref<10000x128xf32, #tpu.memory_space<vmem>>, vector<10000x128xf32>
    %get3A_2 = arith.constant 0 : index
    %get3A_3 = arith.constant 0 : index
    %get3A_4 = vector.load %arg1[%get3A_2, %get3A_3] : memref<128x8xf32, #tpu.memory_space<vmem>>, vector<128x8xf32>
    %dot_general3A = arith.constant dense<0.000000e+00> : vector<10000x8xf32>
    %dot_general3A_5 = tpu.matmul %get3A_1, %get3A_4, %dot_general3A {dimension_numbers = #tpu.dot_dimension_numbers<[1], [0], [0], [1], [0, 0, 1, 1], [], []>, precision = #tpu.contract_precision<fp32>, transpose_lhs_hint = false} : vector<10000x128xf32>, vector<128x8xf32>, vector<10000x8xf32> -> vector<10000x8xf32>
    %get3A_6 = arith.constant 0 : index
    %get3A_7 = arith.constant 0 : index
    %get3A_8 = vector.load %arg2[%get3A_6, %get3A_7] : memref<1x8xf32, #tpu.memory_space<vmem>>, vector<1x8xf32>
    %add3A = vector.broadcast %get3A_8 : vector<1x8xf32> to vector<10000x8xf32>
    %add3A_9 = arith.addf %dot_general3A_5, %add3A : vector<10000x8xf32>
    %swap3A = arith.constant 0 : index
    %swap3A_10 = arith.constant 0 : index
    %swap3A_11 = vector.load %arg5[%swap3A, %swap3A_10] : memref<10000x8xf32, #tpu.memory_space<vmem>>, vector<10000x8xf32>
    tpu.vector_store %arg5[%swap3A, %swap3A_10], %add3A_9 {strides = array<i32>} : memref<10000x8xf32, #tpu.memory_space<vmem>>, vector<10000x8xf32>,
    %get3A_12 = arith.constant 0 : index
    %get3A_13 = arith.constant 0 : index
    %get3A_14 = vector.load %arg3[%get3A_12, %get3A_13] : memref<128x8xf32, #tpu.memory_space<vmem>>, vector<128x8xf32>
    %dot_general3A_15 = arith.constant dense<0.000000e+00> : vector<10000x8xf32>
    %dot_general3A_16 = tpu.matmul %get3A_1, %get3A_14, %dot_general3A_15 {dimension_numbers = #tpu.dot_dimension_numbers<[1], [0], [0], [1], [0, 0, 1, 1], [], []>, precision = #tpu.contract_precision<fp32>, transpose_lhs_hint = false} : vector<10000x128xf32>, vector<128x8xf32>, vector<10000x8xf32> -> vector<10000x8xf32>
    %get3A_17 = arith.constant 0 : index
    %get3A_18 = arith.constant 0 : index
    %get3A_19 = vector.load %arg4[%get3A_17, %get3A_18] : memref<1x8xf32, #tpu.memory_space<vmem>>, vector<1x8xf32>
    %add3A_20 = vector.broadcast %get3A_19 : vector<1x8xf32> to vector<10000x8xf32>
    %add3A_21 = arith.addf %dot_general3A_16, %add3A_20 : vector<10000x8xf32>
    %swap3A_22 = arith.constant 0 : index
    %swap3A_23 = arith.constant 0 : index
    %swap3A_24 = vector.load %arg6[%swap3A_22, %swap3A_23] : memref<10000x8xf32, #tpu.memory_space<vmem>>, vector<10000x8xf32>
    tpu.vector_store %arg6[%swap3A_22, %swap3A_23], %add3A_21 {strides = array<i32>} : memref<10000x8xf32, #tpu.memory_space<vmem>>, vector<10000x8xf32>,
    return
  }
}

module attributes {stable_mosaic.version = 14 : i64} {
  func.func @body(%arg0: i32, %arg1: memref<2000x128xf32, #tpu.memory_space<vmem>>, %arg2: memref<30x128xf32, #tpu.memory_space<vmem>>, %arg3: memref<30x128xf32, #tpu.memory_space<vmem>>, %arg4: memref<2000x30xf32, #tpu.memory_space<vmem>>, %arg5: memref<2000x1xf32, #tpu.memory_space<vmem>>, %arg6: memref<2000x30xf32, #tpu.memory_space<vmem>>, %arg7: memref<2000x32xf32, #tpu.memory_space<vmem>>, %arg8: memref<1x1xf32, #tpu.memory_space<vmem>>) attributes {dimension_semantics = [#tpu.dimension_semantics<arbitrary>], iteration_bounds = array<i64: 5>, scalar_prefetch = 0 : i64, scratch_operands = 0 : i64, tpu.core_type = #tpu.core_type<tc>, window_params = [{transform_indices = @transform_0, window_bounds = array<i64: 2000, 128>}, {pipeline_mode = #tpu.pipeline_mode<synchronous>, transform_indices = @transform_1, window_bounds = array<i64: 30, 128>}, {pipeline_mode = #tpu.pipeline_mode<synchronous>, transform_indices = @transform_2, window_bounds = array<i64: 30, 128>}, {transform_indices = @transform_3, window_bounds = array<i64: 2000, 30>}, {transform_indices = @transform_4, window_bounds = array<i64: 2000, 1>}, {transform_indices = @transform_5, window_bounds = array<i64: 2000, 30>}, {transform_indices = @transform_6, window_bounds = array<i64: 2000, 32>}, {pipeline_mode = #tpu.pipeline_mode<synchronous>, transform_indices = @transform_7, window_bounds = array<i64: 1, 1>}]} {
    %get3A = arith.constant 0 : index
    %get3A_0 = arith.constant 0 : index
    %get3A_1 = vector.load %arg4[%get3A, %get3A_0] : memref<2000x30xf32, #tpu.memory_space<vmem>>, vector<2000x30xf32>
    %reduce_max3A = arith.constant dense<0xFF800000> : vector<2000xf32>
    %reduce_max3A_2 = vector.multi_reduction <maximumf>, %get3A_1, %reduce_max3A [1] : vector<2000x30xf32> to vector<2000xf32>
    %broadcast_in_dim3A = vector.shape_cast %reduce_max3A_2 : vector<2000xf32> to vector<2000x1xf32>
    %sub3A = vector.broadcast %broadcast_in_dim3A : vector<2000x1xf32> to vector<2000x30xf32>
    %sub3A_3 = arith.subf %get3A_1, %sub3A : vector<2000x30xf32>
    %exp3A = math.exp %sub3A_3 : vector<2000x30xf32>
    %reduce_sum3A = arith.constant dense<0.000000e+00> : vector<2000xf32>
    %reduce_sum3A_4 = vector.multi_reduction <add>, %exp3A, %reduce_sum3A [1] : vector<2000x30xf32> to vector<2000xf32>
    %broadcast_in_dim3A_5 = vector.shape_cast %reduce_sum3A_4 : vector<2000xf32> to vector<2000x1xf32>
    %div3A = vector.broadcast %broadcast_in_dim3A_5 : vector<2000x1xf32> to vector<2000x30xf32>
    %div3A_6 = arith.divf %exp3A, %div3A : vector<2000x30xf32>
    %swap3A = arith.constant 0 : index
    %swap3A_7 = arith.constant 0 : index
    %swap3A_8 = vector.load %arg6[%swap3A, %swap3A_7] : memref<2000x30xf32, #tpu.memory_space<vmem>>, vector<2000x30xf32>
    tpu.vector_store %arg6[%swap3A, %swap3A_7], %div3A_6 {strides = array<i32>} : memref<2000x30xf32, #tpu.memory_space<vmem>>, vector<2000x30xf32>,
    %broadcast_in_dim3A_9 = arith.constant 1.000000e+00 : f32
    %broadcast_in_dim3A_10 = vector.broadcast %broadcast_in_dim3A_9 : f32 to vector<2000x1xf32>
    %broadcast_in_dim3A_11 = arith.constant 0.000000e+00 : f32
    %broadcast_in_dim3A_12 = vector.broadcast %broadcast_in_dim3A_11 : f32 to vector<2000x1xf32>
    %concatenate3A = tpu.concatenate %div3A_6, %broadcast_in_dim3A_10, %broadcast_in_dim3A_12 in 1 : vector<2000x30xf32>, vector<2000x1xf32>, vector<2000x1xf32> -> vector<2000x32xf32>
    %swap3A_13 = arith.constant 0 : index
    %swap3A_14 = arith.constant 0 : index
    %swap3A_15 = vector.load %arg7[%swap3A_13, %swap3A_14] : memref<2000x32xf32, #tpu.memory_space<vmem>>, vector<2000x32xf32>
    tpu.vector_store %arg7[%swap3A_13, %swap3A_14], %concatenate3A {strides = array<i32>} : memref<2000x32xf32, #tpu.memory_space<vmem>>, vector<2000x32xf32>,
    %get3A_16 = arith.constant 0 : index
    %get3A_17 = arith.constant 0 : index
    %get3A_18 = vector.load %arg1[%get3A_16, %get3A_17] : memref<2000x128xf32, #tpu.memory_space<vmem>>, vector<2000x128xf32>
    %get3A_19 = arith.constant 0 : index
    %get3A_20 = arith.constant 0 : index
    %get3A_21 = vector.load %arg5[%get3A_19, %get3A_20] : memref<2000x1xf32, #tpu.memory_space<vmem>>, vector<2000x1xf32>
    %get3A_22 = arith.constant 0 : index
    %get3A_23 = arith.constant 0 : index
    %get3A_24 = vector.load %arg3[%get3A_22, %get3A_23] : memref<30x128xf32, #tpu.memory_space<vmem>>, vector<30x128xf32>
    %div3A_25 = arith.constant 1.000000e+00 : f32
    %div3A_26 = vector.broadcast %div3A_25 : f32 to vector<30x128xf32>
    %div3A_27 = arith.divf %div3A_26, %get3A_24 : vector<30x128xf32>
    %get3A_28 = arith.constant 0 : index
    %get3A_29 = arith.constant 0 : index
    %get3A_30 = vector.load %arg2[%get3A_28, %get3A_29] : memref<30x128xf32, #tpu.memory_space<vmem>>, vector<30x128xf32>
    %mul3A = arith.mulf %get3A_30, %div3A_27 : vector<30x128xf32>
    %mul3A_31 = arith.mulf %get3A_18, %get3A_18 : vector<2000x128xf32>
    %dot_general3A = arith.constant dense<0.000000e+00> : vector<2000x30xf32>
    %dot_general3A_32 = tpu.matmul %mul3A_31, %div3A_27, %dot_general3A {dimension_numbers = #tpu.dot_dimension_numbers<[1], [1], [0], [0], [0, 0, 1, 0], [], []>, precision = #tpu.contract_precision<fp32>, transpose_lhs_hint = false} : vector<2000x128xf32>, vector<30x128xf32>, vector<2000x30xf32> -> vector<2000x30xf32>
    %dot_general3A_33 = arith.constant dense<0.000000e+00> : vector<2000x30xf32>
    %dot_general3A_34 = tpu.matmul %get3A_18, %mul3A, %dot_general3A_33 {dimension_numbers = #tpu.dot_dimension_numbers<[1], [1], [0], [0], [0, 0, 1, 0], [], []>, precision = #tpu.contract_precision<fp32>, transpose_lhs_hint = false} : vector<2000x128xf32>, vector<30x128xf32>, vector<2000x30xf32> -> vector<2000x30xf32>
    %get3A_35 = arith.constant 0 : index
    %get3A_36 = arith.constant 0 : index
    %get3A_37 = vector.load %arg2[%get3A_35, %get3A_36] : memref<30x128xf32, #tpu.memory_space<vmem>>, vector<30x128xf32>
    %mul3A_38 = arith.mulf %get3A_37, %mul3A : vector<30x128xf32>
    %reduce_sum3A_39 = arith.constant dense<0.000000e+00> : vector<30xf32>
    %reduce_sum3A_40 = vector.multi_reduction <add>, %mul3A_38, %reduce_sum3A_39 [1] : vector<30x128xf32> to vector<30xf32>
    %mul3A_41 = arith.constant 2.000000e+00 : f32
    %mul3A_42 = vector.broadcast %mul3A_41 : f32 to vector<2000x1xf32>
    %mul3A_43 = arith.mulf %mul3A_42, %get3A_21 : vector<2000x1xf32>
    %mul3A_44 = vector.broadcast %mul3A_43 : vector<2000x1xf32> to vector<2000x30xf32>
    %mul3A_45 = arith.mulf %mul3A_44, %dot_general3A_34 : vector<2000x30xf32>
    %sub3A_46 = arith.subf %dot_general3A_32, %mul3A_45 : vector<2000x30xf32>
    %mul3A_47 = arith.mulf %get3A_21, %get3A_21 : vector<2000x1xf32>
    %broadcast_in_dim3A_48 = vector.shape_cast %reduce_sum3A_40 : vector<30xf32> to vector<1x30xf32>
    %mul3A_49 = vector.broadcast %mul3A_47 : vector<2000x1xf32> to vector<2000x30xf32>
    %mul3A_50 = vector.broadcast %broadcast_in_dim3A_48 : vector<1x30xf32> to vector<2000x30xf32>
    %mul3A_51 = arith.mulf %mul3A_49, %mul3A_50 : vector<2000x30xf32>
    %add3A = arith.addf %sub3A_46, %mul3A_51 : vector<2000x30xf32>
    %mul3A_52 = arith.constant -5.000000e-01 : f32
    %mul3A_53 = vector.broadcast %mul3A_52 : f32 to vector<2000x30xf32>
    %mul3A_54 = arith.mulf %mul3A_53, %add3A : vector<2000x30xf32>
    %mul3A_55 = arith.mulf %div3A_6, %mul3A_54 : vector<2000x30xf32>
    %reduce_sum3A_56 = vector.shape_cast %mul3A_55 : vector<2000x30xf32> to vector<1x2000x30xf32>
    %reduce_sum3A_57 = arith.constant dense<0.000000e+00> : vector<1xf32>
    %reduce_sum3A_58 = vector.multi_reduction <add>, %reduce_sum3A_56, %reduce_sum3A_57 [1, 2] : vector<1x2000x30xf32> to vector<1xf32>
    %reduce_sum3A_59 = vector.shape_cast %reduce_sum3A_58 : vector<1xf32> to vector<1x1x1xf32>
    %reduce_sum3A_60 = vector.extract %reduce_sum3A_59[0, 0, 0] : f32 from vector<1x1x1xf32>
    %div3A_61 = arith.constant 1.000000e+04 : f32
    %div3A_62 = arith.divf %reduce_sum3A_60, %div3A_61 : f32
    %reshape3A = vector.broadcast %div3A_62 : f32 to vector<1x1xf32>
    %eq3A = arith.constant 0 : i32
    %eq3A_63 = arith.cmpi eq, %arg0, %eq3A : i32
    %convert_element_type3A = arith.extui %eq3A_63 : i1 to i32
    %cond3A = arith.constant 0 : i32
    %cond3A_64 = arith.cmpi ne, %convert_element_type3A, %cond3A : i32
    scf.if %cond3A_64 {
      %broadcast_in_dim3A_72 = arith.constant 0.000000e+00 : f32
      %broadcast_in_dim3A_73 = vector.broadcast %broadcast_in_dim3A_72 : f32 to vector<1x1xf32>
      %swap3A_74 = arith.constant 0 : index
      %swap3A_75 = arith.constant 0 : index
      %swap3A_76 = vector.load %arg8[%swap3A_74, %swap3A_75] : memref<1x1xf32, #tpu.memory_space<vmem>>, vector<1x1xf32>
      tpu.vector_store %arg8[%swap3A_74, %swap3A_75], %broadcast_in_dim3A_73 {strides = array<i32>} : memref<1x1xf32, #tpu.memory_space<vmem>>, vector<1x1xf32>,
    } else {
    }
    %get3A_65 = arith.constant 0 : index
    %get3A_66 = arith.constant 0 : index
    %get3A_67 = vector.load %arg8[%get3A_65, %get3A_66] : memref<1x1xf32, #tpu.memory_space<vmem>>, vector<1x1xf32>
    %add3A_68 = arith.addf %get3A_67, %reshape3A : vector<1x1xf32>
    %swap3A_69 = arith.constant 0 : index
    %swap3A_70 = arith.constant 0 : index
    %swap3A_71 = vector.load %arg8[%swap3A_69, %swap3A_70] : memref<1x1xf32, #tpu.memory_space<vmem>>, vector<1x1xf32>
    tpu.vector_store %arg8[%swap3A_69, %swap3A_70], %add3A_68 {strides = array<i32>} : memref<1x1xf32, #tpu.memory_space<vmem>>, vector<1x1xf32>,
    return
  }
  func.func @transform_0(%arg0: i32) -> (i32, i32) {
    %c0_i32 = arith.constant 0 : i32
    %c0_i32_0 = arith.constant 0 : i32
    return %arg0, %c0_i32 : i32, i32
  }
  func.func @transform_1(%arg0: i32) -> (i32, i32) {
    %c0_i32 = arith.constant 0 : i32
    %c0_i32_0 = arith.constant 0 : i32
    %c0_i32_1 = arith.constant 0 : i32
    return %c0_i32, %c0_i32_0 : i32, i32
  }
  func.func @transform_2(%arg0: i32) -> (i32, i32) {
    %c0_i32 = arith.constant 0 : i32
    %c0_i32_0 = arith.constant 0 : i32
    %c0_i32_1 = arith.constant 0 : i32
    return %c0_i32, %c0_i32_0 : i32, i32
  }
  func.func @transform_3(%arg0: i32) -> (i32, i32) {
    %c0_i32 = arith.constant 0 : i32
    %c0_i32_0 = arith.constant 0 : i32
    return %arg0, %c0_i32 : i32, i32
  }
  func.func @transform_4(%arg0: i32) -> (i32, i32) {
    %c0_i32 = arith.constant 0 : i32
    %c0_i32_0 = arith.constant 0 : i32
    return %arg0, %c0_i32 : i32, i32
  }
  func.func @transform_5(%arg0: i32) -> (i32, i32) {
    %c0_i32 = arith.constant 0 : i32
    %c0_i32_0 = arith.constant 0 : i32
    return %arg0, %c0_i32 : i32, i32
  }
  func.func @transform_6(%arg0: i32) -> (i32, i32) {
    %c0_i32 = arith.constant 0 : i32
    %c0_i32_0 = arith.constant 0 : i32
    return %arg0, %c0_i32 : i32, i32
  }
  func.func @transform_7(%arg0: i32) -> (i32, i32) {
    %c0_i32 = arith.constant 0 : i32
    %c0_i32_0 = arith.constant 0 : i32
    %c0_i32_1 = arith.constant 0 : i32
    return %c0_i32, %c0_i32_0 : i32, i32
  }
}

module attributes {stable_mosaic.version = 14 : i64} {
  func.func @body(%arg0: memref<2x10112x32xf32, #tpu.memory_space<vmem>>, %arg1: memref<10000x30xf32, #tpu.memory_space<vmem>>, %arg2: memref<1x1xf32, #tpu.memory_space<vmem>>, %arg3: memref<1x1xf32, #tpu.memory_space<vmem>>, %arg4: memref<1x1xf32, #tpu.memory_space<vmem>>) attributes {dimension_semantics = [], scalar_prefetch = 0 : i64, scratch_operands = 0 : i64, tpu.core_type = #tpu.core_type<tc>} {
    %get3A = arith.constant 0 : index
    %get3A_0 = arith.constant 0 : index
    %get3A_1 = arith.constant 0 : index
    %get3A_2 = vector.load %arg0[%get3A, %get3A_0, %get3A_1] : memref<2x10112x32xf32, #tpu.memory_space<vmem>>, vector<1x10112x32xf32>
    %get3A_3 = vector.shape_cast %get3A_2 : vector<1x10112x32xf32> to vector<10112x32xf32>
    %get3A_4 = arith.constant 1 : index
    %get3A_5 = arith.constant 0 : index
    %get3A_6 = arith.constant 0 : index
    %get3A_7 = vector.load %arg0[%get3A_4, %get3A_5, %get3A_6] : memref<2x10112x32xf32, #tpu.memory_space<vmem>>, vector<1x10112x32xf32>
    %get3A_8 = vector.shape_cast %get3A_7 : vector<1x10112x32xf32> to vector<10112x32xf32>
    %add3A = arith.addf %get3A_3, %get3A_8 : vector<10112x32xf32>
    %slice3A = vector.extract_strided_slice %add3A {offsets = [0, 0], sizes = [10000, 30], strides = [1, 1]} : vector<10112x32xf32> to vector<10000x30xf32>
    %slice3A_9 = vector.extract_strided_slice %add3A {offsets = [0, 30], sizes = [10000, 1], strides = [1, 1]} : vector<10112x32xf32> to vector<10000x1xf32>
    %get3A_10 = arith.constant 0 : index
    %get3A_11 = arith.constant 0 : index
    %get3A_12 = vector.load %arg1[%get3A_10, %get3A_11] : memref<10000x30xf32, #tpu.memory_space<vmem>>, vector<10000x30xf32>
    %add3A_13 = arith.constant 9.99999993E-9 : f32
    %add3A_14 = vector.broadcast %add3A_13 : f32 to vector<10000x30xf32>
    %add3A_15 = arith.addf %get3A_12, %add3A_14 : vector<10000x30xf32>
    %log3A = math.log %add3A_15 : vector<10000x30xf32>
    %gt3A = arith.constant 0.000000e+00 : f32
    %gt3A_16 = vector.broadcast %gt3A : f32 to vector<10000x1xf32>
    %gt3A_17 = arith.cmpf ogt, %slice3A_9, %gt3A_16 : vector<10000x1xf32>
    %div3A = arith.constant 1.000000e+00 : f32
    %div3A_18 = vector.broadcast %div3A : f32 to vector<10000x1xf32>
    %div3A_19 = arith.divf %div3A_18, %slice3A_9 : vector<10000x1xf32>
    %jit3A = arith.constant 0.000000e+00 : f32
    %broadcast_in_dim3A = vector.broadcast %jit3A : f32 to vector<10000x1xf32>
    %select_n3A = arith.select %gt3A_17, %div3A_19, %broadcast_in_dim3A : vector<10000x1xi1>, vector<10000x1xf32>
    %mul3A = arith.mulf %slice3A, %log3A : vector<10000x30xf32>
    %mul3A_20 = vector.broadcast %select_n3A : vector<10000x1xf32> to vector<10000x30xf32>
    %mul3A_21 = arith.mulf %mul3A, %mul3A_20 : vector<10000x30xf32>
    %reduce_sum3A = vector.shape_cast %mul3A_21 : vector<10000x30xf32> to vector<1x10000x30xf32>
    %reduce_sum3A_22 = arith.constant dense<0.000000e+00> : vector<1xf32>
    %reduce_sum3A_23 = vector.multi_reduction <add>, %reduce_sum3A, %reduce_sum3A_22 [1, 2] : vector<1x10000x30xf32> to vector<1xf32>
    %reduce_sum3A_24 = vector.shape_cast %reduce_sum3A_23 : vector<1xf32> to vector<1x1x1xf32>
    %reduce_sum3A_25 = vector.extract %reduce_sum3A_24[0, 0, 0] : f32 from vector<1x1x1xf32>
    %neg3A = arith.constant 0.000000e+00 : f32
    %neg3A_26 = arith.subf %neg3A, %reduce_sum3A_25 : f32
    %div3A_27 = arith.constant 1.000000e+04 : f32
    %div3A_28 = arith.divf %neg3A_26, %div3A_27 : f32
    %reshape3A = vector.broadcast %div3A_28 : f32 to vector<1x1xf32>
    %swap3A = arith.constant 0 : index
    %swap3A_29 = arith.constant 0 : index
    %swap3A_30 = vector.load %arg4[%swap3A, %swap3A_29] : memref<1x1xf32, #tpu.memory_space<vmem>>, vector<1x1xf32>
    tpu.vector_store %arg4[%swap3A, %swap3A_29], %reshape3A {strides = array<i32>} : memref<1x1xf32, #tpu.memory_space<vmem>>, vector<1x1xf32>,
    %get3A_31 = arith.constant 0 : index
    %get3A_32 = arith.constant 0 : index
    %get3A_33 = vector.load %arg2[%get3A_31, %get3A_32] : memref<1x1xf32, #tpu.memory_space<vmem>>, vector<1x1xf32>
    %swap3A_34 = arith.constant 0 : index
    %swap3A_35 = arith.constant 0 : index
    %swap3A_36 = vector.load %arg3[%swap3A_34, %swap3A_35] : memref<1x1xf32, #tpu.memory_space<vmem>>, vector<1x1xf32>
    tpu.vector_store %arg3[%swap3A_34, %swap3A_35], %get3A_33 {strides = array<i32>} : memref<1x1xf32, #tpu.memory_space<vmem>>, vector<1x1xf32>,
    return
  }
}

</mosaic_0001>

<sc_bundles>
// kernel: kernel.10.cloned.1.call-start
scs
__scs_entry_jumppad:
0x0: {  	(pc) =	sbr.rel $0x88, $3  }
0x1: {  	(tag) =	ssettag $0x0;
	lr =	simm.s32 $0x1  }
0x2: {  	[smem:$0x3F96] =	sst lr;
	_ =	strace $0xD0000000  }
0x3: {  	_ = 	snop  }
0x4: {  	_ = 	snop  }
0x5: {  	_ = 	snop  }
0x6: {  	_ = 	snop  }
0x7: {  	_ = 	snop  }
__scs_overlays_trampoline_lowered:
0x8: {  	[smem:$0x3FA5] =	sst s0  }
0x9: {  	[smem:$0x3FA6] =	sst s1  }
0xa: {  	[smem:$0x3FA7] =	sst s2  }
0xb: {  	[smem:$0x3FA8] =	sst s3  }
0xc: {  	[smem:$0x3FA9] =	sst s4  }
0xd: {  	[smem:$0x3FAA] =	sst s5  }
0xe: {  	[smem:$0x3FAB] =	sst s6  }
0xf: {  	[smem:$0x3FAC] =	sst s7  }
0x10: {  	[smem:$0x3FAD] =	sst s8  }
0x11: {  	[smem:$0x3FAE] =	sst s9;
	s0 =	simm.s32 @!p0 $0x0  }
0x12: {  	s1 =	sld [smem:$0x3F94];
	s0 =	simm.s32 @p0 $0x1  }
0x13: {  	[smem:$0x3FAF] =	sst s0;
	s0 =	simm.s32 @!p1 $0x0  }
0x14: {  	s2 =	sld [smem:$0x3F93];
	s0 =	simm.s32 @p1 $0x1  }
0x15: {  	[smem:$0x3FB0] =	sst s0;
	s0 =	simm.s32 @!p2 $0x0  }
0x16: {  	s3 =	sld [smem:$0x3FDB];
	s0 =	simm.s32 @p2 $0x1  }
0x17: {  	s4 =	simm.s32 $0x1BF5;
	[smem:$0x3FB2] =	sst s0  }
0x18: {  	s0 =	sld [smem:$0x3F95];
	_ =	swait.ge [sflag:s4], $0x0  }
0x19: {  	s7 =	sld [smem:$0x3F96]  }
0x1a: {  	s8 =	sadd.s32 $0xFFFFE003, lr  }
0x1b: {  	s9 =	sadd.s32 $0xFFFFFEF7, lr;
	s5 =	simm.s32 $0xFFFFFFFF;
	p2 =	slt.u32 s8, $0xFFFFF086  }
0x1c: {  	p1 =	slt.u32 s9, $0xF7A;
	s5 =	simm.s32 @!p2 $0x0  }
0x1d: {  	s5 =	simm.s32 @p1 $0x1;
	p0 =	seq.s32 s7, s2  }
0x1e: {  	s7 =	smul.u32 @!p0 $0xF7A, s2;
	p2 =	seq.s32 @!p0 s5, $0x0  }
0x1f: {  	s9 =	smul.u32 $0xF7A, s1;
	s8 =	simm.s32 @!p0 $0x1BF5;
	p2 =	por !p2, p0  }
0x20: {  	[sflag:s8] =	ssyncset.s32 @!p0 $0xFFFFF086;
	s6 =	sadd.s32 @!p0 s3, s7;
	s7 =	simm.s32 @!p0 $0x108  }
0x21: {  	s3 =	sadd.s32 s3, s9;
	s6 =	sadd.s32 @!p0 $0x88, s6;
	s7 =	simm.s32 @p2 $0x1082  }
0x22: {  	[simem:s7], [sflag:s8] =	dma.local @!p0 [hbm:s6], $0xF7A  }
0x23: {  	s9 =	sor.u32 $0xD0000000, s2;
	s6 =	simm.s32 $0x108;
	_ =	swait.ge @!p0 [sflag:s8], $0x0  }
0x24: {  	s3 =	sadd.s32 $0x88, s3;
	s6 =	simm.s32 @!p1 $0x1082;
	[sflag:s4] =	ssyncset.s32 $0xFFFFF086  }
0x25: {  	[simem:s6], [sflag:s4] =	dma.local [hbm:s3], $0xF7A  }
0x26: {  	[smem:$0x3F96] =	sst s1;
	(tag) =	ssettag s2;
	_ =	strace s9  }
0x27: {  	s1 =	sld [smem:$0x3FA6]  }
0x28: {  	s2 =	sld [smem:$0x3FA7]  }
0x29: {  	s4 =	sld [smem:$0x3FA9]  }
0x2a: {  	p0 =	seq.s32 s5, $0x0;
	s5 =	sld [smem:$0x3FAA]  }
0x2b: {  	s6 =	sld [smem:$0x3FAB]  }
0x2c: {  	s7 =	sld [smem:$0x3FAC]  }
0x2d: {  	s3 =	simm.s32 $0x108;
	s8 =	sld [smem:$0x3FAD]  }
0x2e: {  	s3 =	simm.s32 @!p0 $0x1082;
	s9 =	sld [smem:$0x3FAE]  }
0x2f: {  	lr =	sadd.s32 s0, s3;
	s0 =	sld [smem:$0x3FA5]  }
0x30: {  	s3 =	sld [smem:$0x3FA8]  }
0x31: {  	[smem:$0x3FB1] =	sst s10  }
0x32: {  	s10 =	sld [smem:$0x3FAF];
	_ =	sdelay $0x3  }
0x33: {  	p0 =	seq.s32 s10, $0x1;
	s10 =	sld [smem:$0x3FB1];
	_ =	sdelay $0x3  }
0x34: {  	[smem:$0x3FB1] =	sst s10  }
0x35: {  	s10 =	sld [smem:$0x3FB0];
	_ =	sdelay $0x3  }
0x36: {  	p1 =	seq.s32 s10, $0x1;
	s10 =	sld [smem:$0x3FB1];
	_ =	sdelay $0x3  }
0x37: {  	[smem:$0x3FB1] =	sst s10  }
0x38: {  	s10 =	sld [smem:$0x3FB2]  }
0x39: {  	_ = 	snop;
	(pc) =	sbr.ind lr, $3  }
0x3a: {  	_ = 	snop  }
0x3b: {  	_ = 	snop  }
0x3c: {  	p2 =	seq.s32 s10, $0x1;
	s10 =	sld [smem:$0x3FB1]  }
0x3d: {  	_ =	shalt  }
0x3e: {  	_ =	shalt  }
0x3f: {  	_ =	shalt  }
0x40: {  	_ =	shalt  }
0x41: {  	_ =	shalt  }
0x42: {  	_ =	shalt  }
0x43: {  	_ =	shalt  }
0x44: {  	_ =	shalt  }
0x45: {  	_ =	shalt  }
0x46: {  	_ =	shalt  }
0x47: {  	_ =	shalt  }
0x48: {  	_ =	shalt  }
0x49: {  	_ =	shalt  }
0x4a: {  	_ =	shalt  }
0x4b: {  	_ =	shalt  }
0x4c: {  	_ =	shalt  }
0x4d: {  	_ =	shalt  }
0x4e: {  	_ =	shalt  }
0x4f: {  	_ =	shalt  }
0x50: {  	_ =	shalt  }
0x51: {  	_ =	shalt  }
0x52: {  	_ =	shalt  }
0x53: {  	_ =	shalt  }
0x54: {  	_ =	shalt  }
0x55: {  	_ =	shalt  }
0x56: {  	_ =	shalt  }
0x57: {  	_ =	shalt  }
0x58: {  	_ =	shalt  }
0x59: {  	_ =	shalt  }
0x5a: {  	_ =	shalt  }
0x5b: {  	_ =	shalt  }
0x5c: {  	_ =	shalt  }
0x5d: {  	_ =	shalt  }
0x5e: {  	_ =	shalt  }
0x5f: {  	_ =	shalt  }
0x60: {  	_ =	shalt  }
0x61: {  	_ =	shalt  }
0x62: {  	_ =	shalt  }
0x63: {  	_ =	shalt  }
0x64: {  	_ =	shalt  }
0x65: {  	_ =	shalt  }
0x66: {  	_ =	shalt  }
0x67: {  	_ =	shalt  }
0x68: {  	_ =	shalt  }
0x69: {  	_ =	shalt  }
0x6a: {  	_ =	shalt  }
0x6b: {  	_ =	shalt  }
0x6c: {  	_ =	shalt  }
0x6d: {  	_ =	shalt  }
0x6e: {  	_ =	shalt  }
0x6f: {  	_ =	shalt  }
0x70: {  	_ =	shalt  }
0x71: {  	_ =	shalt  }
0x72: {  	_ =	shalt  }
0x73: {  	_ =	shalt  }
0x74: {  	_ =	shalt  }
0x75: {  	_ =	shalt  }
0x76: {  	_ =	shalt  }
0x77: {  	_ =	shalt  }
0x78: {  	_ =	shalt  }
0x79: {  	_ =	shalt  }
0x7a: {  	_ =	shalt  }
0x7b: {  	_ =	shalt  }
0x7c: {  	_ =	shalt  }
0x7d: {  	_ =	shalt  }
0x7e: {  	_ =	shalt  }
0x7f: {  	_ =	shalt  }
0x80: {  	_ =	shalt  }
0x81: {  	_ =	shalt  }
0x82: {  	_ =	shalt  }
0x83: {  	_ =	shalt  }
0x84: {  	_ =	shalt  }
0x85: {  	_ =	shalt  }
0x86: {  	_ =	shalt  }
0x87: {  	_ =	shalt  }
.Lfunc_end0:
.L_simem_size_0:
called_computation.1_lowered:
.L_overlay_start_0:
0x88: {  	s2 =	sld [smem:$0x3FD9]  }
0x89: {  	s3 =	sld [smem:$0x3FFE];
	_ =	sdelay $0x1  }
0x8a: {  	s1 =	srdreg.scid  }
0x8b: {  	s0 =	sand.u32 $0x1, s1  }
0x8c: {  	s16 =	sshll.u32 s0, $0xA;
	s2 =	sadd.s32 s3, s2  }
0x8d: {  	s2 =	sadd.s32 s2, s16  }
0x8e: {  	[smem:$0x3FBD] =	sst s2  }
0x8f: {  	_ = 	snop  }
0x90: {  	(tm) =	ssettm $0x1  }
0x91: {  	s17 =	sld [smem:$0x3FFB];
	_ =	sdelay $0x3  }
0x92: {  	_ =	strace s17  }
0x93: {  	s2 =	sld [smem:$0x3FFC];
	_ =	sdelay $0x3  }
0x94: {  	_ =	strace s2  }
0x95: {  	s2 =	sld [smem:$0x3FFD];
	_ =	sdelay $0x3  }
0x96: {  	_ =	strace s2  }
0x97: {  	_ =	strace $0x8FFFFFFF  }
0x98: {  	s18 =	sld [smem:$0x3FDB];
	_ =	sdelay $0x1  }
0x99: {  	s19 =	simm.s32 $_scs_section_size  }
0x9a: {  	s4 =	simm.s32 $_size__tile_overlayer_lowered;
	s5 =	simm.s32 $_tile_overlayer_lowered  }
0x9b: {  	s22 =	simm.s32 $0x1BFF;
	s21 =	sshll.u32 s5, $0x1;
	s2 =	sadd.s32 s19, s18  }
0x9c: {  	s6 =	simm.s32 $0x0;
	s20 =	sshll.u32 s4, $0x1;
	s4 =	sadd.s32 s21, s2  }
0x9d: {  	[timem:s6], [sflag:s22] =	dma.local [hbm:s4], s20  }
0x9e: {  	_ =	swait.ge [sflag:s22], s20  }
0x9f: {  	s3 =	ssub.s32 $0x0, s20;
	[sflag:s22] =	ssyncset.done $0x0  }
0xa0: {  	[sflag:s22] =	ssyncadd.s32 s3;
	_ =	sdelay $0x1  }
0xa1: {  	s23 =	simm.s32 $0x1B8B  }
0xa2: {  	_ =	swait.ge [sflag:s23], $0x1  }
0xa3: {  	[sflag:s23] =	ssyncset.done $0x0  }
0xa4: {  	s25 =	simm.s32 $0x1B8E;
	s24 =	sld [smem:$0x3FFE];
	[sflag:s23] =	ssyncadd.s32 $0xFFFFFFFF  }
0xa5: {  	s26 =	simm.s32 $execute0_lowered;
	[smem:$0x3FD2] =	sst s25  }
0xa6: {  	s4 =	sshll.u32 s26, $0x1;
	_ =	strace $0x80000049;
	[dreg:$0x1] =	wrdreg $0xFFFFFFFF  }
0xa7: {  	s28 =	simm.s32 $_size_execute0_lowered;
	s2 =	sadd.s32 s2, s4;
	[dreg:$0x0] =	wrdreg $0x0  }
0xa8: {  	s4 =	sshll.u32 s28, $0x1;
	[dreg:$0x2] =	wrdreg s2  }
0xa9: {  	[dreg:$0x3] =	wrdreg s4  }
0xaa: {  	[dreg:$0x4] =	wrdreg $0xC0  }
0xab: {  	_ =	task [dreg:s6], $0x5FFFF  }
0xac: {  	[dreg:$0x1] =	wrdreg $0xFFFFFFFF  }
0xad: {  	[dreg:$0x0] =	wrdreg $0x60  }
0xae: {  	[dreg:$0x2] =	wrdreg s24  }
0xaf: {  	[dreg:$0x3] =	wrdreg $0xDA300  }
0xb0: {  	[dreg:$0x4] =	wrdreg $0x9  }
0xb1: {  	_ =	task.clear_ibuf [dreg:s6], $0x5FFFF;
	_ =	strace $0x90000049  }
0xb2: {  	s29 =	simm.s32 $0x9;
	_ =	strace $0x8000004B  }
0xb3: {  	_ =	swait.ge [sflag:s29], $0x1  }
0xb4: {  	[sflag:s29] =	ssyncadd.s32 $0xFFFFFFFF  }
0xb5: {  	_ =	strace $0x9000004B  }
0xb6: {  	_ =	sfence  }
0xb7: {  	s30 =	sld [smem:$0x0];
	_ =	sdelay $0x2  }
0xb8: {  	s31 =	sshll.u32 s1, $0xD;
	s1 =	sshrl.u32 s1, $0x2  }
0xb9: {  	s3 =	sand.u32 $0x4000, s31;
	s1 =	sadd.s32 s1, s30  }
0xba: {  	s0 =	sor.u32 s3, s0;
	s1 =	sshll.u32 s1, $0x11  }
0xbb: {  	s0 =	sor.u32 s1, s0  }
0xbc: {  	s0 =	sadd.s32 $0x8F2B, s0  }
0xbd: {  	[sflag:s0] =	ssyncadd.remote.s32 $0x1  }
0xbe: {  	_ =	sfence.sel $0xFFFF  }
0xbf: {  	[dreg:$0x0] =	wrdreg $0xFFFFFFFF;
	(pc) =	sbr.abs _section_cstart, $3  }
0xc0: {  	[dreg:$0x1] =	wrdreg $0xFFFFFFFF  }
0xc1: {  	_ =	task.clear_ibuf [dreg:s6], $0x2FFFF;
	_ =	strace $0x9FFFFFFF  }
0xc2: {  	(tm) =	ssettm $0x7FFFFFFF  }
0xc3: {  	_ =	shalt  }
tec
execute0_lowered:
.L_overlay_start_1:
0x0: {  	(tag) =	ssettag $0x1  }
0x1: {  	s0 =	srdreg.scid  }
0x2: {  	s4 =	stileid.u32;
	s6 =	rddreg [dreg:$0x0]  }
0x3: {  	s2 =	rddreg [dreg:$0x1];
	s3 =	simm.s32 $0x0;
	s13 =	simm.s32 $0x5  }
0x4: {  	s14 =	simm.s32 $0x8930;
	s16 =	simm.s32 $0x50;
	s17 =	simm.s32 $0x7530  }
0x5: {  	s18 =	simm.s32 $0x7F30;
	s19 =	simm.s32 $0x1;
	s20 =	simm.s32 $0x3  }
0x6: {  	s21 =	simm.s32 $0x2;
	s22 =	simm.s32 $0x4DD0;
	s23 =	simm.s32 $0x4  }
0x7: {  	s24 =	simm.s32 $0x0;
	s0 =	sand.u32 $0x1, s0;
	s7 =	smul.u32 $0x4F00, s4  }
0x8: {  	[smem:$0x7FF] =	sst s3;
	s1 =	sshll.u32 s0, $0x4;
	s5 =	smul.u32 $0x4F000, s0  }
0x9: {  	_ =	strace $0x8000004A;
	s0 =	ssub.s32 $0x2, s0;
	s1 =	sor.u32 s4, s1  }
0xa: {  	s4 =	sadd.s32 $0x2A400, s6;
	s9 =	sshrl.u32 s0, $0x1;
	s1 =	smul.u32 $0x4E2, s1  }
0xb: {  	s8 =	sadd.s32 s7, s5;
	s5 =	sadd.s32 $0x22000, s6;
	s0 =	ssub.s32 s0, s9  }
0xc: {  	s8 =	sshrl.u32 s8, $0x3;
	s11 =	smax.u32 s0, $0x1;
	s1 =	sadd.s32 s1, s6  }
0xd: {  	s10 =	sadd.s32 s8, s6;
	s6 =	sadd.s32 s7, s2;
	s7 =	sadd.s32 $0xE400, s1  }
0xe: {  	v0 =	vimm.f32 $0.0e+00;
	s8 =	sadd.s32 $0x4600, s1;
	s9 =	sadd.s32 $0x18200, s1;
	s10 =	sadd.s32 $0x34200, s10  }
.LBB2_1:
0xf: {  	s0 =	simm.s32 $0xD830  }
0x10: {  	[tilespmem:s0], [sflag:$0x5] =	stream.linear.gather [hbm4b:s5+s3], $0x200, $0x38;
	[tilespmem:$0x12930] =	vst v63  }
0x11: {  	_ =	swait.ge [sflag:s13], $0x200  }
0x12: {  	[sflag:s13] =	ssyncset.done $0x0  }
0x13: {  	[sflag:s13] =	ssyncadd.s32 $0xFFFFFE00  }
0x14: {  	v1 =	vld [tilespmem:$0xD830]  }
0x15: {  	v2 =	vld [tilespmem:$0xD840]  }
0x16: {  	v3 =	vld [tilespmem:$0xD850]  }
0x17: {  	v4 =	vld [tilespmem:$0xD860]  }
0x18: {  	v5 =	vld [tilespmem:$0xD870]  }
0x19: {  	v6 =	vld [tilespmem:$0xD880]  }
0x1a: {  	v7 =	vld [tilespmem:$0xD890]  }
0x1b: {  	v8 =	vld [tilespmem:$0xD8A0]  }
0x1c: {  	v9 =	vld [tilespmem:$0xD8B0]  }
0x1d: {  	v10 =	vld [tilespmem:$0xD8C0]  }
0x1e: {  	v11 =	vld [tilespmem:$0xD8D0]  }
0x1f: {  	v12 =	vld [tilespmem:$0xD8E0]  }
0x20: {  	v13 =	vld [tilespmem:$0xD8F0]  }
0x21: {  	v14 =	vld [tilespmem:$0xD900]  }
0x22: {  	v15 =	vld [tilespmem:$0xD910]  }
0x23: {  	v16 =	vld [tilespmem:$0xD920]  }
0x24: {  	v17 =	vld [tilespmem:$0xD930]  }
0x25: {  	v18 =	vld [tilespmem:$0xD940]  }
0x26: {  	v19 =	vld [tilespmem:$0xD950]  }
0x27: {  	v20 =	vld [tilespmem:$0xD960]  }
0x28: {  	v21 =	vld [tilespmem:$0xD970]  }
0x29: {  	v22 =	vld [tilespmem:$0xD980]  }
0x2a: {  	v23 =	vld [tilespmem:$0xD990]  }
0x2b: {  	v24 =	vld [tilespmem:$0xD9A0]  }
0x2c: {  	v25 =	vld [tilespmem:$0xD9B0]  }
0x2d: {  	v26 =	vld [tilespmem:$0xD9C0]  }
0x2e: {  	v27 =	vld [tilespmem:$0xD9D0]  }
0x2f: {  	v28 =	vld [tilespmem:$0xD9E0]  }
0x30: {  	v29 =	vld [tilespmem:$0xD9F0]  }
0x31: {  	v30 =	vld [tilespmem:$0xDA00]  }
0x32: {  	v31 =	vld [tilespmem:$0xDA10]  }
0x33: {  	s1 =	simm.s32 $0x80;
	s0 =	simm.s32 $0x0;
	v32 =	vld [tilespmem:$0xDA20]  }
.LBB2_2:
0x34: {  	p0 =	sne.s32 s1, $0x13B80;
	[tilespmem:s0+$0x8930] =	vst v0;
	s12 =	smov.u32 s1;
	s1 =	sadd.s32 $0x80, s1  }
.Ltmp0:
0x35: {  	[tilespmem:s0+$0x8940] =	vst v0;
	(pc) =	sbr.rel @p0 .LBB2_2-.Ltmp0, $2  }
0x36: {  	_ =	sdelay $0x2  }
0x37: {  	s0 =	sshra.s32 s12, $0x2  }
0x38: {  	v1 =	vmax.f32 v1, v2  }
0x39: {  	v1 =	vmax.f32 v1, v3  }
0x3a: {  	v1 =	vmax.f32 v1, v4  }
0x3b: {  	v1 =	vmax.f32 v1, v5  }
0x3c: {  	v1 =	vmax.f32 v1, v6  }
0x3d: {  	v1 =	vmax.f32 v1, v7  }
0x3e: {  	v1 =	vmax.f32 v1, v8  }
0x3f: {  	v1 =	vmax.f32 v1, v9  }
0x40: {  	v1 =	vmax.f32 v1, v10  }
0x41: {  	v1 =	vmax.f32 v1, v11  }
0x42: {  	v1 =	vmax.f32 v1, v12  }
0x43: {  	v1 =	vmax.f32 v1, v13  }
0x44: {  	v1 =	vmax.f32 v1, v14  }
0x45: {  	v1 =	vmax.f32 v1, v15  }
0x46: {  	v1 =	vmax.f32 v1, v16  }
0x47: {  	v1 =	vmax.f32 v1, v17  }
0x48: {  	v1 =	vmax.f32 v1, v18  }
0x49: {  	v1 =	vmax.f32 v1, v19  }
0x4a: {  	v1 =	vmax.f32 v1, v20  }
0x4b: {  	v1 =	vmax.f32 v1, v21  }
0x4c: {  	v1 =	vmax.f32 v1, v22  }
0x4d: {  	v1 =	vmax.f32 v1, v23  }
0x4e: {  	v1 =	vmax.f32 v1, v24  }
0x4f: {  	v1 =	vmax.f32 v1, v25  }
0x50: {  	v1 =	vmax.f32 v1, v26  }
0x51: {  	v1 =	vmax.f32 v1, v27  }
0x52: {  	v1 =	vmax.f32 v1, v28  }
0x53: {  	v1 =	vmax.f32 v1, v29  }
0x54: {  	v1 =	vmax.f32 v1, v30  }
0x55: {  	v1 =	vmax.f32 v1, v31  }
0x56: {  	v1 =	vmax.f32 v1, v32  }
0x57: {  	(xrf0) =	vmax.scan.msk.f32 $0xffff, v1;
	_ =	sdelay $0x3  }
0x58: {  	[tilespmem:s0+$0x8930] =	vst v0  }
0x59: {  	[tilespmem:s0+$0x8940] =	vst v0  }
0x5a: {  	[spmem:s6] =	stream.linear.scatter [tilespmem:s14], [sflag:$0x5], $0x4F00, $0x38;
	v1, _, _ =	vpop (xrf0);
	[tilespmem:$0x12930] =	vst v63  }
0x5b: {  	_ =	swait.ge [sflag:s13], $0x4F00  }
0x5c: {  	[sflag:s13] =	ssyncset.done $0x0  }
0x5d: {  	[sflag:s13] =	ssyncadd.s32 $0xFFFFB100  }
0x5e: {  	s25 =	simm.s32 $0x0;
	[bflag:$0x0] =	sbarrier.arrive $0xFFFF  }
0x5f: {  	[tilespmem:s25], [sflag:$0x5] =	stream.linear.gather [hbm4b:s7+s25], $0x2710, $0x38;
	[tilespmem:$0x12930] =	vst v63  }
0x60: {  	_ =	swait.ge [sflag:s13], $0x2710  }
0x61: {  	[sflag:s13] =	ssyncset.done $0x0  }
0x62: {  	s31 =	simm.s32 $0x2710;
	[sflag:s13] =	ssyncadd.s32 $0xFFFFD8F0  }
0x63: {  	[tilespmem:s31], [sflag:$0x5] =	stream.linear.gather [hbm4b:s8+s25], $0x2710, $0x38;
	[tilespmem:$0x12930] =	vst v63  }
0x64: {  	_ =	swait.ge [sflag:s13], $0x2710  }
0x65: {  	[sflag:s13] =	ssyncset.done $0x0  }
0x66: {  	s26 =	simm.s32 $0x4E20;
	[sflag:s13] =	ssyncadd.s32 $0xFFFFD8F0  }
0x67: {  	[tilespmem:s26], [sflag:$0x5] =	stream.linear.gather [hbm4b:s9+s25], $0x2710, $0x38;
	[tilespmem:$0x12930] =	vst v63  }
0x68: {  	_ =	swait.ge [sflag:s13], $0x2710  }
0x69: {  	[sflag:s13] =	ssyncset.done $0x0  }
0x6a: {  	s28 =	simm.s32 $0x4E70;
	[sflag:s13] =	ssyncadd.s32 $0xFFFFD8F0  }
0x6b: {  	v1 =	vbroadcast v1, $0xF;
	[tilespmem:s17], [sflag:$0x1] =	stream.indirect.gather [hbm4b:s4+s16], $0x20, s25, s16, $0xb8;
	[tilespmem:$0x12930] =	vst v63  }
.LBB2_4:
0x6c: {  	p0 =	seq.s32 s25, $0x0  }
0x6d: {  	s30 =	smul.u32 $0x280, s25;
	s0 =	simm.s32 @!p0 $0x4  }
0x6e: {  	_ =	swait.ge @!p0 [sflag:s0], $0xA00  }
0x6f: {  	s1 =	sadd.s32 $0x140, s30;
	[sflag:s0] =	ssyncset.done @!p0 $0x0  }
0x70: {  	v3 =	vmov s26;
	s29 =	sshra.s32 s1, $0x2;
	[sflag:s0] =	ssyncadd.s32 @!p0 $0xFFFFF600  }
0x71: {  	[tilespmem:s18], [sflag:$0x2] =	stream.indirect.gather [hbm4b:s4+s16], $0x20, s29, s16, $0xb8;
	[tilespmem:$0x12930] =	vst v63  }
0x72: {  	_ =	swait.ge [sflag:s19], $0xA00  }
0x73: {  	[sflag:s19] =	ssyncset.done $0x0  }
0x74: {  	s12 =	simm.s32 $0x0;
	[sflag:s19] =	ssyncadd.s32 $0xFFFFF600  }
0x75: {  	v2 =	vld.idx.msk [tilespmem:v3+s12+$0x0 ss:$0x1], $0xffff;
	_ =	sdelay $0x4  }
0x76: {  	v2 =	vsub.f32 v2, v1;
	_ =	sdelay $0x1  }
0x77: {  	v2 =	vmul.f32 $1.442695020e+00, v2;
	_ =	sdelay $0x1  }
0x78: {  	(erf) = vpow2.f32 v2;
	_ =	sdelay $0x3  }
0x79: {  	s31 =	simm.s32 $0x7630  }
0x7a: {  	v4 =	vld [tilespmem:s31+$0xF0]  }
0x7b: {  	v5 =	vld [tilespmem:s31+$0xFFFFFF00]  }
0x7c: {  	v6 =	vld [tilespmem:s31+$0xFFFFFF10]  }
0x7d: {  	v9 =	vld [tilespmem:s31+$0xFFFFFF30]  }
0x7e: {  	v7 =	vld [tilespmem:s31+$0xFFFFFF20];
	v8 =	vpop (erf)  }
0x7f: {  	v10 =	vld [tilespmem:s31+$0xFFFFFF40];
	v13 =	vbroadcast v8, $0x0  }
0x80: {  	v11 =	vld [tilespmem:s31+$0xFFFFFF50];
	v2 =	vbroadcast v8, $0xF;
	v18 =	vbroadcast v8, $0x1  }
0x81: {  	v12 =	vld [tilespmem:s31+$0xFFFFFF60];
	v6 =	vmul.f32 v13, v6  }
0x82: {  	v14 =	vld [tilespmem:s31+$0xFFFFFF80];
	v4 =	vmul.f32 v4, v2;
	v9 =	vmul.f32 v9, v18  }
0x83: {  	v15 =	vld [tilespmem:s31+$0xFFFFFF90];
	v7 =	vmul.f32 v7, v18;
	[tilespmem:s31+$0xFFFFFF10] =	vst v6;
	v6 =	vbroadcast v8, $0x2  }
0x84: {  	v16 =	vld [tilespmem:s31+$0xFFFFFFA0];
	v5 =	vmul.f32 v13, v5;
	[tilespmem:s31+$0xFFFFFF30] =	vst v9;
	v9 =	vbroadcast v8, $0x3  }
0x85: {  	v17 =	vld [tilespmem:s31+$0xFFFFFFB0];
	[tilespmem:s31+$0xFFFFFF20] =	vst v7;
	v7 =	vmul.f32 v10, v6;
	v6 =	vmul.f32 v11, v6  }
0x86: {  	v13 =	vld [tilespmem:s31+$0xFFFFFFD0];
	[tilespmem:s31+$0xF0] =	vst v4;
	v11 =	vmul.f32 v12, v9;
	v12 =	vbroadcast v8, $0x4  }
0x87: {  	[tilespmem:s31+$0xFFFFFF00] =	vst v5;
	v5 =	vld [tilespmem:s31+$0xFFFFFFC0]  }
0x88: {  	v4 =	vld [tilespmem:s31+$0xFFFFFF70];
	[tilespmem:s31+$0xFFFFFF60] =	vst v11;
	v11 =	vmul.f32 v14, v12;
	v14 =	vbroadcast v8, $0x5  }
0x89: {  	s15 =	simm.s32 $0x10;
	v10 =	vld [tilespmem:s31+$0xFFFFFFE0];
	v12 =	vmul.f32 v15, v12  }
0x8a: {  	v18 =	vld.idx.msk [tilespmem:v3+s15+$0x0 ss:$0x1], $0xffff;
	[tilespmem:s31+$0xFFFFFF40] =	vst v7;
	v15 =	vmul.f32 v16, v14;
	v16 =	vbroadcast v8, $0x6  }
0x8b: {  	v7 =	vld [tilespmem:s31+$0xFFFFFFF0];
	[tilespmem:s31+$0xFFFFFF50] =	vst v6;
	v14 =	vmul.f32 v17, v14  }
0x8c: {  	v6 =	vld [tilespmem:s31+$0x0];
	[tilespmem:s31+$0xFFFFFF80] =	vst v11;
	v17 =	vbroadcast v8, $0x7;
	v5 =	vmul.f32 v5, v16  }
0x8d: {  	v4 =	vmul.f32 v4, v9;
	v9 =	vld [tilespmem:s31+$0x10];
	[tilespmem:s31+$0xFFFFFF90] =	vst v12  }
0x8e: {  	v11 =	vld [tilespmem:s31+$0x30];
	[tilespmem:s31+$0xFFFFFFC0] =	vst v5;
	v5 =	vmul.f32 v10, v17  }
0x8f: {  	v12 =	vld [tilespmem:s31+$0x40];
	[tilespmem:s31+$0xFFFFFF70] =	vst v4  }
0x90: {  	v4 =	vld [tilespmem:s31+$0x20];
	v13 =	vmul.f32 v13, v16;
	[tilespmem:s31+$0xFFFFFFE0] =	vst v5;
	v5 =	vsub.f32 v18, v1  }
0x91: {  	[tilespmem:s31+$0xFFFFFFA0] =	vst v15;
	v15 =	vld [tilespmem:s31+$0x50];
	v7 =	vmul.f32 v7, v17  }
0x92: {  	[tilespmem:s31+$0xFFFFFFD0] =	vst v13;
	v10 =	vld [tilespmem:s31+$0x80];
	v13 =	vbroadcast v8, $0x8;
	v5 =	vmul.f32 $1.442695020e+00, v5  }
0x93: {  	v17 =	vld [tilespmem:s31+$0x90];
	[tilespmem:s31+$0xFFFFFFF0] =	vst v7;
	v7 =	vbroadcast v8, $0x9  }
0x94: {  	v6 =	vmul.f32 v6, v13;
	v18 =	vld [tilespmem:s31+$0xA0];
	(erf) = vpow2.f32 v5  }
0x95: {  	v9 =	vmul.f32 v9, v13;
	v13 =	vld [tilespmem:s31+$0xB0];
	v4 =	vmul.f32 v4, v7  }
0x96: {  	v20 =	vbroadcast v8, $0xC;
	[tilespmem:s31+$0xFFFFFFB0] =	vst v14;
	v14 =	vld [tilespmem:s31+$0x60]  }
0x97: {  	v21 =	vbroadcast v8, $0xD;
	v16 =	vld [tilespmem:s31+$0x70];
	[tilespmem:s31+$0x20] =	vst v4;
	v4 =	vbroadcast v8, $0xA  }
0x98: {  	s0 =	simm.s32 $0x7830;
	[tilespmem:s31+$0x10] =	vst v9;
	v9 =	vld [tilespmem:s31+$0xC0];
	v10 =	vmul.f32 v10, v20;
	v27 =	vmul.f32 v17, v20  }
0x99: {  	v19 =	vld [tilespmem:s0+$0xF0];
	v5 =	vmul.f32 v11, v7;
	v11 =	vbroadcast v8, $0xB  }
0x9a: {  	v22 =	vld [tilespmem:s0+$0xFFFFFF00];
	v29 =	vmul.f32 v18, v21;
	v30 =	vmul.f32 v13, v21  }
0x9b: {  	v23 =	vld [tilespmem:s0+$0xFFFFFF10];
	[tilespmem:s31+$0x30] =	vst v5;
	v5 =	vbroadcast v8, $0xE;
	v8 =	vmul.f32 v12, v4  }
0x9c: {  	v25 =	vld [tilespmem:s0+$0xFFFFFF20];
	v12 =	vmul.f32 v15, v4;
	v14 =	vmul.f32 v14, v11  }
0x9d: {  	v26 =	vld [tilespmem:s0+$0xFFFFFF30];
	[tilespmem:s31+$0x0] =	vst v6;
	v11 =	vmul.f32 v16, v11;
	v32 =	vmul.f32 v9, v5;
	v24 =	vpop (erf)  }
0x9e: {  	v28 =	vld [tilespmem:s0+$0xFFFFFF40];
	[tilespmem:s31+$0x40] =	vst v8;
	v4 =	vbroadcast v24, $0xF;
	v8 =	vbroadcast v24, $0x0  }
0x9f: {  	v31 =	vld [tilespmem:s0+$0xFFFFFF50];
	[tilespmem:s31+$0x80] =	vst v10;
	v34 =	vbroadcast v24, $0x1;
	v35 =	vbroadcast v24, $0x2  }
0xa0: {  	v33 =	vld [tilespmem:s0+$0xFFFFFF60];
	[tilespmem:s31+$0x90] =	vst v27;
	v36 =	vbroadcast v24, $0x3;
	v18 =	vbroadcast v24, $0x4  }
0xa1: {  	v37 =	vld [tilespmem:s0+$0xFFFFFF70];
	[tilespmem:s31+$0x50] =	vst v12;
	v17 =	vbroadcast v24, $0x5;
	v16 =	vbroadcast v24, $0x6  }
0xa2: {  	v38 =	vld [tilespmem:s0+$0xFFFFFF80];
	[tilespmem:s31+$0x60] =	vst v14;
	v14 =	vbroadcast v24, $0x8;
	v13 =	vbroadcast v24, $0x9  }
0xa3: {  	v6 =	vld [tilespmem:s31+$0xE0];
	[tilespmem:s31+$0x70] =	vst v11;
	v12 =	vbroadcast v24, $0xA;
	v11 =	vbroadcast v24, $0xB  }
0xa4: {  	v20 =	vld [tilespmem:s0+$0xFFFFFFA0];
	[tilespmem:s31+$0xA0] =	vst v29;
	v10 =	vbroadcast v24, $0xC;
	v15 =	vmul.f32 v19, v4  }
0xa5: {  	v7 =	vld [tilespmem:s31+$0xD0];
	[tilespmem:s31+$0xB0] =	vst v30;
	v9 =	vmul.f32 v8, v22;
	v8 =	vmul.f32 v8, v23  }
0xa6: {  	v19 =	vld [tilespmem:s0+$0xFFFFFF90];
	v30 =	vmul.f32 v26, v34;
	v29 =	vmul.f32 v28, v35;
	[tilespmem:s0+$0xF0] =	vst v15  }
0xa7: {  	v21 =	vld [tilespmem:s0+$0xFFFFFFB0];
	v15 =	vbroadcast v24, $0x7;
	[tilespmem:s0+$0xFFFFFF00] =	vst v9;
	v9 =	vbroadcast v24, $0xD  }
0xa8: {  	v22 =	vld [tilespmem:s0+$0xFFFFFFC0];
	[tilespmem:s0+$0xFFFFFF10] =	vst v8;
	v8 =	vbroadcast v24, $0xE;
	v24 =	vmul.f32 v25, v34  }
0xa9: {  	[tilespmem:s31+$0xC0] =	vst v32;
	v23 =	vld [tilespmem:s0+$0xFFFFFFD0];
	v28 =	vmul.f32 v31, v35;
	v27 =	vmul.f32 v37, v36  }
0xaa: {  	s1 =	simm.s32 $0x7830;
	s12 =	simm.s32 $0xC0;
	s15 =	simm.s32 $0x20;
	v26 =	vmul.f32 v38, v18;
	v25 =	vmul.f32 v33, v36;
	[tilespmem:s0+$0xFFFFFF20] =	vst v24;
	v24 =	vld [tilespmem:s0+$0xFFFFFFE0]  }
.LBB2_5:
0xab: {  	p0 =	sne.s32 s12, $0x100;
	v31 =	vld.idx.msk [tilespmem:v3+s15+$0x0 ss:$0x1], $0xffff;
	[tilespmem:s0+$0xFFFFFF30] =	vst v30;
	v18 =	vmul.f32 v19, v18;
	v19 =	vmul.f32 v20, v17  }
0xac: {  	[tilespmem:s0+$0xFFFFFF40] =	vst v29;
	v17 =	vmul.f32 v21, v17;
	v20 =	vld [tilespmem:s0+$0xFFFFFFF0];
	v21 =	vmul.f32 v7, v5;
	v5 =	vmov v8  }
0xad: {  	[tilespmem:s0+$0xFFFFFF50] =	vst v28;
	v7 =	vmul.f32 v22, v16;
	v8 =	vld [tilespmem:s0+$0x0];
	v22 =	vmul.f32 v6, v2;
	v2 =	vmov v4  }
0xae: {  	[tilespmem:s0+$0xFFFFFF60] =	vst v25;
	v4 =	vmul.f32 v23, v16;
	v6 =	vld [tilespmem:s0+$0x10]  }
0xaf: {  	[tilespmem:s0+$0xFFFFFF70] =	vst v27;
	v16 =	vmul.f32 v24, v15;
	v23 =	vld [tilespmem:s0+$0x20]  }
0xb0: {  	[tilespmem:s0+$0xFFFFFF80] =	vst v26;
	v24 =	vld [tilespmem:s0+$0x30]  }
0xb1: {  	v25 =	vsub.f32 v31, v1;
	[tilespmem:s0+$0xFFFFFF90] =	vst v18;
	v15 =	vmul.f32 v20, v15;
	v18 =	vld [tilespmem:s0+$0x40]  }
0xb2: {  	[tilespmem:s0+$0xFFFFFFA0] =	vst v19;
	v8 =	vmul.f32 v8, v14;
	v19 =	vld [tilespmem:s0+$0x50]  }
0xb3: {  	v20 =	vmul.f32 $1.442695020e+00, v25;
	[tilespmem:s0+$0xFFFFFFB0] =	vst v17;
	v6 =	vmul.f32 v6, v14;
	v14 =	vld [tilespmem:s0+$0x60]  }
0xb4: {  	[tilespmem:s0+$0xFFFFFFC0] =	vst v7;
	v7 =	vmul.f32 v23, v13;
	v17 =	vld [tilespmem:s0+$0x70]  }
0xb5: {  	(erf) = vpow2.f32 v20;
	[tilespmem:s0+$0xFFFFFFD0] =	vst v4;
	v4 =	vmul.f32 v24, v13;
	v13 =	vld [tilespmem:s0+$0x80]  }
0xb6: {  	[tilespmem:s0+$0xFFFFFFE0] =	vst v16;
	v16 =	vmul.f32 v18, v12;
	v18 =	vld [tilespmem:s0+$0x90]  }
0xb7: {  	[tilespmem:s0+$0xFFFFFFF0] =	vst v15;
	v12 =	vmul.f32 v19, v12;
	v15 =	vld [tilespmem:s0+$0xA0]  }
0xb8: {  	[tilespmem:s0+$0x0] =	vst v8;
	v8 =	vmul.f32 v14, v11;
	v14 =	vld [tilespmem:s0+$0xB0]  }
0xb9: {  	[tilespmem:s0+$0x10] =	vst v6;
	v11 =	vmul.f32 v17, v11;
	v17 =	vld [tilespmem:s0+$0xC0]  }
0xba: {  	[tilespmem:s0+$0x20] =	vst v7;
	v13 =	vmul.f32 v13, v10;
	v7 =	vld [tilespmem:s0+$0xD0]  }
0xbb: {  	s0 =	sadd.s32 $0x200, s0;
	[tilespmem:s1+$0x30] =	vst v4;
	v10 =	vmul.f32 v18, v10;
	v6 =	vld [tilespmem:s1+$0xE0]  }
0xbc: {  	v18 =	vld [tilespmem:s0+$0xF0];
	[tilespmem:s1+$0x40] =	vst v16;
	v15 =	vmul.f32 v15, v9  }
0xbd: {  	v20 =	vld [tilespmem:s0+$0xFFFFFF00];
	[tilespmem:s1+$0x50] =	vst v12;
	v9 =	vmul.f32 v14, v9  }
0xbe: {  	v23 =	vld [tilespmem:s0+$0xFFFFFF10];
	v24 =	vpop (erf);
	[tilespmem:s1+$0x60] =	vst v8;
	v8 =	vmul.f32 v17, v5  }
0xbf: {  	v25 =	vbroadcast v24, $0x0;
	v26 =	vld [tilespmem:s0+$0xFFFFFF20];
	v4 =	vbroadcast v24, $0xF;
	[tilespmem:s1+$0x70] =	vst v11  }
0xc0: {  	v27 =	vbroadcast v24, $0x1;
	v31 =	vbroadcast v24, $0x2;
	v28 =	vld [tilespmem:s0+$0xFFFFFF30];
	[tilespmem:s1+$0x80] =	vst v13  }
0xc1: {  	v32 =	vbroadcast v24, $0x3;
	v29 =	vld [tilespmem:s0+$0xFFFFFF40];
	v11 =	vmul.f32 v18, v4;
	[tilespmem:s1+$0x90] =	vst v10  }
0xc2: {  	v17 =	vbroadcast v24, $0x5;
	v18 =	vbroadcast v24, $0x4;
	v33 =	vld [tilespmem:s0+$0xFFFFFF50];
	[tilespmem:s1+$0xA0] =	vst v15  }
0xc3: {  	v16 =	vbroadcast v24, $0x6;
	v15 =	vbroadcast v24, $0x7;
	v34 =	vld [tilespmem:s0+$0xFFFFFF60];
	[tilespmem:s0+$0xF0] =	vst v11  }
0xc4: {  	v14 =	vbroadcast v24, $0x8;
	v13 =	vbroadcast v24, $0x9;
	v35 =	vld [tilespmem:s0+$0xFFFFFF70];
	[tilespmem:s1+$0xB0] =	vst v9  }
0xc5: {  	v12 =	vbroadcast v24, $0xA;
	v11 =	vbroadcast v24, $0xB;
	v36 =	vld [tilespmem:s0+$0xFFFFFF80];
	[tilespmem:s1+$0xC0] =	vst v8  }
0xc6: {  	v10 =	vbroadcast v24, $0xC;
	v9 =	vbroadcast v24, $0xD;
	v19 =	vld [tilespmem:s0+$0xFFFFFF90];
	[tilespmem:s31+$0xD0] =	vst v21  }
.Ltmp1:
0xc7: {  	v30 =	vmul.f32 v25, v20;
	v8 =	vbroadcast v24, $0xE;
	v20 =	vld [tilespmem:s0+$0xFFFFFFA0];
	[tilespmem:s31+$0xE0] =	vst v22;
	s31 =	smov.u32 s1;
	s1 =	smov.u32 s0;
	(pc) =	sbr.rel @p0 .LBB2_5-.Ltmp1, $4  }
0xc8: {  	v23 =	vmul.f32 v25, v23;
	v24 =	vmul.f32 v26, v27;
	v21 =	vld [tilespmem:s0+$0xFFFFFFB0]  }
0xc9: {  	v29 =	vmul.f32 v29, v31;
	[tilespmem:s0+$0xFFFFFF00] =	vst v30;
	v30 =	vmul.f32 v28, v27;
	v22 =	vld [tilespmem:s0+$0xFFFFFFC0]  }
0xca: {  	v25 =	vmul.f32 v34, v32;
	v28 =	vmul.f32 v33, v31;
	[tilespmem:s0+$0xFFFFFF10] =	vst v23;
	v23 =	vld [tilespmem:s0+$0xFFFFFFD0]  }
0xcb: {  	s15 =	sshra.s32 s12, $0x2;
	s12 =	sadd.s32 $0x40, s12;
	v27 =	vmul.f32 v35, v32;
	v26 =	vmul.f32 v36, v18;
	[tilespmem:s0+$0xFFFFFF20] =	vst v24;
	v24 =	vld [tilespmem:s0+$0xFFFFFFE0]  }
0xcc: {  	[tilespmem:s0+$0xFFFFFF30] =	vst v30  }
0xcd: {  	[tilespmem:s0+$0xFFFFFF40] =	vst v29  }
0xce: {  	v29 =	vld [tilespmem:s0+$0xFFFFFFF0];
	[tilespmem:s0+$0xFFFFFF50] =	vst v28  }
0xcf: {  	v28 =	vld [tilespmem:s0+$0x0];
	[tilespmem:s0+$0xFFFFFF60] =	vst v25  }
0xd0: {  	v18 =	vmul.f32 v19, v18;
	v3 =	vld.idx.msk [tilespmem:v3+s15+$0x0 ss:$0x1], $0xffff;
	[tilespmem:s0+$0xFFFFFF70] =	vst v27  }
0xd1: {  	v25 =	vld [tilespmem:s0+$0x10];
	v20 =	vmul.f32 v20, v17;
	[tilespmem:s0+$0xFFFFFF80] =	vst v26  }
0xd2: {  	v19 =	vld [tilespmem:s0+$0x30];
	v5 =	vmul.f32 v7, v5;
	[tilespmem:s0+$0xFFFFFF90] =	vst v18  }
0xd3: {  	v27 =	vld [tilespmem:s0+$0x20];
	v17 =	vmul.f32 v21, v17;
	[tilespmem:s0+$0xFFFFFFA0] =	vst v20  }
0xd4: {  	v18 =	vld [tilespmem:s0+$0x40];
	v21 =	vmul.f32 v22, v16;
	[tilespmem:s31+$0xD0] =	vst v5  }
0xd5: {  	v20 =	vld [tilespmem:s0+$0x50];
	[tilespmem:s0+$0xFFFFFFB0] =	vst v17;
	v16 =	vmul.f32 v23, v16;
	v3 =	vsub.f32 v3, v1  }
0xd6: {  	v17 =	vld [tilespmem:s0+$0x60];
	[tilespmem:s0+$0xFFFFFFC0] =	vst v21;
	v22 =	vmul.f32 v24, v15  }
0xd7: {  	v21 =	vld [tilespmem:s0+$0x70];
	[tilespmem:s0+$0xFFFFFFD0] =	vst v16;
	v15 =	vmul.f32 v29, v15;
	v3 =	vmul.f32 $1.442695020e+00, v3  }
0xd8: {  	v16 =	vld [tilespmem:s0+$0x80];
	v23 =	vmul.f32 v28, v14;
	[tilespmem:s0+$0xFFFFFFE0] =	vst v22  }
0xd9: {  	v14 =	vmul.f32 v25, v14;
	v22 =	vld [tilespmem:s0+$0x90];
	[tilespmem:s0+$0xFFFFFFF0] =	vst v15;
	(erf) = vpow2.f32 v3  }
0xda: {  	v15 =	vld [tilespmem:s0+$0xA0];
	[tilespmem:s0+$0x0] =	vst v23;
	v3 =	vmul.f32 v27, v13  }
0xdb: {  	v23 =	vld [tilespmem:s0+$0xB0];
	[tilespmem:s0+$0x10] =	vst v14;
	v13 =	vmul.f32 v19, v13  }
0xdc: {  	v14 =	vld [tilespmem:s0+$0xC0];
	v17 =	vmul.f32 v17, v11;
	[tilespmem:s0+$0x20] =	vst v3  }
0xdd: {  	v3 =	vld [tilespmem:s0+$0xD0];
	[tilespmem:s1+$0x30] =	vst v13;
	v13 =	vmul.f32 v20, v12  }
0xde: {  	v11 =	vmul.f32 v21, v11;
	[tilespmem:s1+$0x60] =	vst v17  }
0xdf: {  	s12 =	sadd.s32 $0x200, s0;
	[tilespmem:s1+$0x50] =	vst v13;
	v13 =	vmul.f32 v16, v10  }
0xe0: {  	v19 =	vld [tilespmem:s12+$0xF0];
	[tilespmem:s1+$0x70] =	vst v11;
	v10 =	vmul.f32 v22, v10  }
0xe1: {  	v11 =	vmul.f32 v15, v9;
	[tilespmem:s1+$0x80] =	vst v13;
	v13 =	vld [tilespmem:s12+$0xFFFFFF00]  }
0xe2: {  	v2 =	vmul.f32 v6, v2;
	[tilespmem:s1+$0x90] =	vst v10;
	v10 =	vld [tilespmem:s12+$0xFFFFFF10];
	v16 =	vpop (erf)  }
0xe3: {  	[tilespmem:s1+$0xA0] =	vst v11;
	v11 =	vmul.f32 v14, v8;
	v14 =	vld [tilespmem:s12+$0xFFFFFF20];
	v17 =	vbroadcast v16, $0xF  }
0xe4: {  	v6 =	vld [tilespmem:s12+$0xFFFFFF40];
	[tilespmem:s31+$0xE0] =	vst v2;
	v9 =	vmul.f32 v23, v9;
	v7 =	vbroadcast v16, $0x0  }
0xe5: {  	[tilespmem:s1+$0xC0] =	vst v11;
	v11 =	vld [tilespmem:s12+$0xFFFFFF50];
	v15 =	vmul.f32 v19, v17  }
0xe6: {  	[tilespmem:s1+$0xB0] =	vst v9;
	v9 =	vbroadcast v16, $0x1;
	v5 =	vmul.f32 v7, v13;
	v13 =	vld [tilespmem:s12+$0xFFFFFF60]  }
0xe7: {  	v2 =	vmul.f32 v7, v10;
	v7 =	vbroadcast v16, $0x2;
	v10 =	vld [tilespmem:s12+$0xFFFFFF70];
	[tilespmem:s12+$0xF0] =	vst v15  }
0xe8: {  	v14 =	vmul.f32 v14, v9;
	v15 =	vld [tilespmem:s12+$0xFFFFFF30];
	[tilespmem:s12+$0xFFFFFF00] =	vst v5  }
0xe9: {  	v5 =	vld [tilespmem:s12+$0xFFFFFF80];
	[tilespmem:s12+$0xFFFFFF10] =	vst v2;
	v6 =	vmul.f32 v6, v7  }
0xea: {  	v18 =	vmul.f32 v18, v12;
	v2 =	vbroadcast v16, $0x3;
	[tilespmem:s12+$0xFFFFFF20] =	vst v14;
	v14 =	vld [tilespmem:s12+$0xFFFFFFA0]  }
0xeb: {  	v7 =	vmul.f32 v11, v7;
	[tilespmem:s12+$0xFFFFFF40] =	vst v6;
	v6 =	vld [tilespmem:s12+$0xFFFFFFC0]  }
0xec: {  	[tilespmem:s1+$0x40] =	vst v18;
	v13 =	vmul.f32 v13, v2;
	v2 =	vmul.f32 v10, v2;
	v10 =	vld [tilespmem:s12+$0xFFFFFFD0]  }
0xed: {  	[tilespmem:s12+$0xFFFFFF50] =	vst v7;
	v9 =	vmul.f32 v15, v9;
	v15 =	vld [tilespmem:s12+$0xFFFFFF90]  }
0xee: {  	v11 =	vld [tilespmem:s12+$0xFFFFFFB0];
	v7 =	vbroadcast v16, $0x5;
	[tilespmem:s12+$0xFFFFFF70] =	vst v2;
	v2 =	vbroadcast v16, $0x6  }
0xef: {  	v3 =	vmul.f32 v3, v8;
	[tilespmem:s12+$0xFFFFFF30] =	vst v9;
	v9 =	vbroadcast v16, $0x4  }
0xf0: {  	[tilespmem:s12+$0xFFFFFF60] =	vst v13;
	v13 =	vld [tilespmem:s12+$0xFFFFFFE0];
	v14 =	vmul.f32 v14, v7;
	v6 =	vmul.f32 v6, v2  }
0xf1: {  	[tilespmem:s1+$0xD0] =	vst v3;
	v2 =	vmul.f32 v10, v2;
	v10 =	vld [tilespmem:s12+$0x20];
	v5 =	vmul.f32 v5, v9  }
0xf2: {  	[tilespmem:s12+$0xFFFFFFA0] =	vst v14;
	v9 =	vmul.f32 v15, v9;
	v15 =	vld [tilespmem:s12+$0xFFFFFFF0]  }
0xf3: {  	[tilespmem:s12+$0xFFFFFF80] =	vst v5;
	v5 =	vmul.f32 v11, v7;
	v7 =	vld [tilespmem:s12+$0x0]  }
0xf4: {  	[tilespmem:s12+$0xFFFFFFD0] =	vst v2;
	v2 =	vbroadcast v16, $0x9;
	v11 =	vld [tilespmem:s12+$0x10]  }
0xf5: {  	[tilespmem:s12+$0xFFFFFF90] =	vst v9;
	v9 =	vbroadcast v16, $0x7  }
0xf6: {  	v14 =	vld [tilespmem:s12+$0x30];
	[tilespmem:s12+$0xFFFFFFB0] =	vst v5;
	v5 =	vbroadcast v16, $0x8;
	v10 =	vmul.f32 v10, v2  }
0xf7: {  	[tilespmem:s12+$0xFFFFFFC0] =	vst v6;
	v13 =	vmul.f32 v13, v9;
	v6 =	vmul.f32 v15, v9;
	v9 =	vld [tilespmem:s12+$0x40]  }
0xf8: {  	v15 =	vld [tilespmem:s12+$0x50];
	[tilespmem:s12+$0x20] =	vst v10  }
0xf9: {  	v7 =	vmul.f32 v7, v5;
	[tilespmem:s12+$0xFFFFFFE0] =	vst v13;
	v5 =	vmul.f32 v11, v5;
	v11 =	vld [tilespmem:s12+$0x60]  }
0xfa: {  	v13 =	vld [tilespmem:s12+$0x70];
	[tilespmem:s12+$0xFFFFFFF0] =	vst v6;
	v6 =	vbroadcast v16, $0xA  }
0xfb: {  	v2 =	vmul.f32 v14, v2;
	[tilespmem:s12+$0x0] =	vst v7;
	v7 =	vld [tilespmem:s12+$0x80]  }
0xfc: {  	v12 =	vld [tilespmem:s1+$0xE0];
	[tilespmem:s12+$0x10] =	vst v5;
	v5 =	vbroadcast v16, $0xB;
	v9 =	vmul.f32 v9, v6  }
0xfd: {  	v14 =	vld [tilespmem:s12+$0x90];
	[tilespmem:s12+$0x30] =	vst v2;
	v6 =	vmul.f32 v15, v6  }
0xfe: {  	v10 =	vld [tilespmem:s12+$0xA0];
	v2 =	vbroadcast v16, $0xC;
	v11 =	vmul.f32 v11, v5;
	[tilespmem:s12+$0x40] =	vst v9  }
0xff: {  	v5 =	vmul.f32 v13, v5;
	v9 =	vld [tilespmem:s12+$0xC0];
	[tilespmem:s12+$0x50] =	vst v6  }
0x100: {  	v15 =	vld [tilespmem:s12+$0xB0];
	v7 =	vmul.f32 v7, v2;
	[tilespmem:s12+$0x60] =	vst v11  }
0x101: {  	v4 =	vmul.f32 v12, v4;
	v6 =	vbroadcast v16, $0xD;
	[tilespmem:s12+$0x70] =	vst v5;
	v11 =	vld [tilespmem:s12+$0xD0]  }
0x102: {  	v2 =	vmul.f32 v14, v2;
	v5 =	vbroadcast v16, $0xE;
	[tilespmem:s12+$0x80] =	vst v7;
	v7 =	vld [tilespmem:s12+$0xE0]  }
0x103: {  	[tilespmem:s1+$0xE0] =	vst v4;
	v10 =	vmul.f32 v10, v6  }
0x104: {  	[tilespmem:s12+$0x90] =	vst v2;
	v2 =	vmul.f32 v9, v5  }
0x105: {  	v6 =	vmul.f32 v15, v6;
	[tilespmem:s12+$0xA0] =	vst v10  }
0x106: {  	[tilespmem:s12+$0xC0] =	vst v2;
	v2 =	vmul.f32 v11, v5  }
0x107: {  	[tilespmem:s12+$0xB0] =	vst v6;
	v3 =	vmul.f32 v7, v17  }
0x108: {  	s15 =	sshra.s32 s30, $0x2;
	[tilespmem:s12+$0xD0] =	vst v2  }
0x109: {  	s31 =	sadd.s32 $0x2710, s15;
	[tilespmem:s12+$0xE0] =	vst v3  }
0x10a: {  	[spmem:s2] =	stream.indirect.scatter.add.f32 [tilespmem:s17], [sflag:$0x3], $0x20, s31, s16, $0xb8;
	[tilespmem:$0x12930] =	vst v63  }
0x10b: {  	_ =	swait.ge [sflag:s20], $0xA00  }
0x10c: {  	[sflag:s20] =	ssyncset.done $0x0  }
0x10d: {  	s12 =	sadd.s32 $0xA0, s15;
	v3 =	vmov s28;
	[sflag:s20] =	ssyncadd.s32 $0xFFFFF600  }
0x10e: {  	[tilespmem:s17], [sflag:$0x1] =	stream.indirect.gather [hbm4b:s4+s16], $0x20, s12, s16, $0xb8;
	[tilespmem:$0x12930] =	vst v63  }
0x10f: {  	_ =	swait.ge [sflag:s21], $0xA00  }
0x110: {  	[sflag:s21] =	ssyncset.done $0x0  }
0x111: {  	s15 =	simm.s32 $0x0;
	[sflag:s21] =	ssyncadd.s32 $0xFFFFF600  }
0x112: {  	v2 =	vld.idx.msk [tilespmem:v3+s15+$0x0 ss:$0x1], $0xffff;
	_ =	sdelay $0x4  }
0x113: {  	v2 =	vsub.f32 v2, v1;
	_ =	sdelay $0x1  }
0x114: {  	v2 =	vmul.f32 $1.442695020e+00, v2;
	_ =	sdelay $0x1  }
0x115: {  	(erf) = vpow2.f32 v2;
	_ =	sdelay $0x3  }
0x116: {  	s30 =	simm.s32 $0x8030  }
0x117: {  	v4 =	vld [tilespmem:s30+$0xF0]  }
0x118: {  	v5 =	vld [tilespmem:s30+$0xFFFFFF00]  }
0x119: {  	v6 =	vld [tilespmem:s30+$0xFFFFFF10]  }
0x11a: {  	v9 =	vld [tilespmem:s30+$0xFFFFFF30]  }
0x11b: {  	v7 =	vld [tilespmem:s30+$0xFFFFFF20];
	v8 =	vpop (erf)  }
0x11c: {  	v10 =	vld [tilespmem:s30+$0xFFFFFF40];
	v13 =	vbroadcast v8, $0x0  }
0x11d: {  	v11 =	vld [tilespmem:s30+$0xFFFFFF50];
	v2 =	vbroadcast v8, $0xF;
	v18 =	vbroadcast v8, $0x1  }
0x11e: {  	v12 =	vld [tilespmem:s30+$0xFFFFFF60];
	v6 =	vmul.f32 v13, v6  }
0x11f: {  	v14 =	vld [tilespmem:s30+$0xFFFFFF80];
	v4 =	vmul.f32 v4, v2;
	v9 =	vmul.f32 v9, v18  }
0x120: {  	v15 =	vld [tilespmem:s30+$0xFFFFFF90];
	v7 =	vmul.f32 v7, v18;
	[tilespmem:s30+$0xFFFFFF10] =	vst v6;
	v6 =	vbroadcast v8, $0x2  }
0x121: {  	v16 =	vld [tilespmem:s30+$0xFFFFFFA0];
	v5 =	vmul.f32 v13, v5;
	[tilespmem:s30+$0xFFFFFF30] =	vst v9;
	v9 =	vbroadcast v8, $0x3  }
0x122: {  	v17 =	vld [tilespmem:s30+$0xFFFFFFB0];
	[tilespmem:s30+$0xFFFFFF20] =	vst v7;
	v7 =	vmul.f32 v10, v6;
	v6 =	vmul.f32 v11, v6  }
0x123: {  	v13 =	vld [tilespmem:s30+$0xFFFFFFD0];
	[tilespmem:s30+$0xF0] =	vst v4;
	v11 =	vmul.f32 v12, v9;
	v12 =	vbroadcast v8, $0x4  }
0x124: {  	[tilespmem:s30+$0xFFFFFF00] =	vst v5;
	v5 =	vld [tilespmem:s30+$0xFFFFFFC0]  }
0x125: {  	v4 =	vld [tilespmem:s30+$0xFFFFFF70];
	[tilespmem:s30+$0xFFFFFF60] =	vst v11;
	v11 =	vmul.f32 v14, v12;
	v14 =	vbroadcast v8, $0x5  }
0x126: {  	s31 =	simm.s32 $0x10;
	v10 =	vld [tilespmem:s30+$0xFFFFFFE0];
	v12 =	vmul.f32 v15, v12  }
0x127: {  	v18 =	vld.idx.msk [tilespmem:v3+s31+$0x0 ss:$0x1], $0xffff;
	[tilespmem:s30+$0xFFFFFF40] =	vst v7;
	v15 =	vmul.f32 v16, v14;
	v16 =	vbroadcast v8, $0x6  }
0x128: {  	v7 =	vld [tilespmem:s30+$0xFFFFFFF0];
	[tilespmem:s30+$0xFFFFFF50] =	vst v6;
	v14 =	vmul.f32 v17, v14  }
0x129: {  	v6 =	vld [tilespmem:s30+$0x0];
	[tilespmem:s30+$0xFFFFFF80] =	vst v11;
	v17 =	vbroadcast v8, $0x7;
	v5 =	vmul.f32 v5, v16  }
0x12a: {  	v4 =	vmul.f32 v4, v9;
	v9 =	vld [tilespmem:s30+$0x10];
	[tilespmem:s30+$0xFFFFFF90] =	vst v12  }
0x12b: {  	v11 =	vld [tilespmem:s30+$0x30];
	[tilespmem:s30+$0xFFFFFFC0] =	vst v5;
	v5 =	vmul.f32 v10, v17  }
0x12c: {  	v12 =	vld [tilespmem:s30+$0x40];
	[tilespmem:s30+$0xFFFFFF70] =	vst v4  }
0x12d: {  	v4 =	vld [tilespmem:s30+$0x20];
	v13 =	vmul.f32 v13, v16;
	[tilespmem:s30+$0xFFFFFFE0] =	vst v5;
	v5 =	vsub.f32 v18, v1  }
0x12e: {  	[tilespmem:s30+$0xFFFFFFA0] =	vst v15;
	v15 =	vld [tilespmem:s30+$0x50];
	v7 =	vmul.f32 v7, v17  }
0x12f: {  	[tilespmem:s30+$0xFFFFFFD0] =	vst v13;
	v10 =	vld [tilespmem:s30+$0x80];
	v13 =	vbroadcast v8, $0x8;
	v5 =	vmul.f32 $1.442695020e+00, v5  }
0x130: {  	v17 =	vld [tilespmem:s30+$0x90];
	[tilespmem:s30+$0xFFFFFFF0] =	vst v7;
	v7 =	vbroadcast v8, $0x9  }
0x131: {  	v6 =	vmul.f32 v6, v13;
	v18 =	vld [tilespmem:s30+$0xA0];
	(erf) = vpow2.f32 v5  }
0x132: {  	v9 =	vmul.f32 v9, v13;
	v13 =	vld [tilespmem:s30+$0xB0];
	v4 =	vmul.f32 v4, v7  }
0x133: {  	v20 =	vbroadcast v8, $0xC;
	[tilespmem:s30+$0xFFFFFFB0] =	vst v14;
	v14 =	vld [tilespmem:s30+$0x60]  }
0x134: {  	v21 =	vbroadcast v8, $0xD;
	v16 =	vld [tilespmem:s30+$0x70];
	[tilespmem:s30+$0x20] =	vst v4;
	v4 =	vbroadcast v8, $0xA  }
0x135: {  	s0 =	simm.s32 $0x8230;
	[tilespmem:s30+$0x10] =	vst v9;
	v9 =	vld [tilespmem:s30+$0xC0];
	v10 =	vmul.f32 v10, v20;
	v27 =	vmul.f32 v17, v20  }
0x136: {  	v19 =	vld [tilespmem:s0+$0xF0];
	v5 =	vmul.f32 v11, v7;
	v11 =	vbroadcast v8, $0xB  }
0x137: {  	v22 =	vld [tilespmem:s0+$0xFFFFFF00];
	v29 =	vmul.f32 v18, v21;
	v30 =	vmul.f32 v13, v21  }
0x138: {  	v23 =	vld [tilespmem:s0+$0xFFFFFF10];
	[tilespmem:s30+$0x30] =	vst v5;
	v5 =	vbroadcast v8, $0xE;
	v8 =	vmul.f32 v12, v4  }
0x139: {  	v25 =	vld [tilespmem:s0+$0xFFFFFF20];
	v12 =	vmul.f32 v15, v4;
	v14 =	vmul.f32 v14, v11  }
0x13a: {  	v26 =	vld [tilespmem:s0+$0xFFFFFF30];
	[tilespmem:s30+$0x0] =	vst v6;
	v11 =	vmul.f32 v16, v11;
	v32 =	vmul.f32 v9, v5;
	v24 =	vpop (erf)  }
0x13b: {  	v28 =	vld [tilespmem:s0+$0xFFFFFF40];
	[tilespmem:s30+$0x40] =	vst v8;
	v4 =	vbroadcast v24, $0xF;
	v8 =	vbroadcast v24, $0x0  }
0x13c: {  	v31 =	vld [tilespmem:s0+$0xFFFFFF50];
	[tilespmem:s30+$0x80] =	vst v10;
	v34 =	vbroadcast v24, $0x1;
	v35 =	vbroadcast v24, $0x2  }
0x13d: {  	v33 =	vld [tilespmem:s0+$0xFFFFFF60];
	[tilespmem:s30+$0x90] =	vst v27;
	v36 =	vbroadcast v24, $0x3;
	v18 =	vbroadcast v24, $0x4  }
0x13e: {  	v37 =	vld [tilespmem:s0+$0xFFFFFF70];
	[tilespmem:s30+$0x50] =	vst v12;
	v17 =	vbroadcast v24, $0x5;
	v16 =	vbroadcast v24, $0x6  }
0x13f: {  	v38 =	vld [tilespmem:s0+$0xFFFFFF80];
	[tilespmem:s30+$0x60] =	vst v14;
	v14 =	vbroadcast v24, $0x8;
	v13 =	vbroadcast v24, $0x9  }
0x140: {  	v6 =	vld [tilespmem:s30+$0xE0];
	[tilespmem:s30+$0x70] =	vst v11;
	v12 =	vbroadcast v24, $0xA;
	v11 =	vbroadcast v24, $0xB  }
0x141: {  	v20 =	vld [tilespmem:s0+$0xFFFFFFA0];
	[tilespmem:s30+$0xA0] =	vst v29;
	v10 =	vbroadcast v24, $0xC;
	v15 =	vmul.f32 v19, v4  }
0x142: {  	v7 =	vld [tilespmem:s30+$0xD0];
	[tilespmem:s30+$0xB0] =	vst v30;
	v9 =	vmul.f32 v8, v22;
	v8 =	vmul.f32 v8, v23  }
0x143: {  	v19 =	vld [tilespmem:s0+$0xFFFFFF90];
	v30 =	vmul.f32 v26, v34;
	v29 =	vmul.f32 v28, v35;
	[tilespmem:s0+$0xF0] =	vst v15  }
0x144: {  	v21 =	vld [tilespmem:s0+$0xFFFFFFB0];
	v15 =	vbroadcast v24, $0x7;
	[tilespmem:s0+$0xFFFFFF00] =	vst v9;
	v9 =	vbroadcast v24, $0xD  }
0x145: {  	v22 =	vld [tilespmem:s0+$0xFFFFFFC0];
	[tilespmem:s0+$0xFFFFFF10] =	vst v8;
	v8 =	vbroadcast v24, $0xE;
	v24 =	vmul.f32 v25, v34  }
0x146: {  	[tilespmem:s30+$0xC0] =	vst v32;
	v23 =	vld [tilespmem:s0+$0xFFFFFFD0];
	v28 =	vmul.f32 v31, v35;
	v27 =	vmul.f32 v37, v36  }
0x147: {  	s1 =	simm.s32 $0x8230;
	s12 =	simm.s32 $0xC0;
	s15 =	simm.s32 $0x20;
	v26 =	vmul.f32 v38, v18;
	v25 =	vmul.f32 v33, v36;
	[tilespmem:s0+$0xFFFFFF20] =	vst v24;
	v24 =	vld [tilespmem:s0+$0xFFFFFFE0]  }
.LBB2_7:
0x148: {  	p0 =	sne.s32 s12, $0x100;
	v31 =	vld.idx.msk [tilespmem:v3+s15+$0x0 ss:$0x1], $0xffff;
	[tilespmem:s0+$0xFFFFFF30] =	vst v30;
	v18 =	vmul.f32 v19, v18;
	v19 =	vmul.f32 v20, v17  }
0x149: {  	[tilespmem:s0+$0xFFFFFF40] =	vst v29;
	v17 =	vmul.f32 v21, v17;
	v20 =	vld [tilespmem:s0+$0xFFFFFFF0];
	v21 =	vmul.f32 v7, v5;
	v5 =	vmov v8  }
0x14a: {  	[tilespmem:s0+$0xFFFFFF50] =	vst v28;
	v7 =	vmul.f32 v22, v16;
	v8 =	vld [tilespmem:s0+$0x0];
	v22 =	vmul.f32 v6, v2;
	v2 =	vmov v4  }
0x14b: {  	[tilespmem:s0+$0xFFFFFF60] =	vst v25;
	v4 =	vmul.f32 v23, v16;
	v6 =	vld [tilespmem:s0+$0x10]  }
0x14c: {  	[tilespmem:s0+$0xFFFFFF70] =	vst v27;
	v16 =	vmul.f32 v24, v15;
	v23 =	vld [tilespmem:s0+$0x20]  }
0x14d: {  	[tilespmem:s0+$0xFFFFFF80] =	vst v26;
	v24 =	vld [tilespmem:s0+$0x30]  }
0x14e: {  	v25 =	vsub.f32 v31, v1;
	[tilespmem:s0+$0xFFFFFF90] =	vst v18;
	v15 =	vmul.f32 v20, v15;
	v18 =	vld [tilespmem:s0+$0x40]  }
0x14f: {  	[tilespmem:s0+$0xFFFFFFA0] =	vst v19;
	v8 =	vmul.f32 v8, v14;
	v19 =	vld [tilespmem:s0+$0x50]  }
0x150: {  	v20 =	vmul.f32 $1.442695020e+00, v25;
	[tilespmem:s0+$0xFFFFFFB0] =	vst v17;
	v6 =	vmul.f32 v6, v14;
	v14 =	vld [tilespmem:s0+$0x60]  }
0x151: {  	[tilespmem:s0+$0xFFFFFFC0] =	vst v7;
	v7 =	vmul.f32 v23, v13;
	v17 =	vld [tilespmem:s0+$0x70]  }
0x152: {  	(erf) = vpow2.f32 v20;
	[tilespmem:s0+$0xFFFFFFD0] =	vst v4;
	v4 =	vmul.f32 v24, v13;
	v13 =	vld [tilespmem:s0+$0x80]  }
0x153: {  	[tilespmem:s0+$0xFFFFFFE0] =	vst v16;
	v16 =	vmul.f32 v18, v12;
	v18 =	vld [tilespmem:s0+$0x90]  }
0x154: {  	[tilespmem:s0+$0xFFFFFFF0] =	vst v15;
	v12 =	vmul.f32 v19, v12;
	v15 =	vld [tilespmem:s0+$0xA0]  }
0x155: {  	[tilespmem:s0+$0x0] =	vst v8;
	v8 =	vmul.f32 v14, v11;
	v14 =	vld [tilespmem:s0+$0xB0]  }
0x156: {  	[tilespmem:s0+$0x10] =	vst v6;
	v11 =	vmul.f32 v17, v11;
	v17 =	vld [tilespmem:s0+$0xC0]  }
0x157: {  	[tilespmem:s0+$0x20] =	vst v7;
	v13 =	vmul.f32 v13, v10;
	v7 =	vld [tilespmem:s0+$0xD0]  }
0x158: {  	s0 =	sadd.s32 $0x200, s0;
	[tilespmem:s1+$0x30] =	vst v4;
	v10 =	vmul.f32 v18, v10;
	v6 =	vld [tilespmem:s1+$0xE0]  }
0x159: {  	v18 =	vld [tilespmem:s0+$0xF0];
	[tilespmem:s1+$0x40] =	vst v16;
	v15 =	vmul.f32 v15, v9  }
0x15a: {  	v20 =	vld [tilespmem:s0+$0xFFFFFF00];
	[tilespmem:s1+$0x50] =	vst v12;
	v9 =	vmul.f32 v14, v9  }
0x15b: {  	v23 =	vld [tilespmem:s0+$0xFFFFFF10];
	v24 =	vpop (erf);
	[tilespmem:s1+$0x60] =	vst v8;
	v8 =	vmul.f32 v17, v5  }
0x15c: {  	v25 =	vbroadcast v24, $0x0;
	v26 =	vld [tilespmem:s0+$0xFFFFFF20];
	v4 =	vbroadcast v24, $0xF;
	[tilespmem:s1+$0x70] =	vst v11  }
0x15d: {  	v27 =	vbroadcast v24, $0x1;
	v31 =	vbroadcast v24, $0x2;
	v28 =	vld [tilespmem:s0+$0xFFFFFF30];
	[tilespmem:s1+$0x80] =	vst v13  }
0x15e: {  	v32 =	vbroadcast v24, $0x3;
	v29 =	vld [tilespmem:s0+$0xFFFFFF40];
	v11 =	vmul.f32 v18, v4;
	[tilespmem:s1+$0x90] =	vst v10  }
0x15f: {  	v17 =	vbroadcast v24, $0x5;
	v18 =	vbroadcast v24, $0x4;
	v33 =	vld [tilespmem:s0+$0xFFFFFF50];
	[tilespmem:s1+$0xA0] =	vst v15  }
0x160: {  	v16 =	vbroadcast v24, $0x6;
	v15 =	vbroadcast v24, $0x7;
	v34 =	vld [tilespmem:s0+$0xFFFFFF60];
	[tilespmem:s0+$0xF0] =	vst v11  }
0x161: {  	v14 =	vbroadcast v24, $0x8;
	v13 =	vbroadcast v24, $0x9;
	v35 =	vld [tilespmem:s0+$0xFFFFFF70];
	[tilespmem:s1+$0xB0] =	vst v9  }
0x162: {  	v12 =	vbroadcast v24, $0xA;
	v11 =	vbroadcast v24, $0xB;
	v36 =	vld [tilespmem:s0+$0xFFFFFF80];
	[tilespmem:s1+$0xC0] =	vst v8  }
0x163: {  	v10 =	vbroadcast v24, $0xC;
	v9 =	vbroadcast v24, $0xD;
	v19 =	vld [tilespmem:s0+$0xFFFFFF90];
	[tilespmem:s30+$0xD0] =	vst v21  }
.Ltmp2:
0x164: {  	v30 =	vmul.f32 v25, v20;
	v8 =	vbroadcast v24, $0xE;
	v20 =	vld [tilespmem:s0+$0xFFFFFFA0];
	[tilespmem:s30+$0xE0] =	vst v22;
	s30 =	smov.u32 s1;
	s1 =	smov.u32 s0;
	(pc) =	sbr.rel @p0 .LBB2_7-.Ltmp2, $4  }
0x165: {  	v23 =	vmul.f32 v25, v23;
	v24 =	vmul.f32 v26, v27;
	v21 =	vld [tilespmem:s0+$0xFFFFFFB0]  }
0x166: {  	v29 =	vmul.f32 v29, v31;
	[tilespmem:s0+$0xFFFFFF00] =	vst v30;
	v30 =	vmul.f32 v28, v27;
	v22 =	vld [tilespmem:s0+$0xFFFFFFC0]  }
0x167: {  	v25 =	vmul.f32 v34, v32;
	v28 =	vmul.f32 v33, v31;
	[tilespmem:s0+$0xFFFFFF10] =	vst v23;
	v23 =	vld [tilespmem:s0+$0xFFFFFFD0]  }
0x168: {  	s15 =	sshra.s32 s12, $0x2;
	s12 =	sadd.s32 $0x40, s12;
	v27 =	vmul.f32 v35, v32;
	v26 =	vmul.f32 v36, v18;
	[tilespmem:s0+$0xFFFFFF20] =	vst v24;
	v24 =	vld [tilespmem:s0+$0xFFFFFFE0]  }
0x169: {  	[tilespmem:s0+$0xFFFFFF30] =	vst v30  }
0x16a: {  	[tilespmem:s0+$0xFFFFFF40] =	vst v29  }
0x16b: {  	[tilespmem:s0+$0xFFFFFF50] =	vst v28  }
0x16c: {  	v34 =	vld [tilespmem:s0+$0xFFFFFFF0];
	[tilespmem:s0+$0xFFFFFF60] =	vst v25  }
0x16d: {  	v35 =	vld [tilespmem:s0+$0x0];
	v18 =	vmul.f32 v19, v18;
	[tilespmem:s0+$0xFFFFFF70] =	vst v27  }
0x16e: {  	v36 =	vld [tilespmem:s0+$0x10];
	v20 =	vmul.f32 v20, v17;
	[tilespmem:s0+$0xFFFFFF80] =	vst v26  }
0x16f: {  	v3 =	vld.idx.msk [tilespmem:v3+s15+$0x0 ss:$0x1], $0xffff;
	v5 =	vmul.f32 v7, v5;
	[tilespmem:s0+$0xFFFFFF90] =	vst v18  }
0x170: {  	v37 =	vld [tilespmem:s0+$0x20];
	v2 =	vmul.f32 v6, v2;
	[tilespmem:s0+$0xFFFFFFA0] =	vst v20  }
0x171: {  	v38 =	vld [tilespmem:s0+$0x30];
	v40 =	vmul.f32 v21, v17;
	[tilespmem:s30+$0xD0] =	vst v5  }
0x172: {  	v39 =	vld [tilespmem:s0+$0x40];
	v42 =	vmul.f32 v22, v16;
	[tilespmem:s30+$0xE0] =	vst v2  }
0x173: {  	v41 =	vld [tilespmem:s0+$0x50];
	[tilespmem:s0+$0xFFFFFFB0] =	vst v40;
	v44 =	vmul.f32 v23, v16  }
0x174: {  	v43 =	vld [tilespmem:s0+$0x60];
	[tilespmem:s0+$0xFFFFFFC0] =	vst v42;
	v46 =	vmul.f32 v24, v15;
	v3 =	vsub.f32 v3, v1  }
0x175: {  	v45 =	vld [tilespmem:s0+$0x70];
	[tilespmem:s0+$0xFFFFFFD0] =	vst v44;
	v48 =	vmul.f32 v34, v15  }
0x176: {  	v47 =	vld [tilespmem:s0+$0x80];
	v50 =	vmul.f32 v35, v14;
	[tilespmem:s0+$0xFFFFFFE0] =	vst v46;
	v3 =	vmul.f32 $1.442695020e+00, v3  }
0x177: {  	v49 =	vld [tilespmem:s0+$0x90];
	v52 =	vmul.f32 v36, v14;
	[tilespmem:s0+$0xFFFFFFF0] =	vst v48  }
0x178: {  	v51 =	vld [tilespmem:s0+$0xA0];
	[tilespmem:s0+$0x0] =	vst v50;
	(erf) = vpow2.f32 v3;
	v3 =	vmul.f32 v37, v13  }
0x179: {  	v53 =	vld [tilespmem:s0+$0xB0];
	v55 =	vmul.f32 v38, v13;
	[tilespmem:s0+$0x10] =	vst v52  }
0x17a: {  	v54 =	vld [tilespmem:s0+$0xC0];
	v18 =	vmul.f32 v39, v12;
	[tilespmem:s0+$0x20] =	vst v3  }
0x17b: {  	v56 =	vmul.f32 v41, v12;
	v3 =	vld [tilespmem:s0+$0xD0];
	[tilespmem:s1+$0x30] =	vst v55  }
0x17c: {  	v17 =	vmul.f32 v43, v11;
	[tilespmem:s1+$0x40] =	vst v18  }
0x17d: {  	s15 =	sadd.s32 $0x200, s0;
	v58 =	vmul.f32 v45, v11;
	[tilespmem:s1+$0x50] =	vst v56  }
0x17e: {  	v57 =	vld [tilespmem:s15+$0xF0];
	v59 =	vmul.f32 v47, v10;
	[tilespmem:s1+$0x60] =	vst v17  }
0x17f: {  	v60 =	vmul.f32 v49, v10;
	v12 =	vld [tilespmem:s1+$0xE0];
	[tilespmem:s1+$0x70] =	vst v58  }
0x180: {  	v62 =	vld [tilespmem:s15+$0xFFFFFF00];
	v61 =	vmul.f32 v51, v9;
	[tilespmem:s1+$0x80] =	vst v59  }
0x181: {  	v19 =	vld [tilespmem:s15+$0xFFFFFF10];
	v20 =	vmul.f32 v54, v8;
	[tilespmem:s1+$0x90] =	vst v60  }
0x182: {  	v21 =	vld [tilespmem:s15+$0xFFFFFF20];
	v18 =	vmul.f32 v53, v9;
	[tilespmem:s1+$0xA0] =	vst v61;
	v16 =	vpop (erf)  }
0x183: {  	v26 =	vld [tilespmem:s15+$0xFFFFFF50];
	[tilespmem:s1+$0xC0] =	vst v20;
	v3 =	vmul.f32 v3, v8;
	v17 =	vbroadcast v16, $0xF  }
0x184: {  	v23 =	vld [tilespmem:s15+$0xFFFFFF30];
	[tilespmem:s1+$0xB0] =	vst v18;
	v4 =	vmul.f32 v12, v4;
	v22 =	vbroadcast v16, $0x0  }
0x185: {  	v24 =	vld [tilespmem:s15+$0xFFFFFF40];
	[tilespmem:s1+$0xD0] =	vst v3;
	v63 =	vmul.f32 v57, v17  }
0x186: {  	v28 =	vld [tilespmem:s15+$0xFFFFFF60];
	v25 =	vbroadcast v16, $0x1;
	[tilespmem:s1+$0xE0] =	vst v4;
	v27 =	vmul.f32 v22, v62  }
0x187: {  	v31 =	vld [tilespmem:s15+$0xFFFFFF80];
	v2 =	vmul.f32 v22, v19;
	[tilespmem:s15+$0xF0] =	vst v63  }
0x188: {  	v35 =	vld [tilespmem:s15+$0xFFFFFFB0];
	v29 =	vbroadcast v16, $0x2;
	v14 =	vmul.f32 v21, v25;
	[tilespmem:s15+$0xFFFFFF00] =	vst v27  }
0x189: {  	v40 =	vld [tilespmem:s15+$0xFFFFFFF0];
	v9 =	vmul.f32 v23, v25;
	[tilespmem:s15+$0xFFFFFF10] =	vst v2  }
0x18a: {  	v51 =	vld [tilespmem:s15+$0x60];
	v34 =	vbroadcast v16, $0x4;
	v6 =	vmul.f32 v24, v29;
	[tilespmem:s15+$0xFFFFFF20] =	vst v14  }
0x18b: {  	v32 =	vld [tilespmem:s15+$0xFFFFFF90];
	v37 =	vbroadcast v16, $0x5;
	v7 =	vmul.f32 v26, v29;
	[tilespmem:s15+$0xFFFFFF30] =	vst v9  }
0x18c: {  	v33 =	vld [tilespmem:s15+$0xFFFFFFA0];
	v43 =	vbroadcast v16, $0x7;
	v5 =	vmul.f32 v31, v34;
	[tilespmem:s15+$0xFFFFFF40] =	vst v6  }
0x18d: {  	v42 =	vld [tilespmem:s15+$0x0];
	v55 =	vbroadcast v16, $0xB;
	v41 =	vmul.f32 v35, v37;
	[tilespmem:s15+$0xFFFFFF50] =	vst v7  }
0x18e: {  	v44 =	vld [tilespmem:s15+$0x10];
	v48 =	vmul.f32 v40, v43;
	[tilespmem:s15+$0xFFFFFF80] =	vst v5  }
0x18f: {  	v30 =	vld [tilespmem:s15+$0xFFFFFF70];
	v11 =	vmul.f32 v51, v55;
	[tilespmem:s15+$0xFFFFFFB0] =	vst v41  }
0x190: {  	v36 =	vld [tilespmem:s15+$0xFFFFFFC0];
	v46 =	vbroadcast v16, $0x8;
	v9 =	vmul.f32 v32, v34;
	[tilespmem:s15+$0xFFFFFFF0] =	vst v48  }
0x191: {  	v49 =	vld [tilespmem:s15+$0x40];
	v14 =	vmul.f32 v33, v37;
	[tilespmem:s15+$0x60] =	vst v11  }
0x192: {  	v53 =	vld [tilespmem:s15+$0x70];
	v2 =	vbroadcast v16, $0x3;
	v7 =	vmul.f32 v42, v46;
	[tilespmem:s15+$0xFFFFFF90] =	vst v9  }
0x193: {  	v38 =	vld [tilespmem:s15+$0xFFFFFFD0];
	v52 =	vbroadcast v16, $0xA;
	v5 =	vmul.f32 v44, v46;
	[tilespmem:s15+$0xFFFFFFA0] =	vst v14  }
0x194: {  	v39 =	vld [tilespmem:s15+$0xFFFFFFE0];
	v13 =	vmul.f32 v28, v2;
	v2 =	vmul.f32 v30, v2;
	[tilespmem:s15+$0x0] =	vst v7  }
0x195: {  	v63 =	vld [tilespmem:s15+$0xE0];
	[tilespmem:s15+$0x10] =	vst v5  }
0x196: {  	v45 =	vld [tilespmem:s15+$0x20];
	v9 =	vmul.f32 v49, v52;
	[tilespmem:s15+$0xFFFFFF70] =	vst v2;
	v2 =	vbroadcast v16, $0x6  }
0x197: {  	v47 =	vld [tilespmem:s15+$0x30];
	v5 =	vmul.f32 v53, v55;
	[tilespmem:s15+$0xFFFFFF60] =	vst v13  }
0x198: {  	v50 =	vld [tilespmem:s15+$0x50];
	[tilespmem:s15+$0x40] =	vst v9;
	v6 =	vmul.f32 v36, v2;
	v2 =	vmul.f32 v38, v2  }
0x199: {  	v54 =	vld [tilespmem:s15+$0x80];
	v13 =	vmul.f32 v39, v43;
	[tilespmem:s15+$0x70] =	vst v5  }
0x19a: {  	v58 =	vld [tilespmem:s15+$0xB0];
	v3 =	vmul.f32 v63, v17;
	[tilespmem:s15+$0xFFFFFFD0] =	vst v2;
	v2 =	vbroadcast v16, $0x9  }
0x19b: {  	v56 =	vld [tilespmem:s15+$0x90];
	[tilespmem:s15+$0xFFFFFFE0] =	vst v13  }
0x19c: {  	v57 =	vld [tilespmem:s15+$0xA0];
	[tilespmem:s15+$0xE0] =	vst v3;
	v10 =	vmul.f32 v45, v2;
	v2 =	vmul.f32 v47, v2  }
0x19d: {  	v59 =	vld [tilespmem:s15+$0xC0];
	v60 =	vbroadcast v16, $0xD;
	[tilespmem:s15+$0xFFFFFFC0] =	vst v6;
	v6 =	vmul.f32 v50, v52  }
0x19e: {  	[tilespmem:s15+$0x30] =	vst v2;
	v2 =	vbroadcast v16, $0xC  }
0x19f: {  	v61 =	vbroadcast v16, $0xE;
	v62 =	vld [tilespmem:s15+$0xD0];
	[tilespmem:s15+$0x50] =	vst v6;
	v6 =	vmul.f32 v58, v60  }
0x1a0: {  	[tilespmem:s15+$0x20] =	vst v10;
	v7 =	vmul.f32 v54, v2;
	v2 =	vmul.f32 v56, v2  }
0x1a1: {  	s25 =	sadd.s32 $0x1, s25;
	v10 =	vmul.f32 v57, v60;
	[tilespmem:s15+$0xB0] =	vst v6  }
0x1a2: {  	p0 =	sne.s32 s25, $0x3E;
	[tilespmem:s15+$0x90] =	vst v2;
	v2 =	vmul.f32 v59, v61  }
.Ltmp3:
0x1a3: {  	[tilespmem:s15+$0xA0] =	vst v10;
	(pc) =	sbr.rel @p0 .LBB2_4-.Ltmp3, $4  }
0x1a4: {  	[tilespmem:s15+$0xC0] =	vst v2;
	v2 =	vmul.f32 v62, v61  }
0x1a5: {  	[tilespmem:s15+$0x80] =	vst v7  }
0x1a6: {  	s31 =	sadd.s32 $0x2710, s29;
	s26 =	sadd.s32 $0xA0, s26;
	s28 =	sadd.s32 $0xA0, s28;
	[tilespmem:s15+$0xD0] =	vst v2  }
0x1a7: {  	[spmem:s2] =	stream.indirect.scatter.add.f32 [tilespmem:s18], [sflag:$0x4], $0x20, s31, s16, $0xb8;
	[tilespmem:$0x12930] =	vst v63  }
0x1a8: {  	_ =	swait.ge [sflag:s19], $0xA00  }
0x1a9: {  	[sflag:s19] =	ssyncset.done $0x0  }
0x1aa: {  	s0 =	simm.s32 $0x0;
	[sflag:s19] =	ssyncadd.s32 $0xFFFFF600  }
0x1ab: {  	v2 =	vld [tilespmem:s0+$0x74E0];
	_ =	sdelay $0x4  }
0x1ac: {  	v2 =	vsub.f32 v2, v1;
	_ =	sdelay $0x1  }
0x1ad: {  	v2 =	vmul.f32 $1.442695020e+00, v2;
	_ =	sdelay $0x1  }
0x1ae: {  	(erf) = vpow2.f32 v2;
	_ =	sdelay $0x4  }
0x1af: {  	s25 =	simm.s32 $0x7630  }
0x1b0: {  	v4 =	vld [tilespmem:s25+$0xFFFFFF00]  }
0x1b1: {  	v5 =	vld [tilespmem:s25+$0xFFFFFF10]  }
0x1b2: {  	v8 =	vld [tilespmem:s25+$0xFFFFFF30]  }
0x1b3: {  	v3 =	vld [tilespmem:s25+$0xF0];
	v6 =	vpop (erf)  }
0x1b4: {  	v9 =	vld [tilespmem:s25+$0xFFFFFF40];
	v12 =	vbroadcast v6, $0x0  }
0x1b5: {  	v7 =	vld [tilespmem:s25+$0xFFFFFF20];
	v2 =	vbroadcast v6, $0xF;
	v17 =	vbroadcast v6, $0x1  }
0x1b6: {  	v11 =	vld [tilespmem:s25+$0xFFFFFF60];
	v4 =	vmul.f32 v12, v4;
	v5 =	vmul.f32 v12, v5  }
0x1b7: {  	v10 =	vld [tilespmem:s25+$0xFFFFFF50];
	v12 =	vbroadcast v6, $0x2;
	v8 =	vmul.f32 v8, v17  }
0x1b8: {  	v13 =	vld [tilespmem:s25+$0xFFFFFF80];
	v3 =	vmul.f32 v3, v2  }
0x1b9: {  	v14 =	vld [tilespmem:s25+$0xFFFFFF90];
	v9 =	vmul.f32 v9, v12;
	[tilespmem:s25+$0xFFFFFF30] =	vst v8;
	v8 =	vbroadcast v6, $0x3  }
0x1ba: {  	v15 =	vld [tilespmem:s25+$0xFFFFFFA0];
	[tilespmem:s25+$0xF0] =	vst v3  }
0x1bb: {  	v16 =	vld [tilespmem:s25+$0xFFFFFFB0];
	[tilespmem:s25+$0xFFFFFF40] =	vst v9;
	v9 =	vmul.f32 v11, v8;
	v11 =	vbroadcast v6, $0x4  }
0x1bc: {  	v7 =	vmul.f32 v7, v17;
	v3 =	vld [tilespmem:s25+$0xFFFFFF70];
	[tilespmem:s25+$0xFFFFFF00] =	vst v4  }
0x1bd: {  	v4 =	vld [tilespmem:s25+$0xFFFFFFC0];
	[tilespmem:s25+$0xFFFFFF60] =	vst v9;
	v9 =	vmul.f32 v13, v11;
	v13 =	vbroadcast v6, $0x5  }
0x1be: {  	[tilespmem:s25+$0xFFFFFF10] =	vst v5;
	v5 =	vld [tilespmem:s25+$0xFFFFFFD0];
	v10 =	vmul.f32 v10, v12  }
0x1bf: {  	s31 =	simm.s32 $0x10;
	[tilespmem:s25+$0xFFFFFF20] =	vst v7;
	v7 =	vld [tilespmem:s25+$0xFFFFFFE0];
	v11 =	vmul.f32 v14, v11;
	v14 =	vmul.f32 v15, v13  }
0x1c0: {  	s26 =	simm.s32 $0x7830;
	v15 =	vbroadcast v6, $0x6;
	v13 =	vmul.f32 v16, v13;
	v16 =	vld [tilespmem:s31+$0x74E0]  }
0x1c1: {  	v18 =	vld [tilespmem:s26+$0xF0];
	[tilespmem:s25+$0xFFFFFF50] =	vst v10  }
0x1c2: {  	v10 =	vld [tilespmem:s25+$0x0];
	[tilespmem:s25+$0xFFFFFF80] =	vst v9;
	v4 =	vmul.f32 v4, v15  }
0x1c3: {  	v17 =	vbroadcast v6, $0x7;
	v12 =	vld [tilespmem:s25+$0xFFFFFFF0];
	[tilespmem:s25+$0xFFFFFF90] =	vst v11;
	v5 =	vmul.f32 v5, v15  }
0x1c4: {  	v3 =	vmul.f32 v3, v8;
	v8 =	vld [tilespmem:s25+$0x10];
	[tilespmem:s25+$0xFFFFFFC0] =	vst v4  }
0x1c5: {  	v9 =	vld [tilespmem:s25+$0x30];
	v4 =	vmul.f32 v7, v17;
	[tilespmem:s25+$0xFFFFFFD0] =	vst v5;
	v5 =	vbroadcast v6, $0x8;
	v16 =	vsub.f32 v16, v1  }
0x1c6: {  	v11 =	vld [tilespmem:s25+$0x40];
	[tilespmem:s25+$0xFFFFFF70] =	vst v3  }
0x1c7: {  	v3 =	vld [tilespmem:s25+$0x20];
	[tilespmem:s25+$0xFFFFFFE0] =	vst v4;
	v4 =	vmul.f32 v10, v5;
	v10 =	vmul.f32 $1.442695020e+00, v16  }
0x1c8: {  	v12 =	vmul.f32 v12, v17;
	[tilespmem:s25+$0xFFFFFFA0] =	vst v14;
	v14 =	vld [tilespmem:s25+$0x50]  }
0x1c9: {  	[tilespmem:s25+$0xFFFFFFB0] =	vst v13;
	v13 =	vld [tilespmem:s25+$0x60];
	(erf) = vpow2.f32 v10  }
0x1ca: {  	[tilespmem:s25+$0xFFFFFFF0] =	vst v12;
	v12 =	vbroadcast v6, $0x9;
	v15 =	vld [tilespmem:s25+$0x70]  }
0x1cb: {  	v19 =	vbroadcast v6, $0xB;
	v7 =	vld [tilespmem:s25+$0x80]  }
0x1cc: {  	v5 =	vmul.f32 v8, v5;
	v8 =	vld [tilespmem:s25+$0xB0];
	v3 =	vmul.f32 v3, v12  }
0x1cd: {  	v20 =	vbroadcast v6, $0xC;
	v22 =	vbroadcast v6, $0xD;
	v16 =	vld [tilespmem:s25+$0xA0];
	[tilespmem:s25+$0x0] =	vst v4  }
0x1ce: {  	[tilespmem:s25+$0x20] =	vst v3;
	v3 =	vbroadcast v6, $0xA;
	v4 =	vbroadcast v6, $0xE;
	v10 =	vld [tilespmem:s25+$0xC0]  }
0x1cf: {  	v21 =	vld [tilespmem:s26+$0xFFFFFF00];
	v6 =	vmul.f32 v9, v12;
	v12 =	vmul.f32 v13, v19  }
0x1d0: {  	v23 =	vld [tilespmem:s26+$0xFFFFFF10];
	v13 =	vmul.f32 v15, v19;
	v7 =	vmul.f32 v7, v20  }
0x1d1: {  	v25 =	vld [tilespmem:s26+$0xFFFFFF20];
	v9 =	vmul.f32 v11, v3;
	v11 =	vmul.f32 v14, v3  }
0x1d2: {  	v26 =	vld [tilespmem:s26+$0xFFFFFF30];
	[tilespmem:s25+$0x10] =	vst v5;
	v19 =	vmul.f32 v16, v22;
	v22 =	vmul.f32 v8, v22;
	v24 =	vpop (erf)  }
0x1d3: {  	v27 =	vld [tilespmem:s26+$0xFFFFFF40];
	[tilespmem:s25+$0x30] =	vst v6;
	v29 =	vmul.f32 v10, v4;
	v3 =	vbroadcast v24, $0xF  }
0x1d4: {  	v28 =	vld [tilespmem:s26+$0xFFFFFF50];
	[tilespmem:s25+$0x60] =	vst v12;
	v8 =	vbroadcast v24, $0x0;
	v30 =	vbroadcast v24, $0x1  }
0x1d5: {  	v17 =	vld [tilespmem:s25+$0x90];
	[tilespmem:s25+$0x70] =	vst v13;
	v32 =	vbroadcast v24, $0x2;
	v33 =	vbroadcast v24, $0x3  }
0x1d6: {  	v31 =	vld [tilespmem:s26+$0xFFFFFF70];
	[tilespmem:s25+$0x80] =	vst v7;
	v35 =	vbroadcast v24, $0x4;
	v16 =	vbroadcast v24, $0x5  }
0x1d7: {  	v34 =	vld [tilespmem:s26+$0xFFFFFF80];
	[tilespmem:s25+$0x40] =	vst v9;
	v15 =	vbroadcast v24, $0x6;
	v13 =	vbroadcast v24, $0x8  }
0x1d8: {  	v36 =	vld [tilespmem:s26+$0xFFFFFF90];
	[tilespmem:s25+$0x50] =	vst v11;
	v12 =	vbroadcast v24, $0x9;
	v11 =	vbroadcast v24, $0xA  }
0x1d9: {  	v5 =	vld [tilespmem:s25+$0xD0];
	[tilespmem:s25+$0xA0] =	vst v19;
	v10 =	vbroadcast v24, $0xB;
	v14 =	vmul.f32 v18, v3  }
0x1da: {  	v6 =	vld [tilespmem:s25+$0xE0];
	[tilespmem:s25+$0xB0] =	vst v22;
	v18 =	vmul.f32 v17, v20;
	v9 =	vmul.f32 v8, v21  }
0x1db: {  	[tilespmem:s25+$0xC0] =	vst v29;
	v20 =	vld [tilespmem:s26+$0xFFFFFF60];
	v7 =	vmul.f32 v8, v23;
	v8 =	vbroadcast v24, $0xD  }
0x1dc: {  	v21 =	vld [tilespmem:s26+$0xFFFFFFA0];
	v23 =	vmul.f32 v26, v30;
	v27 =	vmul.f32 v27, v32;
	[tilespmem:s26+$0xF0] =	vst v14  }
0x1dd: {  	v17 =	vld [tilespmem:s26+$0xFFFFFFB0];
	v28 =	vmul.f32 v28, v32;
	v22 =	vmul.f32 v34, v35;
	[tilespmem:s25+$0x90] =	vst v18  }
0x1de: {  	v26 =	vmul.f32 v36, v35;
	v18 =	vld [tilespmem:s26+$0xFFFFFFC0];
	[tilespmem:s26+$0xFFFFFF10] =	vst v7;
	v7 =	vmul.f32 v25, v30  }
0x1df: {  	v19 =	vld [tilespmem:s26+$0xFFFFFFD0];
	v14 =	vbroadcast v24, $0x7;
	[tilespmem:s26+$0xFFFFFF00] =	vst v9;
	v9 =	vbroadcast v24, $0xC  }
0x1e0: {  	[tilespmem:s26+$0xFFFFFF20] =	vst v7;
	v7 =	vbroadcast v24, $0xE;
	v24 =	vmul.f32 v20, v33;
	v20 =	vld [tilespmem:s26+$0xFFFFFFE0]  }
0x1e1: {  	s12 =	simm.s32 $0x20;
	s1 =	simm.s32 $0x7830;
	s0 =	simm.s32 $0xC0;
	v25 =	vmul.f32 v31, v33;
	[tilespmem:s26+$0xFFFFFF30] =	vst v23;
	v23 =	vmul.f32 v21, v16;
	v21 =	vld [tilespmem:s26+$0xFFFFFFF0]  }
.LBB2_10:
0x1e2: {  	p0 =	sne.s32 s0, $0x100;
	v29 =	vld [tilespmem:s12+$0x74E0];
	[tilespmem:s26+$0xFFFFFF40] =	vst v27;
	v16 =	vmul.f32 v17, v16;
	v17 =	vmul.f32 v5, v4;
	v4 =	vmov v7  }
0x1e3: {  	[tilespmem:s26+$0xFFFFFF50] =	vst v28;
	v5 =	vmul.f32 v18, v15;
	v7 =	vld [tilespmem:s26+$0x0];
	v18 =	vmul.f32 v6, v2;
	v2 =	vmov v3  }
0x1e4: {  	[tilespmem:s26+$0xFFFFFF60] =	vst v24;
	v3 =	vmul.f32 v19, v15;
	v6 =	vld [tilespmem:s26+$0x10]  }
0x1e5: {  	[tilespmem:s26+$0xFFFFFF70] =	vst v25;
	v15 =	vmul.f32 v20, v14;
	v19 =	vld [tilespmem:s26+$0x20]  }
0x1e6: {  	[tilespmem:s26+$0xFFFFFF80] =	vst v22;
	v14 =	vmul.f32 v21, v14;
	v20 =	vld [tilespmem:s26+$0x30]  }
0x1e7: {  	v21 =	vsub.f32 v29, v1;
	[tilespmem:s26+$0xFFFFFF90] =	vst v26;
	v22 =	vld [tilespmem:s26+$0x40]  }
0x1e8: {  	[tilespmem:s26+$0xFFFFFFA0] =	vst v23;
	v7 =	vmul.f32 v7, v13;
	v23 =	vld [tilespmem:s26+$0x50]  }
0x1e9: {  	v21 =	vmul.f32 $1.442695020e+00, v21;
	[tilespmem:s26+$0xFFFFFFB0] =	vst v16;
	v6 =	vmul.f32 v6, v13;
	v13 =	vld [tilespmem:s26+$0x60]  }
0x1ea: {  	[tilespmem:s26+$0xFFFFFFC0] =	vst v5;
	v5 =	vmul.f32 v19, v12;
	v16 =	vld [tilespmem:s26+$0x70]  }
0x1eb: {  	(erf) = vpow2.f32 v21;
	[tilespmem:s26+$0xFFFFFFD0] =	vst v3;
	v3 =	vmul.f32 v20, v12;
	v12 =	vld [tilespmem:s26+$0x80]  }
0x1ec: {  	[tilespmem:s26+$0xFFFFFFE0] =	vst v15;
	v15 =	vmul.f32 v22, v11;
	v19 =	vld [tilespmem:s26+$0x90]  }
0x1ed: {  	[tilespmem:s26+$0xFFFFFFF0] =	vst v14;
	v11 =	vmul.f32 v23, v11;
	v14 =	vld [tilespmem:s26+$0xA0]  }
0x1ee: {  	[tilespmem:s26+$0x0] =	vst v7;
	v7 =	vmul.f32 v13, v10;
	v13 =	vld [tilespmem:s26+$0xB0]  }
0x1ef: {  	[tilespmem:s26+$0x10] =	vst v6;
	v10 =	vmul.f32 v16, v10;
	v16 =	vld [tilespmem:s26+$0xC0]  }
0x1f0: {  	[tilespmem:s26+$0x20] =	vst v5;
	v12 =	vmul.f32 v12, v9;
	v5 =	vld [tilespmem:s26+$0xD0]  }
0x1f1: {  	s26 =	sadd.s32 $0x200, s26;
	[tilespmem:s1+$0x30] =	vst v3;
	v9 =	vmul.f32 v19, v9;
	v6 =	vld [tilespmem:s1+$0xE0]  }
0x1f2: {  	v19 =	vld [tilespmem:s26+$0xF0];
	[tilespmem:s1+$0x40] =	vst v15;
	v14 =	vmul.f32 v14, v8  }
0x1f3: {  	v20 =	vld [tilespmem:s26+$0xFFFFFF00];
	[tilespmem:s1+$0x50] =	vst v11;
	v8 =	vmul.f32 v13, v8  }
0x1f4: {  	v21 =	vld [tilespmem:s26+$0xFFFFFF10];
	v22 =	vpop (erf);
	[tilespmem:s1+$0x60] =	vst v7;
	v7 =	vmul.f32 v16, v4  }
0x1f5: {  	v23 =	vbroadcast v22, $0x0;
	v24 =	vld [tilespmem:s26+$0xFFFFFF20];
	v3 =	vbroadcast v22, $0xF;
	[tilespmem:s1+$0x70] =	vst v10  }
0x1f6: {  	v25 =	vbroadcast v22, $0x1;
	v28 =	vbroadcast v22, $0x2;
	v26 =	vld [tilespmem:s26+$0xFFFFFF30];
	[tilespmem:s1+$0x80] =	vst v12  }
0x1f7: {  	v29 =	vbroadcast v22, $0x3;
	v27 =	vld [tilespmem:s26+$0xFFFFFF40];
	v10 =	vmul.f32 v19, v3;
	[tilespmem:s1+$0x90] =	vst v9  }
0x1f8: {  	v30 =	vbroadcast v22, $0x4;
	v16 =	vbroadcast v22, $0x5;
	v19 =	vld [tilespmem:s26+$0xFFFFFF50];
	[tilespmem:s1+$0xA0] =	vst v14  }
0x1f9: {  	v15 =	vbroadcast v22, $0x6;
	v14 =	vbroadcast v22, $0x7;
	v31 =	vld [tilespmem:s26+$0xFFFFFF60];
	[tilespmem:s26+$0xF0] =	vst v10  }
0x1fa: {  	v13 =	vbroadcast v22, $0x8;
	v12 =	vbroadcast v22, $0x9;
	v32 =	vld [tilespmem:s26+$0xFFFFFF70];
	[tilespmem:s1+$0xB0] =	vst v8  }
0x1fb: {  	v11 =	vbroadcast v22, $0xA;
	v10 =	vbroadcast v22, $0xB;
	v33 =	vld [tilespmem:s26+$0xFFFFFF80];
	[tilespmem:s1+$0xC0] =	vst v7  }
0x1fc: {  	v9 =	vbroadcast v22, $0xC;
	v8 =	vbroadcast v22, $0xD;
	v34 =	vld [tilespmem:s26+$0xFFFFFF90];
	[tilespmem:s25+$0xD0] =	vst v17  }
0x1fd: {  	v20 =	vmul.f32 v23, v20;
	v7 =	vbroadcast v22, $0xE;
	v35 =	vld [tilespmem:s26+$0xFFFFFFA0];
	[tilespmem:s25+$0xE0] =	vst v18;
	s25 =	smov.u32 s1;
	s1 =	smov.u32 s26  }
.Ltmp4:
0x1fe: {  	v21 =	vmul.f32 v23, v21;
	v22 =	vmul.f32 v24, v25;
	v17 =	vld [tilespmem:s26+$0xFFFFFFB0];
	(pc) =	sbr.rel @p0 .LBB2_10-.Ltmp4, $4  }
0x1ff: {  	v23 =	vmul.f32 v26, v25;
	v27 =	vmul.f32 v27, v28;
	[tilespmem:s26+$0xFFFFFF00] =	vst v20;
	v18 =	vld [tilespmem:s26+$0xFFFFFFC0]  }
0x200: {  	v28 =	vmul.f32 v19, v28;
	v24 =	vmul.f32 v31, v29;
	[tilespmem:s26+$0xFFFFFF10] =	vst v21;
	v19 =	vld [tilespmem:s26+$0xFFFFFFD0]  }
0x201: {  	v25 =	vmul.f32 v32, v29;
	[tilespmem:s26+$0xFFFFFF20] =	vst v22;
	v22 =	vmul.f32 v33, v30;
	v20 =	vld [tilespmem:s26+$0xFFFFFFE0]  }
0x202: {  	s12 =	sshra.s32 s0, $0x2;
	s0 =	sadd.s32 $0x40, s0;
	v26 =	vmul.f32 v34, v30;
	[tilespmem:s26+$0xFFFFFF30] =	vst v23;
	v23 =	vmul.f32 v35, v16;
	v21 =	vld [tilespmem:s26+$0xFFFFFFF0]  }
0x203: {  	[tilespmem:s26+$0xFFFFFF40] =	vst v27  }
0x204: {  	[tilespmem:s26+$0xFFFFFF50] =	vst v28  }
0x205: {  	[tilespmem:s26+$0xFFFFFF60] =	vst v24  }
0x206: {  	v36 =	vld [tilespmem:s26+$0x0];
	[tilespmem:s26+$0xFFFFFF70] =	vst v25  }
0x207: {  	v37 =	vld [tilespmem:s26+$0x10];
	[tilespmem:s26+$0xFFFFFF80] =	vst v22  }
0x208: {  	v16 =	vmul.f32 v17, v16;
	v43 =	vld [tilespmem:s12+$0x74E0];
	[tilespmem:s26+$0xFFFFFF90] =	vst v26  }
0x209: {  	v38 =	vld [tilespmem:s26+$0x20];
	v4 =	vmul.f32 v5, v4;
	[tilespmem:s26+$0xFFFFFFA0] =	vst v23  }
0x20a: {  	v39 =	vld [tilespmem:s26+$0x30];
	v2 =	vmul.f32 v6, v2;
	[tilespmem:s26+$0xFFFFFFB0] =	vst v16  }
0x20b: {  	v40 =	vld [tilespmem:s26+$0x40];
	v18 =	vmul.f32 v18, v15;
	[tilespmem:s25+$0xD0] =	vst v4  }
0x20c: {  	v41 =	vld [tilespmem:s26+$0x50];
	v44 =	vmul.f32 v19, v15;
	[tilespmem:s25+$0xE0] =	vst v2  }
0x20d: {  	v42 =	vld [tilespmem:s26+$0x60];
	[tilespmem:s26+$0xFFFFFFC0] =	vst v18;
	v46 =	vmul.f32 v20, v14;
	v1 =	vsub.f32 v43, v1  }
0x20e: {  	v45 =	vld [tilespmem:s26+$0x70];
	[tilespmem:s26+$0xFFFFFFD0] =	vst v44;
	v48 =	vmul.f32 v21, v14  }
0x20f: {  	v47 =	vld [tilespmem:s26+$0x80];
	[tilespmem:s26+$0xFFFFFFE0] =	vst v46;
	v50 =	vmul.f32 v36, v13;
	v1 =	vmul.f32 $1.442695020e+00, v1  }
0x210: {  	v49 =	vld [tilespmem:s26+$0x90];
	v52 =	vmul.f32 v37, v13;
	[tilespmem:s26+$0xFFFFFFF0] =	vst v48  }
0x211: {  	v51 =	vld [tilespmem:s26+$0xA0];
	[tilespmem:s26+$0x0] =	vst v50;
	(erf) = vpow2.f32 v1;
	v1 =	vmul.f32 v38, v12  }
0x212: {  	v53 =	vld [tilespmem:s26+$0xB0];
	v55 =	vmul.f32 v39, v12;
	[tilespmem:s26+$0x10] =	vst v52  }
0x213: {  	v54 =	vld [tilespmem:s26+$0xC0];
	v56 =	vmul.f32 v40, v11;
	[tilespmem:s26+$0x20] =	vst v1  }
0x214: {  	v57 =	vmul.f32 v41, v11;
	v1 =	vld [tilespmem:s26+$0xD0];
	[tilespmem:s1+$0x30] =	vst v55  }
0x215: {  	v16 =	vmul.f32 v42, v10;
	[tilespmem:s1+$0x40] =	vst v56  }
0x216: {  	s0 =	sadd.s32 $0x200, s26;
	v59 =	vmul.f32 v45, v10;
	[tilespmem:s1+$0x50] =	vst v57  }
0x217: {  	v58 =	vld [tilespmem:s0+$0xF0];
	v60 =	vmul.f32 v47, v9;
	[tilespmem:s1+$0x60] =	vst v16  }
0x218: {  	v61 =	vmul.f32 v49, v9;
	v11 =	vld [tilespmem:s1+$0xE0];
	[tilespmem:s1+$0x70] =	vst v59  }
0x219: {  	v63 =	vld [tilespmem:s0+$0xFFFFFF00];
	v62 =	vmul.f32 v51, v8;
	[tilespmem:s1+$0x80] =	vst v60  }
0x21a: {  	v23 =	vld [tilespmem:s0+$0xFFFFFF30];
	v18 =	vmul.f32 v53, v8;
	[tilespmem:s1+$0x90] =	vst v61  }
0x21b: {  	v19 =	vld [tilespmem:s0+$0xFFFFFF10];
	v20 =	vmul.f32 v54, v7;
	[tilespmem:s1+$0xA0] =	vst v62;
	v15 =	vpop (erf)  }
0x21c: {  	v21 =	vld [tilespmem:s0+$0xFFFFFF20];
	[tilespmem:s1+$0xB0] =	vst v18;
	v1 =	vmul.f32 v1, v7;
	v16 =	vbroadcast v15, $0xF  }
0x21d: {  	v24 =	vld [tilespmem:s0+$0xFFFFFF40];
	[tilespmem:s1+$0xC0] =	vst v20;
	v3 =	vmul.f32 v11, v3;
	v22 =	vbroadcast v15, $0x0  }
0x21e: {  	v26 =	vld [tilespmem:s0+$0xFFFFFF50];
	[tilespmem:s1+$0xD0] =	vst v1;
	v17 =	vmul.f32 v58, v16  }
0x21f: {  	v28 =	vld [tilespmem:s0+$0xFFFFFF60];
	v25 =	vbroadcast v15, $0x1;
	[tilespmem:s1+$0xE0] =	vst v3;
	v27 =	vmul.f32 v22, v63  }
0x220: {  	v31 =	vld [tilespmem:s0+$0xFFFFFF80];
	v2 =	vmul.f32 v22, v19;
	[tilespmem:s0+$0xF0] =	vst v17  }
0x221: {  	v35 =	vld [tilespmem:s0+$0xFFFFFFB0];
	v29 =	vbroadcast v15, $0x2;
	v13 =	vmul.f32 v21, v25;
	[tilespmem:s0+$0xFFFFFF00] =	vst v27  }
0x222: {  	v40 =	vld [tilespmem:s0+$0xFFFFFFF0];
	v8 =	vmul.f32 v23, v25;
	[tilespmem:s0+$0xFFFFFF10] =	vst v2  }
0x223: {  	v51 =	vld [tilespmem:s0+$0x60];
	v34 =	vbroadcast v15, $0x4;
	v6 =	vmul.f32 v24, v29;
	[tilespmem:s0+$0xFFFFFF20] =	vst v13  }
0x224: {  	v62 =	vld [tilespmem:s0+$0xD0];
	v37 =	vbroadcast v15, $0x5;
	v5 =	vmul.f32 v26, v29;
	[tilespmem:s0+$0xFFFFFF30] =	vst v8  }
0x225: {  	v32 =	vld [tilespmem:s0+$0xFFFFFF90];
	v43 =	vbroadcast v15, $0x7;
	v4 =	vmul.f32 v31, v34;
	[tilespmem:s0+$0xFFFFFF40] =	vst v6  }
0x226: {  	v33 =	vld [tilespmem:s0+$0xFFFFFFA0];
	v55 =	vbroadcast v15, $0xB;
	v41 =	vmul.f32 v35, v37;
	[tilespmem:s0+$0xFFFFFF50] =	vst v5  }
0x227: {  	v42 =	vld [tilespmem:s0+$0x0];
	v61 =	vbroadcast v15, $0xE;
	v48 =	vmul.f32 v40, v43;
	[tilespmem:s0+$0xFFFFFF80] =	vst v4  }
0x228: {  	v30 =	vld [tilespmem:s0+$0xFFFFFF70];
	v10 =	vmul.f32 v51, v55;
	[tilespmem:s0+$0xFFFFFFB0] =	vst v41  }
0x229: {  	v44 =	vld [tilespmem:s0+$0x10];
	v1 =	vmul.f32 v62, v61;
	[tilespmem:s0+$0xFFFFFFF0] =	vst v48  }
0x22a: {  	v36 =	vld [tilespmem:s0+$0xFFFFFFC0];
	v46 =	vbroadcast v15, $0x8;
	v8 =	vmul.f32 v32, v34;
	[tilespmem:s0+$0x60] =	vst v10  }
0x22b: {  	v49 =	vld [tilespmem:s0+$0x40];
	v2 =	vbroadcast v15, $0x3;
	v13 =	vmul.f32 v33, v37;
	[tilespmem:s0+$0xD0] =	vst v1  }
0x22c: {  	v38 =	vld [tilespmem:s0+$0xFFFFFFD0];
	v5 =	vmul.f32 v42, v46;
	[tilespmem:s0+$0xFFFFFF90] =	vst v8  }
0x22d: {  	v53 =	vld [tilespmem:s0+$0x70];
	v12 =	vmul.f32 v28, v2;
	v2 =	vmul.f32 v30, v2;
	[tilespmem:s0+$0xFFFFFFA0] =	vst v13  }
0x22e: {  	v39 =	vld [tilespmem:s0+$0xFFFFFFE0];
	v52 =	vbroadcast v15, $0xA;
	v4 =	vmul.f32 v44, v46;
	[tilespmem:s0+$0x0] =	vst v5  }
0x22f: {  	v45 =	vld [tilespmem:s0+$0x20];
	[tilespmem:s0+$0xFFFFFF70] =	vst v2;
	v2 =	vbroadcast v15, $0x6  }
0x230: {  	v47 =	vld [tilespmem:s0+$0x30];
	[tilespmem:s0+$0x10] =	vst v4;
	v8 =	vmul.f32 v49, v52  }
0x231: {  	v50 =	vld [tilespmem:s0+$0x50];
	[tilespmem:s0+$0xFFFFFF60] =	vst v12;
	v6 =	vmul.f32 v36, v2;
	v2 =	vmul.f32 v38, v2  }
0x232: {  	v54 =	vld [tilespmem:s0+$0x80];
	v4 =	vmul.f32 v53, v55;
	[tilespmem:s0+$0x40] =	vst v8  }
0x233: {  	v58 =	vld [tilespmem:s0+$0xB0];
	v12 =	vmul.f32 v39, v43;
	[tilespmem:s0+$0xFFFFFFD0] =	vst v2;
	v2 =	vbroadcast v15, $0x9  }
0x234: {  	v56 =	vld [tilespmem:s0+$0x90];
	[tilespmem:s0+$0x70] =	vst v4  }
0x235: {  	v57 =	vld [tilespmem:s0+$0xA0];
	[tilespmem:s0+$0xFFFFFFE0] =	vst v12;
	v9 =	vmul.f32 v45, v2;
	v2 =	vmul.f32 v47, v2  }
0x236: {  	v59 =	vld [tilespmem:s0+$0xC0];
	v60 =	vbroadcast v15, $0xD;
	[tilespmem:s0+$0xFFFFFFC0] =	vst v6;
	v6 =	vmul.f32 v50, v52  }
0x237: {  	[tilespmem:s0+$0x30] =	vst v2;
	v2 =	vbroadcast v15, $0xC  }
0x238: {  	v63 =	vld [tilespmem:s0+$0xE0];
	[tilespmem:s0+$0x50] =	vst v6;
	v6 =	vmul.f32 v58, v60  }
0x239: {  	[tilespmem:s0+$0x20] =	vst v9;
	v5 =	vmul.f32 v54, v2;
	v2 =	vmul.f32 v56, v2  }
0x23a: {  	v9 =	vmul.f32 v57, v60;
	[tilespmem:s0+$0xB0] =	vst v6  }
0x23b: {  	[tilespmem:s0+$0x90] =	vst v2;
	v2 =	vmul.f32 v59, v61  }
0x23c: {  	[tilespmem:s0+$0xA0] =	vst v9  }
0x23d: {  	[tilespmem:s0+$0xC0] =	vst v2;
	v2 =	vmul.f32 v63, v16  }
0x23e: {  	[tilespmem:s0+$0x80] =	vst v5  }
0x23f: {  	[tilespmem:s0+$0xE0] =	vst v2  }
0x240: {  	[spmem:s2] =	stream.indirect.scatter.add.f32 [tilespmem:s17], [sflag:$0x3], $0x20, s22, s16, $0xb8;
	[tilespmem:$0x12930] =	vst v63  }
0x241: {  	_ =	swait.ge [sflag:s23], $0xA00  }
0x242: {  	[sflag:s23] =	ssyncset.done $0x0  }
0x243: {  	[sflag:s23] =	ssyncadd.s32 $0xFFFFF600  }
0x244: {  	_ =	swait.ge [sflag:s20], $0xA00  }
0x245: {  	[sflag:s20] =	ssyncset.done $0x0  }
0x246: {  	[sflag:s20] =	ssyncadd.s32 $0xFFFFF600  }
0x247: {  	[bflag:$0x0] =	sbarrier.arrive $0xFFFF  }
0x248: {  	[tilespmem:s14], [sflag:$0x5] =	stream.linear.gather [spmem:s6], $0x4F00, $0x38;
	[tilespmem:$0x12930] =	vst v63  }
0x249: {  	s24 =	sadd.s32 $0x1, s24;
	_ =	swait.ge [sflag:s13], $0x4F00  }
0x24a: {  	p0 =	sne.s32 s24, s11;
	[sflag:s13] =	ssyncset.done $0x0  }
.Ltmp5:
0x24b: {  	[sflag:s13] =	ssyncadd.s32 $0xFFFFB100;
	(pc) =	sbr.rel @p0 .LBB2_1-.Ltmp5, $4  }
0x24c: {  	[hbm4b:s10+s3] =	stream.linear.scatter [tilespmem:s14], [sflag:$0x5], $0x4F00, $0x38;
	[tilespmem:$0x12930] =	vst v63  }
0x24d: {  	_ =	swait.ge [sflag:s13], $0x4F00  }
0x24e: {  	[sflag:s13] =	ssyncset.done $0x0  }
0x24f: {  	[sflag:s13] =	ssyncadd.s32 $0xFFFFB100  }
0x250: {  	_ =	sfence.sel $0x180000  }
0x251: {  	[bflag:$0x0] =	sbarrier.arrive $0xFFFF  }
0x252: {  	_ =	strace $0x9000004A  }
0x253: {  	s0 =	stileid.u32;
	[bflag:$0x2] =	sbarrier.arrive $0xFFFF  }
0x254: {  	p0 =	sne.s32 s0, $0x0;
	s0 =	rddreg [dreg:$0x2]  }
0x255: {  	s0 =	sadd.s32 @!p0 $0x100000, s0  }
0x256: {  	[sflag:s0] =	ssyncadd.tile.s32 @!p0 $0x1;
	_ =	shalt  }
.Lfunc_end2:
_tile_overlayer_lowered:
.L_overlay_start_2:
0x257: {  	(tag) =	ssettag $0x2  }
0x258: {  	s0 =	rddreg [dreg:$0x0];
	s2 =	stileid.u32  }
0x259: {  	s1 =	rddreg [dreg:$0x1];
	p0 =	sne.s32 s2, $0x0  }
0x25a: {  	s3 =	rddreg [dreg:$0x2];
	[bflag:$0x3] =	sbarrier.arrive $0xFFFF;
	s2 =	simm.s32 @!p0 $0x1C05  }
0x25b: {  	[timem:s3], [sflag:s2] =	dma.local @!p0 [hbm:s0], s1  }
0x25c: {  	s0 =	simm.s32 @!p0 $0x5  }
0x25d: {  	_ =	swait.ge @!p0 [sflag:s0], s1  }
0x25e: {  	s1 =	ssub.s32 @!p0 $0x0, s1;
	[sflag:s0] =	ssyncset.done @!p0 $0x0  }
0x25f: {  	[sflag:s0] =	ssyncadd.s32 @!p0 s1  }
0x260: {  	[bflag:$0x3] =	sbarrier.arrive $0xFFFF  }
0x261: {  	_ =	shalt  }

// kernel: kernel.7.cloned.1.call-start
scs
__scs_entry_jumppad:
0x0: {  	(pc) =	sbr.rel $0x88, $3  }
0x1: {  	(tag) =	ssettag $0x0;
	lr =	simm.s32 $0x1  }
0x2: {  	[smem:$0x3F96] =	sst lr;
	_ =	strace $0xD0000000  }
0x3: {  	_ = 	snop  }
0x4: {  	_ = 	snop  }
0x5: {  	_ = 	snop  }
0x6: {  	_ = 	snop  }
0x7: {  	_ = 	snop  }
__scs_overlays_trampoline_lowered:
0x8: {  	[smem:$0x3FA5] =	sst s0  }
0x9: {  	[smem:$0x3FA6] =	sst s1  }
0xa: {  	[smem:$0x3FA7] =	sst s2  }
0xb: {  	[smem:$0x3FA8] =	sst s3  }
0xc: {  	[smem:$0x3FA9] =	sst s4  }
0xd: {  	[smem:$0x3FAA] =	sst s5  }
0xe: {  	[smem:$0x3FAB] =	sst s6  }
0xf: {  	[smem:$0x3FAC] =	sst s7  }
0x10: {  	[smem:$0x3FAD] =	sst s8  }
0x11: {  	[smem:$0x3FAE] =	sst s9;
	s0 =	simm.s32 @!p0 $0x0  }
0x12: {  	s1 =	sld [smem:$0x3F94];
	s0 =	simm.s32 @p0 $0x1  }
0x13: {  	[smem:$0x3FAF] =	sst s0;
	s0 =	simm.s32 @!p1 $0x0  }
0x14: {  	s2 =	sld [smem:$0x3F93];
	s0 =	simm.s32 @p1 $0x1  }
0x15: {  	[smem:$0x3FB0] =	sst s0;
	s0 =	simm.s32 @!p2 $0x0  }
0x16: {  	s3 =	sld [smem:$0x3FDB];
	s0 =	simm.s32 @p2 $0x1  }
0x17: {  	s4 =	simm.s32 $0x1BF5;
	[smem:$0x3FB2] =	sst s0  }
0x18: {  	s0 =	sld [smem:$0x3F95];
	_ =	swait.ge [sflag:s4], $0x0  }
0x19: {  	s7 =	sld [smem:$0x3F96]  }
0x1a: {  	s8 =	sadd.s32 $0xFFFFE003, lr  }
0x1b: {  	s9 =	sadd.s32 $0xFFFFFEF7, lr;
	s5 =	simm.s32 $0xFFFFFFFF;
	p2 =	slt.u32 s8, $0xFFFFF086  }
0x1c: {  	p1 =	slt.u32 s9, $0xF7A;
	s5 =	simm.s32 @!p2 $0x0  }
0x1d: {  	s5 =	simm.s32 @p1 $0x1;
	p0 =	seq.s32 s7, s2  }
0x1e: {  	s7 =	smul.u32 @!p0 $0xF7A, s2;
	p2 =	seq.s32 @!p0 s5, $0x0  }
0x1f: {  	s9 =	smul.u32 $0xF7A, s1;
	s8 =	simm.s32 @!p0 $0x1BF5;
	p2 =	por !p2, p0  }
0x20: {  	[sflag:s8] =	ssyncset.s32 @!p0 $0xFFFFF086;
	s6 =	sadd.s32 @!p0 s3, s7;
	s7 =	simm.s32 @!p0 $0x108  }
0x21: {  	s3 =	sadd.s32 s3, s9;
	s6 =	sadd.s32 @!p0 $0x88, s6;
	s7 =	simm.s32 @p2 $0x1082  }
0x22: {  	[simem:s7], [sflag:s8] =	dma.local @!p0 [hbm:s6], $0xF7A  }
0x23: {  	s9 =	sor.u32 $0xD0000000, s2;
	s6 =	simm.s32 $0x108;
	_ =	swait.ge @!p0 [sflag:s8], $0x0  }
0x24: {  	s3 =	sadd.s32 $0x88, s3;
	s6 =	simm.s32 @!p1 $0x1082;
	[sflag:s4] =	ssyncset.s32 $0xFFFFF086  }
0x25: {  	[simem:s6], [sflag:s4] =	dma.local [hbm:s3], $0xF7A  }
0x26: {  	[smem:$0x3F96] =	sst s1;
	(tag) =	ssettag s2;
	_ =	strace s9  }
0x27: {  	s1 =	sld [smem:$0x3FA6]  }
0x28: {  	s2 =	sld [smem:$0x3FA7]  }
0x29: {  	s4 =	sld [smem:$0x3FA9]  }
0x2a: {  	p0 =	seq.s32 s5, $0x0;
	s5 =	sld [smem:$0x3FAA]  }
0x2b: {  	s6 =	sld [smem:$0x3FAB]  }
0x2c: {  	s7 =	sld [smem:$0x3FAC]  }
0x2d: {  	s3 =	simm.s32 $0x108;
	s8 =	sld [smem:$0x3FAD]  }
0x2e: {  	s3 =	simm.s32 @!p0 $0x1082;
	s9 =	sld [smem:$0x3FAE]  }
0x2f: {  	lr =	sadd.s32 s0, s3;
	s0 =	sld [smem:$0x3FA5]  }
0x30: {  	s3 =	sld [smem:$0x3FA8]  }
0x31: {  	[smem:$0x3FB1] =	sst s10  }
0x32: {  	s10 =	sld [smem:$0x3FAF];
	_ =	sdelay $0x3  }
0x33: {  	p0 =	seq.s32 s10, $0x1;
	s10 =	sld [smem:$0x3FB1];
	_ =	sdelay $0x3  }
0x34: {  	[smem:$0x3FB1] =	sst s10  }
0x35: {  	s10 =	sld [smem:$0x3FB0];
	_ =	sdelay $0x3  }
0x36: {  	p1 =	seq.s32 s10, $0x1;
	s10 =	sld [smem:$0x3FB1];
	_ =	sdelay $0x3  }
0x37: {  	[smem:$0x3FB1] =	sst s10  }
0x38: {  	s10 =	sld [smem:$0x3FB2]  }
0x39: {  	_ = 	snop;
	(pc) =	sbr.ind lr, $3  }
0x3a: {  	_ = 	snop  }
0x3b: {  	_ = 	snop  }
0x3c: {  	p2 =	seq.s32 s10, $0x1;
	s10 =	sld [smem:$0x3FB1]  }
0x3d: {  	_ =	shalt  }
0x3e: {  	_ =	shalt  }
0x3f: {  	_ =	shalt  }
0x40: {  	_ =	shalt  }
0x41: {  	_ =	shalt  }
0x42: {  	_ =	shalt  }
0x43: {  	_ =	shalt  }
0x44: {  	_ =	shalt  }
0x45: {  	_ =	shalt  }
0x46: {  	_ =	shalt  }
0x47: {  	_ =	shalt  }
0x48: {  	_ =	shalt  }
0x49: {  	_ =	shalt  }
0x4a: {  	_ =	shalt  }
0x4b: {  	_ =	shalt  }
0x4c: {  	_ =	shalt  }
0x4d: {  	_ =	shalt  }
0x4e: {  	_ =	shalt  }
0x4f: {  	_ =	shalt  }
0x50: {  	_ =	shalt  }
0x51: {  	_ =	shalt  }
0x52: {  	_ =	shalt  }
0x53: {  	_ =	shalt  }
0x54: {  	_ =	shalt  }
0x55: {  	_ =	shalt  }
0x56: {  	_ =	shalt  }
0x57: {  	_ =	shalt  }
0x58: {  	_ =	shalt  }
0x59: {  	_ =	shalt  }
0x5a: {  	_ =	shalt  }
0x5b: {  	_ =	shalt  }
0x5c: {  	_ =	shalt  }
0x5d: {  	_ =	shalt  }
0x5e: {  	_ =	shalt  }
0x5f: {  	_ =	shalt  }
0x60: {  	_ =	shalt  }
0x61: {  	_ =	shalt  }
0x62: {  	_ =	shalt  }
0x63: {  	_ =	shalt  }
0x64: {  	_ =	shalt  }
0x65: {  	_ =	shalt  }
0x66: {  	_ =	shalt  }
0x67: {  	_ =	shalt  }
0x68: {  	_ =	shalt  }
0x69: {  	_ =	shalt  }
0x6a: {  	_ =	shalt  }
0x6b: {  	_ =	shalt  }
0x6c: {  	_ =	shalt  }
0x6d: {  	_ =	shalt  }
0x6e: {  	_ =	shalt  }
0x6f: {  	_ =	shalt  }
0x70: {  	_ =	shalt  }
0x71: {  	_ =	shalt  }
0x72: {  	_ =	shalt  }
0x73: {  	_ =	shalt  }
0x74: {  	_ =	shalt  }
0x75: {  	_ =	shalt  }
0x76: {  	_ =	shalt  }
0x77: {  	_ =	shalt  }
0x78: {  	_ =	shalt  }
0x79: {  	_ =	shalt  }
0x7a: {  	_ =	shalt  }
0x7b: {  	_ =	shalt  }
0x7c: {  	_ =	shalt  }
0x7d: {  	_ =	shalt  }
0x7e: {  	_ =	shalt  }
0x7f: {  	_ =	shalt  }
0x80: {  	_ =	shalt  }
0x81: {  	_ =	shalt  }
0x82: {  	_ =	shalt  }
0x83: {  	_ =	shalt  }
0x84: {  	_ =	shalt  }
0x85: {  	_ =	shalt  }
0x86: {  	_ =	shalt  }
0x87: {  	_ =	shalt  }
.Lfunc_end0:
.L_simem_size_0:
called_computation_lowered:
.L_overlay_start_0:
0x88: {  	s2 =	sld [smem:$0x3FD9]  }
0x89: {  	s3 =	sld [smem:$0x3FFE];
	_ =	sdelay $0x1  }
0x8a: {  	s1 =	srdreg.scid  }
0x8b: {  	s0 =	sand.u32 $0x1, s1  }
0x8c: {  	s14 =	sshll.u32 s0, $0xA;
	s2 =	sadd.s32 s3, s2  }
0x8d: {  	s2 =	sadd.s32 s2, s14  }
0x8e: {  	[smem:$0x3FBD] =	sst s2  }
0x8f: {  	_ = 	snop  }
0x90: {  	s2 =	sld [smem:$0x3FD0];
	_ =	sdelay $0x2  }
0x91: {  	s15 =	simm.s32 $0xA;
	s4 =	simm.s32 $0x10  }
0x92: {  	[smem:s4], [sflag:s15] =	dma.local [hbm:s2], $0x1  }
0x93: {  	_ =	swait.eq [sflag:s15], $0x1  }
0x94: {  	[sflag:s15] =	ssyncset.done $0x0  }
0x95: {  	s16 =	sld [smem:$0x11];
	[sflag:s15] =	ssyncadd.s32 $0xFFFFFFFF  }
0x96: {  	s17 =	sld [smem:$0x12];
	(tm) =	ssettm $0x1  }
0x97: {  	s18 =	sld [smem:$0x3FFB];
	_ =	sdelay $0x3  }
0x98: {  	_ =	strace s18  }
0x99: {  	s4 =	sld [smem:$0x3FFC];
	_ =	sdelay $0x3  }
0x9a: {  	_ =	strace s4  }
0x9b: {  	s4 =	sld [smem:$0x3FFD];
	_ =	sdelay $0x3  }
0x9c: {  	_ =	strace s4  }
0x9d: {  	_ =	strace $0x8FFFFFFF  }
0x9e: {  	s19 =	sld [smem:$0x3FDB];
	_ =	sdelay $0x1  }
0x9f: {  	s5 =	simm.s32 $_scs_section_size  }
0xa0: {  	s6 =	simm.s32 $_size__tile_overlayer_lowered;
	s7 =	simm.s32 $_tile_overlayer_lowered  }
0xa1: {  	s22 =	simm.s32 $0x1BFF;
	s21 =	sshll.u32 s7, $0x1;
	s4 =	sadd.s32 s5, s19  }
0xa2: {  	s8 =	simm.s32 $0x0;
	s20 =	sshll.u32 s6, $0x1;
	s6 =	sadd.s32 s21, s4  }
0xa3: {  	[timem:s8], [sflag:s22] =	dma.local [hbm:s6], s20  }
0xa4: {  	_ =	swait.ge [sflag:s22], s20  }
0xa5: {  	s5 =	ssub.s32 $0x0, s20;
	[sflag:s22] =	ssyncset.done $0x0  }
0xa6: {  	[sflag:s22] =	ssyncadd.s32 s5;
	_ =	sdelay $0x1  }
0xa7: {  	s23 =	simm.s32 $0x1B8B  }
0xa8: {  	_ =	swait.ge [sflag:s23], $0x1  }
0xa9: {  	[sflag:s23] =	ssyncset.done $0x0  }
0xaa: {  	s25 =	simm.s32 $0x1B8E;
	s24 =	sld [smem:$0x3FFE];
	[sflag:s23] =	ssyncadd.s32 $0xFFFFFFFF  }
0xab: {  	s26 =	simm.s32 $execute0_lowered;
	[smem:$0x3FD2] =	sst s25  }
0xac: {  	s6 =	sshll.u32 s26, $0x1;
	_ =	strace $0x80000046;
	[dreg:$0x1] =	wrdreg $0xFFFFFFFF  }
0xad: {  	s28 =	simm.s32 $_size_execute0_lowered;
	s4 =	sadd.s32 s4, s6;
	[dreg:$0x0] =	wrdreg $0x0  }
0xae: {  	s6 =	sshll.u32 s28, $0x1;
	[dreg:$0x2] =	wrdreg s4  }
0xaf: {  	[dreg:$0x3] =	wrdreg s6  }
0xb0: {  	[dreg:$0x4] =	wrdreg $0xC0  }
0xb1: {  	_ =	task [dreg:s8], $0x5FFFF  }
0xb2: {  	[dreg:$0x1] =	wrdreg $0xFFFFFFFF  }
0xb3: {  	[dreg:$0x0] =	wrdreg $0x60  }
0xb4: {  	[dreg:$0x2] =	wrdreg s17  }
0xb5: {  	[dreg:$0x3] =	wrdreg s24  }
0xb6: {  	[dreg:$0x4] =	wrdreg s16  }
0xb7: {  	[dreg:$0x5] =	wrdreg $0x9  }
0xb8: {  	_ =	task.clear_ibuf [dreg:s8], $0x6FFFF;
	_ =	strace $0x90000046  }
0xb9: {  	s29 =	simm.s32 $0x9;
	_ =	strace $0x80000048  }
0xba: {  	_ =	swait.ge [sflag:s29], $0x1  }
0xbb: {  	[sflag:s29] =	ssyncadd.s32 $0xFFFFFFFF  }
0xbc: {  	_ =	strace $0x90000048  }
0xbd: {  	_ =	sfence  }
0xbe: {  	s30 =	sld [smem:$0x0];
	_ =	sdelay $0x2  }
0xbf: {  	s31 =	sshll.u32 s1, $0xD;
	s1 =	sshrl.u32 s1, $0x2  }
0xc0: {  	s3 =	sand.u32 $0x4000, s31;
	s1 =	sadd.s32 s1, s30  }
0xc1: {  	s0 =	sor.u32 s3, s0;
	s1 =	sshll.u32 s1, $0x11  }
0xc2: {  	s0 =	sor.u32 s1, s0  }
0xc3: {  	s0 =	sadd.s32 $0x8F2B, s0  }
0xc4: {  	[sflag:s0] =	ssyncadd.remote.s32 $0x1  }
0xc5: {  	_ =	sfence.sel $0xFFFF  }
0xc6: {  	[dreg:$0x0] =	wrdreg $0xFFFFFFFF;
	(pc) =	sbr.abs _section_cstart, $3  }
0xc7: {  	[dreg:$0x1] =	wrdreg $0xFFFFFFFF  }
0xc8: {  	_ =	task.clear_ibuf [dreg:s8], $0x2FFFF;
	_ =	strace $0x9FFFFFFF  }
0xc9: {  	(tm) =	ssettm $0x7FFFFFFF  }
tec
execute0_lowered:
.L_overlay_start_1:
0x0: {  	(tag) =	ssettag $0x1  }
0x1: {  	s1 =	rddreg [dreg:$0x0]  }
0x2: {  	s8 =	rddreg [dreg:$0x1]  }
0x3: {  	s2 =	rddreg [dreg:$0x2]  }
0x4: {  	s3 =	srdreg.scid;
	s0 =	rddreg [dreg:$0x3]  }
0x5: {  	s4 =	simm.s32 $0x0;
	s14 =	simm.s32 $0x1;
	s15 =	simm.s32 $0x9C40  }
0x6: {  	s16 =	simm.s32 $0x13880;
	s17 =	simm.s32 $0x15F90;
	s18 =	simm.s32 $0x186A0  }
0x7: {  	s19 =	simm.s32 $0x1ADC0;
	s20 =	simm.s32 $0x0;
	s9 =	sand.u32 $0x1, s3  }
0x8: {  	s3 =	stileid.u32;
	[smem:$0x7FF] =	sst s4;
	s5 =	sshll.u32 s9, $0x4  }
0x9: {  	s6 =	sadd.s32 $0x1E00, s8;
	s7 =	sadd.s32 $0x29000, s8;
	s10 =	sor.u32 s3, s5  }
0xa: {  	_ =	strace $0x80000047;
	s9 =	ssub.s32 $0x2, s9;
	s11 =	smul.u32 $0x4E2, s10  }
0xb: {  	s5 =	sadd.s32 $0x3200, s8;
	s12 =	sshrl.u32 s9, $0x1;
	s10 =	sshll.u32 s10, $0x1  }
0xc: {  	s12 =	ssub.s32 s9, s12;
	s13 =	sadd.s32 s10, s8;
	s11 =	sadd.s32 s11, s8  }
0xd: {  	s12 =	smax.u32 s12, $0x1;
	s8 =	sadd.s32 $0xE400, s11;
	s9 =	sadd.s32 $0x4600, s11  }
0xe: {  	s10 =	sadd.s32 $0x18200, s11;
	s11 =	sadd.s32 $0x22000, s13;
	s13 =	simm.s32 $0x1ADB0  }
.LBB2_1:
0xf: {  	[tilespmem:s13], [sflag:$0x1] =	stream.linear.gather [hbm4b:s2+s4], $0x10, $0x38;
	[tilespmem:$0x1ADD0] =	vst v63  }
0x10: {  	_ =	swait.ge [sflag:s14], $0x10  }
0x11: {  	[sflag:s14] =	ssyncset.done $0x0  }
0x12: {  	[sflag:s14] =	ssyncadd.s32 $0xFFFFFFF0  }
0x13: {  	[tilespmem:s4], [sflag:$0x1] =	stream.linear.gather [hbm4b:s1+s4], $0x9C40, $0x38;
	[tilespmem:$0x1ADD0] =	vst v63  }
0x14: {  	_ =	swait.ge [sflag:s14], $0x9C40  }
0x15: {  	[sflag:s14] =	ssyncset.done $0x0  }
0x16: {  	[sflag:s14] =	ssyncadd.s32 $0xFFFF63C0  }
0x17: {  	[tilespmem:s15], [sflag:$0x1] =	stream.linear.gather [hbm4b:s6+s4], $0x9C40, $0x38;
	[tilespmem:$0x1ADD0] =	vst v63  }
0x18: {  	_ =	swait.ge [sflag:s14], $0x9C40  }
0x19: {  	[sflag:s14] =	ssyncset.done $0x0  }
0x1a: {  	[sflag:s14] =	ssyncadd.s32 $0xFFFF63C0  }
0x1b: {  	[tilespmem:s16], [sflag:$0x1] =	stream.linear.gather [hbm4b:s8+s4], $0x2710, $0x38;
	[tilespmem:$0x1ADD0] =	vst v63  }
0x1c: {  	_ =	swait.ge [sflag:s14], $0x2710  }
0x1d: {  	[sflag:s14] =	ssyncset.done $0x0  }
0x1e: {  	[sflag:s14] =	ssyncadd.s32 $0xFFFFD8F0  }
0x1f: {  	[tilespmem:s17], [sflag:$0x1] =	stream.linear.gather [hbm4b:s9+s4], $0x2710, $0x38;
	[tilespmem:$0x1ADD0] =	vst v63  }
0x20: {  	_ =	swait.ge [sflag:s14], $0x2710  }
0x21: {  	[sflag:s14] =	ssyncset.done $0x0  }
0x22: {  	s21 =	simm.s32 $0x13890;
	[sflag:s14] =	ssyncadd.s32 $0xFFFFD8F0  }
0x23: {  	s22 =	simm.s32 $0x15FA0;
	v0 =	vld [tilespmem:s21+$0xFFFFFFF0]  }
0x24: {  	v1 =	vld [tilespmem:s22+$0x0]  }
0x25: {  	v2 =	vld [tilespmem:s21+$0x0]  }
0x26: {  	s31 =	simm.s32 $0x138B0  }
0x27: {  	v15 =	vld [tilespmem:s31+$0xFFFFFFF0]  }
0x28: {  	v6 =	vld [tilespmem:s22+$0xFFFFFFF0];
	v5 =	vshll.u32 v0, $0x2  }
0x29: {  	v1 =	vshll.u32 v1, $0x2  }
0x2a: {  	v7 =	vshll.u32 v2, $0x2  }
0x2b: {  	s23 =	simm.s32 $0x15FC0;
	v0 =	vld [tilespmem:$0x1ADB0];
	v3 =	vor.u32 $0x2, v5  }
0x2c: {  	v29 =	vshll.u32 v15, $0x2;
	v15 =	vld [tilespmem:s23+$0x0];
	v4 =	vor.u32 $0x1, v5  }
0x2d: {  	v6 =	vshll.u32 v6, $0x2;
	v8 =	vld.idx.msk [tilespmem:v5+s4+$0x0], $0xffff  }
0x2e: {  	v2 =	vor.u32 $0x2, v1;
	v11 =	vld.idx.msk [tilespmem:v1+s15+$0x0], $0xffff  }
0x2f: {  	v12 =	vor.u32 $0x2, v6;
	v13 =	vld.idx.msk [tilespmem:v7+s4+$0x0], $0xffff  }
0x30: {  	v10 =	vld.idx.msk [tilespmem:v3+s4+$0x0], $0xffff;
	v3 =	vor.u32 $0x2, v7  }
0x31: {  	v9 =	vld.idx.msk [tilespmem:v4+s4+$0x0], $0xffff;
	v4 =	vor.u32 $0x1, v6  }
0x32: {  	v14 =	vor.u32 $0x1, v7;
	v21 =	vld.idx.msk [tilespmem:v6+s15+$0x0], $0xffff  }
0x33: {  	v20 =	vor.u32 $0x3, v1;
	v16 =	vld.idx.msk [tilespmem:v2+s15+$0x0], $0xffff  }
0x34: {  	v17 =	vor.u32 $0x1, v1;
	v12 =	vld.idx.msk [tilespmem:v12+s15+$0x0], $0xffff  }
0x35: {  	v5 =	vor.u32 $0x3, v5;
	v18 =	vld.idx.msk [tilespmem:v3+s4+$0x0], $0xffff  }
0x36: {  	v19 =	vld.idx.msk [tilespmem:v4+s15+$0x0], $0xffff  }
0x37: {  	v22 =	vor.u32 $0x3, v7;
	v14 =	vld.idx.msk [tilespmem:v14+s4+$0x0], $0xffff  }
0x38: {  	v1 =	vbroadcast v0, $0x3;
	v6 =	vor.u32 $0x3, v6;
	v7 =	vld.idx.msk [tilespmem:v20+s15+$0x0], $0xffff;
	v11 =	vadd.f32 v11, v13  }
0x39: {  	v2 =	vbroadcast v0, $0x2;
	v20 =	vor.u32 $0x1, v29;
	v13 =	vld.idx.msk [tilespmem:v17+s15+$0x0], $0xffff;
	v30 =	vadd.f32 v21, v8  }
0x3a: {  	v31 =	vld.idx.msk [tilespmem:v5+s4+$0x0], $0xffff;
	v21 =	vshll.u32 v15, $0x2;
	v10 =	vadd.f32 v12, v10;
	v17 =	vmul.f32 $2.000000030e-01, v11  }
0x3b: {  	vm0 =	vgt.f32 v11, $0.0e+00;
	v19 =	vadd.f32 v19, v9;
	v9 =	vadd.f32 v16, v18;
	v16 =	vld [tilespmem:s31+$0x0]  }
0x3c: {  	v3 =	vbroadcast v0, $0x0;
	v4 =	vbroadcast v0, $0x1;
	v17 =	vsel vm0, v11, v17;
	v11 =	vld [tilespmem:s23+$0xFFFFFFF0]  }
0x3d: {  	v12 =	vor.u32 $0x2, v29;
	v6 =	vld.idx.msk [tilespmem:v6+s15+$0x0], $0xffff;
	v32 =	vor.u32 $0x3, v21;
	v24 =	vmul.f32 $2.000000030e-01, v10  }
0x3e: {  	v23 =	vor.u32 $0x2, v21;
	vm15 =	vgt.f32 v30, $0.0e+00;
	vm1 =	vgt.f32 v10, $0.0e+00  }
0x3f: {  	v26 =	vld.idx.msk [tilespmem:v22+s4+$0x0], $0xffff;
	v33 =	vmul.f32 $2.000000030e-01, v30;
	v27 =	vsel vm1, v10, v24;
	v18 =	vmul.f32 $2.000000030e-01, v19  }
0x40: {  	v5 =	vld.idx.msk [tilespmem:v29+s4+$0x0], $0xffff;
	v10 =	vor.u32 $0x3, v29;
	vm14 =	vgt.f32 v19, $0.0e+00;
	v28 =	vshll.u32 v16, $0x2  }
0x41: {  	v8 =	vsel vm14, v19, v18;
	v18 =	vadd.f32 v13, v14;
	v14 =	vshll.u32 v11, $0x2;
	v11 =	vld.idx.msk [tilespmem:v20+s4+$0x0], $0xffff  }
0x42: {  	v29 =	vsel vm15, v30, v33;
	v15 =	vadd.f32 v6, v31;
	v20 =	vld.idx.msk [tilespmem:v21+s15+$0x0], $0xffff;
	v13 =	vmul.f32 v8, v4  }
0x43: {  	s24 =	simm.s32 $0x2;
	v8 =	vld.idx.msk [tilespmem:v12+s4+$0x0], $0xffff;
	v25 =	vor.u32 $0x1, v14;
	v12 =	vor.u32 $0x3, v14;
	v22 =	vor.u32 $0x2, v28  }
0x44: {  	s25 =	simm.s32 $0x138D0;
	s21 =	simm.s32 $0x186B0;
	s22 =	simm.s32 $0x186B0;
	v24 =	vor.u32 $0x2, v14;
	v16 =	vld.idx.msk [tilespmem:v32+s15+$0x0], $0xffff;
	v19 =	vor.u32 $0x1, v28;
	v6 =	vor.u32 $0x3, v28  }
.LBB2_2:
0x45: {  	s24 =	sadd.s32 $0x2, s24;
	v28 =	vld.idx.msk [tilespmem:v28+s4+$0x0], $0xffff;
	v21 =	vor.u32 $0x1, v21;
	v17 =	vmul.f32 v17, v3;
	v30 =	vmul.f32 $2.000000030e-01, v9;
	s21 =	sadd.s32 $0x20, s21  }
0x46: {  	v32 =	vmul.f32 $2.000000030e-01, v18;
	vm0 =	vgt.f32 v9, $0.0e+00;
	v7 =	vadd.f32 v7, v26;
	v31 =	vld [tilespmem:s25+$0xFFFFFFF0];
	p0 =	slt.u32 s24, $0x26E  }
0x47: {  	v26 =	vmul.f32 v27, v2;
	vm1 =	vgt.f32 v18, $0.0e+00;
	v23 =	vld.idx.msk [tilespmem:v23+s15+$0x0], $0xffff;
	v9 =	vsel vm0, v9, v30  }
0x48: {  	v18 =	vsel vm1, v18, v32;
	vm0 =	vgt.f32 v7, $0.0e+00;
	v27 =	vmul.f32 $2.000000030e-01, v7;
	v22 =	vld.idx.msk [tilespmem:v22+s4+$0x0], $0xffff  }
0x49: {  	v18 =	vmul.f32 v18, v4;
	v9 =	vmul.f32 v9, v2;
	v25 =	vld.idx.msk [tilespmem:v25+s15+$0x0], $0xffff  }
0x4a: {  	v29 =	vmul.f32 v29, v3;
	v30 =	vmul.f32 $2.000000030e-01, v15;
	v27 =	vsel vm0, v7, v27;
	v7 =	vmovc v16;
	v24 =	vld.idx.msk [tilespmem:v24+s15+$0x0], $0xffff  }
0x4b: {  	v16 =	vadd.f32 v20, v28;
	v17 =	vadd.f32 v18, v17;
	v18 =	vmul.f32 v27, v1;
	v19 =	vld.idx.msk [tilespmem:v19+s4+$0x0], $0xffff  }
0x4c: {  	v13 =	vadd.f32 v13, v29;
	vm0 =	vgt.f32 v15, $0.0e+00;
	v31 =	vshll.u32 v31, $0x2;
	v14 =	vld.idx.msk [tilespmem:v14+s15+$0x0], $0xffff  }
0x4d: {  	s23 =	sadd.s32 $0x20, s23;
	v20 =	vor.u32 $0x1, v31;
	vm1 =	vgt.f32 v16, $0.0e+00;
	v27 =	vmul.f32 $2.000000030e-01, v16;
	v28 =	vld.idx.msk [tilespmem:v21+s15+$0x0], $0xffff  }
0x4e: {  	v13 =	vadd.f32 v26, v13;
	v15 =	vsel vm0, v15, v30;
	v26 =	vadd.f32 v9, v17;
	v21 =	vld [tilespmem:s23+$0x0]  }
0x4f: {  	v9 =	vadd.f32 v23, v22;
	v11 =	vadd.f32 v25, v11;
	v29 =	vld.idx.msk [tilespmem:v12+s15+$0x0], $0xffff;
	v12 =	vmul.f32 v15, v1  }
0x50: {  	v17 =	vsel vm1, v16, v27;
	v24 =	vadd.f32 v24, v8;
	v8 =	vadd.f32 v18, v26;
	v15 =	vld [tilespmem:s25+$0x0]  }
0x51: {  	v22 =	vor.u32 $0x2, v31;
	v18 =	vmul.f32 $2.000000030e-01, v11;
	v16 =	vld [tilespmem:s23+$0xFFFFFFF0];
	v12 =	vadd.f32 v12, v13  }
0x52: {  	vm0 =	vgt.f32 v11, $0.0e+00;
	v30 =	vadd.f32 v14, v5;
	v25 =	vmul.f32 $2.000000030e-01, v24;
	v10 =	vld.idx.msk [tilespmem:v10+s4+$0x0], $0xffff;
	[tilespmem:s22+$0x0] =	vst v8  }
0x53: {  	v8 =	vsel vm0, v11, v18;
	v18 =	vadd.f32 v28, v19;
	v21 =	vshll.u32 v21, $0x2;
	[tilespmem:s22+$0xFFFFFFF0] =	vst v12;
	s22 =	smov.u32 s21  }
0x54: {  	vm0 =	vgt.f32 v30, $0.0e+00;
	v13 =	vmul.f32 v8, v4;
	v5 =	vld.idx.msk [tilespmem:v31+s4+$0x0], $0xffff;
	v32 =	vor.u32 $0x3, v21  }
.Ltmp0:
0x55: {  	vm1 =	vgt.f32 v24, $0.0e+00;
	v23 =	vor.u32 $0x2, v21;
	v28 =	vshll.u32 v15, $0x2;
	v26 =	vld.idx.msk [tilespmem:v6+s4+$0x0], $0xffff;
	(pc) =	sbr.rel @p0 .LBB2_2-.Ltmp0, $4  }
0x56: {  	v27 =	vsel vm1, v24, v25;
	v14 =	vshll.u32 v16, $0x2;
	v8 =	vld.idx.msk [tilespmem:v22+s4+$0x0], $0xffff;
	v22 =	vor.u32 $0x2, v28  }
0x57: {  	v33 =	vmul.f32 $2.000000030e-01, v30;
	v11 =	vld.idx.msk [tilespmem:v20+s4+$0x0], $0xffff;
	v25 =	vor.u32 $0x1, v14;
	v12 =	vor.u32 $0x3, v14  }
0x58: {  	v19 =	vor.u32 $0x1, v28;
	v24 =	vor.u32 $0x2, v14;
	v15 =	vadd.f32 v29, v10;
	v20 =	vld.idx.msk [tilespmem:v21+s15+$0x0], $0xffff  }
0x59: {  	s25 =	sadd.s32 $0x20, s25;
	v6 =	vor.u32 $0x3, v28;
	v10 =	vor.u32 $0x3, v31;
	v29 =	vsel vm0, v30, v33;
	v16 =	vld.idx.msk [tilespmem:v32+s15+$0x0], $0xffff  }
0x5a: {  	_ =	sdelay $0x3  }
0x5b: {  	v28 =	vld.idx.msk [tilespmem:v28+s4+$0x0], $0xffff  }
0x5c: {  	v21 =	vor.u32 $0x1, v21;
	v17 =	vmul.f32 v17, v3;
	v30 =	vmul.f32 $2.000000030e-01, v9;
	v23 =	vld.idx.msk [tilespmem:v23+s15+$0x0], $0xffff  }
0x5d: {  	v31 =	vmul.f32 $2.000000030e-01, v18;
	v7 =	vadd.f32 v7, v26;
	vm0 =	vgt.f32 v9, $0.0e+00;
	v25 =	vld.idx.msk [tilespmem:v25+s15+$0x0], $0xffff  }
0x5e: {  	v26 =	vmul.f32 v27, v2;
	vm1 =	vgt.f32 v18, $0.0e+00;
	v29 =	vmul.f32 v29, v3;
	v24 =	vld.idx.msk [tilespmem:v24+s15+$0x0], $0xffff  }
0x5f: {  	v57 =	vmul.f32 $2.000000030e-01, v15;
	v14 =	vld.idx.msk [tilespmem:v14+s15+$0x0], $0xffff;
	v9 =	vsel vm0, v9, v30;
	v27 =	vmul.f32 $2.000000030e-01, v7  }
0x60: {  	v6 =	vld.idx.msk [tilespmem:v6+s4+$0x0], $0xffff;
	v18 =	vsel vm1, v18, v31;
	vm0 =	vgt.f32 v7, $0.0e+00;
	v13 =	vadd.f32 v13, v29  }
0x61: {  	v22 =	vld.idx.msk [tilespmem:v22+s4+$0x0], $0xffff;
	v18 =	vmul.f32 v18, v4;
	v9 =	vmul.f32 v9, v2;
	v7 =	vsel vm0, v7, v27  }
0x62: {  	vm0 =	vgt.f32 v15, $0.0e+00;
	v13 =	vadd.f32 v26, v13;
	v20 =	vadd.f32 v20, v28  }
0x63: {  	v12 =	vld.idx.msk [tilespmem:v12+s15+$0x0], $0xffff;
	v17 =	vadd.f32 v18, v17;
	v7 =	vmul.f32 v7, v1;
	v11 =	vadd.f32 v25, v11  }
0x64: {  	v18 =	vld.idx.msk [tilespmem:v19+s4+$0x0], $0xffff;
	v15 =	vsel vm0, v15, v57;
	v8 =	vadd.f32 v24, v8;
	v5 =	vadd.f32 v14, v5  }
0x65: {  	v21 =	vld.idx.msk [tilespmem:v21+s15+$0x0], $0xffff;
	v6 =	vadd.f32 v16, v6;
	v15 =	vmul.f32 v15, v1;
	vm1 =	vgt.f32 v20, $0.0e+00  }
0x66: {  	v10 =	vld.idx.msk [tilespmem:v10+s4+$0x0], $0xffff;
	v19 =	vmul.f32 $2.000000030e-01, v20;
	v9 =	vadd.f32 v9, v17;
	v17 =	vadd.f32 v23, v22  }
0x67: {  	v22 =	vmul.f32 $2.000000030e-01, v11;
	vm0 =	vgt.f32 v11, $0.0e+00;
	v16 =	vmul.f32 $2.000000030e-01, v6  }
0x68: {  	v19 =	vsel vm1, v20, v19;
	v7 =	vadd.f32 v7, v9;
	v9 =	vmul.f32 $2.000000030e-01, v8  }
0x69: {  	v11 =	vsel vm0, v11, v22;
	vm0 =	vgt.f32 v8, $0.0e+00;
	vm1 =	vgt.f32 v5, $0.0e+00  }
0x6a: {  	v14 =	vadd.f32 v21, v18;
	v18 =	vmul.f32 $2.000000030e-01, v5;
	v11 =	vmul.f32 v11, v4  }
0x6b: {  	v8 =	vsel vm0, v8, v9;
	v9 =	vadd.f32 v12, v10;
	v12 =	vmul.f32 v19, v3  }
0x6c: {  	v5 =	vsel vm1, v5, v18;
	v10 =	vmul.f32 $2.000000030e-01, v14;
	v18 =	vmul.f32 $2.000000030e-01, v17  }
0x6d: {  	vm0 =	vgt.f32 v14, $0.0e+00;
	vm1 =	vgt.f32 v17, $0.0e+00;
	v8 =	vmul.f32 v8, v2  }
0x6e: {  	v5 =	vmul.f32 v5, v3;
	v10 =	vsel vm0, v14, v10;
	v14 =	vsel vm1, v17, v18  }
0x6f: {  	vm0 =	vgt.f32 v6, $0.0e+00;
	v17 =	vmul.f32 $2.000000030e-01, v9;
	v10 =	vmul.f32 v10, v4  }
0x70: {  	v6 =	vsel vm0, v6, v16;
	v5 =	vadd.f32 v11, v5;
	vm0 =	vgt.f32 v9, $0.0e+00  }
0x71: {  	v14 =	vmul.f32 v14, v2;
	v9 =	vsel vm0, v9, v17;
	v10 =	vadd.f32 v10, v12  }
0x72: {  	v5 =	vadd.f32 v8, v5;
	v8 =	vmul.f32 v9, v1  }
0x73: {  	v11 =	vadd.f32 v15, v13;
	v6 =	vmul.f32 v6, v1;
	v10 =	vadd.f32 v14, v10  }
0x74: {  	[tilespmem:s22+$0x0] =	vst v7;
	v5 =	vadd.f32 v8, v5  }
0x75: {  	s21 =	sadd.s32 $0x20, s21;
	[tilespmem:s22+$0xFFFFFFF0] =	vst v11;
	v6 =	vadd.f32 v6, v10  }
0x76: {  	[tilespmem:s21+$0xFFFFFFF0] =	vst v5  }
0x77: {  	[tilespmem:s21+$0x0] =	vst v6  }
0x78: {  	v5 =	vld [tilespmem:$0x15F80]  }
0x79: {  	v6 =	vld [tilespmem:$0x18690];
	_ =	sdelay $0x3  }
0x7a: {  	v5 =	vshll.u32 v5, $0x2  }
0x7b: {  	v6 =	vshll.u32 v6, $0x2  }
0x7c: {  	v7 =	vor.u32 $0x1, v5  }
0x7d: {  	v8 =	vor.u32 $0x1, v6  }
0x7e: {  	v9 =	vor.u32 $0x2, v5  }
0x7f: {  	v11 =	vor.u32 $0x2, v6;
	v10 =	vld.idx.msk [tilespmem:v5+s4+$0x0], $0xffff  }
0x80: {  	v12 =	vld.idx.msk [tilespmem:v6+s15+$0x0], $0xffff;
	v5 =	vor.u32 $0x3, v5  }
0x81: {  	v6 =	vor.u32 $0x3, v6;
	v7 =	vld.idx.msk [tilespmem:v7+s4+$0x0], $0xffff  }
0x82: {  	v8 =	vld.idx.msk [tilespmem:v8+s15+$0x0], $0xffff  }
0x83: {  	v9 =	vld.idx.msk [tilespmem:v9+s4+$0x0], $0xffff  }
0x84: {  	v11 =	vld.idx.msk [tilespmem:v11+s15+$0x0], $0xffff  }
0x85: {  	v5 =	vld.idx.msk [tilespmem:v5+s4+$0x0], $0xffff  }
0x86: {  	v10 =	vadd.f32 v12, v10;
	v6 =	vld.idx.msk [tilespmem:v6+s15+$0x0], $0xffff  }
0x87: {  	v7 =	vadd.f32 v8, v7  }
0x88: {  	v8 =	vmul.f32 $2.000000030e-01, v10  }
0x89: {  	v9 =	vadd.f32 v11, v9;
	vm0 =	vgt.f32 v10, $0.0e+00;
	v12 =	vmul.f32 $2.000000030e-01, v7  }
0x8a: {  	v8 =	vsel vm0, v10, v8;
	vm0 =	vgt.f32 v7, $0.0e+00  }
0x8b: {  	v10 =	vmul.f32 $2.000000030e-01, v9;
	v7 =	vsel vm0, v7, v12;
	v5 =	vadd.f32 v6, v5  }
0x8c: {  	v3 =	vmul.f32 v8, v3;
	vm0 =	vgt.f32 v9, $0.0e+00;
	v4 =	vmul.f32 v7, v4  }
0x8d: {  	v6 =	vsel vm0, v9, v10;
	v7 =	vmul.f32 $2.000000030e-01, v5  }
0x8e: {  	v2 =	vmul.f32 v6, v2;
	vm0 =	vgt.f32 v5, $0.0e+00;
	v3 =	vadd.f32 v4, v3  }
0x8f: {  	v4 =	vsel vm0, v5, v7  }
0x90: {  	v2 =	vadd.f32 v2, v3;
	v1 =	vmul.f32 v4, v1;
	_ =	sdelay $0x1  }
0x91: {  	v1 =	vadd.f32 v1, v2;
	_ =	sdelay $0x1  }
0x92: {  	[tilespmem:$0x1ADA0] =	vst v1  }
0x93: {  	[tilespmem:s4], [sflag:$0x1] =	stream.linear.gather [hbm4b:s5+s4], $0x9C40, $0x38;
	[tilespmem:$0x1ADD0] =	vst v63  }
0x94: {  	_ =	swait.ge [sflag:s14], $0x9C40  }
0x95: {  	[sflag:s14] =	ssyncset.done $0x0  }
0x96: {  	[sflag:s14] =	ssyncadd.s32 $0xFFFF63C0  }
0x97: {  	[tilespmem:s15], [sflag:$0x1] =	stream.linear.gather [hbm4b:s7+s4], $0x9C40, $0x38;
	[tilespmem:$0x1ADD0] =	vst v63  }
0x98: {  	_ =	swait.ge [sflag:s14], $0x9C40  }
0x99: {  	[sflag:s14] =	ssyncset.done $0x0  }
0x9a: {  	s26 =	simm.s32 $0x13890;
	[sflag:s14] =	ssyncadd.s32 $0xFFFF63C0  }
0x9b: {  	s28 =	simm.s32 $0x15FA0;
	v1 =	vld [tilespmem:s26+$0xFFFFFFF0]  }
0x9c: {  	v7 =	vld [tilespmem:s28+$0x0]  }
0x9d: {  	v2 =	vld [tilespmem:s28+$0xFFFFFFF0];
	_ =	sdelay $0x2  }
0x9e: {  	v1 =	vshll.u32 v1, $0x2  }
0x9f: {  	v7 =	vshll.u32 v7, $0x2  }
0xa0: {  	v2 =	vshll.u32 v2, $0x2;
	v3 =	vor.u32 $0x1, v1  }
0xa1: {  	s29 =	simm.s32 $0x138B0;
	v5 =	vld [tilespmem:s26+$0x0];
	v4 =	vor.u32 $0x2, v2  }
0xa2: {  	v11 =	vld [tilespmem:s29+$0xFFFFFFF0];
	v6 =	vor.u32 $0x3, v1  }
0xa3: {  	v8 =	vor.u32 $0x3, v2;
	v9 =	vld.idx.msk [tilespmem:v1+s4+$0x0], $0xffff  }
0xa4: {  	v14 =	vor.u32 $0x1, v7;
	v18 =	vor.u32 $0x2, v7;
	v19 =	vor.u32 $0x3, v7;
	v7 =	vld.idx.msk [tilespmem:v7+s15+$0x0], $0xffff  }
0xa5: {  	v10 =	vld.idx.msk [tilespmem:v3+s4+$0x0], $0xffff  }
0xa6: {  	v12 =	vld.idx.msk [tilespmem:v4+s15+$0x0], $0xffff  }
0xa7: {  	v4 =	vshll.u32 v5, $0x2;
	v5 =	vld.idx.msk [tilespmem:v6+s4+$0x0], $0xffff  }
0xa8: {  	v3 =	vor.u32 $0x1, v2;
	v8 =	vld.idx.msk [tilespmem:v8+s15+$0x0], $0xffff  }
0xa9: {  	v2 =	vld.idx.msk [tilespmem:v2+s15+$0x0], $0xffff  }
0xaa: {  	v14 =	vld.idx.msk [tilespmem:v14+s15+$0x0], $0xffff  }
0xab: {  	v18 =	vld.idx.msk [tilespmem:v18+s15+$0x0], $0xffff;
	v6 =	vor.u32 $0x1, v4  }
0xac: {  	v19 =	vld.idx.msk [tilespmem:v19+s15+$0x0], $0xffff;
	v13 =	vor.u32 $0x2, v4  }
0xad: {  	v20 =	vor.u32 $0x3, v4;
	v15 =	vld.idx.msk [tilespmem:v3+s15+$0x0], $0xffff  }
0xae: {  	s30 =	simm.s32 $0x15FC0;
	v16 =	vld.idx.msk [tilespmem:v4+s4+$0x0], $0xffff  }
0xaf: {  	v11 =	vshll.u32 v11, $0x2;
	v5 =	vadd.f32 v8, v5;
	v8 =	vadd.f32 v2, v9;
	v9 =	vld [tilespmem:s30+$0xFFFFFFF0]  }
0xb0: {  	v17 =	vor.u32 $0x2, v1;
	v23 =	vor.u32 $0x1, v11;
	v6 =	vld.idx.msk [tilespmem:v6+s4+$0x0], $0xffff  }
0xb1: {  	v24 =	vor.u32 $0x3, v11;
	v1 =	vbroadcast v0, $0x4;
	v3 =	vbroadcast v0, $0x5;
	v13 =	vld.idx.msk [tilespmem:v13+s4+$0x0], $0xffff  }
0xb2: {  	v26 =	vor.u32 $0x2, v11;
	v2 =	vbroadcast v0, $0x6;
	v20 =	vld.idx.msk [tilespmem:v20+s4+$0x0], $0xffff;
	v21 =	vmul.f32 $2.000000030e-01, v8  }
0xb3: {  	v0 =	vbroadcast v0, $0x7;
	v4 =	vimm.f32 $-3.000000010e+38;
	vm0 =	vgt.f32 v8, $0.0e+00  }
0xb4: {  	vm2 =	vgt.f32 v5, $0.0e+00;
	v8 =	vsel vm0, v8, v21;
	v21 =	vld [tilespmem:s29+$0x0];
	v10 =	vadd.f32 v15, v10  }
0xb5: {  	s21 =	simm.s32 $0x186B0;
	v15 =	vld.idx.msk [tilespmem:v17+s4+$0x0], $0xffff;
	v17 =	vmul.f32 $2.000000030e-01, v5;
	v9 =	vshll.u32 v9, $0x2;
	v7 =	vadd.f32 v7, v16  }
0xb6: {  	v27 =	vld [tilespmem:s21+$0x0];
	v8 =	vmul.f32 v8, v1;
	v16 =	vor.u32 $0x2, v9;
	v13 =	vadd.f32 v18, v13  }
0xb7: {  	s31 =	simm.s32 $0x138D0;
	v11 =	vld.idx.msk [tilespmem:v11+s4+$0x0], $0xffff;
	v25 =	vor.u32 $0x3, v9;
	v6 =	vadd.f32 v14, v6;
	v19 =	vadd.f32 v19, v20  }
0xb8: {  	v14 =	vld [tilespmem:s31+$0xFFFFFFF0];
	vm1 =	vgt.f32 v10, $0.0e+00;
	v22 =	vmul.f32 $2.000000030e-01, v10;
	v5 =	vsel vm2, v5, v17  }
0xb9: {  	v17 =	vld [tilespmem:s30+$0x0];
	vm0 =	vgt.f32 v7, $0.0e+00;
	v33 =	vmul.f32 $2.000000030e-01, v7;
	v5 =	vmul.f32 v5, v0  }
0xba: {  	v10 =	vsel vm1, v10, v22;
	v22 =	vor.u32 $0x1, v9;
	v20 =	vshll.u32 v21, $0x2;
	v21 =	vld.idx.msk [tilespmem:v24+s4+$0x0], $0xffff  }
0xbb: {  	v18 =	vmul.f32 $2.000000030e-01, v13;
	vm2 =	vgt.f32 v6, $0.0e+00;
	v12 =	vadd.f32 v12, v15;
	v15 =	vld.idx.msk [tilespmem:v23+s4+$0x0], $0xffff  }
0xbc: {  	v61 =	vmul.f32 $2.000000030e-01, v6;
	vm3 =	vgt.f32 v13, $0.0e+00;
	v23 =	vor.u32 $0x1, v20;
	v9 =	vld.idx.msk [tilespmem:v9+s15+$0x0], $0xffff  }
0xbd: {  	v7 =	vsel vm0, v7, v33;
	v10 =	vmul.f32 v10, v3;
	v58 =	vor.u32 $0x2, v20;
	v16 =	vld.idx.msk [tilespmem:v16+s15+$0x0], $0xffff  }
0xbe: {  	v60 =	vor.u32 $0x3, v20;
	v13 =	vsel vm3, v13, v18;
	v6 =	vsel vm2, v6, v61;
	v25 =	vld.idx.msk [tilespmem:v25+s15+$0x0], $0xffff  }
0xbf: {  	vm2 =	vgt.f32 v19, $0.0e+00;
	v7 =	vmul.f32 v7, v1;
	v17 =	vshll.u32 v17, $0x2;
	v22 =	vld.idx.msk [tilespmem:v22+s15+$0x0], $0xffff  }
0xc0: {  	v13 =	vmul.f32 v13, v2;
	v6 =	vmul.f32 v6, v3;
	v36 =	vshll.u32 v14, $0x2;
	v18 =	vld.idx.msk [tilespmem:v20+s4+$0x0], $0xffff  }
0xc1: {  	v8 =	vadd.f32 v10, v8;
	v10 =	vmul.f32 $2.000000030e-01, v12;
	v24 =	vor.u32 $0x1, v17;
	v34 =	vld.idx.msk [tilespmem:v23+s4+$0x0], $0xffff  }
0xc2: {  	s24 =	simm.s32 $0x15FE0;
	vm1 =	vgt.f32 v12, $0.0e+00;
	v59 =	vor.u32 $0x2, v17;
	v20 =	vmul.f32 $2.000000030e-01, v19;
	v28 =	vld.idx.msk [tilespmem:v58+s4+$0x0], $0xffff  }
0xc3: {  	v32 =	vor.u32 $0x3, v17;
	v6 =	vadd.f32 v6, v7;
	v10 =	vsel vm1, v12, v10;
	v23 =	vld [tilespmem:s24+$0x0]  }
0xc4: {  	v10 =	vmul.f32 v10, v2;
	v9 =	vadd.f32 v9, v11;
	v19 =	vsel vm2, v19, v20;
	v17 =	vld.idx.msk [tilespmem:v17+s15+$0x0], $0xffff  }
0xc5: {  	v6 =	vadd.f32 v13, v6;
	v12 =	vadd.f32 v25, v21;
	v11 =	vmul.f32 v19, v0;
	v19 =	vld [tilespmem:s24+$0xFFFFFFF0]  }
0xc6: {  	v8 =	vadd.f32 v10, v8;
	vm0 =	vgt.f32 v9, $0.0e+00;
	v10 =	vmul.f32 $2.000000030e-01, v9;
	v62 =	vld.idx.msk [tilespmem:v24+s15+$0x0], $0xffff  }
0xc7: {  	v20 =	vmul.f32 $2.000000030e-01, v12;
	vm2 =	vgt.f32 v12, $0.0e+00;
	v29 =	vld.idx.msk [tilespmem:v59+s15+$0x0], $0xffff;
	v15 =	vadd.f32 v22, v15  }
0xc8: {  	v22 =	vld.idx.msk [tilespmem:v26+s4+$0x0], $0xffff;
	v63 =	vsel vm0, v9, v10;
	v5 =	vadd.f32 v5, v8;
	v6 =	vadd.f32 v11, v6  }
0xc9: {  	v8 =	vor.u32 $0x2, v36;
	v35 =	vsel vm2, v12, v20;
	v12 =	vld [tilespmem:s21+$0xFFFFFFF0];
	vm1 =	vgt.f32 v15, $0.0e+00  }
0xca: {  	v21 =	vld.idx.msk [tilespmem:v32+s15+$0x0], $0xffff;
	v7 =	vmul.f32 $2.000000030e-01, v15;
	v14 =	vshll.u32 v19, $0x2;
	v19 =	vor.u32 $0x1, v36  }
0xcb: {  	v24 =	vld.idx.msk [tilespmem:v60+s4+$0x0], $0xffff;
	v6 =	vadd.f32 v6, v27;
	v10 =	vadd.f32 v17, v18;
	v18 =	vor.u32 $0x3, v36  }
0xcc: {  	s23 =	simm.s32 $0x186D0;
	v26 =	vld [tilespmem:s31+$0x0];
	v7 =	vsel vm1, v15, v7;
	v15 =	vor.u32 $0x1, v14;
	v25 =	vor.u32 $0x2, v14  }
0xcd: {  	v9 =	vld [tilespmem:s23+$0x0];
	v20 =	vor.u32 $0x3, v14;
	v17 =	vadd.f32 v29, v28;
	vm0 =	vgt.f32 v10, $0.0e+00  }
0xce: {  	v13 =	vadd.f32 v16, v22;
	v16 =	vmul.f32 v7, v3;
	v5 =	vadd.f32 v5, v12;
	v12 =	vld.idx.msk [tilespmem:v36+s4+$0x0], $0xffff  }
0xcf: {  	s25 =	simm.s32 $0x4;
	s22 =	simm.s32 $0x186D0;
	s26 =	simm.s32 $0x138F0;
	v22 =	vmul.f32 v63, v1;
	v7 =	vmul.f32 v35, v0;
	v11 =	vld.idx.msk [tilespmem:v19+s4+$0x0], $0xffff;
	v19 =	vadd.f32 v62, v34  }
.LBB2_4:
0xd0: {  	v27 =	vld [tilespmem:s26+$0xFFFFFFF0];
	s25 =	sadd.s32 $0x2, s25;
	v28 =	vmul.f32 $2.000000030e-01, v17;
	v21 =	vadd.f32 v21, v24;
	s23 =	sadd.s32 $0x20, s23;
	v4 =	vmax.f32 v4, v5;
	[tilespmem:s21+$0x0] =	vst v6  }
0xd1: {  	v23 =	vshll.u32 v23, $0x2;
	vm1 =	vgt.f32 v13, $0.0e+00;
	p0 =	slt.u32 s25, $0x26E;
	v29 =	vld.idx.msk [tilespmem:v25+s15+$0x0], $0xffff;
	v24 =	vshll.u32 v26, $0x2;
	[tilespmem:s21+$0xFFFFFFF0] =	vst v5;
	s21 =	smov.u32 s22;
	s22 =	smov.u32 s23  }
0xd2: {  	v25 =	vor.u32 $0x1, v23;
	v4 =	vmax.f32 v4, v6;
	v5 =	vld.idx.msk [tilespmem:v18+s4+$0x0], $0xffff;
	v18 =	vor.u32 $0x1, v24;
	v6 =	vmovc v9  }
0xd3: {  	v26 =	vor.u32 $0x2, v23;
	vm2 =	vgt.f32 v19, $0.0e+00;
	v9 =	vld.idx.msk [tilespmem:v20+s15+$0x0], $0xffff;
	v20 =	vor.u32 $0x2, v24  }
0xd4: {  	vm3 =	vgt.f32 v17, $0.0e+00;
	v31 =	vmul.f32 $2.000000030e-01, v19;
	v30 =	vor.u32 $0x3, v24;
	v14 =	vld.idx.msk [tilespmem:v14+s15+$0x0], $0xffff  }
0xd5: {  	v33 =	vmul.f32 $2.000000030e-01, v10;
	v32 =	vor.u32 $0x3, v23;
	v17 =	vsel vm3, v17, v28;
	v15 =	vld.idx.msk [tilespmem:v15+s15+$0x0], $0xffff  }
0xd6: {  	v16 =	vadd.f32 v16, v22;
	v22 =	vmul.f32 $2.000000030e-01, v13;
	v17 =	vmul.f32 v17, v2;
	v24 =	vld.idx.msk [tilespmem:v24+s4+$0x0], $0xffff  }
0xd7: {  	v28 =	vld.idx.msk [tilespmem:v18+s4+$0x0], $0xffff;
	v18 =	vsel vm2, v19, v31;
	vm2 =	vgt.f32 v21, $0.0e+00;
	v19 =	vmul.f32 $2.000000030e-01, v21  }
0xd8: {  	v10 =	vsel vm0, v10, v33;
	v13 =	vsel vm1, v13, v22;
	v31 =	vld.idx.msk [tilespmem:v20+s4+$0x0], $0xffff;
	v18 =	vmul.f32 v18, v3  }
0xd9: {  	v13 =	vmul.f32 v13, v2;
	v5 =	vadd.f32 v9, v5;
	v9 =	vld.idx.msk [tilespmem:v23+s15+$0x0], $0xffff;
	v19 =	vsel vm2, v21, v19  }
0xda: {  	s24 =	sadd.s32 $0x20, s24;
	v10 =	vmul.f32 v10, v1;
	v12 =	vadd.f32 v14, v12;
	v33 =	vld.idx.msk [tilespmem:v25+s15+$0x0], $0xffff;
	v19 =	vmul.f32 v19, v0  }
0xdb: {  	v13 =	vadd.f32 v13, v16;
	v11 =	vadd.f32 v15, v11;
	v15 =	vmul.f32 $2.000000030e-01, v5;
	v14 =	vld [tilespmem:s24+$0xFFFFFFF0]  }
0xdc: {  	vm0 =	vgt.f32 v12, $0.0e+00;
	v16 =	vmul.f32 $2.000000030e-01, v12;
	v22 =	vld.idx.msk [tilespmem:v8+s4+$0x0], $0xffff;
	v8 =	vadd.f32 v18, v10  }
0xdd: {  	vm2 =	vgt.f32 v5, $0.0e+00;
	vm1 =	vgt.f32 v11, $0.0e+00;
	v10 =	vmul.f32 $2.000000030e-01, v11;
	v34 =	vld.idx.msk [tilespmem:v26+s15+$0x0], $0xffff  }
0xde: {  	v36 =	vsel vm2, v5, v15;
	v5 =	vadd.f32 v7, v13;
	v35 =	vsel vm0, v12, v16;
	v7 =	vld [tilespmem:s21+$0xFFFFFFF0]  }
0xdf: {  	v12 =	vshll.u32 v27, $0x2;
	v11 =	vsel vm1, v11, v10;
	v8 =	vadd.f32 v17, v8;
	v21 =	vld.idx.msk [tilespmem:v32+s15+$0x0], $0xffff  }
0xe0: {  	v27 =	vor.u32 $0x1, v12;
	v10 =	vadd.f32 v9, v24;
	v14 =	vshll.u32 v14, $0x2;
	v24 =	vld.idx.msk [tilespmem:v30+s4+$0x0], $0xffff  }
.Ltmp1:
0xe1: {  	v18 =	vor.u32 $0x3, v12;
	v19 =	vadd.f32 v19, v8;
	v15 =	vor.u32 $0x1, v14;
	v23 =	vld [tilespmem:s24+$0x0];
	(pc) =	sbr.rel @p0 .LBB2_4-.Ltmp1, $4  }
0xe2: {  	vm0 =	vgt.f32 v10, $0.0e+00;
	v25 =	vor.u32 $0x2, v14;
	v20 =	vor.u32 $0x3, v14;
	v26 =	vld [tilespmem:s26+$0x0]  }
0xe3: {  	v8 =	vor.u32 $0x2, v12;
	v13 =	vadd.f32 v29, v22;
	v9 =	vld [tilespmem:s23+$0x0];
	v5 =	vadd.f32 v5, v7  }
0xe4: {  	v16 =	vmul.f32 v11, v3;
	v17 =	vadd.f32 v34, v31;
	v6 =	vadd.f32 v19, v6;
	v12 =	vld.idx.msk [tilespmem:v12+s4+$0x0], $0xffff  }
0xe5: {  	v22 =	vmul.f32 v35, v1;
	s26 =	sadd.s32 $0x20, s26;
	v19 =	vadd.f32 v33, v28;
	v7 =	vmul.f32 v36, v0;
	v11 =	vld.idx.msk [tilespmem:v27+s4+$0x0], $0xffff  }
0xe6: {  	_ =	sdelay $0x2  }
0xe7: {  	v27 =	vmul.f32 $2.000000030e-01, v17;
	v21 =	vadd.f32 v21, v24;
	v23 =	vshll.u32 v23, $0x2  }
0xe8: {  	v53 =	vld.idx.msk [tilespmem:v25+s15+$0x0], $0xffff;
	vm1 =	vgt.f32 v13, $0.0e+00;
	vm3 =	vgt.f32 v17, $0.0e+00;
	v55 =	vmul.f32 $2.000000030e-01, v10  }
0xe9: {  	v18 =	vld.idx.msk [tilespmem:v18+s4+$0x0], $0xffff;
	v56 =	vmul.f32 $2.000000030e-01, v13;
	v54 =	vshll.u32 v26, $0x2;
	v28 =	vor.u32 $0x1, v23  }
0xea: {  	v20 =	vld.idx.msk [tilespmem:v20+s15+$0x0], $0xffff;
	v30 =	vor.u32 $0x2, v23;
	vm2 =	vgt.f32 v19, $0.0e+00;
	v31 =	vmul.f32 $2.000000030e-01, v19  }
0xeb: {  	v14 =	vld.idx.msk [tilespmem:v14+s15+$0x0], $0xffff;
	v16 =	vadd.f32 v16, v22;
	v57 =	vor.u32 $0x3, v23;
	v26 =	vor.u32 $0x1, v54  }
0xec: {  	v15 =	vld.idx.msk [tilespmem:v15+s15+$0x0], $0xffff;
	v29 =	vor.u32 $0x2, v54;
	v32 =	vor.u32 $0x3, v54;
	v17 =	vsel vm3, v17, v27  }
0xed: {  	v8 =	vld.idx.msk [tilespmem:v8+s4+$0x0], $0xffff;
	v13 =	vsel vm1, v13, v56;
	v58 =	vmul.f32 $2.000000030e-01, v21;
	v10 =	vsel vm0, v10, v55  }
0xee: {  	v19 =	vsel vm2, v19, v31;
	v17 =	vmul.f32 v17, v2;
	v13 =	vmul.f32 v13, v2;
	v59 =	vld.idx.msk [tilespmem:v23+s15+$0x0], $0xffff  }
0xef: {  	vm15 =	vgt.f32 v21, $0.0e+00;
	v10 =	vmul.f32 v10, v1;
	v19 =	vmul.f32 v19, v3;
	v25 =	vld.idx.msk [tilespmem:v54+s4+$0x0], $0xffff  }
0xf0: {  	v21 =	vsel vm15, v21, v58;
	v18 =	vadd.f32 v20, v18;
	v12 =	vadd.f32 v14, v12;
	v60 =	vld.idx.msk [tilespmem:v30+s15+$0x0], $0xffff  }
0xf1: {  	v21 =	vmul.f32 v21, v0;
	v11 =	vadd.f32 v15, v11;
	v13 =	vadd.f32 v13, v16;
	v61 =	vld.idx.msk [tilespmem:v28+s15+$0x0], $0xffff  }
0xf2: {  	v8 =	vadd.f32 v53, v8;
	v10 =	vadd.f32 v19, v10;
	v26 =	vld.idx.msk [tilespmem:v26+s4+$0x0], $0xffff;
	v62 =	vmul.f32 $2.000000030e-01, v18  }
0xf3: {  	v28 =	vld.idx.msk [tilespmem:v57+s15+$0x0], $0xffff;
	vm4 =	vgt.f32 v12, $0.0e+00;
	v63 =	vmul.f32 $2.000000030e-01, v12;
	v27 =	vmul.f32 $2.000000030e-01, v11  }
0xf4: {  	v29 =	vld.idx.msk [tilespmem:v29+s4+$0x0], $0xffff;
	vm5 =	vgt.f32 v18, $0.0e+00;
	vm6 =	vgt.f32 v11, $0.0e+00;
	v36 =	vmul.f32 $2.000000030e-01, v8  }
0xf5: {  	v30 =	vld.idx.msk [tilespmem:v32+s4+$0x0], $0xffff;
	vm10 =	vgt.f32 v8, $0.0e+00;
	v7 =	vadd.f32 v7, v13;
	v10 =	vadd.f32 v17, v10  }
0xf6: {  	v12 =	vsel vm4, v12, v63;
	v11 =	vsel vm6, v11, v27;
	v8 =	vsel vm10, v8, v36  }
0xf7: {  	v11 =	vmul.f32 v11, v3;
	v31 =	vadd.f32 v59, v25;
	v32 =	vadd.f32 v61, v26  }
0xf8: {  	v15 =	vsel vm5, v18, v62;
	v12 =	vmul.f32 v12, v1;
	v8 =	vmul.f32 v8, v2  }
0xf9: {  	v14 =	vadd.f32 v60, v29;
	v35 =	vmul.f32 $2.000000030e-01, v31;
	v34 =	vmul.f32 $2.000000030e-01, v32  }
0xfa: {  	v16 =	vadd.f32 v28, v30;
	vm7 =	vgt.f32 v31, $0.0e+00;
	vm8 =	vgt.f32 v32, $0.0e+00  }
0xfb: {  	v33 =	vmul.f32 $2.000000030e-01, v14;
	v18 =	vsel vm7, v31, v35;
	v17 =	vsel vm8, v32, v34  }
0xfc: {  	v38 =	vld [tilespmem:s22+$0xFFFFFFF0];
	vm9 =	vgt.f32 v14, $0.0e+00;
	v18 =	vmul.f32 v18, v1;
	v17 =	vmul.f32 v17, v3  }
0xfd: {  	s23 =	sadd.s32 $0x20, s23;
	v11 =	vadd.f32 v11, v12;
	v37 =	vmul.f32 $2.000000030e-01, v16;
	v14 =	vsel vm9, v14, v33  }
0xfe: {  	v41 =	vld [tilespmem:s23+$0xFFFFFFF0];
	vm11 =	vgt.f32 v16, $0.0e+00;
	v14 =	vmul.f32 v14, v2;
	v17 =	vadd.f32 v17, v18  }
0xff: {  	v39 =	vld [tilespmem:s23+$0x0];
	v42 =	vmul.f32 v15, v0;
	v8 =	vadd.f32 v8, v11;
	v40 =	vsel vm11, v16, v37  }
0x100: {  	v10 =	vadd.f32 v21, v10;
	v12 =	vmul.f32 v40, v0;
	v14 =	vadd.f32 v14, v17  }
0x101: {  	[tilespmem:s21+$0x0] =	vst v6;
	v7 =	vadd.f32 v7, v38;
	v8 =	vadd.f32 v42, v8  }
0x102: {  	[tilespmem:s21+$0xFFFFFFF0] =	vst v5;
	v9 =	vadd.f32 v10, v9;
	v43 =	vadd.f32 v12, v14  }
0x103: {  	[tilespmem:s22+$0xFFFFFFF0] =	vst v7;
	v8 =	vadd.f32 v8, v41  }
0x104: {  	[tilespmem:s22+$0x0] =	vst v9;
	v10 =	vadd.f32 v43, v39  }
0x105: {  	[tilespmem:s23+$0xFFFFFFF0] =	vst v8  }
0x106: {  	[tilespmem:s23+$0x0] =	vst v10  }
0x107: {  	v44 =	vld [tilespmem:$0x15F80]  }
0x108: {  	v45 =	vld [tilespmem:$0x18690];
	_ =	sdelay $0x3  }
0x109: {  	v11 =	vshll.u32 v44, $0x2  }
0x10a: {  	v12 =	vshll.u32 v45, $0x2  }
0x10b: {  	v46 =	vor.u32 $0x1, v11  }
0x10c: {  	v47 =	vor.u32 $0x1, v12  }
0x10d: {  	v48 =	vor.u32 $0x2, v11  }
0x10e: {  	v50 =	vor.u32 $0x2, v12;
	v49 =	vld.idx.msk [tilespmem:v11+s4+$0x0], $0xffff  }
0x10f: {  	v51 =	vld.idx.msk [tilespmem:v12+s15+$0x0], $0xffff  }
0x110: {  	v11 =	vor.u32 $0x3, v11;
	v13 =	vld.idx.msk [tilespmem:v46+s4+$0x0], $0xffff  }
0x111: {  	v12 =	vor.u32 $0x3, v12;
	v14 =	vld.idx.msk [tilespmem:v47+s15+$0x0], $0xffff  }
0x112: {  	v15 =	vld.idx.msk [tilespmem:v48+s4+$0x0], $0xffff  }
0x113: {  	v17 =	vld.idx.msk [tilespmem:v50+s15+$0x0], $0xffff;
	_ =	sdelay $0x1  }
0x114: {  	v11 =	vld.idx.msk [tilespmem:v11+s4+$0x0], $0xffff  }
0x115: {  	v12 =	vld.idx.msk [tilespmem:v12+s15+$0x0], $0xffff  }
0x116: {  	v16 =	vadd.f32 v51, v49;
	v13 =	vadd.f32 v14, v13  }
0x117: {  	v15 =	vadd.f32 v17, v15  }
0x118: {  	v52 =	vmul.f32 $2.000000030e-01, v16;
	v53 =	vmul.f32 $2.000000030e-01, v13  }
0x119: {  	vm12 =	vgt.f32 v16, $0.0e+00;
	vm13 =	vgt.f32 v13, $0.0e+00;
	v54 =	vmul.f32 $2.000000030e-01, v15  }
0x11a: {  	v14 =	vsel vm12, v16, v52;
	v13 =	vsel vm13, v13, v53;
	v11 =	vadd.f32 v12, v11  }
0x11b: {  	vm14 =	vgt.f32 v15, $0.0e+00;
	v55 =	vmul.f32 v14, v1;
	v56 =	vmul.f32 v13, v3  }
0x11c: {  	v57 =	vsel vm14, v15, v54;
	v58 =	vmul.f32 $2.000000030e-01, v11  }
0x11d: {  	v59 =	vmul.f32 v57, v2;
	vm15 =	vgt.f32 v11, $0.0e+00;
	v1 =	vadd.f32 v56, v55  }
0x11e: {  	v61 =	vld [tilespmem:$0x1ADA0];
	v60 =	vsel vm15, v11, v58  }
0x11f: {  	v1 =	vadd.f32 v59, v1;
	v62 =	vmul.f32 v60, v0;
	_ =	sdelay $0x1  }
0x120: {  	v0 =	vadd.f32 v62, v1;
	_ =	sdelay $0x1  }
0x121: {  	v63 =	vmax.f32 v4, v5;
	v0 =	vadd.f32 v0, v61  }
0x122: {  	v1 =	vmax.f32 v63, v6  }
0x123: {  	v1 =	vmax.f32 v1, v7;
	[tilespmem:$0x1ADA0] =	vst v0  }
0x124: {  	v1 =	vmax.f32 v1, v9;
	[hbm4b:s10+s4] =	stream.linear.scatter [tilespmem:s18], [sflag:$0x1], $0x2710, $0x38;
	[tilespmem:$0x1ADD0] =	vst v63  }
0x125: {  	v1 =	vmax.f32 v1, v8;
	_ =	swait.ge [sflag:s14], $0x2710  }
0x126: {  	s20 =	sadd.s32 $0x1, s20;
	v1 =	vmax.f32 v1, v10;
	[sflag:s14] =	ssyncset.done $0x0  }
0x127: {  	p0 =	sne.s32 s20, s12;
	v0 =	vmax.f32 v1, v0;
	[sflag:s14] =	ssyncadd.s32 $0xFFFFD8F0  }
.Ltmp2:
0x128: {  	[tilespmem:$0x1ADC0] =	vst v0;
	(pc) =	sbr.rel @p0 .LBB2_1-.Ltmp2, $4  }
0x129: {  	[hbm4b:s11+s4] =	stream.linear.scatter [tilespmem:s19], [sflag:$0x1], $0x10, $0x38;
	[tilespmem:$0x1ADD0] =	vst v63  }
0x12a: {  	_ =	swait.ge [sflag:s14], $0x10  }
0x12b: {  	[sflag:s14] =	ssyncset.done $0x0  }
0x12c: {  	[sflag:s14] =	ssyncadd.s32 $0xFFFFFFF0  }
0x12d: {  	_ =	sfence.sel $0x180000  }
0x12e: {  	[bflag:$0x0] =	sbarrier.arrive $0xFFFF  }
0x12f: {  	p0 =	sne.s32 s3, $0x0;
	_ =	strace $0x90000047  }
0x130: {  	s0 =	sadd.s32 @!p0 $0x100000, s0;
	[bflag:$0x2] =	sbarrier.arrive $0xFFFF  }
0x131: {  	[sflag:s0] =	ssyncadd.tile.s32 @!p0 $0x1;
	_ =	shalt  }
.Lfunc_end2:
_tile_overlayer_lowered:
.L_overlay_start_2:
0x132: {  	(tag) =	ssettag $0x2  }
0x133: {  	s0 =	rddreg [dreg:$0x0];
	s2 =	stileid.u32  }
0x134: {  	s1 =	rddreg [dreg:$0x1];
	p0 =	sne.s32 s2, $0x0  }
0x135: {  	s3 =	rddreg [dreg:$0x2];
	[bflag:$0x3] =	sbarrier.arrive $0xFFFF;
	s2 =	simm.s32 @!p0 $0x1C01  }
0x136: {  	[timem:s3], [sflag:s2] =	dma.local @!p0 [hbm:s0], s1  }
0x137: {  	s0 =	simm.s32 @!p0 $0x1  }
0x138: {  	_ =	swait.ge @!p0 [sflag:s0], s1  }
0x139: {  	s1 =	ssub.s32 @!p0 $0x0, s1;
	[sflag:s0] =	ssyncset.done @!p0 $0x0  }
0x13a: {  	[sflag:s0] =	ssyncadd.s32 @!p0 s1  }
0x13b: {  	[bflag:$0x3] =	sbarrier.arrive $0xFFFF  }
0x13c: {  	_ =	shalt  }

</sc_bundles>
